<compile_context>
chip_gen: v7x
topology: tpu7x:2x2x1
jax: 0.10.2.dev20260603
libtpu: 0.0.44.dev20260713+nightly
codegen_flags: <defaults>
</compile_context>

<pallas_src>
import functools

import jax
import jax.numpy as jnp
from jax import lax
from jax.experimental import pallas as pl
from jax.experimental.pallas import tpu as pltpu
from jax.experimental.pallas import tpu_sc as plsc

_SC_CORES = 2
_SC_SUBCORES = 16
_NW = _SC_CORES * _SC_SUBCORES

E = 16
K = 2
CAP_F = 1.25
AUX_W = 0.01

_BT = 512
_BTR = 1024


def _gating_body(x_ref, wg_ref, p_ref, g2_ref, e0_ref, e1_ref, ohc_ref,
                 me_ref, ce_ref):
    logits = jnp.dot(x_ref[...], wg_ref[...], preferred_element_type=jnp.float32)
    m = jnp.max(logits, axis=1, keepdims=True)
    ex = jnp.exp(logits - m)
    gates = ex / jnp.sum(ex, axis=1, keepdims=True)
    iota = jax.lax.broadcasted_iota(jnp.int32, gates.shape, 1)
    m1 = jnp.max(gates, axis=1, keepdims=True)
    is1 = gates == m1
    i1 = jnp.min(jnp.where(is1, iota, E), axis=1, keepdims=True)
    oh1h = (iota == i1)
    gm = jnp.where(oh1h, -jnp.inf, gates)
    m2 = jnp.max(gm, axis=1, keepdims=True)
    i2 = jnp.min(jnp.where(gm == m2, iota, E), axis=1, keepdims=True)
    oh2h = (iota == i2)
    p_ref[0, 0, :] = m1[:, 0]
    g2_ref[0, 0, :] = m2[:, 0]
    e0_ref[0, 0, :] = i1[:, 0]
    e1_ref[0, 0, :] = i2[:, 0]
    ohc_ref[:, :E] = oh1h.astype(jnp.bfloat16)
    ohc_ref[:, E:] = oh2h.astype(jnp.bfloat16)
    me_ref[0, 0, :] = jnp.sum(gates, axis=0)
    ce_ref[0, 0, :] = jnp.sum(oh1h.astype(jnp.float32), axis=0)


def _routing_body(p_ref, g2_ref, e0_ref, e1_ref, ohc_ref, me_ref, ce_ref,
                  sslot0_ref, sslot1_ref, gslot0_ref, gslot1_ref, w0_ref, w1_ref,
                  laux_ref, cnt_ref, *, n_tokens, n_blocks, capacity, trash_row):
    i = pl.program_id(0)
    base_i = i * _BTR

    @pl.when(i == 0)
    def _():
        cnt32 = jnp.sum(ohc_ref[...].astype(jnp.float32), axis=0, keepdims=True)
        lane = jax.lax.broadcasted_iota(jnp.int32, (1, 2 * E), 1)
        cnt_ref[0:1, : 2 * E] = jnp.where(
            lane >= E, jnp.roll(cnt32, E, axis=1), 0.0)

    pi = p_ref[0, pl.ds(base_i, _BTR)].reshape(_BTR, 1)
    lt = (jax.lax.broadcasted_iota(jnp.int32, (1, _BTR), 1)
          < jax.lax.broadcasted_iota(jnp.int32, (_BTR, 1), 0))

    def jstep(j, acc):
        base_j = j * _BTR
        pj = p_ref[0, pl.ds(base_j, _BTR)].reshape(1, _BTR)

        def diag():
            return ((pj > pi) | ((pj == pi) & lt)).astype(jnp.bfloat16)

        def offd():
            return lax.cond(
                j < i,
                lambda: (pj >= pi).astype(jnp.bfloat16),
                lambda: (pj > pi).astype(jnp.bfloat16))

        cmp = lax.cond(j == i, diag, offd)
        ohj = ohc_ref[pl.ds(base_j, _BTR), :]
        return acc + jnp.dot(cmp, ohj, preferred_element_type=jnp.float32)

    acc = jax.lax.fori_loop(
        0, n_blocks, jstep, jnp.zeros((_BTR, 2 * E), jnp.float32))

    ohci = ohc_ref[pl.ds(base_i, _BTR), :].astype(jnp.float32)
    x = (acc + cnt_ref[0:1, : 2 * E]) * ohci
    pos0 = jnp.sum(x[:, :E], axis=1).astype(jnp.int32)
    pos1 = jnp.sum(x[:, E:], axis=1).astype(jnp.int32)
    e0 = e0_ref[0, pl.ds(base_i, _BTR)]
    e1 = e1_ref[0, pl.ds(base_i, _BTR)]
    v0 = pos0 < capacity
    v1 = pos1 < capacity
    slot0 = e0 * capacity + jnp.minimum(pos0, capacity - 1)
    slot1 = e1 * capacity + jnp.minimum(pos1, capacity - 1)
    sslot0_ref[0, 0, :] = jnp.where(v0, slot0, trash_row)
    sslot1_ref[0, 0, :] = jnp.where(v1, slot1, trash_row)
    gslot0_ref[0, 0, :] = slot0
    gslot1_ref[0, 0, :] = slot1
    w0_ref[0, 0, :] = jnp.where(v0, p_ref[0, pl.ds(base_i, _BTR)], 0.0)
    w1_ref[0, 0, :] = jnp.where(v1, g2_ref[0, pl.ds(base_i, _BTR)], 0.0)

    @pl.when(i == 0)
    def _():
        me = jnp.sum(me_ref[:, 0, :], axis=0) / n_tokens
        ce = jnp.sum(ce_ref[:, 0, :], axis=0) / n_tokens
        laux = jnp.sum(me * ce) * E * AUX_W
        laux_ref[...] = jnp.full((8, 128), laux, jnp.float32)


_HB = 2048


def _ffn_body(x_ref, w1_ref, b1_ref, w2_ref, b2_ref, out_ref):
    e_id = pl.program_id(0)
    h_id = pl.program_id(1)
    xb = x_ref[...].astype(jnp.bfloat16)
    w1b = w1_ref[0].astype(jnp.bfloat16)
    b1v = b1_ref[pl.ds(e_id, 1), pl.ds(h_id * _HB, _HB)]
    h = jnp.dot(xb, w1b, preferred_element_type=jnp.float32) + b1v
    hg = 0.5 * h * (1.0 + jax.lax.erf(h * 0.7071067811865476))
    hb = hg.astype(jnp.bfloat16)
    w2b = w2_ref[0].astype(jnp.bfloat16)
    part = jnp.dot(hb, w2b, preferred_element_type=jnp.float32)

    @pl.when(h_id == 0)
    def _():
        out_ref[...] = part + b2_ref[pl.ds(e_id, 1), :]

    @pl.when(h_id != 0)
    def _():
        out_ref[...] = out_ref[...] + part


def _run_gating(xf, wg, n_blocks):
    n, d = xf.shape
    tok3 = lambda dt: jax.ShapeDtypeStruct((n_blocks, 1, _BT), dt)
    out_shapes = (
        tok3(jnp.float32), tok3(jnp.float32),
        tok3(jnp.int32), tok3(jnp.int32),
        jax.ShapeDtypeStruct((n, 2 * E), jnp.bfloat16),
        jax.ShapeDtypeStruct((n_blocks, 1, E), jnp.float32),
        jax.ShapeDtypeStruct((n_blocks, 1, E), jnp.float32),
    )
    blk3 = lambda: pl.BlockSpec((1, 1, _BT), lambda i: (i, 0, 0))
    return pl.pallas_call(
        _gating_body,
        grid=(n_blocks,),
        in_specs=[
            pl.BlockSpec((_BT, d), lambda i: (i, 0)),
            pl.BlockSpec(wg.shape, lambda i: (0, 0)),
        ],
        out_specs=(
            blk3(), blk3(), blk3(), blk3(),
            pl.BlockSpec((_BT, 2 * E), lambda i: (i, 0)),
            pl.BlockSpec((1, 1, E), lambda i: (i, 0, 0)),
            pl.BlockSpec((1, 1, E), lambda i: (i, 0, 0)),
        ),
        out_shape=out_shapes,
    )(xf, wg)


def _run_routing(p, g2, e0, e1, ohc, me_p, ce_p, n_tokens, n_gblocks,
                 capacity, trash_row):
    n_blocks = n_tokens // _BTR
    tok3 = lambda dt: jax.ShapeDtypeStruct((n_blocks, 1, _BTR), dt)
    out_shapes = (
        tok3(jnp.int32), tok3(jnp.int32), tok3(jnp.int32), tok3(jnp.int32),
        tok3(jnp.float32), tok3(jnp.float32),
        jax.ShapeDtypeStruct((8, 128), jnp.float32),
    )
    blk3 = lambda: pl.BlockSpec((1, 1, _BTR), lambda i: (i, 0, 0))
    full = lambda shape: pl.BlockSpec(shape, lambda i: tuple(0 for _ in shape))
    body = functools.partial(
        _routing_body, n_tokens=n_tokens, n_blocks=n_blocks,
        capacity=capacity, trash_row=trash_row)
    return pl.pallas_call(
        body,
        grid=(n_blocks,),
        in_specs=[
            full((1, n_tokens)), full((1, n_tokens)),
            full((1, n_tokens)), full((1, n_tokens)),
            full((n_tokens, 2 * E)),
            full((n_gblocks, 1, E)), full((n_gblocks, 1, E)),
        ],
        out_specs=(
            blk3(), blk3(), blk3(), blk3(), blk3(), blk3(),
            pl.BlockSpec((8, 128), lambda i: (0, 0)),
        ),
        out_shape=out_shapes,
        scratch_shapes=[pltpu.VMEM((8, 128), jnp.float32)],
    )(p, g2, e0, e1, ohc, me_p, ce_p)


def _run_ffn(buf, w1, b1, w2, b2, capacity, n_rows):
    d_model = w1.shape[1]
    d_ff = w1.shape[2]
    n_h = d_ff // _HB
    return pl.pallas_call(
        _ffn_body,
        grid=(E, n_h),
        in_specs=[
            pl.BlockSpec((capacity, d_model), lambda e, h: (e, 0)),
            pl.BlockSpec((1, d_model, _HB), lambda e, h: (e, 0, h)),
            pl.BlockSpec((E, d_ff), lambda e, h: (0, 0)),
            pl.BlockSpec((1, _HB, d_model), lambda e, h: (e, h, 0)),
            pl.BlockSpec((E, d_model), lambda e, h: (0, 0)),
        ],
        out_specs=pl.BlockSpec((capacity, d_model), lambda e, h: (e, 0)),
        out_shape=jax.ShapeDtypeStruct((n_rows, d_model), jnp.float32),
        compiler_params=pltpu.CompilerParams(
            vmem_limit_bytes=110 * 1024 * 1024),
    )(buf, w1, b1, w2, b2)


def _run_dispatch_sc(xf, ss0, ss1, n_rows):
    n, d = xf.shape
    per_w = n // _NW
    chunk = 64
    n_chunks = per_w // chunk
    mesh = plsc.VectorSubcoreMesh(core_axis_name="c", subcore_axis_name="s")

    @functools.partial(
        pl.kernel,
        out_type=jax.ShapeDtypeStruct((n_rows, d), jnp.float32),
        mesh=mesh,
        scratch_types=[
            pltpu.VMEM((chunk, d), jnp.float32),
            pltpu.VMEM((chunk,), jnp.int32),
            pltpu.VMEM((chunk,), jnp.int32),
            pltpu.SemaphoreType.DMA,
            pltpu.SemaphoreType.DMA,
        ],
    )
    def body(xf_hbm, ss0_hbm, ss1_hbm, buf_hbm, rows_v, idx0_v, idx1_v,
             sem0, sem1):
        wid = lax.axis_index("s") * _SC_CORES + lax.axis_index("c")
        for j in range(n_chunks):
            base = wid * per_w + j * chunk
            pltpu.sync_copy(xf_hbm.at[pl.ds(base, chunk)], rows_v)
            pltpu.sync_copy(ss0_hbm.at[pl.ds(base, chunk)], idx0_v)
            pltpu.sync_copy(ss1_hbm.at[pl.ds(base, chunk)], idx1_v)
            c0 = pltpu.async_copy(rows_v, buf_hbm.at[idx0_v], sem0)
            c1 = pltpu.async_copy(rows_v, buf_hbm.at[idx1_v], sem1)
            c0.wait()
            c1.wait()

    return body(xf, ss0, ss1)


def _lane_splat(vec16, i):
    idxv = jnp.full((16, 1), i, jnp.int32)
    return lax.gather(
        vec16, idxv,
        lax.GatherDimensionNumbers(offset_dims=(), collapsed_slice_dims=(0,),
                                   start_index_map=(0,)),
        (1,), mode=lax.GatherScatterMode.PROMISE_IN_BOUNDS)


def _run_combine_sc(out_rows, gs0, gs1, w0, w1, n, d):
    per_w = n // _NW
    chunk = 16
    n_chunks = per_w // chunk
    mesh = plsc.VectorSubcoreMesh(core_axis_name="c", subcore_axis_name="s")

    @functools.partial(
        pl.kernel,
        out_type=jax.ShapeDtypeStruct((n, d), jnp.float32),
        mesh=mesh,
        scratch_types=[
            pltpu.VMEM((2, chunk, d), jnp.float32),
            pltpu.VMEM((2, chunk, d), jnp.float32),
            pltpu.VMEM((2, chunk, d), jnp.float32),
            pltpu.VMEM((per_w,), jnp.int32),
            pltpu.VMEM((per_w,), jnp.int32),
            pltpu.VMEM((per_w,), jnp.float32),
            pltpu.VMEM((per_w,), jnp.float32),
            pltpu.SemaphoreType.DMA, pltpu.SemaphoreType.DMA,
            pltpu.SemaphoreType.DMA, pltpu.SemaphoreType.DMA,
            pltpu.SemaphoreType.DMA, pltpu.SemaphoreType.DMA,
        ],
    )
    def body(out_hbm, gs0_hbm, gs1_hbm, w0_hbm, w1_hbm, y_hbm,
             r0_v, r1_v, y_v, i0_v, i1_v, w0_v, w1_v,
             sg0a, sg0b, sg1a, sg1b, swa, swb):
        wid = lax.axis_index("s") * _SC_CORES + lax.axis_index("c")
        base = wid * per_w
        sg0 = [sg0a, sg0b]
        sg1 = [sg1a, sg1b]
        sw = [swa, swb]
        pltpu.sync_copy(gs0_hbm.at[pl.ds(base, per_w)], i0_v)
        pltpu.sync_copy(gs1_hbm.at[pl.ds(base, per_w)], i1_v)
        pltpu.sync_copy(w0_hbm.at[pl.ds(base, per_w)], w0_v)
        pltpu.sync_copy(w1_hbm.at[pl.ds(base, per_w)], w1_v)

        def gather_desc(j, b):
            d0 = pltpu.make_async_copy(
                out_hbm.at[i0_v.at[pl.ds(j * chunk, chunk)]], r0_v.at[b], sg0[b])
            d1 = pltpu.make_async_copy(
                out_hbm.at[i1_v.at[pl.ds(j * chunk, chunk)]], r1_v.at[b], sg1[b])
            return d0, d1

        def write_desc(j, b):
            return pltpu.make_async_copy(
                y_v.at[b], y_hbm.at[pl.ds(base + j * chunk, chunk)], sw[b])

        d0, d1 = gather_desc(0, 0)
        d0.start()
        d1.start()

        def step(jj, carry):
            for b in range(2):
                j = jj * 2 + b

                @pl.when(j < n_chunks - 1)
                def _(j=j, b=b):
                    n0, n1 = gather_desc(j + 1, 1 - b)
                    n0.start()
                    n1.start()

                @pl.when(j >= 2)
                def _(j=j, b=b):
                    write_desc(j - 2, b).wait()

                g0, g1 = gather_desc(j, b)
                g0.wait()
                g1.wait()
                wv0 = w0_v[pl.ds(j * chunk, chunk)]
                wv1 = w1_v[pl.ds(j * chunk, chunk)]

                def row_body(r16, carry2, wv0=wv0, wv1=wv1, b=b):
                    w0s = _lane_splat(wv0, r16)
                    w1s = _lane_splat(wv1, r16)
                    for cc in range(d // 16):
                        a = r0_v[b, r16, pl.ds(cc * 16, 16)]
                        c = r1_v[b, r16, pl.ds(cc * 16, 16)]
                        y_v[b, r16, pl.ds(cc * 16, 16)] = a * w0s + c * w1s
                    return carry2

                lax.fori_loop(0, chunk, row_body, 0)
                write_desc(j, b).start()
            return carry

        lax.fori_loop(0, n_chunks // 2, step, 0)
        write_desc(n_chunks - 2, 0).wait()
        write_desc(n_chunks - 1, 1).wait()

    return body(out_rows, gs0, gs1, w0, w1)


def kernel(x, wg, w1, b1, w2, b2):
    B, S, D = x.shape
    N = B * S
    n_blocks = N // _BT
    capacity = int(CAP_F * K * N / E)
    n_rows = (E + 1) * capacity
    trash_row = E * capacity
    xf = x.reshape(N, D)

    p3, g23, e03, e13, ohc, me_p, ce_p = _run_gating(xf, wg, n_blocks)
    p = p3.reshape(1, N)
    g2 = g23.reshape(1, N)
    e0 = e03.reshape(1, N)
    e1 = e13.reshape(1, N)

    (ss03, ss13, gs03, gs13, w03, w13, laux) = _run_routing(
        p, g2, e0, e1, ohc, me_p, ce_p, N, n_blocks, capacity, trash_row)
    ss0 = ss03.reshape(N)
    ss1 = ss13.reshape(N)
    gs0 = gs03.reshape(N)
    gs1 = gs13.reshape(N)
    w0 = w03.reshape(N)
    w1v = w13.reshape(N)

    buf = _run_dispatch_sc(xf, ss0, ss1, n_rows)
    out = _run_ffn(buf, w1, b1, w2, b2, capacity, n_rows)
    y = _run_combine_sc(out, gs0, gs1, w0, w1v, N, D)
    return y.reshape(B, S, D), laux[0, 0]

# --- scband reference (transcript-rebuilt; emitter-appended) ---
"""Pipeline reference for scband-mo-emlp-56384330662505 (READ-ONLY COPY).

The authoritative reference and input builder live on the scoring server;
editing this copy changes nothing except your own understanding.
"""

import jax, jax.numpy as jnp
import numpy as np

E = 16          # num_local_experts
K = 2           # top_value
CAP_F = 1.25    # capacity_factor
AUX_W = 0.01    # aux_loss_weight
D_MODEL = 1024
D_FF = 4096


def setup_inputs(seed: int = 0) -> dict:
    key = jax.random.key(seed)
    ks = jax.random.split(key, 6)
    x = jax.random.normal(ks[0], (4, 2048, D_MODEL), dtype=jnp.float32)
    wg = jax.random.normal(ks[1], (D_MODEL, E), dtype=jnp.float32) * 0.02
    w1 = jax.random.normal(ks[2], (E, D_MODEL, D_FF), dtype=jnp.float32) * 0.02
    b1 = jnp.zeros((E, D_FF), dtype=jnp.float32)
    w2 = jax.random.normal(ks[3], (E, D_FF, D_MODEL), dtype=jnp.float32) * 0.02
    b2 = jnp.zeros((E, D_MODEL), dtype=jnp.float32)
    return {"x": x, "wg": wg, "w1": w1, "b1": b1, "w2": w2, "b2": b2}


def _moe_forward(x, wg, w1, b1, w2, b2):
    B, S, D = x.shape
    N = B * S
    xf = x.reshape(N, D)
    # fp32 gate
    logits = xf.astype(jnp.float32) @ wg.astype(jnp.float32)
    gates = jax.nn.softmax(logits, axis=-1)
    topv, topi = jax.lax.top_k(gates, K)
    # GShard auxiliary load-balancing loss (top-1 expert counts)
    me = jnp.mean(gates, axis=0)
    ce = jnp.mean(jax.nn.one_hot(topi[:, 0], E, dtype=jnp.float32), axis=0)
    l_aux = jnp.sum(me * ce) * E
    capacity = int(CAP_F * K * N / E)
    # batch-prioritized routing: tokens with higher top-1 gate get priority
    perm = jnp.argsort(-topv[:, 0])
    inv = jnp.zeros((N,), dtype=jnp.int32).at[perm].set(jnp.arange(N, dtype=jnp.int32))
    y = jnp.zeros((N, D), dtype=jnp.float32)
    buf = jnp.zeros((E, capacity, D), dtype=jnp.float32)
    slot_info = []
    offset = jnp.zeros((E,), dtype=jnp.int32)
    for k in range(K):
        idx_e = topi[:, k]
        mask = jax.nn.one_hot(idx_e, E, dtype=jnp.int32)
        mask_s = mask[perm]
        pos_s = jnp.cumsum(mask_s, axis=0) - mask_s
        pos_sorted = jnp.sum(pos_s * mask_s, axis=1)
        pos = pos_sorted[inv] + offset[idx_e]
        offset = offset + jnp.sum(mask, axis=0)
        valid = (pos < capacity).astype(jnp.float32)
        pos_c = jnp.minimum(pos, capacity - 1)
        buf = buf.at[idx_e, pos_c].add(xf * valid[:, None])
        slot_info.append((idx_e, pos_c, valid, topv[:, k]))
    # batched expert FFN: gelu(x W1 + b1) W2 + b2
    h = jax.nn.gelu(jnp.einsum('ecd,edh->ech', buf, w1) + b1[:, None, :], approximate=False)
    out = jnp.einsum('ech,ehd->ecd', h, w2) + b2[:, None, :]
    # combine: gather expert outputs back, weighted by (un-normalized) gate values
    for idx_e, pos_c, valid, g in slot_info:
        y = y + out[idx_e, pos_c] * (valid * g)[:, None]
    return y.reshape(B, S, D), l_aux * AUX_W


def reference(x, wg, w1, b1, w2, b2):
    return _moe_forward(x, wg, w1, b1, w2, b2)

if __name__ == "__main__":
    import jax
    _d = setup_inputs()
    print(jax.jit(kernel)(*tuple(_d.values())))

</pallas_src>

<mosaic_0001>
#map = affine_map<(d0, d1) -> (0, 0)>
#map1 = affine_map<(d0, d1) -> (0)>
module attributes {stable_mosaic.version = 14 : i64} {
  func.func @body(%arg0: i32, %arg1: i32, %arg2: memref<21760x1024xf32, #tpu.memory_space<hbm>>, %arg3: memref<8192xi32, #tpu.memory_space<hbm>>, %arg4: memref<8192xi32, #tpu.memory_space<hbm>>, %arg5: memref<8192xf32, #tpu.memory_space<hbm>>, %arg6: memref<8192xf32, #tpu.memory_space<hbm>>, %arg7: memref<8192x1024xf32, #tpu.memory_space<hbm>>, %arg8: memref<2x16x1024xf32, #tpu.memory_space<vmem>>, %arg9: memref<2x16x1024xf32, #tpu.memory_space<vmem>>, %arg10: memref<2x16x1024xf32, #tpu.memory_space<vmem>>, %arg11: memref<256xi32, #tpu.memory_space<vmem>>, %arg12: memref<256xi32, #tpu.memory_space<vmem>>, %arg13: memref<256xf32, #tpu.memory_space<vmem>>, %arg14: memref<256xf32, #tpu.memory_space<vmem>>, %arg15: memref<!tpu.dma_semaphore, #tpu.memory_space<semaphore_mem>>, %arg16: memref<!tpu.dma_semaphore, #tpu.memory_space<semaphore_mem>>, %arg17: memref<!tpu.dma_semaphore, #tpu.memory_space<semaphore_mem>>, %arg18: memref<!tpu.dma_semaphore, #tpu.memory_space<semaphore_mem>>, %arg19: memref<!tpu.dma_semaphore, #tpu.memory_space<semaphore_mem>>, %arg20: memref<!tpu.dma_semaphore, #tpu.memory_space<semaphore_mem>>) attributes {dimension_semantics = [#tpu.dimension_semantics<core_parallel>, #tpu.dimension_semantics<subcore_parallel>], iteration_bounds = array<i64: 2, 16>, scalar_prefetch = 0 : i64, scratch_operands = 13 : i64, tpu.core_type = #tpu.core_type<sc_vector_subcore>, window_params = [{transform_indices = #map}, {transform_indices = #map1}, {transform_indices = #map1}, {transform_indices = #map1}, {transform_indices = #map1}, {transform_indices = #map}]} {
    %mul3A = arith.constant 2 : i32
    %mul3A_0 = arith.muli %arg1, %mul3A : i32
    %add3A = arith.addi %mul3A_0, %arg0 : i32
    %mul3A_1 = arith.constant 256 : i32
    %mul3A_2 = arith.muli %add3A, %mul3A_1 : i32
    "tpu.region"() ({
      %run_scoped3A = tpu.sem_alloc : memref<!tpu.dma_semaphore, #tpu.memory_space<semaphore_mem>>
      %dma_start3A_56 = tpu.memref_slice %arg3[%mul3A_2] : memref<8192xi32, #tpu.memory_space<hbm>> -> memref<256xi32, #tpu.memory_space<hbm>>
      %dma_start3A_57 = tpu.memref_slice %arg3[%mul3A_2] : memref<8192xi32, #tpu.memory_space<hbm>> -> memref<256xi32, #tpu.memory_space<hbm>>
      tpu.enqueue_dma source(%dma_start3A_57 : memref<256xi32, #tpu.memory_space<hbm>>) target(%arg11 : memref<256xi32, #tpu.memory_space<vmem>>) target_semaphore(%run_scoped3A : memref<!tpu.dma_semaphore, #tpu.memory_space<semaphore_mem>>)
      %dma_wait3A_58 = tpu.memref_slice %arg3[%mul3A_2] : memref<8192xi32, #tpu.memory_space<hbm>> -> memref<256xi32, #tpu.memory_space<hbm>>
      %dma_wait3A_59 = tpu.memref_slice %arg3[%mul3A_2] : memref<8192xi32, #tpu.memory_space<hbm>> -> memref<256xi32, #tpu.memory_space<hbm>>
      tpu.wait_dma2 semaphore(%run_scoped3A : memref<!tpu.dma_semaphore, #tpu.memory_space<semaphore_mem>>) src(%dma_wait3A_59 : memref<256xi32, #tpu.memory_space<hbm>>) dst(%arg11 : memref<256xi32, #tpu.memory_space<vmem>>)
      tpu.yield
    }) : () -> ()
    "tpu.region"() ({
      %run_scoped3A = tpu.sem_alloc : memref<!tpu.dma_semaphore, #tpu.memory_space<semaphore_mem>>
      %dma_start3A_56 = tpu.memref_slice %arg4[%mul3A_2] : memref<8192xi32, #tpu.memory_space<hbm>> -> memref<256xi32, #tpu.memory_space<hbm>>
      %dma_start3A_57 = tpu.memref_slice %arg4[%mul3A_2] : memref<8192xi32, #tpu.memory_space<hbm>> -> memref<256xi32, #tpu.memory_space<hbm>>
      tpu.enqueue_dma source(%dma_start3A_57 : memref<256xi32, #tpu.memory_space<hbm>>) target(%arg12 : memref<256xi32, #tpu.memory_space<vmem>>) target_semaphore(%run_scoped3A : memref<!tpu.dma_semaphore, #tpu.memory_space<semaphore_mem>>)
      %dma_wait3A_58 = tpu.memref_slice %arg4[%mul3A_2] : memref<8192xi32, #tpu.memory_space<hbm>> -> memref<256xi32, #tpu.memory_space<hbm>>
      %dma_wait3A_59 = tpu.memref_slice %arg4[%mul3A_2] : memref<8192xi32, #tpu.memory_space<hbm>> -> memref<256xi32, #tpu.memory_space<hbm>>
      tpu.wait_dma2 semaphore(%run_scoped3A : memref<!tpu.dma_semaphore, #tpu.memory_space<semaphore_mem>>) src(%dma_wait3A_59 : memref<256xi32, #tpu.memory_space<hbm>>) dst(%arg12 : memref<256xi32, #tpu.memory_space<vmem>>)
      tpu.yield
    }) : () -> ()
    "tpu.region"() ({
      %run_scoped3A = tpu.sem_alloc : memref<!tpu.dma_semaphore, #tpu.memory_space<semaphore_mem>>
      %dma_start3A_56 = tpu.memref_slice %arg5[%mul3A_2] : memref<8192xf32, #tpu.memory_space<hbm>> -> memref<256xf32, #tpu.memory_space<hbm>>
      %dma_start3A_57 = tpu.memref_slice %arg5[%mul3A_2] : memref<8192xf32, #tpu.memory_space<hbm>> -> memref<256xf32, #tpu.memory_space<hbm>>
      tpu.enqueue_dma source(%dma_start3A_57 : memref<256xf32, #tpu.memory_space<hbm>>) target(%arg13 : memref<256xf32, #tpu.memory_space<vmem>>) target_semaphore(%run_scoped3A : memref<!tpu.dma_semaphore, #tpu.memory_space<semaphore_mem>>)
      %dma_wait3A_58 = tpu.memref_slice %arg5[%mul3A_2] : memref<8192xf32, #tpu.memory_space<hbm>> -> memref<256xf32, #tpu.memory_space<hbm>>
      %dma_wait3A_59 = tpu.memref_slice %arg5[%mul3A_2] : memref<8192xf32, #tpu.memory_space<hbm>> -> memref<256xf32, #tpu.memory_space<hbm>>
      tpu.wait_dma2 semaphore(%run_scoped3A : memref<!tpu.dma_semaphore, #tpu.memory_space<semaphore_mem>>) src(%dma_wait3A_59 : memref<256xf32, #tpu.memory_space<hbm>>) dst(%arg13 : memref<256xf32, #tpu.memory_space<vmem>>)
      tpu.yield
    }) : () -> ()
    "tpu.region"() ({
      %run_scoped3A = tpu.sem_alloc : memref<!tpu.dma_semaphore, #tpu.memory_space<semaphore_mem>>
      %dma_start3A_56 = tpu.memref_slice %arg6[%mul3A_2] : memref<8192xf32, #tpu.memory_space<hbm>> -> memref<256xf32, #tpu.memory_space<hbm>>
      %dma_start3A_57 = tpu.memref_slice %arg6[%mul3A_2] : memref<8192xf32, #tpu.memory_space<hbm>> -> memref<256xf32, #tpu.memory_space<hbm>>
      tpu.enqueue_dma source(%dma_start3A_57 : memref<256xf32, #tpu.memory_space<hbm>>) target(%arg14 : memref<256xf32, #tpu.memory_space<vmem>>) target_semaphore(%run_scoped3A : memref<!tpu.dma_semaphore, #tpu.memory_space<semaphore_mem>>)
      %dma_wait3A_58 = tpu.memref_slice %arg6[%mul3A_2] : memref<8192xf32, #tpu.memory_space<hbm>> -> memref<256xf32, #tpu.memory_space<hbm>>
      %dma_wait3A_59 = tpu.memref_slice %arg6[%mul3A_2] : memref<8192xf32, #tpu.memory_space<hbm>> -> memref<256xf32, #tpu.memory_space<hbm>>
      tpu.wait_dma2 semaphore(%run_scoped3A : memref<!tpu.dma_semaphore, #tpu.memory_space<semaphore_mem>>) src(%dma_wait3A_59 : memref<256xf32, #tpu.memory_space<hbm>>) dst(%arg14 : memref<256xf32, #tpu.memory_space<vmem>>)
      tpu.yield
    }) : () -> ()
    %dma_start3A = arith.constant 0 : i32
    %dma_start3A_3 = arith.constant 0 : i32
    %dma_start3A_4 = arith.constant 0 : i32
    %dma_start3A_5 = tpu.memref_slice %arg8[%dma_start3A, %dma_start3A_3, %dma_start3A_4] : memref<2x16x1024xf32, #tpu.memory_space<vmem>> -> memref<1x16x1024xf32, #tpu.memory_space<vmem>>
    %dma_start3A_6 = tpu.memref_squeeze %dma_start3A_5 : memref<1x16x1024xf32, #tpu.memory_space<vmem>> -> memref<16x1024xf32, #tpu.memory_space<vmem>>
    %dma_start3A_7 = arith.constant 0 : i32
    %dma_start3A_8 = tpu.memref_slice %arg11[%dma_start3A_7] : memref<256xi32, #tpu.memory_space<vmem>> -> memref<16xi32, #tpu.memory_space<vmem>>
    %dma_start3A_9 = arith.constant 0 : i32
    %dma_start3A_10 = arith.constant 0 : i32
    %dma_start3A_11 = tpu.memref_slice %arg2[%dma_start3A_9, %dma_start3A_10] : memref<21760x1024xf32, #tpu.memory_space<hbm>> -> memref<21760x1024xf32, #tpu.memory_space<hbm>>
    tpu.enqueue_indirect_dma source(%dma_start3A_11 : memref<21760x1024xf32, #tpu.memory_space<hbm>>) target(%dma_start3A_6 : memref<16x1024xf32, #tpu.memory_space<vmem>>) offsets(%dma_start3A_8 : memref<16xi32, #tpu.memory_space<vmem>>) semaphore(%arg15 : memref<!tpu.dma_semaphore, #tpu.memory_space<semaphore_mem>>)
    %dma_start3A_12 = arith.constant 0 : i32
    %dma_start3A_13 = arith.constant 0 : i32
    %dma_start3A_14 = arith.constant 0 : i32
    %dma_start3A_15 = tpu.memref_slice %arg9[%dma_start3A_12, %dma_start3A_13, %dma_start3A_14] : memref<2x16x1024xf32, #tpu.memory_space<vmem>> -> memref<1x16x1024xf32, #tpu.memory_space<vmem>>
    %dma_start3A_16 = tpu.memref_squeeze %dma_start3A_15 : memref<1x16x1024xf32, #tpu.memory_space<vmem>> -> memref<16x1024xf32, #tpu.memory_space<vmem>>
    %dma_start3A_17 = arith.constant 0 : i32
    %dma_start3A_18 = tpu.memref_slice %arg12[%dma_start3A_17] : memref<256xi32, #tpu.memory_space<vmem>> -> memref<16xi32, #tpu.memory_space<vmem>>
    %dma_start3A_19 = arith.constant 0 : i32
    %dma_start3A_20 = arith.constant 0 : i32
    %dma_start3A_21 = tpu.memref_slice %arg2[%dma_start3A_19, %dma_start3A_20] : memref<21760x1024xf32, #tpu.memory_space<hbm>> -> memref<21760x1024xf32, #tpu.memory_space<hbm>>
    tpu.enqueue_indirect_dma source(%dma_start3A_21 : memref<21760x1024xf32, #tpu.memory_space<hbm>>) target(%dma_start3A_16 : memref<16x1024xf32, #tpu.memory_space<vmem>>) offsets(%dma_start3A_18 : memref<16xi32, #tpu.memory_space<vmem>>) semaphore(%arg17 : memref<!tpu.dma_semaphore, #tpu.memory_space<semaphore_mem>>)
    %scan3A = arith.constant 0 : i32
    %scan3A_22 = arith.constant 0 : i32
    %scan3A_23 = arith.constant 8 : i32
    %scan3A_24 = arith.addi %scan3A_22, %scan3A_23 : i32
    %scan3A_25 = arith.constant 1 : i32
    scf.for %scan3A_56 = %scan3A_22 to %scan3A_24 step %scan3A_25  : i32 {
      %mul3A_57 = arith.constant 2 : i32
      %mul3A_58 = arith.muli %scan3A_56, %mul3A_57 : i32
      %add3A_59 = arith.constant 0 : i32
      %add3A_60 = arith.addi %mul3A_58, %add3A_59 : i32
      %lt3A = arith.constant 15 : i32
      %lt3A_61 = arith.cmpi slt, %add3A_60, %lt3A : i32
      %convert_element_type3A = arith.extui %lt3A_61 : i1 to i32
      %cond3A = arith.constant 0 : i32
      %cond3A_62 = arith.cmpi ne, %convert_element_type3A, %cond3A : i32
      scf.if %cond3A_62 {
        %add3A_188 = arith.constant 1 : i32
        %add3A_189 = arith.addi %add3A_60, %add3A_188 : i32
        %mul3A_190 = arith.constant 16 : i32
        %mul3A_191 = arith.muli %add3A_189, %mul3A_190 : i32
        %mul3A_192 = arith.constant 16 : i32
        %mul3A_193 = arith.muli %add3A_189, %mul3A_192 : i32
        %dma_start3A_194 = arith.constant 1 : i32
        %dma_start3A_195 = arith.constant 0 : i32
        %dma_start3A_196 = arith.constant 0 : i32
        %dma_start3A_197 = tpu.memref_slice %arg8[%dma_start3A_194, %dma_start3A_195, %dma_start3A_196] : memref<2x16x1024xf32, #tpu.memory_space<vmem>> -> memref<1x16x1024xf32, #tpu.memory_space<vmem>>
        %dma_start3A_198 = tpu.memref_squeeze %dma_start3A_197 : memref<1x16x1024xf32, #tpu.memory_space<vmem>> -> memref<16x1024xf32, #tpu.memory_space<vmem>>
        %dma_start3A_199 = tpu.memref_slice %arg11[%mul3A_191] : memref<256xi32, #tpu.memory_space<vmem>> -> memref<16xi32, #tpu.memory_space<vmem>>
        %dma_start3A_200 = arith.constant 0 : i32
        %dma_start3A_201 = arith.constant 0 : i32
        %dma_start3A_202 = tpu.memref_slice %arg2[%dma_start3A_200, %dma_start3A_201] : memref<21760x1024xf32, #tpu.memory_space<hbm>> -> memref<21760x1024xf32, #tpu.memory_space<hbm>>
        tpu.enqueue_indirect_dma source(%dma_start3A_202 : memref<21760x1024xf32, #tpu.memory_space<hbm>>) target(%dma_start3A_198 : memref<16x1024xf32, #tpu.memory_space<vmem>>) offsets(%dma_start3A_199 : memref<16xi32, #tpu.memory_space<vmem>>) semaphore(%arg16 : memref<!tpu.dma_semaphore, #tpu.memory_space<semaphore_mem>>)
        %dma_start3A_203 = arith.constant 1 : i32
        %dma_start3A_204 = arith.constant 0 : i32
        %dma_start3A_205 = arith.constant 0 : i32
        %dma_start3A_206 = tpu.memref_slice %arg9[%dma_start3A_203, %dma_start3A_204, %dma_start3A_205] : memref<2x16x1024xf32, #tpu.memory_space<vmem>> -> memref<1x16x1024xf32, #tpu.memory_space<vmem>>
        %dma_start3A_207 = tpu.memref_squeeze %dma_start3A_206 : memref<1x16x1024xf32, #tpu.memory_space<vmem>> -> memref<16x1024xf32, #tpu.memory_space<vmem>>
        %dma_start3A_208 = tpu.memref_slice %arg12[%mul3A_193] : memref<256xi32, #tpu.memory_space<vmem>> -> memref<16xi32, #tpu.memory_space<vmem>>
        %dma_start3A_209 = arith.constant 0 : i32
        %dma_start3A_210 = arith.constant 0 : i32
        %dma_start3A_211 = tpu.memref_slice %arg2[%dma_start3A_209, %dma_start3A_210] : memref<21760x1024xf32, #tpu.memory_space<hbm>> -> memref<21760x1024xf32, #tpu.memory_space<hbm>>
        tpu.enqueue_indirect_dma source(%dma_start3A_211 : memref<21760x1024xf32, #tpu.memory_space<hbm>>) target(%dma_start3A_207 : memref<16x1024xf32, #tpu.memory_space<vmem>>) offsets(%dma_start3A_208 : memref<16xi32, #tpu.memory_space<vmem>>) semaphore(%arg18 : memref<!tpu.dma_semaphore, #tpu.memory_space<semaphore_mem>>)
      } else {
      }
      %ge3A = arith.constant 2 : i32
      %ge3A_63 = arith.cmpi sge, %add3A_60, %ge3A : i32
      %convert_element_type3A_64 = arith.extui %ge3A_63 : i1 to i32
      %cond3A_65 = arith.constant 0 : i32
      %cond3A_66 = arith.cmpi ne, %convert_element_type3A_64, %cond3A_65 : i32
      scf.if %cond3A_66 {
        %sub3A = arith.constant 2 : i32
        %sub3A_188 = arith.subi %add3A_60, %sub3A : i32
        %mul3A_189 = arith.constant 16 : i32
        %mul3A_190 = arith.muli %sub3A_188, %mul3A_189 : i32
        %add3A_191 = arith.addi %mul3A_2, %mul3A_190 : i32
        %dma_wait3A_192 = arith.constant 0 : i32
        %dma_wait3A_193 = arith.constant 0 : i32
        %dma_wait3A_194 = arith.constant 0 : i32
        %dma_wait3A_195 = tpu.memref_slice %arg10[%dma_wait3A_192, %dma_wait3A_193, %dma_wait3A_194] : memref<2x16x1024xf32, #tpu.memory_space<vmem>> -> memref<1x16x1024xf32, #tpu.memory_space<vmem>>
        %dma_wait3A_196 = tpu.memref_squeeze %dma_wait3A_195 : memref<1x16x1024xf32, #tpu.memory_space<vmem>> -> memref<16x1024xf32, #tpu.memory_space<vmem>>
        %dma_wait3A_197 = arith.constant 0 : i32
        %dma_wait3A_198 = tpu.memref_slice %arg7[%add3A_191, %dma_wait3A_197] : memref<8192x1024xf32, #tpu.memory_space<hbm>> -> memref<16x1024xf32, #tpu.memory_space<hbm>>
        %dma_wait3A_199 = arith.constant 0 : i32
        %dma_wait3A_200 = tpu.memref_slice %arg7[%add3A_191, %dma_wait3A_199] : memref<8192x1024xf32, #tpu.memory_space<hbm>> -> memref<16x1024xf32, #tpu.memory_space<hbm>>
        %dma_wait3A_201 = arith.constant 0 : i32
        %dma_wait3A_202 = arith.constant 0 : i32
        %dma_wait3A_203 = tpu.memref_slice %arg10[%dma_wait3A_192, %dma_wait3A_201, %dma_wait3A_202] : memref<2x16x1024xf32, #tpu.memory_space<vmem>> -> memref<1x16x1024xf32, #tpu.memory_space<vmem>>
        %dma_wait3A_204 = tpu.memref_squeeze %dma_wait3A_203 : memref<1x16x1024xf32, #tpu.memory_space<vmem>> -> memref<16x1024xf32, #tpu.memory_space<vmem>>
        tpu.wait_dma2 semaphore(%arg19 : memref<!tpu.dma_semaphore, #tpu.memory_space<semaphore_mem>>) src(%dma_wait3A_204 : memref<16x1024xf32, #tpu.memory_space<vmem>>) dst(%dma_wait3A_200 : memref<16x1024xf32, #tpu.memory_space<hbm>>)
      } else {
      }
      %mul3A_67 = arith.constant 16 : i32
      %mul3A_68 = arith.muli %add3A_60, %mul3A_67 : i32
      %mul3A_69 = arith.constant 16 : i32
      %mul3A_70 = arith.muli %add3A_60, %mul3A_69 : i32
      %dma_wait3A_71 = arith.constant 0 : i32
      %dma_wait3A_72 = arith.constant 0 : i32
      %dma_wait3A_73 = arith.constant 0 : i32
      %dma_wait3A_74 = tpu.memref_slice %arg8[%dma_wait3A_71, %dma_wait3A_72, %dma_wait3A_73] : memref<2x16x1024xf32, #tpu.memory_space<vmem>> -> memref<1x16x1024xf32, #tpu.memory_space<vmem>>
      %dma_wait3A_75 = tpu.memref_squeeze %dma_wait3A_74 : memref<1x16x1024xf32, #tpu.memory_space<vmem>> -> memref<16x1024xf32, #tpu.memory_space<vmem>>
      %dma_wait3A_76 = tpu.memref_slice %arg11[%mul3A_68] : memref<256xi32, #tpu.memory_space<vmem>> -> memref<16xi32, #tpu.memory_space<vmem>>
      %dma_wait3A_77 = arith.constant 0 : i32
      %dma_wait3A_78 = arith.constant 0 : i32
      %dma_wait3A_79 = tpu.memref_slice %arg2[%dma_wait3A_77, %dma_wait3A_78] : memref<21760x1024xf32, #tpu.memory_space<hbm>> -> memref<21760x1024xf32, #tpu.memory_space<hbm>>
      tpu.wait_indirect_dma semaphore(%arg15 : memref<!tpu.dma_semaphore, #tpu.memory_space<semaphore_mem>>) src(%dma_wait3A_79 : memref<21760x1024xf32, #tpu.memory_space<hbm>>) dst(%dma_wait3A_75 : memref<16x1024xf32, #tpu.memory_space<vmem>>)
      %dma_wait3A_80 = arith.constant 0 : i32
      %dma_wait3A_81 = arith.constant 0 : i32
      %dma_wait3A_82 = arith.constant 0 : i32
      %dma_wait3A_83 = tpu.memref_slice %arg9[%dma_wait3A_80, %dma_wait3A_81, %dma_wait3A_82] : memref<2x16x1024xf32, #tpu.memory_space<vmem>> -> memref<1x16x1024xf32, #tpu.memory_space<vmem>>
      %dma_wait3A_84 = tpu.memref_squeeze %dma_wait3A_83 : memref<1x16x1024xf32, #tpu.memory_space<vmem>> -> memref<16x1024xf32, #tpu.memory_space<vmem>>
      %dma_wait3A_85 = tpu.memref_slice %arg12[%mul3A_70] : memref<256xi32, #tpu.memory_space<vmem>> -> memref<16xi32, #tpu.memory_space<vmem>>
      %dma_wait3A_86 = arith.constant 0 : i32
      %dma_wait3A_87 = arith.constant 0 : i32
      %dma_wait3A_88 = tpu.memref_slice %arg2[%dma_wait3A_86, %dma_wait3A_87] : memref<21760x1024xf32, #tpu.memory_space<hbm>> -> memref<21760x1024xf32, #tpu.memory_space<hbm>>
      tpu.wait_indirect_dma semaphore(%arg17 : memref<!tpu.dma_semaphore, #tpu.memory_space<semaphore_mem>>) src(%dma_wait3A_88 : memref<21760x1024xf32, #tpu.memory_space<hbm>>) dst(%dma_wait3A_84 : memref<16x1024xf32, #tpu.memory_space<vmem>>)
      %mul3A_89 = arith.constant 16 : i32
      %mul3A_90 = arith.muli %add3A_60, %mul3A_89 : i32
      %get3A = arith.index_cast %mul3A_90 : i32 to index
      %get3A_91 = tpu.vector_load %arg13[%get3A] {strides = array<i32>} : memref<256xf32, #tpu.memory_space<vmem>>, vector<16xf32>,
      %get3A_92 = vector.shape_cast %get3A_91 : vector<16xf32> to vector<16xf32>
      %mul3A_93 = arith.constant 16 : i32
      %mul3A_94 = arith.muli %add3A_60, %mul3A_93 : i32
      %get3A_95 = arith.index_cast %mul3A_94 : i32 to index
      %get3A_96 = tpu.vector_load %arg14[%get3A_95] {strides = array<i32>} : memref<256xf32, #tpu.memory_space<vmem>>, vector<16xf32>,
      %get3A_97 = vector.shape_cast %get3A_96 : vector<16xf32> to vector<16xf32>
      %scan3A_98 = arith.constant 0 : i32
      %scan3A_99 = arith.constant 0 : i32
      %scan3A_100 = arith.constant 16 : i32
      %scan3A_101 = arith.addi %scan3A_99, %scan3A_100 : i32
      %scan3A_102 = arith.constant 1 : i32
      scf.for %scan3A_188 = %scan3A_99 to %scan3A_101 step %scan3A_102  : i32 {
        %broadcast_in_dim3A = vector.broadcast %scan3A_188 : i32 to vector<16x1xi32>
        %gather3A = vector.shape_cast %broadcast_in_dim3A : vector<16x1xi32> to vector<16xi32>
        %gather3A_189 = tpu.dynamic_gather %get3A_92[%gather3A] in [0] : vector<16xf32>, vector<16xi32> -> vector<16xf32>
        %broadcast_in_dim3A_190 = vector.broadcast %scan3A_188 : i32 to vector<16x1xi32>
        %gather3A_191 = vector.shape_cast %broadcast_in_dim3A_190 : vector<16x1xi32> to vector<16xi32>
        %gather3A_192 = tpu.dynamic_gather %get3A_97[%gather3A_191] in [0] : vector<16xf32>, vector<16xi32> -> vector<16xf32>
        %get3A_193 = arith.constant 0 : i32
        %get3A_194 = arith.index_cast %get3A_193 : i32 to index
        %get3A_195 = arith.index_cast %scan3A_188 : i32 to index
        %get3A_196 = arith.constant 0 : index
        %get3A_197 = tpu.vector_load %arg8[%get3A_194, %get3A_195, %get3A_196] {strides = array<i32>} : memref<2x16x1024xf32, #tpu.memory_space<vmem>>, vector<1x1x16xf32>,
        %get3A_198 = vector.shape_cast %get3A_197 : vector<1x1x16xf32> to vector<16xf32>
        %get3A_199 = arith.constant 0 : i32
        %get3A_200 = arith.index_cast %get3A_199 : i32 to index
        %get3A_201 = arith.index_cast %scan3A_188 : i32 to index
        %get3A_202 = arith.constant 0 : index
        %get3A_203 = tpu.vector_load %arg9[%get3A_200, %get3A_201, %get3A_202] {strides = array<i32>} : memref<2x16x1024xf32, #tpu.memory_space<vmem>>, vector<1x1x16xf32>,
        %get3A_204 = vector.shape_cast %get3A_203 : vector<1x1x16xf32> to vector<16xf32>
        %mul3A_205 = arith.mulf %get3A_198, %gather3A_189 : vector<16xf32>
        %mul3A_206 = arith.mulf %get3A_204, %gather3A_192 : vector<16xf32>
        %add3A_207 = arith.addf %mul3A_205, %mul3A_206 : vector<16xf32>
        %swap3A = arith.constant 0 : i32
        %swap3A_208 = arith.index_cast %swap3A : i32 to index
        %swap3A_209 = arith.index_cast %scan3A_188 : i32 to index
        %swap3A_210 = arith.constant 0 : index
        %swap3A_211 = tpu.vector_load %arg10[%swap3A_208, %swap3A_209, %swap3A_210] {strides = array<i32>} : memref<2x16x1024xf32, #tpu.memory_space<vmem>>, vector<1x1x16xf32>,
        %swap3A_212 = vector.shape_cast %swap3A_211 : vector<1x1x16xf32> to vector<16xf32>
        %swap3A_213 = vector.shape_cast %add3A_207 : vector<16xf32> to vector<1x1x16xf32>
        tpu.vector_store %arg10[%swap3A_208, %swap3A_209, %swap3A_210], %swap3A_213 {strides = array<i32>} : memref<2x16x1024xf32, #tpu.memory_space<vmem>>, vector<1x1x16xf32>,
        %get3A_214 = arith.constant 0 : i32
        %get3A_215 = arith.index_cast %get3A_214 : i32 to index
        %get3A_216 = arith.index_cast %scan3A_188 : i32 to index
        %get3A_217 = arith.constant 16 : index
        %get3A_218 = tpu.vector_load %arg8[%get3A_215, %get3A_216, %get3A_217] {strides = array<i32>} : memref<2x16x1024xf32, #tpu.memory_space<vmem>>, vector<1x1x16xf32>,
        %get3A_219 = vector.shape_cast %get3A_218 : vector<1x1x16xf32> to vector<16xf32>
        %get3A_220 = arith.constant 0 : i32
        %get3A_221 = arith.index_cast %get3A_220 : i32 to index
        %get3A_222 = arith.index_cast %scan3A_188 : i32 to index
        %get3A_223 = arith.constant 16 : index
        %get3A_224 = tpu.vector_load %arg9[%get3A_221, %get3A_222, %get3A_223] {strides = array<i32>} : memref<2x16x1024xf32, #tpu.memory_space<vmem>>, vector<1x1x16xf32>,
        %get3A_225 = vector.shape_cast %get3A_224 : vector<1x1x16xf32> to vector<16xf32>
        %mul3A_226 = arith.mulf %get3A_219, %gather3A_189 : vector<16xf32>
        %mul3A_227 = arith.mulf %get3A_225, %gather3A_192 : vector<16xf32>
        %add3A_228 = arith.addf %mul3A_226, %mul3A_227 : vector<16xf32>
        %swap3A_229 = arith.constant 0 : i32
        %swap3A_230 = arith.index_cast %swap3A_229 : i32 to index
        %swap3A_231 = arith.index_cast %scan3A_188 : i32 to index
        %swap3A_232 = arith.constant 16 : index
        %swap3A_233 = tpu.vector_load %arg10[%swap3A_230, %swap3A_231, %swap3A_232] {strides = array<i32>} : memref<2x16x1024xf32, #tpu.memory_space<vmem>>, vector<1x1x16xf32>,
        %swap3A_234 = vector.shape_cast %swap3A_233 : vector<1x1x16xf32> to vector<16xf32>
        %swap3A_235 = vector.shape_cast %add3A_228 : vector<16xf32> to vector<1x1x16xf32>
        tpu.vector_store %arg10[%swap3A_230, %swap3A_231, %swap3A_232], %swap3A_235 {strides = array<i32>} : memref<2x16x1024xf32, #tpu.memory_space<vmem>>, vector<1x1x16xf32>,
        %get3A_236 = arith.constant 0 : i32
        %get3A_237 = arith.index_cast %get3A_236 : i32 to index
        %get3A_238 = arith.index_cast %scan3A_188 : i32 to index
        %get3A_239 = arith.constant 32 : index
        %get3A_240 = tpu.vector_load %arg8[%get3A_237, %get3A_238, %get3A_239] {strides = array<i32>} : memref<2x16x1024xf32, #tpu.memory_space<vmem>>, vector<1x1x16xf32>,
        %get3A_241 = vector.shape_cast %get3A_240 : vector<1x1x16xf32> to vector<16xf32>
        %get3A_242 = arith.constant 0 : i32
        %get3A_243 = arith.index_cast %get3A_242 : i32 to index
        %get3A_244 = arith.index_cast %scan3A_188 : i32 to index
        %get3A_245 = arith.constant 32 : index
        %get3A_246 = tpu.vector_load %arg9[%get3A_243, %get3A_244, %get3A_245] {strides = array<i32>} : memref<2x16x1024xf32, #tpu.memory_space<vmem>>, vector<1x1x16xf32>,
        %get3A_247 = vector.shape_cast %get3A_246 : vector<1x1x16xf32> to vector<16xf32>
        %mul3A_248 = arith.mulf %get3A_241, %gather3A_189 : vector<16xf32>
        %mul3A_249 = arith.mulf %get3A_247, %gather3A_192 : vector<16xf32>
        %add3A_250 = arith.addf %mul3A_248, %mul3A_249 : vector<16xf32>
        %swap3A_251 = arith.constant 0 : i32
        %swap3A_252 = arith.index_cast %swap3A_251 : i32 to index
        %swap3A_253 = arith.index_cast %scan3A_188 : i32 to index
        %swap3A_254 = arith.constant 32 : index
        %swap3A_255 = tpu.vector_load %arg10[%swap3A_252, %swap3A_253, %swap3A_254] {strides = array<i32>} : memref<2x16x1024xf32, #tpu.memory_space<vmem>>, vector<1x1x16xf32>,
        %swap3A_256 = vector.shape_cast %swap3A_255 : vector<1x1x16xf32> to vector<16xf32>
        %swap3A_257 = vector.shape_cast %add3A_250 : vector<16xf32> to vector<1x1x16xf32>
        tpu.vector_store %arg10[%swap3A_252, %swap3A_253, %swap3A_254], %swap3A_257 {strides = array<i32>} : memref<2x16x1024xf32, #tpu.memory_space<vmem>>, vector<1x1x16xf32>,
        %get3A_258 = arith.constant 0 : i32
        %get3A_259 = arith.index_cast %get3A_258 : i32 to index
        %get3A_260 = arith.index_cast %scan3A_188 : i32 to index
        %get3A_261 = arith.constant 48 : index
        %get3A_262 = tpu.vector_load %arg8[%get3A_259, %get3A_260, %get3A_261] {strides = array<i32>} : memref<2x16x1024xf32, #tpu.memory_space<vmem>>, vector<1x1x16xf32>,
        %get3A_263 = vector.shape_cast %get3A_262 : vector<1x1x16xf32> to vector<16xf32>
        %get3A_264 = arith.constant 0 : i32
        %get3A_265 = arith.index_cast %get3A_264 : i32 to index
        %get3A_266 = arith.index_cast %scan3A_188 : i32 to index
        %get3A_267 = arith.constant 48 : index
        %get3A_268 = tpu.vector_load %arg9[%get3A_265, %get3A_266, %get3A_267] {strides = array<i32>} : memref<2x16x1024xf32, #tpu.memory_space<vmem>>, vector<1x1x16xf32>,
        %get3A_269 = vector.shape_cast %get3A_268 : vector<1x1x16xf32> to vector<16xf32>
        %mul3A_270 = arith.mulf %get3A_263, %gather3A_189 : vector<16xf32>
        %mul3A_271 = arith.mulf %get3A_269, %gather3A_192 : vector<16xf32>
        %add3A_272 = arith.addf %mul3A_270, %mul3A_271 : vector<16xf32>
        %swap3A_273 = arith.constant 0 : i32
        %swap3A_274 = arith.index_cast %swap3A_273 : i32 to index
        %swap3A_275 = arith.index_cast %scan3A_188 : i32 to index
        %swap3A_276 = arith.constant 48 : index
        %swap3A_277 = tpu.vector_load %arg10[%swap3A_274, %swap3A_275, %swap3A_276] {strides = array<i32>} : memref<2x16x1024xf32, #tpu.memory_space<vmem>>, vector<1x1x16xf32>,
        %swap3A_278 = vector.shape_cast %swap3A_277 : vector<1x1x16xf32> to vector<16xf32>
        %swap3A_279 = vector.shape_cast %add3A_272 : vector<16xf32> to vector<1x1x16xf32>
        tpu.vector_store %arg10[%swap3A_274, %swap3A_275, %swap3A_276], %swap3A_279 {strides = array<i32>} : memref<2x16x1024xf32, #tpu.memory_space<vmem>>, vector<1x1x16xf32>,
        %get3A_280 = arith.constant 0 : i32
        %get3A_281 = arith.index_cast %get3A_280 : i32 to index
        %get3A_282 = arith.index_cast %scan3A_188 : i32 to index
        %get3A_283 = arith.constant 64 : index
        %get3A_284 = tpu.vector_load %arg8[%get3A_281, %get3A_282, %get3A_283] {strides = array<i32>} : memref<2x16x1024xf32, #tpu.memory_space<vmem>>, vector<1x1x16xf32>,
        %get3A_285 = vector.shape_cast %get3A_284 : vector<1x1x16xf32> to vector<16xf32>
        %get3A_286 = arith.constant 0 : i32
        %get3A_287 = arith.index_cast %get3A_286 : i32 to index
        %get3A_288 = arith.index_cast %scan3A_188 : i32 to index
        %get3A_289 = arith.constant 64 : index
        %get3A_290 = tpu.vector_load %arg9[%get3A_287, %get3A_288, %get3A_289] {strides = array<i32>} : memref<2x16x1024xf32, #tpu.memory_space<vmem>>, vector<1x1x16xf32>,
        %get3A_291 = vector.shape_cast %get3A_290 : vector<1x1x16xf32> to vector<16xf32>
        %mul3A_292 = arith.mulf %get3A_285, %gather3A_189 : vector<16xf32>
        %mul3A_293 = arith.mulf %get3A_291, %gather3A_192 : vector<16xf32>
        %add3A_294 = arith.addf %mul3A_292, %mul3A_293 : vector<16xf32>
        %swap3A_295 = arith.constant 0 : i32
        %swap3A_296 = arith.index_cast %swap3A_295 : i32 to index
        %swap3A_297 = arith.index_cast %scan3A_188 : i32 to index
        %swap3A_298 = arith.constant 64 : index
        %swap3A_299 = tpu.vector_load %arg10[%swap3A_296, %swap3A_297, %swap3A_298] {strides = array<i32>} : memref<2x16x1024xf32, #tpu.memory_space<vmem>>, vector<1x1x16xf32>,
        %swap3A_300 = vector.shape_cast %swap3A_299 : vector<1x1x16xf32> to vector<16xf32>
        %swap3A_301 = vector.shape_cast %add3A_294 : vector<16xf32> to vector<1x1x16xf32>
        tpu.vector_store %arg10[%swap3A_296, %swap3A_297, %swap3A_298], %swap3A_301 {strides = array<i32>} : memref<2x16x1024xf32, #tpu.memory_space<vmem>>, vector<1x1x16xf32>,
        %get3A_302 = arith.constant 0 : i32
        %get3A_303 = arith.index_cast %get3A_302 : i32 to index
        %get3A_304 = arith.index_cast %scan3A_188 : i32 to index
        %get3A_305 = arith.constant 80 : index
        %get3A_306 = tpu.vector_load %arg8[%get3A_303, %get3A_304, %get3A_305] {strides = array<i32>} : memref<2x16x1024xf32, #tpu.memory_space<vmem>>, vector<1x1x16xf32>,
        %get3A_307 = vector.shape_cast %get3A_306 : vector<1x1x16xf32> to vector<16xf32>
        %get3A_308 = arith.constant 0 : i32
        %get3A_309 = arith.index_cast %get3A_308 : i32 to index
        %get3A_310 = arith.index_cast %scan3A_188 : i32 to index
        %get3A_311 = arith.constant 80 : index
        %get3A_312 = tpu.vector_load %arg9[%get3A_309, %get3A_310, %get3A_311] {strides = array<i32>} : memref<2x16x1024xf32, #tpu.memory_space<vmem>>, vector<1x1x16xf32>,
        %get3A_313 = vector.shape_cast %get3A_312 : vector<1x1x16xf32> to vector<16xf32>
        %mul3A_314 = arith.mulf %get3A_307, %gather3A_189 : vector<16xf32>
        %mul3A_315 = arith.mulf %get3A_313, %gather3A_192 : vector<16xf32>
        %add3A_316 = arith.addf %mul3A_314, %mul3A_315 : vector<16xf32>
        %swap3A_317 = arith.constant 0 : i32
        %swap3A_318 = arith.index_cast %swap3A_317 : i32 to index
        %swap3A_319 = arith.index_cast %scan3A_188 : i32 to index
        %swap3A_320 = arith.constant 80 : index
        %swap3A_321 = tpu.vector_load %arg10[%swap3A_318, %swap3A_319, %swap3A_320] {strides = array<i32>} : memref<2x16x1024xf32, #tpu.memory_space<vmem>>, vector<1x1x16xf32>,
        %swap3A_322 = vector.shape_cast %swap3A_321 : vector<1x1x16xf32> to vector<16xf32>
        %swap3A_323 = vector.shape_cast %add3A_316 : vector<16xf32> to vector<1x1x16xf32>
        tpu.vector_store %arg10[%swap3A_318, %swap3A_319, %swap3A_320], %swap3A_323 {strides = array<i32>} : memref<2x16x1024xf32, #tpu.memory_space<vmem>>, vector<1x1x16xf32>,
        %get3A_324 = arith.constant 0 : i32
        %get3A_325 = arith.index_cast %get3A_324 : i32 to index
        %get3A_326 = arith.index_cast %scan3A_188 : i32 to index
        %get3A_327 = arith.constant 96 : index
        %get3A_328 = tpu.vector_load %arg8[%get3A_325, %get3A_326, %get3A_327] {strides = array<i32>} : memref<2x16x1024xf32, #tpu.memory_space<vmem>>, vector<1x1x16xf32>,
        %get3A_329 = vector.shape_cast %get3A_328 : vector<1x1x16xf32> to vector<16xf32>
        %get3A_330 = arith.constant 0 : i32
        %get3A_331 = arith.index_cast %get3A_330 : i32 to index
        %get3A_332 = arith.index_cast %scan3A_188 : i32 to index
        %get3A_333 = arith.constant 96 : index
        %get3A_334 = tpu.vector_load %arg9[%get3A_331, %get3A_332, %get3A_333] {strides = array<i32>} : memref<2x16x1024xf32, #tpu.memory_space<vmem>>, vector<1x1x16xf32>,
        %get3A_335 = vector.shape_cast %get3A_334 : vector<1x1x16xf32> to vector<16xf32>
        %mul3A_336 = arith.mulf %get3A_329, %gather3A_189 : vector<16xf32>
        %mul3A_337 = arith.mulf %get3A_335, %gather3A_192 : vector<16xf32>
        %add3A_338 = arith.addf %mul3A_336, %mul3A_337 : vector<16xf32>
        %swap3A_339 = arith.constant 0 : i32
        %swap3A_340 = arith.index_cast %swap3A_339 : i32 to index
        %swap3A_341 = arith.index_cast %scan3A_188 : i32 to index
        %swap3A_342 = arith.constant 96 : index
        %swap3A_343 = tpu.vector_load %arg10[%swap3A_340, %swap3A_341, %swap3A_342] {strides = array<i32>} : memref<2x16x1024xf32, #tpu.memory_space<vmem>>, vector<1x1x16xf32>,
        %swap3A_344 = vector.shape_cast %swap3A_343 : vector<1x1x16xf32> to vector<16xf32>
        %swap3A_345 = vector.shape_cast %add3A_338 : vector<16xf32> to vector<1x1x16xf32>
        tpu.vector_store %arg10[%swap3A_340, %swap3A_341, %swap3A_342], %swap3A_345 {strides = array<i32>} : memref<2x16x1024xf32, #tpu.memory_space<vmem>>, vector<1x1x16xf32>,
        %get3A_346 = arith.constant 0 : i32
        %get3A_347 = arith.index_cast %get3A_346 : i32 to index
        %get3A_348 = arith.index_cast %scan3A_188 : i32 to index
        %get3A_349 = arith.constant 112 : index
        %get3A_350 = tpu.vector_load %arg8[%get3A_347, %get3A_348, %get3A_349] {strides = array<i32>} : memref<2x16x1024xf32, #tpu.memory_space<vmem>>, vector<1x1x16xf32>,
        %get3A_351 = vector.shape_cast %get3A_350 : vector<1x1x16xf32> to vector<16xf32>
        %get3A_352 = arith.constant 0 : i32
        %get3A_353 = arith.index_cast %get3A_352 : i32 to index
        %get3A_354 = arith.index_cast %scan3A_188 : i32 to index
        %get3A_355 = arith.constant 112 : index
        %get3A_356 = tpu.vector_load %arg9[%get3A_353, %get3A_354, %get3A_355] {strides = array<i32>} : memref<2x16x1024xf32, #tpu.memory_space<vmem>>, vector<1x1x16xf32>,
        %get3A_357 = vector.shape_cast %get3A_356 : vector<1x1x16xf32> to vector<16xf32>
        %mul3A_358 = arith.mulf %get3A_351, %gather3A_189 : vector<16xf32>
        %mul3A_359 = arith.mulf %get3A_357, %gather3A_192 : vector<16xf32>
        %add3A_360 = arith.addf %mul3A_358, %mul3A_359 : vector<16xf32>
        %swap3A_361 = arith.constant 0 : i32
        %swap3A_362 = arith.index_cast %swap3A_361 : i32 to index
        %swap3A_363 = arith.index_cast %scan3A_188 : i32 to index
        %swap3A_364 = arith.constant 112 : index
        %swap3A_365 = tpu.vector_load %arg10[%swap3A_362, %swap3A_363, %swap3A_364] {strides = array<i32>} : memref<2x16x1024xf32, #tpu.memory_space<vmem>>, vector<1x1x16xf32>,
        %swap3A_366 = vector.shape_cast %swap3A_365 : vector<1x1x16xf32> to vector<16xf32>
        %swap3A_367 = vector.shape_cast %add3A_360 : vector<16xf32> to vector<1x1x16xf32>
        tpu.vector_store %arg10[%swap3A_362, %swap3A_363, %swap3A_364], %swap3A_367 {strides = array<i32>} : memref<2x16x1024xf32, #tpu.memory_space<vmem>>, vector<1x1x16xf32>,
        %get3A_368 = arith.constant 0 : i32
        %get3A_369 = arith.index_cast %get3A_368 : i32 to index
        %get3A_370 = arith.index_cast %scan3A_188 : i32 to index
        %get3A_371 = arith.constant 128 : index
        %get3A_372 = tpu.vector_load %arg8[%get3A_369, %get3A_370, %get3A_371] {strides = array<i32>} : memref<2x16x1024xf32, #tpu.memory_space<vmem>>, vector<1x1x16xf32>,
        %get3A_373 = vector.shape_cast %get3A_372 : vector<1x1x16xf32> to vector<16xf32>
        %get3A_374 = arith.constant 0 : i32
        %get3A_375 = arith.index_cast %get3A_374 : i32 to index
        %get3A_376 = arith.index_cast %scan3A_188 : i32 to index
        %get3A_377 = arith.constant 128 : index
        %get3A_378 = tpu.vector_load %arg9[%get3A_375, %get3A_376, %get3A_377] {strides = array<i32>} : memref<2x16x1024xf32, #tpu.memory_space<vmem>>, vector<1x1x16xf32>,
        %get3A_379 = vector.shape_cast %get3A_378 : vector<1x1x16xf32> to vector<16xf32>
        %mul3A_380 = arith.mulf %get3A_373, %gather3A_189 : vector<16xf32>
        %mul3A_381 = arith.mulf %get3A_379, %gather3A_192 : vector<16xf32>
        %add3A_382 = arith.addf %mul3A_380, %mul3A_381 : vector<16xf32>
        %swap3A_383 = arith.constant 0 : i32
        %swap3A_384 = arith.index_cast %swap3A_383 : i32 to index
        %swap3A_385 = arith.index_cast %scan3A_188 : i32 to index
        %swap3A_386 = arith.constant 128 : index
        %swap3A_387 = tpu.vector_load %arg10[%swap3A_384, %swap3A_385, %swap3A_386] {strides = array<i32>} : memref<2x16x1024xf32, #tpu.memory_space<vmem>>, vector<1x1x16xf32>,
        %swap3A_388 = vector.shape_cast %swap3A_387 : vector<1x1x16xf32> to vector<16xf32>
        %swap3A_389 = vector.shape_cast %add3A_382 : vector<16xf32> to vector<1x1x16xf32>
        tpu.vector_store %arg10[%swap3A_384, %swap3A_385, %swap3A_386], %swap3A_389 {strides = array<i32>} : memref<2x16x1024xf32, #tpu.memory_space<vmem>>, vector<1x1x16xf32>,
        %get3A_390 = arith.constant 0 : i32
        %get3A_391 = arith.index_cast %get3A_390 : i32 to index
        %get3A_392 = arith.index_cast %scan3A_188 : i32 to index
        %get3A_393 = arith.constant 144 : index
        %get3A_394 = tpu.vector_load %arg8[%get3A_391, %get3A_392, %get3A_393] {strides = array<i32>} : memref<2x16x1024xf32, #tpu.memory_space<vmem>>, vector<1x1x16xf32>,
        %get3A_395 = vector.shape_cast %get3A_394 : vector<1x1x16xf32> to vector<16xf32>
        %get3A_396 = arith.constant 0 : i32
        %get3A_397 = arith.index_cast %get3A_396 : i32 to index
        %get3A_398 = arith.index_cast %scan3A_188 : i32 to index
        %get3A_399 = arith.constant 144 : index
        %get3A_400 = tpu.vector_load %arg9[%get3A_397, %get3A_398, %get3A_399] {strides = array<i32>} : memref<2x16x1024xf32, #tpu.memory_space<vmem>>, vector<1x1x16xf32>,
        %get3A_401 = vector.shape_cast %get3A_400 : vector<1x1x16xf32> to vector<16xf32>
        %mul3A_402 = arith.mulf %get3A_395, %gather3A_189 : vector<16xf32>
        %mul3A_403 = arith.mulf %get3A_401, %gather3A_192 : vector<16xf32>
        %add3A_404 = arith.addf %mul3A_402, %mul3A_403 : vector<16xf32>
        %swap3A_405 = arith.constant 0 : i32
        %swap3A_406 = arith.index_cast %swap3A_405 : i32 to index
        %swap3A_407 = arith.index_cast %scan3A_188 : i32 to index
        %swap3A_408 = arith.constant 144 : index
        %swap3A_409 = tpu.vector_load %arg10[%swap3A_406, %swap3A_407, %swap3A_408] {strides = array<i32>} : memref<2x16x1024xf32, #tpu.memory_space<vmem>>, vector<1x1x16xf32>,
        %swap3A_410 = vector.shape_cast %swap3A_409 : vector<1x1x16xf32> to vector<16xf32>
        %swap3A_411 = vector.shape_cast %add3A_404 : vector<16xf32> to vector<1x1x16xf32>
        tpu.vector_store %arg10[%swap3A_406, %swap3A_407, %swap3A_408], %swap3A_411 {strides = array<i32>} : memref<2x16x1024xf32, #tpu.memory_space<vmem>>, vector<1x1x16xf32>,
        %get3A_412 = arith.constant 0 : i32
        %get3A_413 = arith.index_cast %get3A_412 : i32 to index
        %get3A_414 = arith.index_cast %scan3A_188 : i32 to index
        %get3A_415 = arith.constant 160 : index
        %get3A_416 = tpu.vector_load %arg8[%get3A_413, %get3A_414, %get3A_415] {strides = array<i32>} : memref<2x16x1024xf32, #tpu.memory_space<vmem>>, vector<1x1x16xf32>,
        %get3A_417 = vector.shape_cast %get3A_416 : vector<1x1x16xf32> to vector<16xf32>
        %get3A_418 = arith.constant 0 : i32
        %get3A_419 = arith.index_cast %get3A_418 : i32 to index
        %get3A_420 = arith.index_cast %scan3A_188 : i32 to index
        %get3A_421 = arith.constant 160 : index
        %get3A_422 = tpu.vector_load %arg9[%get3A_419, %get3A_420, %get3A_421] {strides = array<i32>} : memref<2x16x1024xf32, #tpu.memory_space<vmem>>, vector<1x1x16xf32>,
        %get3A_423 = vector.shape_cast %get3A_422 : vector<1x1x16xf32> to vector<16xf32>
        %mul3A_424 = arith.mulf %get3A_417, %gather3A_189 : vector<16xf32>
        %mul3A_425 = arith.mulf %get3A_423, %gather3A_192 : vector<16xf32>
        %add3A_426 = arith.addf %mul3A_424, %mul3A_425 : vector<16xf32>
        %swap3A_427 = arith.constant 0 : i32
        %swap3A_428 = arith.index_cast %swap3A_427 : i32 to index
        %swap3A_429 = arith.index_cast %scan3A_188 : i32 to index
        %swap3A_430 = arith.constant 160 : index
        %swap3A_431 = tpu.vector_load %arg10[%swap3A_428, %swap3A_429, %swap3A_430] {strides = array<i32>} : memref<2x16x1024xf32, #tpu.memory_space<vmem>>, vector<1x1x16xf32>,
        %swap3A_432 = vector.shape_cast %swap3A_431 : vector<1x1x16xf32> to vector<16xf32>
        %swap3A_433 = vector.shape_cast %add3A_426 : vector<16xf32> to vector<1x1x16xf32>
        tpu.vector_store %arg10[%swap3A_428, %swap3A_429, %swap3A_430], %swap3A_433 {strides = array<i32>} : memref<2x16x1024xf32, #tpu.memory_space<vmem>>, vector<1x1x16xf32>,
        %get3A_434 = arith.constant 0 : i32
        %get3A_435 = arith.index_cast %get3A_434 : i32 to index
        %get3A_436 = arith.index_cast %scan3A_188 : i32 to index
        %get3A_437 = arith.constant 176 : index
        %get3A_438 = tpu.vector_load %arg8[%get3A_435, %get3A_436, %get3A_437] {strides = array<i32>} : memref<2x16x1024xf32, #tpu.memory_space<vmem>>, vector<1x1x16xf32>,
        %get3A_439 = vector.shape_cast %get3A_438 : vector<1x1x16xf32> to vector<16xf32>
        %get3A_440 = arith.constant 0 : i32
        %get3A_441 = arith.index_cast %get3A_440 : i32 to index
        %get3A_442 = arith.index_cast %scan3A_188 : i32 to index
        %get3A_443 = arith.constant 176 : index
        %get3A_444 = tpu.vector_load %arg9[%get3A_441, %get3A_442, %get3A_443] {strides = array<i32>} : memref<2x16x1024xf32, #tpu.memory_space<vmem>>, vector<1x1x16xf32>,
        %get3A_445 = vector.shape_cast %get3A_444 : vector<1x1x16xf32> to vector<16xf32>
        %mul3A_446 = arith.mulf %get3A_439, %gather3A_189 : vector<16xf32>
        %mul3A_447 = arith.mulf %get3A_445, %gather3A_192 : vector<16xf32>
        %add3A_448 = arith.addf %mul3A_446, %mul3A_447 : vector<16xf32>
        %swap3A_449 = arith.constant 0 : i32
        %swap3A_450 = arith.index_cast %swap3A_449 : i32 to index
        %swap3A_451 = arith.index_cast %scan3A_188 : i32 to index
        %swap3A_452 = arith.constant 176 : index
        %swap3A_453 = tpu.vector_load %arg10[%swap3A_450, %swap3A_451, %swap3A_452] {strides = array<i32>} : memref<2x16x1024xf32, #tpu.memory_space<vmem>>, vector<1x1x16xf32>,
        %swap3A_454 = vector.shape_cast %swap3A_453 : vector<1x1x16xf32> to vector<16xf32>
        %swap3A_455 = vector.shape_cast %add3A_448 : vector<16xf32> to vector<1x1x16xf32>
        tpu.vector_store %arg10[%swap3A_450, %swap3A_451, %swap3A_452], %swap3A_455 {strides = array<i32>} : memref<2x16x1024xf32, #tpu.memory_space<vmem>>, vector<1x1x16xf32>,
        %get3A_456 = arith.constant 0 : i32
        %get3A_457 = arith.index_cast %get3A_456 : i32 to index
        %get3A_458 = arith.index_cast %scan3A_188 : i32 to index
        %get3A_459 = arith.constant 192 : index
        %get3A_460 = tpu.vector_load %arg8[%get3A_457, %get3A_458, %get3A_459] {strides = array<i32>} : memref<2x16x1024xf32, #tpu.memory_space<vmem>>, vector<1x1x16xf32>,
        %get3A_461 = vector.shape_cast %get3A_460 : vector<1x1x16xf32> to vector<16xf32>
        %get3A_462 = arith.constant 0 : i32
        %get3A_463 = arith.index_cast %get3A_462 : i32 to index
        %get3A_464 = arith.index_cast %scan3A_188 : i32 to index
        %get3A_465 = arith.constant 192 : index
        %get3A_466 = tpu.vector_load %arg9[%get3A_463, %get3A_464, %get3A_465] {strides = array<i32>} : memref<2x16x1024xf32, #tpu.memory_space<vmem>>, vector<1x1x16xf32>,
        %get3A_467 = vector.shape_cast %get3A_466 : vector<1x1x16xf32> to vector<16xf32>
        %mul3A_468 = arith.mulf %get3A_461, %gather3A_189 : vector<16xf32>
        %mul3A_469 = arith.mulf %get3A_467, %gather3A_192 : vector<16xf32>
        %add3A_470 = arith.addf %mul3A_468, %mul3A_469 : vector<16xf32>
        %swap3A_471 = arith.constant 0 : i32
        %swap3A_472 = arith.index_cast %swap3A_471 : i32 to index
        %swap3A_473 = arith.index_cast %scan3A_188 : i32 to index
        %swap3A_474 = arith.constant 192 : index
        %swap3A_475 = tpu.vector_load %arg10[%swap3A_472, %swap3A_473, %swap3A_474] {strides = array<i32>} : memref<2x16x1024xf32, #tpu.memory_space<vmem>>, vector<1x1x16xf32>,
        %swap3A_476 = vector.shape_cast %swap3A_475 : vector<1x1x16xf32> to vector<16xf32>
        %swap3A_477 = vector.shape_cast %add3A_470 : vector<16xf32> to vector<1x1x16xf32>
        tpu.vector_store %arg10[%swap3A_472, %swap3A_473, %swap3A_474], %swap3A_477 {strides = array<i32>} : memref<2x16x1024xf32, #tpu.memory_space<vmem>>, vector<1x1x16xf32>,
        %get3A_478 = arith.constant 0 : i32
        %get3A_479 = arith.index_cast %get3A_478 : i32 to index
        %get3A_480 = arith.index_cast %scan3A_188 : i32 to index
        %get3A_481 = arith.constant 208 : index
        %get3A_482 = tpu.vector_load %arg8[%get3A_479, %get3A_480, %get3A_481] {strides = array<i32>} : memref<2x16x1024xf32, #tpu.memory_space<vmem>>, vector<1x1x16xf32>,
        %get3A_483 = vector.shape_cast %get3A_482 : vector<1x1x16xf32> to vector<16xf32>
        %get3A_484 = arith.constant 0 : i32
        %get3A_485 = arith.index_cast %get3A_484 : i32 to index
        %get3A_486 = arith.index_cast %scan3A_188 : i32 to index
        %get3A_487 = arith.constant 208 : index
        %get3A_488 = tpu.vector_load %arg9[%get3A_485, %get3A_486, %get3A_487] {strides = array<i32>} : memref<2x16x1024xf32, #tpu.memory_space<vmem>>, vector<1x1x16xf32>,
        %get3A_489 = vector.shape_cast %get3A_488 : vector<1x1x16xf32> to vector<16xf32>
        %mul3A_490 = arith.mulf %get3A_483, %gather3A_189 : vector<16xf32>
        %mul3A_491 = arith.mulf %get3A_489, %gather3A_192 : vector<16xf32>
        %add3A_492 = arith.addf %mul3A_490, %mul3A_491 : vector<16xf32>
        %swap3A_493 = arith.constant 0 : i32
        %swap3A_494 = arith.index_cast %swap3A_493 : i32 to index
        %swap3A_495 = arith.index_cast %scan3A_188 : i32 to index
        %swap3A_496 = arith.constant 208 : index
        %swap3A_497 = tpu.vector_load %arg10[%swap3A_494, %swap3A_495, %swap3A_496] {strides = array<i32>} : memref<2x16x1024xf32, #tpu.memory_space<vmem>>, vector<1x1x16xf32>,
        %swap3A_498 = vector.shape_cast %swap3A_497 : vector<1x1x16xf32> to vector<16xf32>
        %swap3A_499 = vector.shape_cast %add3A_492 : vector<16xf32> to vector<1x1x16xf32>
        tpu.vector_store %arg10[%swap3A_494, %swap3A_495, %swap3A_496], %swap3A_499 {strides = array<i32>} : memref<2x16x1024xf32, #tpu.memory_space<vmem>>, vector<1x1x16xf32>,
        %get3A_500 = arith.constant 0 : i32
        %get3A_501 = arith.index_cast %get3A_500 : i32 to index
        %get3A_502 = arith.index_cast %scan3A_188 : i32 to index
        %get3A_503 = arith.constant 224 : index
        %get3A_504 = tpu.vector_load %arg8[%get3A_501, %get3A_502, %get3A_503] {strides = array<i32>} : memref<2x16x1024xf32, #tpu.memory_space<vmem>>, vector<1x1x16xf32>,
        %get3A_505 = vector.shape_cast %get3A_504 : vector<1x1x16xf32> to vector<16xf32>
        %get3A_506 = arith.constant 0 : i32
        %get3A_507 = arith.index_cast %get3A_506 : i32 to index
        %get3A_508 = arith.index_cast %scan3A_188 : i32 to index
        %get3A_509 = arith.constant 224 : index
        %get3A_510 = tpu.vector_load %arg9[%get3A_507, %get3A_508, %get3A_509] {strides = array<i32>} : memref<2x16x1024xf32, #tpu.memory_space<vmem>>, vector<1x1x16xf32>,
        %get3A_511 = vector.shape_cast %get3A_510 : vector<1x1x16xf32> to vector<16xf32>
        %mul3A_512 = arith.mulf %get3A_505, %gather3A_189 : vector<16xf32>
        %mul3A_513 = arith.mulf %get3A_511, %gather3A_192 : vector<16xf32>
        %add3A_514 = arith.addf %mul3A_512, %mul3A_513 : vector<16xf32>
        %swap3A_515 = arith.constant 0 : i32
        %swap3A_516 = arith.index_cast %swap3A_515 : i32 to index
        %swap3A_517 = arith.index_cast %scan3A_188 : i32 to index
        %swap3A_518 = arith.constant 224 : index
        %swap3A_519 = tpu.vector_load %arg10[%swap3A_516, %swap3A_517, %swap3A_518] {strides = array<i32>} : memref<2x16x1024xf32, #tpu.memory_space<vmem>>, vector<1x1x16xf32>,
        %swap3A_520 = vector.shape_cast %swap3A_519 : vector<1x1x16xf32> to vector<16xf32>
        %swap3A_521 = vector.shape_cast %add3A_514 : vector<16xf32> to vector<1x1x16xf32>
        tpu.vector_store %arg10[%swap3A_516, %swap3A_517, %swap3A_518], %swap3A_521 {strides = array<i32>} : memref<2x16x1024xf32, #tpu.memory_space<vmem>>, vector<1x1x16xf32>,
        %get3A_522 = arith.constant 0 : i32
        %get3A_523 = arith.index_cast %get3A_522 : i32 to index
        %get3A_524 = arith.index_cast %scan3A_188 : i32 to index
        %get3A_525 = arith.constant 240 : index
        %get3A_526 = tpu.vector_load %arg8[%get3A_523, %get3A_524, %get3A_525] {strides = array<i32>} : memref<2x16x1024xf32, #tpu.memory_space<vmem>>, vector<1x1x16xf32>,
        %get3A_527 = vector.shape_cast %get3A_526 : vector<1x1x16xf32> to vector<16xf32>
        %get3A_528 = arith.constant 0 : i32
        %get3A_529 = arith.index_cast %get3A_528 : i32 to index
        %get3A_530 = arith.index_cast %scan3A_188 : i32 to index
        %get3A_531 = arith.constant 240 : index
        %get3A_532 = tpu.vector_load %arg9[%get3A_529, %get3A_530, %get3A_531] {strides = array<i32>} : memref<2x16x1024xf32, #tpu.memory_space<vmem>>, vector<1x1x16xf32>,
        %get3A_533 = vector.shape_cast %get3A_532 : vector<1x1x16xf32> to vector<16xf32>
        %mul3A_534 = arith.mulf %get3A_527, %gather3A_189 : vector<16xf32>
        %mul3A_535 = arith.mulf %get3A_533, %gather3A_192 : vector<16xf32>
        %add3A_536 = arith.addf %mul3A_534, %mul3A_535 : vector<16xf32>
        %swap3A_537 = arith.constant 0 : i32
        %swap3A_538 = arith.index_cast %swap3A_537 : i32 to index
        %swap3A_539 = arith.index_cast %scan3A_188 : i32 to index
        %swap3A_540 = arith.constant 240 : index
        %swap3A_541 = tpu.vector_load %arg10[%swap3A_538, %swap3A_539, %swap3A_540] {strides = array<i32>} : memref<2x16x1024xf32, #tpu.memory_space<vmem>>, vector<1x1x16xf32>,
        %swap3A_542 = vector.shape_cast %swap3A_541 : vector<1x1x16xf32> to vector<16xf32>
        %swap3A_543 = vector.shape_cast %add3A_536 : vector<16xf32> to vector<1x1x16xf32>
        tpu.vector_store %arg10[%swap3A_538, %swap3A_539, %swap3A_540], %swap3A_543 {strides = array<i32>} : memref<2x16x1024xf32, #tpu.memory_space<vmem>>, vector<1x1x16xf32>,
        %get3A_544 = arith.constant 0 : i32
        %get3A_545 = arith.index_cast %get3A_544 : i32 to index
        %get3A_546 = arith.index_cast %scan3A_188 : i32 to index
        %get3A_547 = arith.constant 256 : index
        %get3A_548 = tpu.vector_load %arg8[%get3A_545, %get3A_546, %get3A_547] {strides = array<i32>} : memref<2x16x1024xf32, #tpu.memory_space<vmem>>, vector<1x1x16xf32>,
        %get3A_549 = vector.shape_cast %get3A_548 : vector<1x1x16xf32> to vector<16xf32>
        %get3A_550 = arith.constant 0 : i32
        %get3A_551 = arith.index_cast %get3A_550 : i32 to index
        %get3A_552 = arith.index_cast %scan3A_188 : i32 to index
        %get3A_553 = arith.constant 256 : index
        %get3A_554 = tpu.vector_load %arg9[%get3A_551, %get3A_552, %get3A_553] {strides = array<i32>} : memref<2x16x1024xf32, #tpu.memory_space<vmem>>, vector<1x1x16xf32>,
        %get3A_555 = vector.shape_cast %get3A_554 : vector<1x1x16xf32> to vector<16xf32>
        %mul3A_556 = arith.mulf %get3A_549, %gather3A_189 : vector<16xf32>
        %mul3A_557 = arith.mulf %get3A_555, %gather3A_192 : vector<16xf32>
        %add3A_558 = arith.addf %mul3A_556, %mul3A_557 : vector<16xf32>
        %swap3A_559 = arith.constant 0 : i32
        %swap3A_560 = arith.index_cast %swap3A_559 : i32 to index
        %swap3A_561 = arith.index_cast %scan3A_188 : i32 to index
        %swap3A_562 = arith.constant 256 : index
        %swap3A_563 = tpu.vector_load %arg10[%swap3A_560, %swap3A_561, %swap3A_562] {strides = array<i32>} : memref<2x16x1024xf32, #tpu.memory_space<vmem>>, vector<1x1x16xf32>,
        %swap3A_564 = vector.shape_cast %swap3A_563 : vector<1x1x16xf32> to vector<16xf32>
        %swap3A_565 = vector.shape_cast %add3A_558 : vector<16xf32> to vector<1x1x16xf32>
        tpu.vector_store %arg10[%swap3A_560, %swap3A_561, %swap3A_562], %swap3A_565 {strides = array<i32>} : memref<2x16x1024xf32, #tpu.memory_space<vmem>>, vector<1x1x16xf32>,
        %get3A_566 = arith.constant 0 : i32
        %get3A_567 = arith.index_cast %get3A_566 : i32 to index
        %get3A_568 = arith.index_cast %scan3A_188 : i32 to index
        %get3A_569 = arith.constant 272 : index
        %get3A_570 = tpu.vector_load %arg8[%get3A_567, %get3A_568, %get3A_569] {strides = array<i32>} : memref<2x16x1024xf32, #tpu.memory_space<vmem>>, vector<1x1x16xf32>,
        %get3A_571 = vector.shape_cast %get3A_570 : vector<1x1x16xf32> to vector<16xf32>
        %get3A_572 = arith.constant 0 : i32
        %get3A_573 = arith.index_cast %get3A_572 : i32 to index
        %get3A_574 = arith.index_cast %scan3A_188 : i32 to index
        %get3A_575 = arith.constant 272 : index
        %get3A_576 = tpu.vector_load %arg9[%get3A_573, %get3A_574, %get3A_575] {strides = array<i32>} : memref<2x16x1024xf32, #tpu.memory_space<vmem>>, vector<1x1x16xf32>,
        %get3A_577 = vector.shape_cast %get3A_576 : vector<1x1x16xf32> to vector<16xf32>
        %mul3A_578 = arith.mulf %get3A_571, %gather3A_189 : vector<16xf32>
        %mul3A_579 = arith.mulf %get3A_577, %gather3A_192 : vector<16xf32>
        %add3A_580 = arith.addf %mul3A_578, %mul3A_579 : vector<16xf32>
        %swap3A_581 = arith.constant 0 : i32
        %swap3A_582 = arith.index_cast %swap3A_581 : i32 to index
        %swap3A_583 = arith.index_cast %scan3A_188 : i32 to index
        %swap3A_584 = arith.constant 272 : index
        %swap3A_585 = tpu.vector_load %arg10[%swap3A_582, %swap3A_583, %swap3A_584] {strides = array<i32>} : memref<2x16x1024xf32, #tpu.memory_space<vmem>>, vector<1x1x16xf32>,
        %swap3A_586 = vector.shape_cast %swap3A_585 : vector<1x1x16xf32> to vector<16xf32>
        %swap3A_587 = vector.shape_cast %add3A_580 : vector<16xf32> to vector<1x1x16xf32>
        tpu.vector_store %arg10[%swap3A_582, %swap3A_583, %swap3A_584], %swap3A_587 {strides = array<i32>} : memref<2x16x1024xf32, #tpu.memory_space<vmem>>, vector<1x1x16xf32>,
        %get3A_588 = arith.constant 0 : i32
        %get3A_589 = arith.index_cast %get3A_588 : i32 to index
        %get3A_590 = arith.index_cast %scan3A_188 : i32 to index
        %get3A_591 = arith.constant 288 : index
        %get3A_592 = tpu.vector_load %arg8[%get3A_589, %get3A_590, %get3A_591] {strides = array<i32>} : memref<2x16x1024xf32, #tpu.memory_space<vmem>>, vector<1x1x16xf32>,
        %get3A_593 = vector.shape_cast %get3A_592 : vector<1x1x16xf32> to vector<16xf32>
        %get3A_594 = arith.constant 0 : i32
        %get3A_595 = arith.index_cast %get3A_594 : i32 to index
        %get3A_596 = arith.index_cast %scan3A_188 : i32 to index
        %get3A_597 = arith.constant 288 : index
        %get3A_598 = tpu.vector_load %arg9[%get3A_595, %get3A_596, %get3A_597] {strides = array<i32>} : memref<2x16x1024xf32, #tpu.memory_space<vmem>>, vector<1x1x16xf32>,
        %get3A_599 = vector.shape_cast %get3A_598 : vector<1x1x16xf32> to vector<16xf32>
        %mul3A_600 = arith.mulf %get3A_593, %gather3A_189 : vector<16xf32>
        %mul3A_601 = arith.mulf %get3A_599, %gather3A_192 : vector<16xf32>
        %add3A_602 = arith.addf %mul3A_600, %mul3A_601 : vector<16xf32>
        %swap3A_603 = arith.constant 0 : i32
        %swap3A_604 = arith.index_cast %swap3A_603 : i32 to index
        %swap3A_605 = arith.index_cast %scan3A_188 : i32 to index
        %swap3A_606 = arith.constant 288 : index
        %swap3A_607 = tpu.vector_load %arg10[%swap3A_604, %swap3A_605, %swap3A_606] {strides = array<i32>} : memref<2x16x1024xf32, #tpu.memory_space<vmem>>, vector<1x1x16xf32>,
        %swap3A_608 = vector.shape_cast %swap3A_607 : vector<1x1x16xf32> to vector<16xf32>
        %swap3A_609 = vector.shape_cast %add3A_602 : vector<16xf32> to vector<1x1x16xf32>
        tpu.vector_store %arg10[%swap3A_604, %swap3A_605, %swap3A_606], %swap3A_609 {strides = array<i32>} : memref<2x16x1024xf32, #tpu.memory_space<vmem>>, vector<1x1x16xf32>,
        %get3A_610 = arith.constant 0 : i32
        %get3A_611 = arith.index_cast %get3A_610 : i32 to index
        %get3A_612 = arith.index_cast %scan3A_188 : i32 to index
        %get3A_613 = arith.constant 304 : index
        %get3A_614 = tpu.vector_load %arg8[%get3A_611, %get3A_612, %get3A_613] {strides = array<i32>} : memref<2x16x1024xf32, #tpu.memory_space<vmem>>, vector<1x1x16xf32>,
        %get3A_615 = vector.shape_cast %get3A_614 : vector<1x1x16xf32> to vector<16xf32>
        %get3A_616 = arith.constant 0 : i32
        %get3A_617 = arith.index_cast %get3A_616 : i32 to index
        %get3A_618 = arith.index_cast %scan3A_188 : i32 to index
        %get3A_619 = arith.constant 304 : index
        %get3A_620 = tpu.vector_load %arg9[%get3A_617, %get3A_618, %get3A_619] {strides = array<i32>} : memref<2x16x1024xf32, #tpu.memory_space<vmem>>, vector<1x1x16xf32>,
        %get3A_621 = vector.shape_cast %get3A_620 : vector<1x1x16xf32> to vector<16xf32>
        %mul3A_622 = arith.mulf %get3A_615, %gather3A_189 : vector<16xf32>
        %mul3A_623 = arith.mulf %get3A_621, %gather3A_192 : vector<16xf32>
        %add3A_624 = arith.addf %mul3A_622, %mul3A_623 : vector<16xf32>
        %swap3A_625 = arith.constant 0 : i32
        %swap3A_626 = arith.index_cast %swap3A_625 : i32 to index
        %swap3A_627 = arith.index_cast %scan3A_188 : i32 to index
        %swap3A_628 = arith.constant 304 : index
        %swap3A_629 = tpu.vector_load %arg10[%swap3A_626, %swap3A_627, %swap3A_628] {strides = array<i32>} : memref<2x16x1024xf32, #tpu.memory_space<vmem>>, vector<1x1x16xf32>,
        %swap3A_630 = vector.shape_cast %swap3A_629 : vector<1x1x16xf32> to vector<16xf32>
        %swap3A_631 = vector.shape_cast %add3A_624 : vector<16xf32> to vector<1x1x16xf32>
        tpu.vector_store %arg10[%swap3A_626, %swap3A_627, %swap3A_628], %swap3A_631 {strides = array<i32>} : memref<2x16x1024xf32, #tpu.memory_space<vmem>>, vector<1x1x16xf32>,
        %get3A_632 = arith.constant 0 : i32
        %get3A_633 = arith.index_cast %get3A_632 : i32 to index
        %get3A_634 = arith.index_cast %scan3A_188 : i32 to index
        %get3A_635 = arith.constant 320 : index
        %get3A_636 = tpu.vector_load %arg8[%get3A_633, %get3A_634, %get3A_635] {strides = array<i32>} : memref<2x16x1024xf32, #tpu.memory_space<vmem>>, vector<1x1x16xf32>,
        %get3A_637 = vector.shape_cast %get3A_636 : vector<1x1x16xf32> to vector<16xf32>
        %get3A_638 = arith.constant 0 : i32
        %get3A_639 = arith.index_cast %get3A_638 : i32 to index
        %get3A_640 = arith.index_cast %scan3A_188 : i32 to index
        %get3A_641 = arith.constant 320 : index
        %get3A_642 = tpu.vector_load %arg9[%get3A_639, %get3A_640, %get3A_641] {strides = array<i32>} : memref<2x16x1024xf32, #tpu.memory_space<vmem>>, vector<1x1x16xf32>,
        %get3A_643 = vector.shape_cast %get3A_642 : vector<1x1x16xf32> to vector<16xf32>
        %mul3A_644 = arith.mulf %get3A_637, %gather3A_189 : vector<16xf32>
        %mul3A_645 = arith.mulf %get3A_643, %gather3A_192 : vector<16xf32>
        %add3A_646 = arith.addf %mul3A_644, %mul3A_645 : vector<16xf32>
        %swap3A_647 = arith.constant 0 : i32
        %swap3A_648 = arith.index_cast %swap3A_647 : i32 to index
        %swap3A_649 = arith.index_cast %scan3A_188 : i32 to index
        %swap3A_650 = arith.constant 320 : index
        %swap3A_651 = tpu.vector_load %arg10[%swap3A_648, %swap3A_649, %swap3A_650] {strides = array<i32>} : memref<2x16x1024xf32, #tpu.memory_space<vmem>>, vector<1x1x16xf32>,
        %swap3A_652 = vector.shape_cast %swap3A_651 : vector<1x1x16xf32> to vector<16xf32>
        %swap3A_653 = vector.shape_cast %add3A_646 : vector<16xf32> to vector<1x1x16xf32>
        tpu.vector_store %arg10[%swap3A_648, %swap3A_649, %swap3A_650], %swap3A_653 {strides = array<i32>} : memref<2x16x1024xf32, #tpu.memory_space<vmem>>, vector<1x1x16xf32>,
        %get3A_654 = arith.constant 0 : i32
        %get3A_655 = arith.index_cast %get3A_654 : i32 to index
        %get3A_656 = arith.index_cast %scan3A_188 : i32 to index
        %get3A_657 = arith.constant 336 : index
        %get3A_658 = tpu.vector_load %arg8[%get3A_655, %get3A_656, %get3A_657] {strides = array<i32>} : memref<2x16x1024xf32, #tpu.memory_space<vmem>>, vector<1x1x16xf32>,
        %get3A_659 = vector.shape_cast %get3A_658 : vector<1x1x16xf32> to vector<16xf32>
        %get3A_660 = arith.constant 0 : i32
        %get3A_661 = arith.index_cast %get3A_660 : i32 to index
        %get3A_662 = arith.index_cast %scan3A_188 : i32 to index
        %get3A_663 = arith.constant 336 : index
        %get3A_664 = tpu.vector_load %arg9[%get3A_661, %get3A_662, %get3A_663] {strides = array<i32>} : memref<2x16x1024xf32, #tpu.memory_space<vmem>>, vector<1x1x16xf32>,
        %get3A_665 = vector.shape_cast %get3A_664 : vector<1x1x16xf32> to vector<16xf32>
        %mul3A_666 = arith.mulf %get3A_659, %gather3A_189 : vector<16xf32>
        %mul3A_667 = arith.mulf %get3A_665, %gather3A_192 : vector<16xf32>
        %add3A_668 = arith.addf %mul3A_666, %mul3A_667 : vector<16xf32>
        %swap3A_669 = arith.constant 0 : i32
        %swap3A_670 = arith.index_cast %swap3A_669 : i32 to index
        %swap3A_671 = arith.index_cast %scan3A_188 : i32 to index
        %swap3A_672 = arith.constant 336 : index
        %swap3A_673 = tpu.vector_load %arg10[%swap3A_670, %swap3A_671, %swap3A_672] {strides = array<i32>} : memref<2x16x1024xf32, #tpu.memory_space<vmem>>, vector<1x1x16xf32>,
        %swap3A_674 = vector.shape_cast %swap3A_673 : vector<1x1x16xf32> to vector<16xf32>
        %swap3A_675 = vector.shape_cast %add3A_668 : vector<16xf32> to vector<1x1x16xf32>
        tpu.vector_store %arg10[%swap3A_670, %swap3A_671, %swap3A_672], %swap3A_675 {strides = array<i32>} : memref<2x16x1024xf32, #tpu.memory_space<vmem>>, vector<1x1x16xf32>,
        %get3A_676 = arith.constant 0 : i32
        %get3A_677 = arith.index_cast %get3A_676 : i32 to index
        %get3A_678 = arith.index_cast %scan3A_188 : i32 to index
        %get3A_679 = arith.constant 352 : index
        %get3A_680 = tpu.vector_load %arg8[%get3A_677, %get3A_678, %get3A_679] {strides = array<i32>} : memref<2x16x1024xf32, #tpu.memory_space<vmem>>, vector<1x1x16xf32>,
        %get3A_681 = vector.shape_cast %get3A_680 : vector<1x1x16xf32> to vector<16xf32>
        %get3A_682 = arith.constant 0 : i32
        %get3A_683 = arith.index_cast %get3A_682 : i32 to index
        %get3A_684 = arith.index_cast %scan3A_188 : i32 to index
        %get3A_685 = arith.constant 352 : index
        %get3A_686 = tpu.vector_load %arg9[%get3A_683, %get3A_684, %get3A_685] {strides = array<i32>} : memref<2x16x1024xf32, #tpu.memory_space<vmem>>, vector<1x1x16xf32>,
        %get3A_687 = vector.shape_cast %get3A_686 : vector<1x1x16xf32> to vector<16xf32>
        %mul3A_688 = arith.mulf %get3A_681, %gather3A_189 : vector<16xf32>
        %mul3A_689 = arith.mulf %get3A_687, %gather3A_192 : vector<16xf32>
        %add3A_690 = arith.addf %mul3A_688, %mul3A_689 : vector<16xf32>
        %swap3A_691 = arith.constant 0 : i32
        %swap3A_692 = arith.index_cast %swap3A_691 : i32 to index
        %swap3A_693 = arith.index_cast %scan3A_188 : i32 to index
        %swap3A_694 = arith.constant 352 : index
        %swap3A_695 = tpu.vector_load %arg10[%swap3A_692, %swap3A_693, %swap3A_694] {strides = array<i32>} : memref<2x16x1024xf32, #tpu.memory_space<vmem>>, vector<1x1x16xf32>,
        %swap3A_696 = vector.shape_cast %swap3A_695 : vector<1x1x16xf32> to vector<16xf32>
        %swap3A_697 = vector.shape_cast %add3A_690 : vector<16xf32> to vector<1x1x16xf32>
        tpu.vector_store %arg10[%swap3A_692, %swap3A_693, %swap3A_694], %swap3A_697 {strides = array<i32>} : memref<2x16x1024xf32, #tpu.memory_space<vmem>>, vector<1x1x16xf32>,
        %get3A_698 = arith.constant 0 : i32
        %get3A_699 = arith.index_cast %get3A_698 : i32 to index
        %get3A_700 = arith.index_cast %scan3A_188 : i32 to index
        %get3A_701 = arith.constant 368 : index
        %get3A_702 = tpu.vector_load %arg8[%get3A_699, %get3A_700, %get3A_701] {strides = array<i32>} : memref<2x16x1024xf32, #tpu.memory_space<vmem>>, vector<1x1x16xf32>,
        %get3A_703 = vector.shape_cast %get3A_702 : vector<1x1x16xf32> to vector<16xf32>
        %get3A_704 = arith.constant 0 : i32
        %get3A_705 = arith.index_cast %get3A_704 : i32 to index
        %get3A_706 = arith.index_cast %scan3A_188 : i32 to index
        %get3A_707 = arith.constant 368 : index
        %get3A_708 = tpu.vector_load %arg9[%get3A_705, %get3A_706, %get3A_707] {strides = array<i32>} : memref<2x16x1024xf32, #tpu.memory_space<vmem>>, vector<1x1x16xf32>,
        %get3A_709 = vector.shape_cast %get3A_708 : vector<1x1x16xf32> to vector<16xf32>
        %mul3A_710 = arith.mulf %get3A_703, %gather3A_189 : vector<16xf32>
        %mul3A_711 = arith.mulf %get3A_709, %gather3A_192 : vector<16xf32>
        %add3A_712 = arith.addf %mul3A_710, %mul3A_711 : vector<16xf32>
        %swap3A_713 = arith.constant 0 : i32
        %swap3A_714 = arith.index_cast %swap3A_713 : i32 to index
        %swap3A_715 = arith.index_cast %scan3A_188 : i32 to index
        %swap3A_716 = arith.constant 368 : index
        %swap3A_717 = tpu.vector_load %arg10[%swap3A_714, %swap3A_715, %swap3A_716] {strides = array<i32>} : memref<2x16x1024xf32, #tpu.memory_space<vmem>>, vector<1x1x16xf32>,
        %swap3A_718 = vector.shape_cast %swap3A_717 : vector<1x1x16xf32> to vector<16xf32>
        %swap3A_719 = vector.shape_cast %add3A_712 : vector<16xf32> to vector<1x1x16xf32>
        tpu.vector_store %arg10[%swap3A_714, %swap3A_715, %swap3A_716], %swap3A_719 {strides = array<i32>} : memref<2x16x1024xf32, #tpu.memory_space<vmem>>, vector<1x1x16xf32>,
        %get3A_720 = arith.constant 0 : i32
        %get3A_721 = arith.index_cast %get3A_720 : i32 to index
        %get3A_722 = arith.index_cast %scan3A_188 : i32 to index
        %get3A_723 = arith.constant 384 : index
        %get3A_724 = tpu.vector_load %arg8[%get3A_721, %get3A_722, %get3A_723] {strides = array<i32>} : memref<2x16x1024xf32, #tpu.memory_space<vmem>>, vector<1x1x16xf32>,
        %get3A_725 = vector.shape_cast %get3A_724 : vector<1x1x16xf32> to vector<16xf32>
        %get3A_726 = arith.constant 0 : i32
        %get3A_727 = arith.index_cast %get3A_726 : i32 to index
        %get3A_728 = arith.index_cast %scan3A_188 : i32 to index
        %get3A_729 = arith.constant 384 : index
        %get3A_730 = tpu.vector_load %arg9[%get3A_727, %get3A_728, %get3A_729] {strides = array<i32>} : memref<2x16x1024xf32, #tpu.memory_space<vmem>>, vector<1x1x16xf32>,
        %get3A_731 = vector.shape_cast %get3A_730 : vector<1x1x16xf32> to vector<16xf32>
        %mul3A_732 = arith.mulf %get3A_725, %gather3A_189 : vector<16xf32>
        %mul3A_733 = arith.mulf %get3A_731, %gather3A_192 : vector<16xf32>
        %add3A_734 = arith.addf %mul3A_732, %mul3A_733 : vector<16xf32>
        %swap3A_735 = arith.constant 0 : i32
        %swap3A_736 = arith.index_cast %swap3A_735 : i32 to index
        %swap3A_737 = arith.index_cast %scan3A_188 : i32 to index
        %swap3A_738 = arith.constant 384 : index
        %swap3A_739 = tpu.vector_load %arg10[%swap3A_736, %swap3A_737, %swap3A_738] {strides = array<i32>} : memref<2x16x1024xf32, #tpu.memory_space<vmem>>, vector<1x1x16xf32>,
        %swap3A_740 = vector.shape_cast %swap3A_739 : vector<1x1x16xf32> to vector<16xf32>
        %swap3A_741 = vector.shape_cast %add3A_734 : vector<16xf32> to vector<1x1x16xf32>
        tpu.vector_store %arg10[%swap3A_736, %swap3A_737, %swap3A_738], %swap3A_741 {strides = array<i32>} : memref<2x16x1024xf32, #tpu.memory_space<vmem>>, vector<1x1x16xf32>,
        %get3A_742 = arith.constant 0 : i32
        %get3A_743 = arith.index_cast %get3A_742 : i32 to index
        %get3A_744 = arith.index_cast %scan3A_188 : i32 to index
        %get3A_745 = arith.constant 400 : index
        %get3A_746 = tpu.vector_load %arg8[%get3A_743, %get3A_744, %get3A_745] {strides = array<i32>} : memref<2x16x1024xf32, #tpu.memory_space<vmem>>, vector<1x1x16xf32>,
        %get3A_747 = vector.shape_cast %get3A_746 : vector<1x1x16xf32> to vector<16xf32>
        %get3A_748 = arith.constant 0 : i32
        %get3A_749 = arith.index_cast %get3A_748 : i32 to index
        %get3A_750 = arith.index_cast %scan3A_188 : i32 to index
        %get3A_751 = arith.constant 400 : index
        %get3A_752 = tpu.vector_load %arg9[%get3A_749, %get3A_750, %get3A_751] {strides = array<i32>} : memref<2x16x1024xf32, #tpu.memory_space<vmem>>, vector<1x1x16xf32>,
        %get3A_753 = vector.shape_cast %get3A_752 : vector<1x1x16xf32> to vector<16xf32>
        %mul3A_754 = arith.mulf %get3A_747, %gather3A_189 : vector<16xf32>
        %mul3A_755 = arith.mulf %get3A_753, %gather3A_192 : vector<16xf32>
        %add3A_756 = arith.addf %mul3A_754, %mul3A_755 : vector<16xf32>
        %swap3A_757 = arith.constant 0 : i32
        %swap3A_758 = arith.index_cast %swap3A_757 : i32 to index
        %swap3A_759 = arith.index_cast %scan3A_188 : i32 to index
        %swap3A_760 = arith.constant 400 : index
        %swap3A_761 = tpu.vector_load %arg10[%swap3A_758, %swap3A_759, %swap3A_760] {strides = array<i32>} : memref<2x16x1024xf32, #tpu.memory_space<vmem>>, vector<1x1x16xf32>,
        %swap3A_762 = vector.shape_cast %swap3A_761 : vector<1x1x16xf32> to vector<16xf32>
        %swap3A_763 = vector.shape_cast %add3A_756 : vector<16xf32> to vector<1x1x16xf32>
        tpu.vector_store %arg10[%swap3A_758, %swap3A_759, %swap3A_760], %swap3A_763 {strides = array<i32>} : memref<2x16x1024xf32, #tpu.memory_space<vmem>>, vector<1x1x16xf32>,
        %get3A_764 = arith.constant 0 : i32
        %get3A_765 = arith.index_cast %get3A_764 : i32 to index
        %get3A_766 = arith.index_cast %scan3A_188 : i32 to index
        %get3A_767 = arith.constant 416 : index
        %get3A_768 = tpu.vector_load %arg8[%get3A_765, %get3A_766, %get3A_767] {strides = array<i32>} : memref<2x16x1024xf32, #tpu.memory_space<vmem>>, vector<1x1x16xf32>,
        %get3A_769 = vector.shape_cast %get3A_768 : vector<1x1x16xf32> to vector<16xf32>
        %get3A_770 = arith.constant 0 : i32
        %get3A_771 = arith.index_cast %get3A_770 : i32 to index
        %get3A_772 = arith.index_cast %scan3A_188 : i32 to index
        %get3A_773 = arith.constant 416 : index
        %get3A_774 = tpu.vector_load %arg9[%get3A_771, %get3A_772, %get3A_773] {strides = array<i32>} : memref<2x16x1024xf32, #tpu.memory_space<vmem>>, vector<1x1x16xf32>,
        %get3A_775 = vector.shape_cast %get3A_774 : vector<1x1x16xf32> to vector<16xf32>
        %mul3A_776 = arith.mulf %get3A_769, %gather3A_189 : vector<16xf32>
        %mul3A_777 = arith.mulf %get3A_775, %gather3A_192 : vector<16xf32>
        %add3A_778 = arith.addf %mul3A_776, %mul3A_777 : vector<16xf32>
        %swap3A_779 = arith.constant 0 : i32
        %swap3A_780 = arith.index_cast %swap3A_779 : i32 to index
        %swap3A_781 = arith.index_cast %scan3A_188 : i32 to index
        %swap3A_782 = arith.constant 416 : index
        %swap3A_783 = tpu.vector_load %arg10[%swap3A_780, %swap3A_781, %swap3A_782] {strides = array<i32>} : memref<2x16x1024xf32, #tpu.memory_space<vmem>>, vector<1x1x16xf32>,
        %swap3A_784 = vector.shape_cast %swap3A_783 : vector<1x1x16xf32> to vector<16xf32>
        %swap3A_785 = vector.shape_cast %add3A_778 : vector<16xf32> to vector<1x1x16xf32>
        tpu.vector_store %arg10[%swap3A_780, %swap3A_781, %swap3A_782], %swap3A_785 {strides = array<i32>} : memref<2x16x1024xf32, #tpu.memory_space<vmem>>, vector<1x1x16xf32>,
        %get3A_786 = arith.constant 0 : i32
        %get3A_787 = arith.index_cast %get3A_786 : i32 to index
        %get3A_788 = arith.index_cast %scan3A_188 : i32 to index
        %get3A_789 = arith.constant 432 : index
        %get3A_790 = tpu.vector_load %arg8[%get3A_787, %get3A_788, %get3A_789] {strides = array<i32>} : memref<2x16x1024xf32, #tpu.memory_space<vmem>>, vector<1x1x16xf32>,
        %get3A_791 = vector.shape_cast %get3A_790 : vector<1x1x16xf32> to vector<16xf32>
        %get3A_792 = arith.constant 0 : i32
        %get3A_793 = arith.index_cast %get3A_792 : i32 to index
        %get3A_794 = arith.index_cast %scan3A_188 : i32 to index
        %get3A_795 = arith.constant 432 : index
        %get3A_796 = tpu.vector_load %arg9[%get3A_793, %get3A_794, %get3A_795] {strides = array<i32>} : memref<2x16x1024xf32, #tpu.memory_space<vmem>>, vector<1x1x16xf32>,
        %get3A_797 = vector.shape_cast %get3A_796 : vector<1x1x16xf32> to vector<16xf32>
        %mul3A_798 = arith.mulf %get3A_791, %gather3A_189 : vector<16xf32>
        %mul3A_799 = arith.mulf %get3A_797, %gather3A_192 : vector<16xf32>
        %add3A_800 = arith.addf %mul3A_798, %mul3A_799 : vector<16xf32>
        %swap3A_801 = arith.constant 0 : i32
        %swap3A_802 = arith.index_cast %swap3A_801 : i32 to index
        %swap3A_803 = arith.index_cast %scan3A_188 : i32 to index
        %swap3A_804 = arith.constant 432 : index
        %swap3A_805 = tpu.vector_load %arg10[%swap3A_802, %swap3A_803, %swap3A_804] {strides = array<i32>} : memref<2x16x1024xf32, #tpu.memory_space<vmem>>, vector<1x1x16xf32>,
        %swap3A_806 = vector.shape_cast %swap3A_805 : vector<1x1x16xf32> to vector<16xf32>
        %swap3A_807 = vector.shape_cast %add3A_800 : vector<16xf32> to vector<1x1x16xf32>
        tpu.vector_store %arg10[%swap3A_802, %swap3A_803, %swap3A_804], %swap3A_807 {strides = array<i32>} : memref<2x16x1024xf32, #tpu.memory_space<vmem>>, vector<1x1x16xf32>,
        %get3A_808 = arith.constant 0 : i32
        %get3A_809 = arith.index_cast %get3A_808 : i32 to index
        %get3A_810 = arith.index_cast %scan3A_188 : i32 to index
        %get3A_811 = arith.constant 448 : index
        %get3A_812 = tpu.vector_load %arg8[%get3A_809, %get3A_810, %get3A_811] {strides = array<i32>} : memref<2x16x1024xf32, #tpu.memory_space<vmem>>, vector<1x1x16xf32>,
        %get3A_813 = vector.shape_cast %get3A_812 : vector<1x1x16xf32> to vector<16xf32>
        %get3A_814 = arith.constant 0 : i32
        %get3A_815 = arith.index_cast %get3A_814 : i32 to index
        %get3A_816 = arith.index_cast %scan3A_188 : i32 to index
        %get3A_817 = arith.constant 448 : index
        %get3A_818 = tpu.vector_load %arg9[%get3A_815, %get3A_816, %get3A_817] {strides = array<i32>} : memref<2x16x1024xf32, #tpu.memory_space<vmem>>, vector<1x1x16xf32>,
        %get3A_819 = vector.shape_cast %get3A_818 : vector<1x1x16xf32> to vector<16xf32>
        %mul3A_820 = arith.mulf %get3A_813, %gather3A_189 : vector<16xf32>
        %mul3A_821 = arith.mulf %get3A_819, %gather3A_192 : vector<16xf32>
        %add3A_822 = arith.addf %mul3A_820, %mul3A_821 : vector<16xf32>
        %swap3A_823 = arith.constant 0 : i32
        %swap3A_824 = arith.index_cast %swap3A_823 : i32 to index
        %swap3A_825 = arith.index_cast %scan3A_188 : i32 to index
        %swap3A_826 = arith.constant 448 : index
        %swap3A_827 = tpu.vector_load %arg10[%swap3A_824, %swap3A_825, %swap3A_826] {strides = array<i32>} : memref<2x16x1024xf32, #tpu.memory_space<vmem>>, vector<1x1x16xf32>,
        %swap3A_828 = vector.shape_cast %swap3A_827 : vector<1x1x16xf32> to vector<16xf32>
        %swap3A_829 = vector.shape_cast %add3A_822 : vector<16xf32> to vector<1x1x16xf32>
        tpu.vector_store %arg10[%swap3A_824, %swap3A_825, %swap3A_826], %swap3A_829 {strides = array<i32>} : memref<2x16x1024xf32, #tpu.memory_space<vmem>>, vector<1x1x16xf32>,
        %get3A_830 = arith.constant 0 : i32
        %get3A_831 = arith.index_cast %get3A_830 : i32 to index
        %get3A_832 = arith.index_cast %scan3A_188 : i32 to index
        %get3A_833 = arith.constant 464 : index
        %get3A_834 = tpu.vector_load %arg8[%get3A_831, %get3A_832, %get3A_833] {strides = array<i32>} : memref<2x16x1024xf32, #tpu.memory_space<vmem>>, vector<1x1x16xf32>,
        %get3A_835 = vector.shape_cast %get3A_834 : vector<1x1x16xf32> to vector<16xf32>
        %get3A_836 = arith.constant 0 : i32
        %get3A_837 = arith.index_cast %get3A_836 : i32 to index
        %get3A_838 = arith.index_cast %scan3A_188 : i32 to index
        %get3A_839 = arith.constant 464 : index
        %get3A_840 = tpu.vector_load %arg9[%get3A_837, %get3A_838, %get3A_839] {strides = array<i32>} : memref<2x16x1024xf32, #tpu.memory_space<vmem>>, vector<1x1x16xf32>,
        %get3A_841 = vector.shape_cast %get3A_840 : vector<1x1x16xf32> to vector<16xf32>
        %mul3A_842 = arith.mulf %get3A_835, %gather3A_189 : vector<16xf32>
        %mul3A_843 = arith.mulf %get3A_841, %gather3A_192 : vector<16xf32>
        %add3A_844 = arith.addf %mul3A_842, %mul3A_843 : vector<16xf32>
        %swap3A_845 = arith.constant 0 : i32
        %swap3A_846 = arith.index_cast %swap3A_845 : i32 to index
        %swap3A_847 = arith.index_cast %scan3A_188 : i32 to index
        %swap3A_848 = arith.constant 464 : index
        %swap3A_849 = tpu.vector_load %arg10[%swap3A_846, %swap3A_847, %swap3A_848] {strides = array<i32>} : memref<2x16x1024xf32, #tpu.memory_space<vmem>>, vector<1x1x16xf32>,
        %swap3A_850 = vector.shape_cast %swap3A_849 : vector<1x1x16xf32> to vector<16xf32>
        %swap3A_851 = vector.shape_cast %add3A_844 : vector<16xf32> to vector<1x1x16xf32>
        tpu.vector_store %arg10[%swap3A_846, %swap3A_847, %swap3A_848], %swap3A_851 {strides = array<i32>} : memref<2x16x1024xf32, #tpu.memory_space<vmem>>, vector<1x1x16xf32>,
        %get3A_852 = arith.constant 0 : i32
        %get3A_853 = arith.index_cast %get3A_852 : i32 to index
        %get3A_854 = arith.index_cast %scan3A_188 : i32 to index
        %get3A_855 = arith.constant 480 : index
        %get3A_856 = tpu.vector_load %arg8[%get3A_853, %get3A_854, %get3A_855] {strides = array<i32>} : memref<2x16x1024xf32, #tpu.memory_space<vmem>>, vector<1x1x16xf32>,
        %get3A_857 = vector.shape_cast %get3A_856 : vector<1x1x16xf32> to vector<16xf32>
        %get3A_858 = arith.constant 0 : i32
        %get3A_859 = arith.index_cast %get3A_858 : i32 to index
        %get3A_860 = arith.index_cast %scan3A_188 : i32 to index
        %get3A_861 = arith.constant 480 : index
        %get3A_862 = tpu.vector_load %arg9[%get3A_859, %get3A_860, %get3A_861] {strides = array<i32>} : memref<2x16x1024xf32, #tpu.memory_space<vmem>>, vector<1x1x16xf32>,
        %get3A_863 = vector.shape_cast %get3A_862 : vector<1x1x16xf32> to vector<16xf32>
        %mul3A_864 = arith.mulf %get3A_857, %gather3A_189 : vector<16xf32>
        %mul3A_865 = arith.mulf %get3A_863, %gather3A_192 : vector<16xf32>
        %add3A_866 = arith.addf %mul3A_864, %mul3A_865 : vector<16xf32>
        %swap3A_867 = arith.constant 0 : i32
        %swap3A_868 = arith.index_cast %swap3A_867 : i32 to index
        %swap3A_869 = arith.index_cast %scan3A_188 : i32 to index
        %swap3A_870 = arith.constant 480 : index
        %swap3A_871 = tpu.vector_load %arg10[%swap3A_868, %swap3A_869, %swap3A_870] {strides = array<i32>} : memref<2x16x1024xf32, #tpu.memory_space<vmem>>, vector<1x1x16xf32>,
        %swap3A_872 = vector.shape_cast %swap3A_871 : vector<1x1x16xf32> to vector<16xf32>
        %swap3A_873 = vector.shape_cast %add3A_866 : vector<16xf32> to vector<1x1x16xf32>
        tpu.vector_store %arg10[%swap3A_868, %swap3A_869, %swap3A_870], %swap3A_873 {strides = array<i32>} : memref<2x16x1024xf32, #tpu.memory_space<vmem>>, vector<1x1x16xf32>,
        %get3A_874 = arith.constant 0 : i32
        %get3A_875 = arith.index_cast %get3A_874 : i32 to index
        %get3A_876 = arith.index_cast %scan3A_188 : i32 to index
        %get3A_877 = arith.constant 496 : index
        %get3A_878 = tpu.vector_load %arg8[%get3A_875, %get3A_876, %get3A_877] {strides = array<i32>} : memref<2x16x1024xf32, #tpu.memory_space<vmem>>, vector<1x1x16xf32>,
        %get3A_879 = vector.shape_cast %get3A_878 : vector<1x1x16xf32> to vector<16xf32>
        %get3A_880 = arith.constant 0 : i32
        %get3A_881 = arith.index_cast %get3A_880 : i32 to index
        %get3A_882 = arith.index_cast %scan3A_188 : i32 to index
        %get3A_883 = arith.constant 496 : index
        %get3A_884 = tpu.vector_load %arg9[%get3A_881, %get3A_882, %get3A_883] {strides = array<i32>} : memref<2x16x1024xf32, #tpu.memory_space<vmem>>, vector<1x1x16xf32>,
        %get3A_885 = vector.shape_cast %get3A_884 : vector<1x1x16xf32> to vector<16xf32>
        %mul3A_886 = arith.mulf %get3A_879, %gather3A_189 : vector<16xf32>
        %mul3A_887 = arith.mulf %get3A_885, %gather3A_192 : vector<16xf32>
        %add3A_888 = arith.addf %mul3A_886, %mul3A_887 : vector<16xf32>
        %swap3A_889 = arith.constant 0 : i32
        %swap3A_890 = arith.index_cast %swap3A_889 : i32 to index
        %swap3A_891 = arith.index_cast %scan3A_188 : i32 to index
        %swap3A_892 = arith.constant 496 : index
        %swap3A_893 = tpu.vector_load %arg10[%swap3A_890, %swap3A_891, %swap3A_892] {strides = array<i32>} : memref<2x16x1024xf32, #tpu.memory_space<vmem>>, vector<1x1x16xf32>,
        %swap3A_894 = vector.shape_cast %swap3A_893 : vector<1x1x16xf32> to vector<16xf32>
        %swap3A_895 = vector.shape_cast %add3A_888 : vector<16xf32> to vector<1x1x16xf32>
        tpu.vector_store %arg10[%swap3A_890, %swap3A_891, %swap3A_892], %swap3A_895 {strides = array<i32>} : memref<2x16x1024xf32, #tpu.memory_space<vmem>>, vector<1x1x16xf32>,
        %get3A_896 = arith.constant 0 : i32
        %get3A_897 = arith.index_cast %get3A_896 : i32 to index
        %get3A_898 = arith.index_cast %scan3A_188 : i32 to index
        %get3A_899 = arith.constant 512 : index
        %get3A_900 = tpu.vector_load %arg8[%get3A_897, %get3A_898, %get3A_899] {strides = array<i32>} : memref<2x16x1024xf32, #tpu.memory_space<vmem>>, vector<1x1x16xf32>,
        %get3A_901 = vector.shape_cast %get3A_900 : vector<1x1x16xf32> to vector<16xf32>
        %get3A_902 = arith.constant 0 : i32
        %get3A_903 = arith.index_cast %get3A_902 : i32 to index
        %get3A_904 = arith.index_cast %scan3A_188 : i32 to index
        %get3A_905 = arith.constant 512 : index
        %get3A_906 = tpu.vector_load %arg9[%get3A_903, %get3A_904, %get3A_905] {strides = array<i32>} : memref<2x16x1024xf32, #tpu.memory_space<vmem>>, vector<1x1x16xf32>,
        %get3A_907 = vector.shape_cast %get3A_906 : vector<1x1x16xf32> to vector<16xf32>
        %mul3A_908 = arith.mulf %get3A_901, %gather3A_189 : vector<16xf32>
        %mul3A_909 = arith.mulf %get3A_907, %gather3A_192 : vector<16xf32>
        %add3A_910 = arith.addf %mul3A_908, %mul3A_909 : vector<16xf32>
        %swap3A_911 = arith.constant 0 : i32
        %swap3A_912 = arith.index_cast %swap3A_911 : i32 to index
        %swap3A_913 = arith.index_cast %scan3A_188 : i32 to index
        %swap3A_914 = arith.constant 512 : index
        %swap3A_915 = tpu.vector_load %arg10[%swap3A_912, %swap3A_913, %swap3A_914] {strides = array<i32>} : memref<2x16x1024xf32, #tpu.memory_space<vmem>>, vector<1x1x16xf32>,
        %swap3A_916 = vector.shape_cast %swap3A_915 : vector<1x1x16xf32> to vector<16xf32>
        %swap3A_917 = vector.shape_cast %add3A_910 : vector<16xf32> to vector<1x1x16xf32>
        tpu.vector_store %arg10[%swap3A_912, %swap3A_913, %swap3A_914], %swap3A_917 {strides = array<i32>} : memref<2x16x1024xf32, #tpu.memory_space<vmem>>, vector<1x1x16xf32>,
        %get3A_918 = arith.constant 0 : i32
        %get3A_919 = arith.index_cast %get3A_918 : i32 to index
        %get3A_920 = arith.index_cast %scan3A_188 : i32 to index
        %get3A_921 = arith.constant 528 : index
        %get3A_922 = tpu.vector_load %arg8[%get3A_919, %get3A_920, %get3A_921] {strides = array<i32>} : memref<2x16x1024xf32, #tpu.memory_space<vmem>>, vector<1x1x16xf32>,
        %get3A_923 = vector.shape_cast %get3A_922 : vector<1x1x16xf32> to vector<16xf32>
        %get3A_924 = arith.constant 0 : i32
        %get3A_925 = arith.index_cast %get3A_924 : i32 to index
        %get3A_926 = arith.index_cast %scan3A_188 : i32 to index
        %get3A_927 = arith.constant 528 : index
        %get3A_928 = tpu.vector_load %arg9[%get3A_925, %get3A_926, %get3A_927] {strides = array<i32>} : memref<2x16x1024xf32, #tpu.memory_space<vmem>>, vector<1x1x16xf32>,
        %get3A_929 = vector.shape_cast %get3A_928 : vector<1x1x16xf32> to vector<16xf32>
        %mul3A_930 = arith.mulf %get3A_923, %gather3A_189 : vector<16xf32>
        %mul3A_931 = arith.mulf %get3A_929, %gather3A_192 : vector<16xf32>
        %add3A_932 = arith.addf %mul3A_930, %mul3A_931 : vector<16xf32>
        %swap3A_933 = arith.constant 0 : i32
        %swap3A_934 = arith.index_cast %swap3A_933 : i32 to index
        %swap3A_935 = arith.index_cast %scan3A_188 : i32 to index
        %swap3A_936 = arith.constant 528 : index
        %swap3A_937 = tpu.vector_load %arg10[%swap3A_934, %swap3A_935, %swap3A_936] {strides = array<i32>} : memref<2x16x1024xf32, #tpu.memory_space<vmem>>, vector<1x1x16xf32>,
        %swap3A_938 = vector.shape_cast %swap3A_937 : vector<1x1x16xf32> to vector<16xf32>
        %swap3A_939 = vector.shape_cast %add3A_932 : vector<16xf32> to vector<1x1x16xf32>
        tpu.vector_store %arg10[%swap3A_934, %swap3A_935, %swap3A_936], %swap3A_939 {strides = array<i32>} : memref<2x16x1024xf32, #tpu.memory_space<vmem>>, vector<1x1x16xf32>,
        %get3A_940 = arith.constant 0 : i32
        %get3A_941 = arith.index_cast %get3A_940 : i32 to index
        %get3A_942 = arith.index_cast %scan3A_188 : i32 to index
        %get3A_943 = arith.constant 544 : index
        %get3A_944 = tpu.vector_load %arg8[%get3A_941, %get3A_942, %get3A_943] {strides = array<i32>} : memref<2x16x1024xf32, #tpu.memory_space<vmem>>, vector<1x1x16xf32>,
        %get3A_945 = vector.shape_cast %get3A_944 : vector<1x1x16xf32> to vector<16xf32>
        %get3A_946 = arith.constant 0 : i32
        %get3A_947 = arith.index_cast %get3A_946 : i32 to index
        %get3A_948 = arith.index_cast %scan3A_188 : i32 to index
        %get3A_949 = arith.constant 544 : index
        %get3A_950 = tpu.vector_load %arg9[%get3A_947, %get3A_948, %get3A_949] {strides = array<i32>} : memref<2x16x1024xf32, #tpu.memory_space<vmem>>, vector<1x1x16xf32>,
        %get3A_951 = vector.shape_cast %get3A_950 : vector<1x1x16xf32> to vector<16xf32>
        %mul3A_952 = arith.mulf %get3A_945, %gather3A_189 : vector<16xf32>
        %mul3A_953 = arith.mulf %get3A_951, %gather3A_192 : vector<16xf32>
        %add3A_954 = arith.addf %mul3A_952, %mul3A_953 : vector<16xf32>
        %swap3A_955 = arith.constant 0 : i32
        %swap3A_956 = arith.index_cast %swap3A_955 : i32 to index
        %swap3A_957 = arith.index_cast %scan3A_188 : i32 to index
        %swap3A_958 = arith.constant 544 : index
        %swap3A_959 = tpu.vector_load %arg10[%swap3A_956, %swap3A_957, %swap3A_958] {strides = array<i32>} : memref<2x16x1024xf32, #tpu.memory_space<vmem>>, vector<1x1x16xf32>,
        %swap3A_960 = vector.shape_cast %swap3A_959 : vector<1x1x16xf32> to vector<16xf32>
        %swap3A_961 = vector.shape_cast %add3A_954 : vector<16xf32> to vector<1x1x16xf32>
        tpu.vector_store %arg10[%swap3A_956, %swap3A_957, %swap3A_958], %swap3A_961 {strides = array<i32>} : memref<2x16x1024xf32, #tpu.memory_space<vmem>>, vector<1x1x16xf32>,
        %get3A_962 = arith.constant 0 : i32
        %get3A_963 = arith.index_cast %get3A_962 : i32 to index
        %get3A_964 = arith.index_cast %scan3A_188 : i32 to index
        %get3A_965 = arith.constant 560 : index
        %get3A_966 = tpu.vector_load %arg8[%get3A_963, %get3A_964, %get3A_965] {strides = array<i32>} : memref<2x16x1024xf32, #tpu.memory_space<vmem>>, vector<1x1x16xf32>,
        %get3A_967 = vector.shape_cast %get3A_966 : vector<1x1x16xf32> to vector<16xf32>
        %get3A_968 = arith.constant 0 : i32
        %get3A_969 = arith.index_cast %get3A_968 : i32 to index
        %get3A_970 = arith.index_cast %scan3A_188 : i32 to index
        %get3A_971 = arith.constant 560 : index
        %get3A_972 = tpu.vector_load %arg9[%get3A_969, %get3A_970, %get3A_971] {strides = array<i32>} : memref<2x16x1024xf32, #tpu.memory_space<vmem>>, vector<1x1x16xf32>,
        %get3A_973 = vector.shape_cast %get3A_972 : vector<1x1x16xf32> to vector<16xf32>
        %mul3A_974 = arith.mulf %get3A_967, %gather3A_189 : vector<16xf32>
        %mul3A_975 = arith.mulf %get3A_973, %gather3A_192 : vector<16xf32>
        %add3A_976 = arith.addf %mul3A_974, %mul3A_975 : vector<16xf32>
        %swap3A_977 = arith.constant 0 : i32
        %swap3A_978 = arith.index_cast %swap3A_977 : i32 to index
        %swap3A_979 = arith.index_cast %scan3A_188 : i32 to index
        %swap3A_980 = arith.constant 560 : index
        %swap3A_981 = tpu.vector_load %arg10[%swap3A_978, %swap3A_979, %swap3A_980] {strides = array<i32>} : memref<2x16x1024xf32, #tpu.memory_space<vmem>>, vector<1x1x16xf32>,
        %swap3A_982 = vector.shape_cast %swap3A_981 : vector<1x1x16xf32> to vector<16xf32>
        %swap3A_983 = vector.shape_cast %add3A_976 : vector<16xf32> to vector<1x1x16xf32>
        tpu.vector_store %arg10[%swap3A_978, %swap3A_979, %swap3A_980], %swap3A_983 {strides = array<i32>} : memref<2x16x1024xf32, #tpu.memory_space<vmem>>, vector<1x1x16xf32>,
        %get3A_984 = arith.constant 0 : i32
        %get3A_985 = arith.index_cast %get3A_984 : i32 to index
        %get3A_986 = arith.index_cast %scan3A_188 : i32 to index
        %get3A_987 = arith.constant 576 : index
        %get3A_988 = tpu.vector_load %arg8[%get3A_985, %get3A_986, %get3A_987] {strides = array<i32>} : memref<2x16x1024xf32, #tpu.memory_space<vmem>>, vector<1x1x16xf32>,
        %get3A_989 = vector.shape_cast %get3A_988 : vector<1x1x16xf32> to vector<16xf32>
        %get3A_990 = arith.constant 0 : i32
        %get3A_991 = arith.index_cast %get3A_990 : i32 to index
        %get3A_992 = arith.index_cast %scan3A_188 : i32 to index
        %get3A_993 = arith.constant 576 : index
        %get3A_994 = tpu.vector_load %arg9[%get3A_991, %get3A_992, %get3A_993] {strides = array<i32>} : memref<2x16x1024xf32, #tpu.memory_space<vmem>>, vector<1x1x16xf32>,
        %get3A_995 = vector.shape_cast %get3A_994 : vector<1x1x16xf32> to vector<16xf32>
        %mul3A_996 = arith.mulf %get3A_989, %gather3A_189 : vector<16xf32>
        %mul3A_997 = arith.mulf %get3A_995, %gather3A_192 : vector<16xf32>
        %add3A_998 = arith.addf %mul3A_996, %mul3A_997 : vector<16xf32>
        %swap3A_999 = arith.constant 0 : i32
        %swap3A_1000 = arith.index_cast %swap3A_999 : i32 to index
        %swap3A_1001 = arith.index_cast %scan3A_188 : i32 to index
        %swap3A_1002 = arith.constant 576 : index
        %swap3A_1003 = tpu.vector_load %arg10[%swap3A_1000, %swap3A_1001, %swap3A_1002] {strides = array<i32>} : memref<2x16x1024xf32, #tpu.memory_space<vmem>>, vector<1x1x16xf32>,
        %swap3A_1004 = vector.shape_cast %swap3A_1003 : vector<1x1x16xf32> to vector<16xf32>
        %swap3A_1005 = vector.shape_cast %add3A_998 : vector<16xf32> to vector<1x1x16xf32>
        tpu.vector_store %arg10[%swap3A_1000, %swap3A_1001, %swap3A_1002], %swap3A_1005 {strides = array<i32>} : memref<2x16x1024xf32, #tpu.memory_space<vmem>>, vector<1x1x16xf32>,
        %get3A_1006 = arith.constant 0 : i32
        %get3A_1007 = arith.index_cast %get3A_1006 : i32 to index
        %get3A_1008 = arith.index_cast %scan3A_188 : i32 to index
        %get3A_1009 = arith.constant 592 : index
        %get3A_1010 = tpu.vector_load %arg8[%get3A_1007, %get3A_1008, %get3A_1009] {strides = array<i32>} : memref<2x16x1024xf32, #tpu.memory_space<vmem>>, vector<1x1x16xf32>,
        %get3A_1011 = vector.shape_cast %get3A_1010 : vector<1x1x16xf32> to vector<16xf32>
        %get3A_1012 = arith.constant 0 : i32
        %get3A_1013 = arith.index_cast %get3A_1012 : i32 to index
        %get3A_1014 = arith.index_cast %scan3A_188 : i32 to index
        %get3A_1015 = arith.constant 592 : index
        %get3A_1016 = tpu.vector_load %arg9[%get3A_1013, %get3A_1014, %get3A_1015] {strides = array<i32>} : memref<2x16x1024xf32, #tpu.memory_space<vmem>>, vector<1x1x16xf32>,
        %get3A_1017 = vector.shape_cast %get3A_1016 : vector<1x1x16xf32> to vector<16xf32>
        %mul3A_1018 = arith.mulf %get3A_1011, %gather3A_189 : vector<16xf32>
        %mul3A_1019 = arith.mulf %get3A_1017, %gather3A_192 : vector<16xf32>
        %add3A_1020 = arith.addf %mul3A_1018, %mul3A_1019 : vector<16xf32>
        %swap3A_1021 = arith.constant 0 : i32
        %swap3A_1022 = arith.index_cast %swap3A_1021 : i32 to index
        %swap3A_1023 = arith.index_cast %scan3A_188 : i32 to index
        %swap3A_1024 = arith.constant 592 : index
        %swap3A_1025 = tpu.vector_load %arg10[%swap3A_1022, %swap3A_1023, %swap3A_1024] {strides = array<i32>} : memref<2x16x1024xf32, #tpu.memory_space<vmem>>, vector<1x1x16xf32>,
        %swap3A_1026 = vector.shape_cast %swap3A_1025 : vector<1x1x16xf32> to vector<16xf32>
        %swap3A_1027 = vector.shape_cast %add3A_1020 : vector<16xf32> to vector<1x1x16xf32>
        tpu.vector_store %arg10[%swap3A_1022, %swap3A_1023, %swap3A_1024], %swap3A_1027 {strides = array<i32>} : memref<2x16x1024xf32, #tpu.memory_space<vmem>>, vector<1x1x16xf32>,
        %get3A_1028 = arith.constant 0 : i32
        %get3A_1029 = arith.index_cast %get3A_1028 : i32 to index
        %get3A_1030 = arith.index_cast %scan3A_188 : i32 to index
        %get3A_1031 = arith.constant 608 : index
        %get3A_1032 = tpu.vector_load %arg8[%get3A_1029, %get3A_1030, %get3A_1031] {strides = array<i32>} : memref<2x16x1024xf32, #tpu.memory_space<vmem>>, vector<1x1x16xf32>,
        %get3A_1033 = vector.shape_cast %get3A_1032 : vector<1x1x16xf32> to vector<16xf32>
        %get3A_1034 = arith.constant 0 : i32
        %get3A_1035 = arith.index_cast %get3A_1034 : i32 to index
        %get3A_1036 = arith.index_cast %scan3A_188 : i32 to index
        %get3A_1037 = arith.constant 608 : index
        %get3A_1038 = tpu.vector_load %arg9[%get3A_1035, %get3A_1036, %get3A_1037] {strides = array<i32>} : memref<2x16x1024xf32, #tpu.memory_space<vmem>>, vector<1x1x16xf32>,
        %get3A_1039 = vector.shape_cast %get3A_1038 : vector<1x1x16xf32> to vector<16xf32>
        %mul3A_1040 = arith.mulf %get3A_1033, %gather3A_189 : vector<16xf32>
        %mul3A_1041 = arith.mulf %get3A_1039, %gather3A_192 : vector<16xf32>
        %add3A_1042 = arith.addf %mul3A_1040, %mul3A_1041 : vector<16xf32>
        %swap3A_1043 = arith.constant 0 : i32
        %swap3A_1044 = arith.index_cast %swap3A_1043 : i32 to index
        %swap3A_1045 = arith.index_cast %scan3A_188 : i32 to index
        %swap3A_1046 = arith.constant 608 : index
        %swap3A_1047 = tpu.vector_load %arg10[%swap3A_1044, %swap3A_1045, %swap3A_1046] {strides = array<i32>} : memref<2x16x1024xf32, #tpu.memory_space<vmem>>, vector<1x1x16xf32>,
        %swap3A_1048 = vector.shape_cast %swap3A_1047 : vector<1x1x16xf32> to vector<16xf32>
        %swap3A_1049 = vector.shape_cast %add3A_1042 : vector<16xf32> to vector<1x1x16xf32>
        tpu.vector_store %arg10[%swap3A_1044, %swap3A_1045, %swap3A_1046], %swap3A_1049 {strides = array<i32>} : memref<2x16x1024xf32, #tpu.memory_space<vmem>>, vector<1x1x16xf32>,
        %get3A_1050 = arith.constant 0 : i32
        %get3A_1051 = arith.index_cast %get3A_1050 : i32 to index
        %get3A_1052 = arith.index_cast %scan3A_188 : i32 to index
        %get3A_1053 = arith.constant 624 : index
        %get3A_1054 = tpu.vector_load %arg8[%get3A_1051, %get3A_1052, %get3A_1053] {strides = array<i32>} : memref<2x16x1024xf32, #tpu.memory_space<vmem>>, vector<1x1x16xf32>,
        %get3A_1055 = vector.shape_cast %get3A_1054 : vector<1x1x16xf32> to vector<16xf32>
        %get3A_1056 = arith.constant 0 : i32
        %get3A_1057 = arith.index_cast %get3A_1056 : i32 to index
        %get3A_1058 = arith.index_cast %scan3A_188 : i32 to index
        %get3A_1059 = arith.constant 624 : index
        %get3A_1060 = tpu.vector_load %arg9[%get3A_1057, %get3A_1058, %get3A_1059] {strides = array<i32>} : memref<2x16x1024xf32, #tpu.memory_space<vmem>>, vector<1x1x16xf32>,
        %get3A_1061 = vector.shape_cast %get3A_1060 : vector<1x1x16xf32> to vector<16xf32>
        %mul3A_1062 = arith.mulf %get3A_1055, %gather3A_189 : vector<16xf32>
        %mul3A_1063 = arith.mulf %get3A_1061, %gather3A_192 : vector<16xf32>
        %add3A_1064 = arith.addf %mul3A_1062, %mul3A_1063 : vector<16xf32>
        %swap3A_1065 = arith.constant 0 : i32
        %swap3A_1066 = arith.index_cast %swap3A_1065 : i32 to index
        %swap3A_1067 = arith.index_cast %scan3A_188 : i32 to index
        %swap3A_1068 = arith.constant 624 : index
        %swap3A_1069 = tpu.vector_load %arg10[%swap3A_1066, %swap3A_1067, %swap3A_1068] {strides = array<i32>} : memref<2x16x1024xf32, #tpu.memory_space<vmem>>, vector<1x1x16xf32>,
        %swap3A_1070 = vector.shape_cast %swap3A_1069 : vector<1x1x16xf32> to vector<16xf32>
        %swap3A_1071 = vector.shape_cast %add3A_1064 : vector<16xf32> to vector<1x1x16xf32>
        tpu.vector_store %arg10[%swap3A_1066, %swap3A_1067, %swap3A_1068], %swap3A_1071 {strides = array<i32>} : memref<2x16x1024xf32, #tpu.memory_space<vmem>>, vector<1x1x16xf32>,
        %get3A_1072 = arith.constant 0 : i32
        %get3A_1073 = arith.index_cast %get3A_1072 : i32 to index
        %get3A_1074 = arith.index_cast %scan3A_188 : i32 to index
        %get3A_1075 = arith.constant 640 : index
        %get3A_1076 = tpu.vector_load %arg8[%get3A_1073, %get3A_1074, %get3A_1075] {strides = array<i32>} : memref<2x16x1024xf32, #tpu.memory_space<vmem>>, vector<1x1x16xf32>,
        %get3A_1077 = vector.shape_cast %get3A_1076 : vector<1x1x16xf32> to vector<16xf32>
        %get3A_1078 = arith.constant 0 : i32
        %get3A_1079 = arith.index_cast %get3A_1078 : i32 to index
        %get3A_1080 = arith.index_cast %scan3A_188 : i32 to index
        %get3A_1081 = arith.constant 640 : index
        %get3A_1082 = tpu.vector_load %arg9[%get3A_1079, %get3A_1080, %get3A_1081] {strides = array<i32>} : memref<2x16x1024xf32, #tpu.memory_space<vmem>>, vector<1x1x16xf32>,
        %get3A_1083 = vector.shape_cast %get3A_1082 : vector<1x1x16xf32> to vector<16xf32>
        %mul3A_1084 = arith.mulf %get3A_1077, %gather3A_189 : vector<16xf32>
        %mul3A_1085 = arith.mulf %get3A_1083, %gather3A_192 : vector<16xf32>
        %add3A_1086 = arith.addf %mul3A_1084, %mul3A_1085 : vector<16xf32>
        %swap3A_1087 = arith.constant 0 : i32
        %swap3A_1088 = arith.index_cast %swap3A_1087 : i32 to index
        %swap3A_1089 = arith.index_cast %scan3A_188 : i32 to index
        %swap3A_1090 = arith.constant 640 : index
        %swap3A_1091 = tpu.vector_load %arg10[%swap3A_1088, %swap3A_1089, %swap3A_1090] {strides = array<i32>} : memref<2x16x1024xf32, #tpu.memory_space<vmem>>, vector<1x1x16xf32>,
        %swap3A_1092 = vector.shape_cast %swap3A_1091 : vector<1x1x16xf32> to vector<16xf32>
        %swap3A_1093 = vector.shape_cast %add3A_1086 : vector<16xf32> to vector<1x1x16xf32>
        tpu.vector_store %arg10[%swap3A_1088, %swap3A_1089, %swap3A_1090], %swap3A_1093 {strides = array<i32>} : memref<2x16x1024xf32, #tpu.memory_space<vmem>>, vector<1x1x16xf32>,
        %get3A_1094 = arith.constant 0 : i32
        %get3A_1095 = arith.index_cast %get3A_1094 : i32 to index
        %get3A_1096 = arith.index_cast %scan3A_188 : i32 to index
        %get3A_1097 = arith.constant 656 : index
        %get3A_1098 = tpu.vector_load %arg8[%get3A_1095, %get3A_1096, %get3A_1097] {strides = array<i32>} : memref<2x16x1024xf32, #tpu.memory_space<vmem>>, vector<1x1x16xf32>,
        %get3A_1099 = vector.shape_cast %get3A_1098 : vector<1x1x16xf32> to vector<16xf32>
        %get3A_1100 = arith.constant 0 : i32
        %get3A_1101 = arith.index_cast %get3A_1100 : i32 to index
        %get3A_1102 = arith.index_cast %scan3A_188 : i32 to index
        %get3A_1103 = arith.constant 656 : index
        %get3A_1104 = tpu.vector_load %arg9[%get3A_1101, %get3A_1102, %get3A_1103] {strides = array<i32>} : memref<2x16x1024xf32, #tpu.memory_space<vmem>>, vector<1x1x16xf32>,
        %get3A_1105 = vector.shape_cast %get3A_1104 : vector<1x1x16xf32> to vector<16xf32>
        %mul3A_1106 = arith.mulf %get3A_1099, %gather3A_189 : vector<16xf32>
        %mul3A_1107 = arith.mulf %get3A_1105, %gather3A_192 : vector<16xf32>
        %add3A_1108 = arith.addf %mul3A_1106, %mul3A_1107 : vector<16xf32>
        %swap3A_1109 = arith.constant 0 : i32
        %swap3A_1110 = arith.index_cast %swap3A_1109 : i32 to index
        %swap3A_1111 = arith.index_cast %scan3A_188 : i32 to index
        %swap3A_1112 = arith.constant 656 : index
        %swap3A_1113 = tpu.vector_load %arg10[%swap3A_1110, %swap3A_1111, %swap3A_1112] {strides = array<i32>} : memref<2x16x1024xf32, #tpu.memory_space<vmem>>, vector<1x1x16xf32>,
        %swap3A_1114 = vector.shape_cast %swap3A_1113 : vector<1x1x16xf32> to vector<16xf32>
        %swap3A_1115 = vector.shape_cast %add3A_1108 : vector<16xf32> to vector<1x1x16xf32>
        tpu.vector_store %arg10[%swap3A_1110, %swap3A_1111, %swap3A_1112], %swap3A_1115 {strides = array<i32>} : memref<2x16x1024xf32, #tpu.memory_space<vmem>>, vector<1x1x16xf32>,
        %get3A_1116 = arith.constant 0 : i32
        %get3A_1117 = arith.index_cast %get3A_1116 : i32 to index
        %get3A_1118 = arith.index_cast %scan3A_188 : i32 to index
        %get3A_1119 = arith.constant 672 : index
        %get3A_1120 = tpu.vector_load %arg8[%get3A_1117, %get3A_1118, %get3A_1119] {strides = array<i32>} : memref<2x16x1024xf32, #tpu.memory_space<vmem>>, vector<1x1x16xf32>,
        %get3A_1121 = vector.shape_cast %get3A_1120 : vector<1x1x16xf32> to vector<16xf32>
        %get3A_1122 = arith.constant 0 : i32
        %get3A_1123 = arith.index_cast %get3A_1122 : i32 to index
        %get3A_1124 = arith.index_cast %scan3A_188 : i32 to index
        %get3A_1125 = arith.constant 672 : index
        %get3A_1126 = tpu.vector_load %arg9[%get3A_1123, %get3A_1124, %get3A_1125] {strides = array<i32>} : memref<2x16x1024xf32, #tpu.memory_space<vmem>>, vector<1x1x16xf32>,
        %get3A_1127 = vector.shape_cast %get3A_1126 : vector<1x1x16xf32> to vector<16xf32>
        %mul3A_1128 = arith.mulf %get3A_1121, %gather3A_189 : vector<16xf32>
        %mul3A_1129 = arith.mulf %get3A_1127, %gather3A_192 : vector<16xf32>
        %add3A_1130 = arith.addf %mul3A_1128, %mul3A_1129 : vector<16xf32>
        %swap3A_1131 = arith.constant 0 : i32
        %swap3A_1132 = arith.index_cast %swap3A_1131 : i32 to index
        %swap3A_1133 = arith.index_cast %scan3A_188 : i32 to index
        %swap3A_1134 = arith.constant 672 : index
        %swap3A_1135 = tpu.vector_load %arg10[%swap3A_1132, %swap3A_1133, %swap3A_1134] {strides = array<i32>} : memref<2x16x1024xf32, #tpu.memory_space<vmem>>, vector<1x1x16xf32>,
        %swap3A_1136 = vector.shape_cast %swap3A_1135 : vector<1x1x16xf32> to vector<16xf32>
        %swap3A_1137 = vector.shape_cast %add3A_1130 : vector<16xf32> to vector<1x1x16xf32>
        tpu.vector_store %arg10[%swap3A_1132, %swap3A_1133, %swap3A_1134], %swap3A_1137 {strides = array<i32>} : memref<2x16x1024xf32, #tpu.memory_space<vmem>>, vector<1x1x16xf32>,
        %get3A_1138 = arith.constant 0 : i32
        %get3A_1139 = arith.index_cast %get3A_1138 : i32 to index
        %get3A_1140 = arith.index_cast %scan3A_188 : i32 to index
        %get3A_1141 = arith.constant 688 : index
        %get3A_1142 = tpu.vector_load %arg8[%get3A_1139, %get3A_1140, %get3A_1141] {strides = array<i32>} : memref<2x16x1024xf32, #tpu.memory_space<vmem>>, vector<1x1x16xf32>,
        %get3A_1143 = vector.shape_cast %get3A_1142 : vector<1x1x16xf32> to vector<16xf32>
        %get3A_1144 = arith.constant 0 : i32
        %get3A_1145 = arith.index_cast %get3A_1144 : i32 to index
        %get3A_1146 = arith.index_cast %scan3A_188 : i32 to index
        %get3A_1147 = arith.constant 688 : index
        %get3A_1148 = tpu.vector_load %arg9[%get3A_1145, %get3A_1146, %get3A_1147] {strides = array<i32>} : memref<2x16x1024xf32, #tpu.memory_space<vmem>>, vector<1x1x16xf32>,
        %get3A_1149 = vector.shape_cast %get3A_1148 : vector<1x1x16xf32> to vector<16xf32>
        %mul3A_1150 = arith.mulf %get3A_1143, %gather3A_189 : vector<16xf32>
        %mul3A_1151 = arith.mulf %get3A_1149, %gather3A_192 : vector<16xf32>
        %add3A_1152 = arith.addf %mul3A_1150, %mul3A_1151 : vector<16xf32>
        %swap3A_1153 = arith.constant 0 : i32
        %swap3A_1154 = arith.index_cast %swap3A_1153 : i32 to index
        %swap3A_1155 = arith.index_cast %scan3A_188 : i32 to index
        %swap3A_1156 = arith.constant 688 : index
        %swap3A_1157 = tpu.vector_load %arg10[%swap3A_1154, %swap3A_1155, %swap3A_1156] {strides = array<i32>} : memref<2x16x1024xf32, #tpu.memory_space<vmem>>, vector<1x1x16xf32>,
        %swap3A_1158 = vector.shape_cast %swap3A_1157 : vector<1x1x16xf32> to vector<16xf32>
        %swap3A_1159 = vector.shape_cast %add3A_1152 : vector<16xf32> to vector<1x1x16xf32>
        tpu.vector_store %arg10[%swap3A_1154, %swap3A_1155, %swap3A_1156], %swap3A_1159 {strides = array<i32>} : memref<2x16x1024xf32, #tpu.memory_space<vmem>>, vector<1x1x16xf32>,
        %get3A_1160 = arith.constant 0 : i32
        %get3A_1161 = arith.index_cast %get3A_1160 : i32 to index
        %get3A_1162 = arith.index_cast %scan3A_188 : i32 to index
        %get3A_1163 = arith.constant 704 : index
        %get3A_1164 = tpu.vector_load %arg8[%get3A_1161, %get3A_1162, %get3A_1163] {strides = array<i32>} : memref<2x16x1024xf32, #tpu.memory_space<vmem>>, vector<1x1x16xf32>,
        %get3A_1165 = vector.shape_cast %get3A_1164 : vector<1x1x16xf32> to vector<16xf32>
        %get3A_1166 = arith.constant 0 : i32
        %get3A_1167 = arith.index_cast %get3A_1166 : i32 to index
        %get3A_1168 = arith.index_cast %scan3A_188 : i32 to index
        %get3A_1169 = arith.constant 704 : index
        %get3A_1170 = tpu.vector_load %arg9[%get3A_1167, %get3A_1168, %get3A_1169] {strides = array<i32>} : memref<2x16x1024xf32, #tpu.memory_space<vmem>>, vector<1x1x16xf32>,
        %get3A_1171 = vector.shape_cast %get3A_1170 : vector<1x1x16xf32> to vector<16xf32>
        %mul3A_1172 = arith.mulf %get3A_1165, %gather3A_189 : vector<16xf32>
        %mul3A_1173 = arith.mulf %get3A_1171, %gather3A_192 : vector<16xf32>
        %add3A_1174 = arith.addf %mul3A_1172, %mul3A_1173 : vector<16xf32>
        %swap3A_1175 = arith.constant 0 : i32
        %swap3A_1176 = arith.index_cast %swap3A_1175 : i32 to index
        %swap3A_1177 = arith.index_cast %scan3A_188 : i32 to index
        %swap3A_1178 = arith.constant 704 : index
        %swap3A_1179 = tpu.vector_load %arg10[%swap3A_1176, %swap3A_1177, %swap3A_1178] {strides = array<i32>} : memref<2x16x1024xf32, #tpu.memory_space<vmem>>, vector<1x1x16xf32>,
        %swap3A_1180 = vector.shape_cast %swap3A_1179 : vector<1x1x16xf32> to vector<16xf32>
        %swap3A_1181 = vector.shape_cast %add3A_1174 : vector<16xf32> to vector<1x1x16xf32>
        tpu.vector_store %arg10[%swap3A_1176, %swap3A_1177, %swap3A_1178], %swap3A_1181 {strides = array<i32>} : memref<2x16x1024xf32, #tpu.memory_space<vmem>>, vector<1x1x16xf32>,
        %get3A_1182 = arith.constant 0 : i32
        %get3A_1183 = arith.index_cast %get3A_1182 : i32 to index
        %get3A_1184 = arith.index_cast %scan3A_188 : i32 to index
        %get3A_1185 = arith.constant 720 : index
        %get3A_1186 = tpu.vector_load %arg8[%get3A_1183, %get3A_1184, %get3A_1185] {strides = array<i32>} : memref<2x16x1024xf32, #tpu.memory_space<vmem>>, vector<1x1x16xf32>,
        %get3A_1187 = vector.shape_cast %get3A_1186 : vector<1x1x16xf32> to vector<16xf32>
        %get3A_1188 = arith.constant 0 : i32
        %get3A_1189 = arith.index_cast %get3A_1188 : i32 to index
        %get3A_1190 = arith.index_cast %scan3A_188 : i32 to index
        %get3A_1191 = arith.constant 720 : index
        %get3A_1192 = tpu.vector_load %arg9[%get3A_1189, %get3A_1190, %get3A_1191] {strides = array<i32>} : memref<2x16x1024xf32, #tpu.memory_space<vmem>>, vector<1x1x16xf32>,
        %get3A_1193 = vector.shape_cast %get3A_1192 : vector<1x1x16xf32> to vector<16xf32>
        %mul3A_1194 = arith.mulf %get3A_1187, %gather3A_189 : vector<16xf32>
        %mul3A_1195 = arith.mulf %get3A_1193, %gather3A_192 : vector<16xf32>
        %add3A_1196 = arith.addf %mul3A_1194, %mul3A_1195 : vector<16xf32>
        %swap3A_1197 = arith.constant 0 : i32
        %swap3A_1198 = arith.index_cast %swap3A_1197 : i32 to index
        %swap3A_1199 = arith.index_cast %scan3A_188 : i32 to index
        %swap3A_1200 = arith.constant 720 : index
        %swap3A_1201 = tpu.vector_load %arg10[%swap3A_1198, %swap3A_1199, %swap3A_1200] {strides = array<i32>} : memref<2x16x1024xf32, #tpu.memory_space<vmem>>, vector<1x1x16xf32>,
        %swap3A_1202 = vector.shape_cast %swap3A_1201 : vector<1x1x16xf32> to vector<16xf32>
        %swap3A_1203 = vector.shape_cast %add3A_1196 : vector<16xf32> to vector<1x1x16xf32>
        tpu.vector_store %arg10[%swap3A_1198, %swap3A_1199, %swap3A_1200], %swap3A_1203 {strides = array<i32>} : memref<2x16x1024xf32, #tpu.memory_space<vmem>>, vector<1x1x16xf32>,
        %get3A_1204 = arith.constant 0 : i32
        %get3A_1205 = arith.index_cast %get3A_1204 : i32 to index
        %get3A_1206 = arith.index_cast %scan3A_188 : i32 to index
        %get3A_1207 = arith.constant 736 : index
        %get3A_1208 = tpu.vector_load %arg8[%get3A_1205, %get3A_1206, %get3A_1207] {strides = array<i32>} : memref<2x16x1024xf32, #tpu.memory_space<vmem>>, vector<1x1x16xf32>,
        %get3A_1209 = vector.shape_cast %get3A_1208 : vector<1x1x16xf32> to vector<16xf32>
        %get3A_1210 = arith.constant 0 : i32
        %get3A_1211 = arith.index_cast %get3A_1210 : i32 to index
        %get3A_1212 = arith.index_cast %scan3A_188 : i32 to index
        %get3A_1213 = arith.constant 736 : index
        %get3A_1214 = tpu.vector_load %arg9[%get3A_1211, %get3A_1212, %get3A_1213] {strides = array<i32>} : memref<2x16x1024xf32, #tpu.memory_space<vmem>>, vector<1x1x16xf32>,
        %get3A_1215 = vector.shape_cast %get3A_1214 : vector<1x1x16xf32> to vector<16xf32>
        %mul3A_1216 = arith.mulf %get3A_1209, %gather3A_189 : vector<16xf32>
        %mul3A_1217 = arith.mulf %get3A_1215, %gather3A_192 : vector<16xf32>
        %add3A_1218 = arith.addf %mul3A_1216, %mul3A_1217 : vector<16xf32>
        %swap3A_1219 = arith.constant 0 : i32
        %swap3A_1220 = arith.index_cast %swap3A_1219 : i32 to index
        %swap3A_1221 = arith.index_cast %scan3A_188 : i32 to index
        %swap3A_1222 = arith.constant 736 : index
        %swap3A_1223 = tpu.vector_load %arg10[%swap3A_1220, %swap3A_1221, %swap3A_1222] {strides = array<i32>} : memref<2x16x1024xf32, #tpu.memory_space<vmem>>, vector<1x1x16xf32>,
        %swap3A_1224 = vector.shape_cast %swap3A_1223 : vector<1x1x16xf32> to vector<16xf32>
        %swap3A_1225 = vector.shape_cast %add3A_1218 : vector<16xf32> to vector<1x1x16xf32>
        tpu.vector_store %arg10[%swap3A_1220, %swap3A_1221, %swap3A_1222], %swap3A_1225 {strides = array<i32>} : memref<2x16x1024xf32, #tpu.memory_space<vmem>>, vector<1x1x16xf32>,
        %get3A_1226 = arith.constant 0 : i32
        %get3A_1227 = arith.index_cast %get3A_1226 : i32 to index
        %get3A_1228 = arith.index_cast %scan3A_188 : i32 to index
        %get3A_1229 = arith.constant 752 : index
        %get3A_1230 = tpu.vector_load %arg8[%get3A_1227, %get3A_1228, %get3A_1229] {strides = array<i32>} : memref<2x16x1024xf32, #tpu.memory_space<vmem>>, vector<1x1x16xf32>,
        %get3A_1231 = vector.shape_cast %get3A_1230 : vector<1x1x16xf32> to vector<16xf32>
        %get3A_1232 = arith.constant 0 : i32
        %get3A_1233 = arith.index_cast %get3A_1232 : i32 to index
        %get3A_1234 = arith.index_cast %scan3A_188 : i32 to index
        %get3A_1235 = arith.constant 752 : index
        %get3A_1236 = tpu.vector_load %arg9[%get3A_1233, %get3A_1234, %get3A_1235] {strides = array<i32>} : memref<2x16x1024xf32, #tpu.memory_space<vmem>>, vector<1x1x16xf32>,
        %get3A_1237 = vector.shape_cast %get3A_1236 : vector<1x1x16xf32> to vector<16xf32>
        %mul3A_1238 = arith.mulf %get3A_1231, %gather3A_189 : vector<16xf32>
        %mul3A_1239 = arith.mulf %get3A_1237, %gather3A_192 : vector<16xf32>
        %add3A_1240 = arith.addf %mul3A_1238, %mul3A_1239 : vector<16xf32>
        %swap3A_1241 = arith.constant 0 : i32
        %swap3A_1242 = arith.index_cast %swap3A_1241 : i32 to index
        %swap3A_1243 = arith.index_cast %scan3A_188 : i32 to index
        %swap3A_1244 = arith.constant 752 : index
        %swap3A_1245 = tpu.vector_load %arg10[%swap3A_1242, %swap3A_1243, %swap3A_1244] {strides = array<i32>} : memref<2x16x1024xf32, #tpu.memory_space<vmem>>, vector<1x1x16xf32>,
        %swap3A_1246 = vector.shape_cast %swap3A_1245 : vector<1x1x16xf32> to vector<16xf32>
        %swap3A_1247 = vector.shape_cast %add3A_1240 : vector<16xf32> to vector<1x1x16xf32>
        tpu.vector_store %arg10[%swap3A_1242, %swap3A_1243, %swap3A_1244], %swap3A_1247 {strides = array<i32>} : memref<2x16x1024xf32, #tpu.memory_space<vmem>>, vector<1x1x16xf32>,
        %get3A_1248 = arith.constant 0 : i32
        %get3A_1249 = arith.index_cast %get3A_1248 : i32 to index
        %get3A_1250 = arith.index_cast %scan3A_188 : i32 to index
        %get3A_1251 = arith.constant 768 : index
        %get3A_1252 = tpu.vector_load %arg8[%get3A_1249, %get3A_1250, %get3A_1251] {strides = array<i32>} : memref<2x16x1024xf32, #tpu.memory_space<vmem>>, vector<1x1x16xf32>,
        %get3A_1253 = vector.shape_cast %get3A_1252 : vector<1x1x16xf32> to vector<16xf32>
        %get3A_1254 = arith.constant 0 : i32
        %get3A_1255 = arith.index_cast %get3A_1254 : i32 to index
        %get3A_1256 = arith.index_cast %scan3A_188 : i32 to index
        %get3A_1257 = arith.constant 768 : index
        %get3A_1258 = tpu.vector_load %arg9[%get3A_1255, %get3A_1256, %get3A_1257] {strides = array<i32>} : memref<2x16x1024xf32, #tpu.memory_space<vmem>>, vector<1x1x16xf32>,
        %get3A_1259 = vector.shape_cast %get3A_1258 : vector<1x1x16xf32> to vector<16xf32>
        %mul3A_1260 = arith.mulf %get3A_1253, %gather3A_189 : vector<16xf32>
        %mul3A_1261 = arith.mulf %get3A_1259, %gather3A_192 : vector<16xf32>
        %add3A_1262 = arith.addf %mul3A_1260, %mul3A_1261 : vector<16xf32>
        %swap3A_1263 = arith.constant 0 : i32
        %swap3A_1264 = arith.index_cast %swap3A_1263 : i32 to index
        %swap3A_1265 = arith.index_cast %scan3A_188 : i32 to index
        %swap3A_1266 = arith.constant 768 : index
        %swap3A_1267 = tpu.vector_load %arg10[%swap3A_1264, %swap3A_1265, %swap3A_1266] {strides = array<i32>} : memref<2x16x1024xf32, #tpu.memory_space<vmem>>, vector<1x1x16xf32>,
        %swap3A_1268 = vector.shape_cast %swap3A_1267 : vector<1x1x16xf32> to vector<16xf32>
        %swap3A_1269 = vector.shape_cast %add3A_1262 : vector<16xf32> to vector<1x1x16xf32>
        tpu.vector_store %arg10[%swap3A_1264, %swap3A_1265, %swap3A_1266], %swap3A_1269 {strides = array<i32>} : memref<2x16x1024xf32, #tpu.memory_space<vmem>>, vector<1x1x16xf32>,
        %get3A_1270 = arith.constant 0 : i32
        %get3A_1271 = arith.index_cast %get3A_1270 : i32 to index
        %get3A_1272 = arith.index_cast %scan3A_188 : i32 to index
        %get3A_1273 = arith.constant 784 : index
        %get3A_1274 = tpu.vector_load %arg8[%get3A_1271, %get3A_1272, %get3A_1273] {strides = array<i32>} : memref<2x16x1024xf32, #tpu.memory_space<vmem>>, vector<1x1x16xf32>,
        %get3A_1275 = vector.shape_cast %get3A_1274 : vector<1x1x16xf32> to vector<16xf32>
        %get3A_1276 = arith.constant 0 : i32
        %get3A_1277 = arith.index_cast %get3A_1276 : i32 to index
        %get3A_1278 = arith.index_cast %scan3A_188 : i32 to index
        %get3A_1279 = arith.constant 784 : index
        %get3A_1280 = tpu.vector_load %arg9[%get3A_1277, %get3A_1278, %get3A_1279] {strides = array<i32>} : memref<2x16x1024xf32, #tpu.memory_space<vmem>>, vector<1x1x16xf32>,
        %get3A_1281 = vector.shape_cast %get3A_1280 : vector<1x1x16xf32> to vector<16xf32>
        %mul3A_1282 = arith.mulf %get3A_1275, %gather3A_189 : vector<16xf32>
        %mul3A_1283 = arith.mulf %get3A_1281, %gather3A_192 : vector<16xf32>
        %add3A_1284 = arith.addf %mul3A_1282, %mul3A_1283 : vector<16xf32>
        %swap3A_1285 = arith.constant 0 : i32
        %swap3A_1286 = arith.index_cast %swap3A_1285 : i32 to index
        %swap3A_1287 = arith.index_cast %scan3A_188 : i32 to index
        %swap3A_1288 = arith.constant 784 : index
        %swap3A_1289 = tpu.vector_load %arg10[%swap3A_1286, %swap3A_1287, %swap3A_1288] {strides = array<i32>} : memref<2x16x1024xf32, #tpu.memory_space<vmem>>, vector<1x1x16xf32>,
        %swap3A_1290 = vector.shape_cast %swap3A_1289 : vector<1x1x16xf32> to vector<16xf32>
        %swap3A_1291 = vector.shape_cast %add3A_1284 : vector<16xf32> to vector<1x1x16xf32>
        tpu.vector_store %arg10[%swap3A_1286, %swap3A_1287, %swap3A_1288], %swap3A_1291 {strides = array<i32>} : memref<2x16x1024xf32, #tpu.memory_space<vmem>>, vector<1x1x16xf32>,
        %get3A_1292 = arith.constant 0 : i32
        %get3A_1293 = arith.index_cast %get3A_1292 : i32 to index
        %get3A_1294 = arith.index_cast %scan3A_188 : i32 to index
        %get3A_1295 = arith.constant 800 : index
        %get3A_1296 = tpu.vector_load %arg8[%get3A_1293, %get3A_1294, %get3A_1295] {strides = array<i32>} : memref<2x16x1024xf32, #tpu.memory_space<vmem>>, vector<1x1x16xf32>,
        %get3A_1297 = vector.shape_cast %get3A_1296 : vector<1x1x16xf32> to vector<16xf32>
        %get3A_1298 = arith.constant 0 : i32
        %get3A_1299 = arith.index_cast %get3A_1298 : i32 to index
        %get3A_1300 = arith.index_cast %scan3A_188 : i32 to index
        %get3A_1301 = arith.constant 800 : index
        %get3A_1302 = tpu.vector_load %arg9[%get3A_1299, %get3A_1300, %get3A_1301] {strides = array<i32>} : memref<2x16x1024xf32, #tpu.memory_space<vmem>>, vector<1x1x16xf32>,
        %get3A_1303 = vector.shape_cast %get3A_1302 : vector<1x1x16xf32> to vector<16xf32>
        %mul3A_1304 = arith.mulf %get3A_1297, %gather3A_189 : vector<16xf32>
        %mul3A_1305 = arith.mulf %get3A_1303, %gather3A_192 : vector<16xf32>
        %add3A_1306 = arith.addf %mul3A_1304, %mul3A_1305 : vector<16xf32>
        %swap3A_1307 = arith.constant 0 : i32
        %swap3A_1308 = arith.index_cast %swap3A_1307 : i32 to index
        %swap3A_1309 = arith.index_cast %scan3A_188 : i32 to index
        %swap3A_1310 = arith.constant 800 : index
        %swap3A_1311 = tpu.vector_load %arg10[%swap3A_1308, %swap3A_1309, %swap3A_1310] {strides = array<i32>} : memref<2x16x1024xf32, #tpu.memory_space<vmem>>, vector<1x1x16xf32>,
        %swap3A_1312 = vector.shape_cast %swap3A_1311 : vector<1x1x16xf32> to vector<16xf32>
        %swap3A_1313 = vector.shape_cast %add3A_1306 : vector<16xf32> to vector<1x1x16xf32>
        tpu.vector_store %arg10[%swap3A_1308, %swap3A_1309, %swap3A_1310], %swap3A_1313 {strides = array<i32>} : memref<2x16x1024xf32, #tpu.memory_space<vmem>>, vector<1x1x16xf32>,
        %get3A_1314 = arith.constant 0 : i32
        %get3A_1315 = arith.index_cast %get3A_1314 : i32 to index
        %get3A_1316 = arith.index_cast %scan3A_188 : i32 to index
        %get3A_1317 = arith.constant 816 : index
        %get3A_1318 = tpu.vector_load %arg8[%get3A_1315, %get3A_1316, %get3A_1317] {strides = array<i32>} : memref<2x16x1024xf32, #tpu.memory_space<vmem>>, vector<1x1x16xf32>,
        %get3A_1319 = vector.shape_cast %get3A_1318 : vector<1x1x16xf32> to vector<16xf32>
        %get3A_1320 = arith.constant 0 : i32
        %get3A_1321 = arith.index_cast %get3A_1320 : i32 to index
        %get3A_1322 = arith.index_cast %scan3A_188 : i32 to index
        %get3A_1323 = arith.constant 816 : index
        %get3A_1324 = tpu.vector_load %arg9[%get3A_1321, %get3A_1322, %get3A_1323] {strides = array<i32>} : memref<2x16x1024xf32, #tpu.memory_space<vmem>>, vector<1x1x16xf32>,
        %get3A_1325 = vector.shape_cast %get3A_1324 : vector<1x1x16xf32> to vector<16xf32>
        %mul3A_1326 = arith.mulf %get3A_1319, %gather3A_189 : vector<16xf32>
        %mul3A_1327 = arith.mulf %get3A_1325, %gather3A_192 : vector<16xf32>
        %add3A_1328 = arith.addf %mul3A_1326, %mul3A_1327 : vector<16xf32>
        %swap3A_1329 = arith.constant 0 : i32
        %swap3A_1330 = arith.index_cast %swap3A_1329 : i32 to index
        %swap3A_1331 = arith.index_cast %scan3A_188 : i32 to index
        %swap3A_1332 = arith.constant 816 : index
        %swap3A_1333 = tpu.vector_load %arg10[%swap3A_1330, %swap3A_1331, %swap3A_1332] {strides = array<i32>} : memref<2x16x1024xf32, #tpu.memory_space<vmem>>, vector<1x1x16xf32>,
        %swap3A_1334 = vector.shape_cast %swap3A_1333 : vector<1x1x16xf32> to vector<16xf32>
        %swap3A_1335 = vector.shape_cast %add3A_1328 : vector<16xf32> to vector<1x1x16xf32>
        tpu.vector_store %arg10[%swap3A_1330, %swap3A_1331, %swap3A_1332], %swap3A_1335 {strides = array<i32>} : memref<2x16x1024xf32, #tpu.memory_space<vmem>>, vector<1x1x16xf32>,
        %get3A_1336 = arith.constant 0 : i32
        %get3A_1337 = arith.index_cast %get3A_1336 : i32 to index
        %get3A_1338 = arith.index_cast %scan3A_188 : i32 to index
        %get3A_1339 = arith.constant 832 : index
        %get3A_1340 = tpu.vector_load %arg8[%get3A_1337, %get3A_1338, %get3A_1339] {strides = array<i32>} : memref<2x16x1024xf32, #tpu.memory_space<vmem>>, vector<1x1x16xf32>,
        %get3A_1341 = vector.shape_cast %get3A_1340 : vector<1x1x16xf32> to vector<16xf32>
        %get3A_1342 = arith.constant 0 : i32
        %get3A_1343 = arith.index_cast %get3A_1342 : i32 to index
        %get3A_1344 = arith.index_cast %scan3A_188 : i32 to index
        %get3A_1345 = arith.constant 832 : index
        %get3A_1346 = tpu.vector_load %arg9[%get3A_1343, %get3A_1344, %get3A_1345] {strides = array<i32>} : memref<2x16x1024xf32, #tpu.memory_space<vmem>>, vector<1x1x16xf32>,
        %get3A_1347 = vector.shape_cast %get3A_1346 : vector<1x1x16xf32> to vector<16xf32>
        %mul3A_1348 = arith.mulf %get3A_1341, %gather3A_189 : vector<16xf32>
        %mul3A_1349 = arith.mulf %get3A_1347, %gather3A_192 : vector<16xf32>
        %add3A_1350 = arith.addf %mul3A_1348, %mul3A_1349 : vector<16xf32>
        %swap3A_1351 = arith.constant 0 : i32
        %swap3A_1352 = arith.index_cast %swap3A_1351 : i32 to index
        %swap3A_1353 = arith.index_cast %scan3A_188 : i32 to index
        %swap3A_1354 = arith.constant 832 : index
        %swap3A_1355 = tpu.vector_load %arg10[%swap3A_1352, %swap3A_1353, %swap3A_1354] {strides = array<i32>} : memref<2x16x1024xf32, #tpu.memory_space<vmem>>, vector<1x1x16xf32>,
        %swap3A_1356 = vector.shape_cast %swap3A_1355 : vector<1x1x16xf32> to vector<16xf32>
        %swap3A_1357 = vector.shape_cast %add3A_1350 : vector<16xf32> to vector<1x1x16xf32>
        tpu.vector_store %arg10[%swap3A_1352, %swap3A_1353, %swap3A_1354], %swap3A_1357 {strides = array<i32>} : memref<2x16x1024xf32, #tpu.memory_space<vmem>>, vector<1x1x16xf32>,
        %get3A_1358 = arith.constant 0 : i32
        %get3A_1359 = arith.index_cast %get3A_1358 : i32 to index
        %get3A_1360 = arith.index_cast %scan3A_188 : i32 to index
        %get3A_1361 = arith.constant 848 : index
        %get3A_1362 = tpu.vector_load %arg8[%get3A_1359, %get3A_1360, %get3A_1361] {strides = array<i32>} : memref<2x16x1024xf32, #tpu.memory_space<vmem>>, vector<1x1x16xf32>,
        %get3A_1363 = vector.shape_cast %get3A_1362 : vector<1x1x16xf32> to vector<16xf32>
        %get3A_1364 = arith.constant 0 : i32
        %get3A_1365 = arith.index_cast %get3A_1364 : i32 to index
        %get3A_1366 = arith.index_cast %scan3A_188 : i32 to index
        %get3A_1367 = arith.constant 848 : index
        %get3A_1368 = tpu.vector_load %arg9[%get3A_1365, %get3A_1366, %get3A_1367] {strides = array<i32>} : memref<2x16x1024xf32, #tpu.memory_space<vmem>>, vector<1x1x16xf32>,
        %get3A_1369 = vector.shape_cast %get3A_1368 : vector<1x1x16xf32> to vector<16xf32>
        %mul3A_1370 = arith.mulf %get3A_1363, %gather3A_189 : vector<16xf32>
        %mul3A_1371 = arith.mulf %get3A_1369, %gather3A_192 : vector<16xf32>
        %add3A_1372 = arith.addf %mul3A_1370, %mul3A_1371 : vector<16xf32>
        %swap3A_1373 = arith.constant 0 : i32
        %swap3A_1374 = arith.index_cast %swap3A_1373 : i32 to index
        %swap3A_1375 = arith.index_cast %scan3A_188 : i32 to index
        %swap3A_1376 = arith.constant 848 : index
        %swap3A_1377 = tpu.vector_load %arg10[%swap3A_1374, %swap3A_1375, %swap3A_1376] {strides = array<i32>} : memref<2x16x1024xf32, #tpu.memory_space<vmem>>, vector<1x1x16xf32>,
        %swap3A_1378 = vector.shape_cast %swap3A_1377 : vector<1x1x16xf32> to vector<16xf32>
        %swap3A_1379 = vector.shape_cast %add3A_1372 : vector<16xf32> to vector<1x1x16xf32>
        tpu.vector_store %arg10[%swap3A_1374, %swap3A_1375, %swap3A_1376], %swap3A_1379 {strides = array<i32>} : memref<2x16x1024xf32, #tpu.memory_space<vmem>>, vector<1x1x16xf32>,
        %get3A_1380 = arith.constant 0 : i32
        %get3A_1381 = arith.index_cast %get3A_1380 : i32 to index
        %get3A_1382 = arith.index_cast %scan3A_188 : i32 to index
        %get3A_1383 = arith.constant 864 : index
        %get3A_1384 = tpu.vector_load %arg8[%get3A_1381, %get3A_1382, %get3A_1383] {strides = array<i32>} : memref<2x16x1024xf32, #tpu.memory_space<vmem>>, vector<1x1x16xf32>,
        %get3A_1385 = vector.shape_cast %get3A_1384 : vector<1x1x16xf32> to vector<16xf32>
        %get3A_1386 = arith.constant 0 : i32
        %get3A_1387 = arith.index_cast %get3A_1386 : i32 to index
        %get3A_1388 = arith.index_cast %scan3A_188 : i32 to index
        %get3A_1389 = arith.constant 864 : index
        %get3A_1390 = tpu.vector_load %arg9[%get3A_1387, %get3A_1388, %get3A_1389] {strides = array<i32>} : memref<2x16x1024xf32, #tpu.memory_space<vmem>>, vector<1x1x16xf32>,
        %get3A_1391 = vector.shape_cast %get3A_1390 : vector<1x1x16xf32> to vector<16xf32>
        %mul3A_1392 = arith.mulf %get3A_1385, %gather3A_189 : vector<16xf32>
        %mul3A_1393 = arith.mulf %get3A_1391, %gather3A_192 : vector<16xf32>
        %add3A_1394 = arith.addf %mul3A_1392, %mul3A_1393 : vector<16xf32>
        %swap3A_1395 = arith.constant 0 : i32
        %swap3A_1396 = arith.index_cast %swap3A_1395 : i32 to index
        %swap3A_1397 = arith.index_cast %scan3A_188 : i32 to index
        %swap3A_1398 = arith.constant 864 : index
        %swap3A_1399 = tpu.vector_load %arg10[%swap3A_1396, %swap3A_1397, %swap3A_1398] {strides = array<i32>} : memref<2x16x1024xf32, #tpu.memory_space<vmem>>, vector<1x1x16xf32>,
        %swap3A_1400 = vector.shape_cast %swap3A_1399 : vector<1x1x16xf32> to vector<16xf32>
        %swap3A_1401 = vector.shape_cast %add3A_1394 : vector<16xf32> to vector<1x1x16xf32>
        tpu.vector_store %arg10[%swap3A_1396, %swap3A_1397, %swap3A_1398], %swap3A_1401 {strides = array<i32>} : memref<2x16x1024xf32, #tpu.memory_space<vmem>>, vector<1x1x16xf32>,
        %get3A_1402 = arith.constant 0 : i32
        %get3A_1403 = arith.index_cast %get3A_1402 : i32 to index
        %get3A_1404 = arith.index_cast %scan3A_188 : i32 to index
        %get3A_1405 = arith.constant 880 : index
        %get3A_1406 = tpu.vector_load %arg8[%get3A_1403, %get3A_1404, %get3A_1405] {strides = array<i32>} : memref<2x16x1024xf32, #tpu.memory_space<vmem>>, vector<1x1x16xf32>,
        %get3A_1407 = vector.shape_cast %get3A_1406 : vector<1x1x16xf32> to vector<16xf32>
        %get3A_1408 = arith.constant 0 : i32
        %get3A_1409 = arith.index_cast %get3A_1408 : i32 to index
        %get3A_1410 = arith.index_cast %scan3A_188 : i32 to index
        %get3A_1411 = arith.constant 880 : index
        %get3A_1412 = tpu.vector_load %arg9[%get3A_1409, %get3A_1410, %get3A_1411] {strides = array<i32>} : memref<2x16x1024xf32, #tpu.memory_space<vmem>>, vector<1x1x16xf32>,
        %get3A_1413 = vector.shape_cast %get3A_1412 : vector<1x1x16xf32> to vector<16xf32>
        %mul3A_1414 = arith.mulf %get3A_1407, %gather3A_189 : vector<16xf32>
        %mul3A_1415 = arith.mulf %get3A_1413, %gather3A_192 : vector<16xf32>
        %add3A_1416 = arith.addf %mul3A_1414, %mul3A_1415 : vector<16xf32>
        %swap3A_1417 = arith.constant 0 : i32
        %swap3A_1418 = arith.index_cast %swap3A_1417 : i32 to index
        %swap3A_1419 = arith.index_cast %scan3A_188 : i32 to index
        %swap3A_1420 = arith.constant 880 : index
        %swap3A_1421 = tpu.vector_load %arg10[%swap3A_1418, %swap3A_1419, %swap3A_1420] {strides = array<i32>} : memref<2x16x1024xf32, #tpu.memory_space<vmem>>, vector<1x1x16xf32>,
        %swap3A_1422 = vector.shape_cast %swap3A_1421 : vector<1x1x16xf32> to vector<16xf32>
        %swap3A_1423 = vector.shape_cast %add3A_1416 : vector<16xf32> to vector<1x1x16xf32>
        tpu.vector_store %arg10[%swap3A_1418, %swap3A_1419, %swap3A_1420], %swap3A_1423 {strides = array<i32>} : memref<2x16x1024xf32, #tpu.memory_space<vmem>>, vector<1x1x16xf32>,
        %get3A_1424 = arith.constant 0 : i32
        %get3A_1425 = arith.index_cast %get3A_1424 : i32 to index
        %get3A_1426 = arith.index_cast %scan3A_188 : i32 to index
        %get3A_1427 = arith.constant 896 : index
        %get3A_1428 = tpu.vector_load %arg8[%get3A_1425, %get3A_1426, %get3A_1427] {strides = array<i32>} : memref<2x16x1024xf32, #tpu.memory_space<vmem>>, vector<1x1x16xf32>,
        %get3A_1429 = vector.shape_cast %get3A_1428 : vector<1x1x16xf32> to vector<16xf32>
        %get3A_1430 = arith.constant 0 : i32
        %get3A_1431 = arith.index_cast %get3A_1430 : i32 to index
        %get3A_1432 = arith.index_cast %scan3A_188 : i32 to index
        %get3A_1433 = arith.constant 896 : index
        %get3A_1434 = tpu.vector_load %arg9[%get3A_1431, %get3A_1432, %get3A_1433] {strides = array<i32>} : memref<2x16x1024xf32, #tpu.memory_space<vmem>>, vector<1x1x16xf32>,
        %get3A_1435 = vector.shape_cast %get3A_1434 : vector<1x1x16xf32> to vector<16xf32>
        %mul3A_1436 = arith.mulf %get3A_1429, %gather3A_189 : vector<16xf32>
        %mul3A_1437 = arith.mulf %get3A_1435, %gather3A_192 : vector<16xf32>
        %add3A_1438 = arith.addf %mul3A_1436, %mul3A_1437 : vector<16xf32>
        %swap3A_1439 = arith.constant 0 : i32
        %swap3A_1440 = arith.index_cast %swap3A_1439 : i32 to index
        %swap3A_1441 = arith.index_cast %scan3A_188 : i32 to index
        %swap3A_1442 = arith.constant 896 : index
        %swap3A_1443 = tpu.vector_load %arg10[%swap3A_1440, %swap3A_1441, %swap3A_1442] {strides = array<i32>} : memref<2x16x1024xf32, #tpu.memory_space<vmem>>, vector<1x1x16xf32>,
        %swap3A_1444 = vector.shape_cast %swap3A_1443 : vector<1x1x16xf32> to vector<16xf32>
        %swap3A_1445 = vector.shape_cast %add3A_1438 : vector<16xf32> to vector<1x1x16xf32>
        tpu.vector_store %arg10[%swap3A_1440, %swap3A_1441, %swap3A_1442], %swap3A_1445 {strides = array<i32>} : memref<2x16x1024xf32, #tpu.memory_space<vmem>>, vector<1x1x16xf32>,
        %get3A_1446 = arith.constant 0 : i32
        %get3A_1447 = arith.index_cast %get3A_1446 : i32 to index
        %get3A_1448 = arith.index_cast %scan3A_188 : i32 to index
        %get3A_1449 = arith.constant 912 : index
        %get3A_1450 = tpu.vector_load %arg8[%get3A_1447, %get3A_1448, %get3A_1449] {strides = array<i32>} : memref<2x16x1024xf32, #tpu.memory_space<vmem>>, vector<1x1x16xf32>,
        %get3A_1451 = vector.shape_cast %get3A_1450 : vector<1x1x16xf32> to vector<16xf32>
        %get3A_1452 = arith.constant 0 : i32
        %get3A_1453 = arith.index_cast %get3A_1452 : i32 to index
        %get3A_1454 = arith.index_cast %scan3A_188 : i32 to index
        %get3A_1455 = arith.constant 912 : index
        %get3A_1456 = tpu.vector_load %arg9[%get3A_1453, %get3A_1454, %get3A_1455] {strides = array<i32>} : memref<2x16x1024xf32, #tpu.memory_space<vmem>>, vector<1x1x16xf32>,
        %get3A_1457 = vector.shape_cast %get3A_1456 : vector<1x1x16xf32> to vector<16xf32>
        %mul3A_1458 = arith.mulf %get3A_1451, %gather3A_189 : vector<16xf32>
        %mul3A_1459 = arith.mulf %get3A_1457, %gather3A_192 : vector<16xf32>
        %add3A_1460 = arith.addf %mul3A_1458, %mul3A_1459 : vector<16xf32>
        %swap3A_1461 = arith.constant 0 : i32
        %swap3A_1462 = arith.index_cast %swap3A_1461 : i32 to index
        %swap3A_1463 = arith.index_cast %scan3A_188 : i32 to index
        %swap3A_1464 = arith.constant 912 : index
        %swap3A_1465 = tpu.vector_load %arg10[%swap3A_1462, %swap3A_1463, %swap3A_1464] {strides = array<i32>} : memref<2x16x1024xf32, #tpu.memory_space<vmem>>, vector<1x1x16xf32>,
        %swap3A_1466 = vector.shape_cast %swap3A_1465 : vector<1x1x16xf32> to vector<16xf32>
        %swap3A_1467 = vector.shape_cast %add3A_1460 : vector<16xf32> to vector<1x1x16xf32>
        tpu.vector_store %arg10[%swap3A_1462, %swap3A_1463, %swap3A_1464], %swap3A_1467 {strides = array<i32>} : memref<2x16x1024xf32, #tpu.memory_space<vmem>>, vector<1x1x16xf32>,
        %get3A_1468 = arith.constant 0 : i32
        %get3A_1469 = arith.index_cast %get3A_1468 : i32 to index
        %get3A_1470 = arith.index_cast %scan3A_188 : i32 to index
        %get3A_1471 = arith.constant 928 : index
        %get3A_1472 = tpu.vector_load %arg8[%get3A_1469, %get3A_1470, %get3A_1471] {strides = array<i32>} : memref<2x16x1024xf32, #tpu.memory_space<vmem>>, vector<1x1x16xf32>,
        %get3A_1473 = vector.shape_cast %get3A_1472 : vector<1x1x16xf32> to vector<16xf32>
        %get3A_1474 = arith.constant 0 : i32
        %get3A_1475 = arith.index_cast %get3A_1474 : i32 to index
        %get3A_1476 = arith.index_cast %scan3A_188 : i32 to index
        %get3A_1477 = arith.constant 928 : index
        %get3A_1478 = tpu.vector_load %arg9[%get3A_1475, %get3A_1476, %get3A_1477] {strides = array<i32>} : memref<2x16x1024xf32, #tpu.memory_space<vmem>>, vector<1x1x16xf32>,
        %get3A_1479 = vector.shape_cast %get3A_1478 : vector<1x1x16xf32> to vector<16xf32>
        %mul3A_1480 = arith.mulf %get3A_1473, %gather3A_189 : vector<16xf32>
        %mul3A_1481 = arith.mulf %get3A_1479, %gather3A_192 : vector<16xf32>
        %add3A_1482 = arith.addf %mul3A_1480, %mul3A_1481 : vector<16xf32>
        %swap3A_1483 = arith.constant 0 : i32
        %swap3A_1484 = arith.index_cast %swap3A_1483 : i32 to index
        %swap3A_1485 = arith.index_cast %scan3A_188 : i32 to index
        %swap3A_1486 = arith.constant 928 : index
        %swap3A_1487 = tpu.vector_load %arg10[%swap3A_1484, %swap3A_1485, %swap3A_1486] {strides = array<i32>} : memref<2x16x1024xf32, #tpu.memory_space<vmem>>, vector<1x1x16xf32>,
        %swap3A_1488 = vector.shape_cast %swap3A_1487 : vector<1x1x16xf32> to vector<16xf32>
        %swap3A_1489 = vector.shape_cast %add3A_1482 : vector<16xf32> to vector<1x1x16xf32>
        tpu.vector_store %arg10[%swap3A_1484, %swap3A_1485, %swap3A_1486], %swap3A_1489 {strides = array<i32>} : memref<2x16x1024xf32, #tpu.memory_space<vmem>>, vector<1x1x16xf32>,
        %get3A_1490 = arith.constant 0 : i32
        %get3A_1491 = arith.index_cast %get3A_1490 : i32 to index
        %get3A_1492 = arith.index_cast %scan3A_188 : i32 to index
        %get3A_1493 = arith.constant 944 : index
        %get3A_1494 = tpu.vector_load %arg8[%get3A_1491, %get3A_1492, %get3A_1493] {strides = array<i32>} : memref<2x16x1024xf32, #tpu.memory_space<vmem>>, vector<1x1x16xf32>,
        %get3A_1495 = vector.shape_cast %get3A_1494 : vector<1x1x16xf32> to vector<16xf32>
        %get3A_1496 = arith.constant 0 : i32
        %get3A_1497 = arith.index_cast %get3A_1496 : i32 to index
        %get3A_1498 = arith.index_cast %scan3A_188 : i32 to index
        %get3A_1499 = arith.constant 944 : index
        %get3A_1500 = tpu.vector_load %arg9[%get3A_1497, %get3A_1498, %get3A_1499] {strides = array<i32>} : memref<2x16x1024xf32, #tpu.memory_space<vmem>>, vector<1x1x16xf32>,
        %get3A_1501 = vector.shape_cast %get3A_1500 : vector<1x1x16xf32> to vector<16xf32>
        %mul3A_1502 = arith.mulf %get3A_1495, %gather3A_189 : vector<16xf32>
        %mul3A_1503 = arith.mulf %get3A_1501, %gather3A_192 : vector<16xf32>
        %add3A_1504 = arith.addf %mul3A_1502, %mul3A_1503 : vector<16xf32>
        %swap3A_1505 = arith.constant 0 : i32
        %swap3A_1506 = arith.index_cast %swap3A_1505 : i32 to index
        %swap3A_1507 = arith.index_cast %scan3A_188 : i32 to index
        %swap3A_1508 = arith.constant 944 : index
        %swap3A_1509 = tpu.vector_load %arg10[%swap3A_1506, %swap3A_1507, %swap3A_1508] {strides = array<i32>} : memref<2x16x1024xf32, #tpu.memory_space<vmem>>, vector<1x1x16xf32>,
        %swap3A_1510 = vector.shape_cast %swap3A_1509 : vector<1x1x16xf32> to vector<16xf32>
        %swap3A_1511 = vector.shape_cast %add3A_1504 : vector<16xf32> to vector<1x1x16xf32>
        tpu.vector_store %arg10[%swap3A_1506, %swap3A_1507, %swap3A_1508], %swap3A_1511 {strides = array<i32>} : memref<2x16x1024xf32, #tpu.memory_space<vmem>>, vector<1x1x16xf32>,
        %get3A_1512 = arith.constant 0 : i32
        %get3A_1513 = arith.index_cast %get3A_1512 : i32 to index
        %get3A_1514 = arith.index_cast %scan3A_188 : i32 to index
        %get3A_1515 = arith.constant 960 : index
        %get3A_1516 = tpu.vector_load %arg8[%get3A_1513, %get3A_1514, %get3A_1515] {strides = array<i32>} : memref<2x16x1024xf32, #tpu.memory_space<vmem>>, vector<1x1x16xf32>,
        %get3A_1517 = vector.shape_cast %get3A_1516 : vector<1x1x16xf32> to vector<16xf32>
        %get3A_1518 = arith.constant 0 : i32
        %get3A_1519 = arith.index_cast %get3A_1518 : i32 to index
        %get3A_1520 = arith.index_cast %scan3A_188 : i32 to index
        %get3A_1521 = arith.constant 960 : index
        %get3A_1522 = tpu.vector_load %arg9[%get3A_1519, %get3A_1520, %get3A_1521] {strides = array<i32>} : memref<2x16x1024xf32, #tpu.memory_space<vmem>>, vector<1x1x16xf32>,
        %get3A_1523 = vector.shape_cast %get3A_1522 : vector<1x1x16xf32> to vector<16xf32>
        %mul3A_1524 = arith.mulf %get3A_1517, %gather3A_189 : vector<16xf32>
        %mul3A_1525 = arith.mulf %get3A_1523, %gather3A_192 : vector<16xf32>
        %add3A_1526 = arith.addf %mul3A_1524, %mul3A_1525 : vector<16xf32>
        %swap3A_1527 = arith.constant 0 : i32
        %swap3A_1528 = arith.index_cast %swap3A_1527 : i32 to index
        %swap3A_1529 = arith.index_cast %scan3A_188 : i32 to index
        %swap3A_1530 = arith.constant 960 : index
        %swap3A_1531 = tpu.vector_load %arg10[%swap3A_1528, %swap3A_1529, %swap3A_1530] {strides = array<i32>} : memref<2x16x1024xf32, #tpu.memory_space<vmem>>, vector<1x1x16xf32>,
        %swap3A_1532 = vector.shape_cast %swap3A_1531 : vector<1x1x16xf32> to vector<16xf32>
        %swap3A_1533 = vector.shape_cast %add3A_1526 : vector<16xf32> to vector<1x1x16xf32>
        tpu.vector_store %arg10[%swap3A_1528, %swap3A_1529, %swap3A_1530], %swap3A_1533 {strides = array<i32>} : memref<2x16x1024xf32, #tpu.memory_space<vmem>>, vector<1x1x16xf32>,
        %get3A_1534 = arith.constant 0 : i32
        %get3A_1535 = arith.index_cast %get3A_1534 : i32 to index
        %get3A_1536 = arith.index_cast %scan3A_188 : i32 to index
        %get3A_1537 = arith.constant 976 : index
        %get3A_1538 = tpu.vector_load %arg8[%get3A_1535, %get3A_1536, %get3A_1537] {strides = array<i32>} : memref<2x16x1024xf32, #tpu.memory_space<vmem>>, vector<1x1x16xf32>,
        %get3A_1539 = vector.shape_cast %get3A_1538 : vector<1x1x16xf32> to vector<16xf32>
        %get3A_1540 = arith.constant 0 : i32
        %get3A_1541 = arith.index_cast %get3A_1540 : i32 to index
        %get3A_1542 = arith.index_cast %scan3A_188 : i32 to index
        %get3A_1543 = arith.constant 976 : index
        %get3A_1544 = tpu.vector_load %arg9[%get3A_1541, %get3A_1542, %get3A_1543] {strides = array<i32>} : memref<2x16x1024xf32, #tpu.memory_space<vmem>>, vector<1x1x16xf32>,
        %get3A_1545 = vector.shape_cast %get3A_1544 : vector<1x1x16xf32> to vector<16xf32>
        %mul3A_1546 = arith.mulf %get3A_1539, %gather3A_189 : vector<16xf32>
        %mul3A_1547 = arith.mulf %get3A_1545, %gather3A_192 : vector<16xf32>
        %add3A_1548 = arith.addf %mul3A_1546, %mul3A_1547 : vector<16xf32>
        %swap3A_1549 = arith.constant 0 : i32
        %swap3A_1550 = arith.index_cast %swap3A_1549 : i32 to index
        %swap3A_1551 = arith.index_cast %scan3A_188 : i32 to index
        %swap3A_1552 = arith.constant 976 : index
        %swap3A_1553 = tpu.vector_load %arg10[%swap3A_1550, %swap3A_1551, %swap3A_1552] {strides = array<i32>} : memref<2x16x1024xf32, #tpu.memory_space<vmem>>, vector<1x1x16xf32>,
        %swap3A_1554 = vector.shape_cast %swap3A_1553 : vector<1x1x16xf32> to vector<16xf32>
        %swap3A_1555 = vector.shape_cast %add3A_1548 : vector<16xf32> to vector<1x1x16xf32>
        tpu.vector_store %arg10[%swap3A_1550, %swap3A_1551, %swap3A_1552], %swap3A_1555 {strides = array<i32>} : memref<2x16x1024xf32, #tpu.memory_space<vmem>>, vector<1x1x16xf32>,
        %get3A_1556 = arith.constant 0 : i32
        %get3A_1557 = arith.index_cast %get3A_1556 : i32 to index
        %get3A_1558 = arith.index_cast %scan3A_188 : i32 to index
        %get3A_1559 = arith.constant 992 : index
        %get3A_1560 = tpu.vector_load %arg8[%get3A_1557, %get3A_1558, %get3A_1559] {strides = array<i32>} : memref<2x16x1024xf32, #tpu.memory_space<vmem>>, vector<1x1x16xf32>,
        %get3A_1561 = vector.shape_cast %get3A_1560 : vector<1x1x16xf32> to vector<16xf32>
        %get3A_1562 = arith.constant 0 : i32
        %get3A_1563 = arith.index_cast %get3A_1562 : i32 to index
        %get3A_1564 = arith.index_cast %scan3A_188 : i32 to index
        %get3A_1565 = arith.constant 992 : index
        %get3A_1566 = tpu.vector_load %arg9[%get3A_1563, %get3A_1564, %get3A_1565] {strides = array<i32>} : memref<2x16x1024xf32, #tpu.memory_space<vmem>>, vector<1x1x16xf32>,
        %get3A_1567 = vector.shape_cast %get3A_1566 : vector<1x1x16xf32> to vector<16xf32>
        %mul3A_1568 = arith.mulf %get3A_1561, %gather3A_189 : vector<16xf32>
        %mul3A_1569 = arith.mulf %get3A_1567, %gather3A_192 : vector<16xf32>
        %add3A_1570 = arith.addf %mul3A_1568, %mul3A_1569 : vector<16xf32>
        %swap3A_1571 = arith.constant 0 : i32
        %swap3A_1572 = arith.index_cast %swap3A_1571 : i32 to index
        %swap3A_1573 = arith.index_cast %scan3A_188 : i32 to index
        %swap3A_1574 = arith.constant 992 : index
        %swap3A_1575 = tpu.vector_load %arg10[%swap3A_1572, %swap3A_1573, %swap3A_1574] {strides = array<i32>} : memref<2x16x1024xf32, #tpu.memory_space<vmem>>, vector<1x1x16xf32>,
        %swap3A_1576 = vector.shape_cast %swap3A_1575 : vector<1x1x16xf32> to vector<16xf32>
        %swap3A_1577 = vector.shape_cast %add3A_1570 : vector<16xf32> to vector<1x1x16xf32>
        tpu.vector_store %arg10[%swap3A_1572, %swap3A_1573, %swap3A_1574], %swap3A_1577 {strides = array<i32>} : memref<2x16x1024xf32, #tpu.memory_space<vmem>>, vector<1x1x16xf32>,
        %get3A_1578 = arith.constant 0 : i32
        %get3A_1579 = arith.index_cast %get3A_1578 : i32 to index
        %get3A_1580 = arith.index_cast %scan3A_188 : i32 to index
        %get3A_1581 = arith.constant 1008 : index
        %get3A_1582 = tpu.vector_load %arg8[%get3A_1579, %get3A_1580, %get3A_1581] {strides = array<i32>} : memref<2x16x1024xf32, #tpu.memory_space<vmem>>, vector<1x1x16xf32>,
        %get3A_1583 = vector.shape_cast %get3A_1582 : vector<1x1x16xf32> to vector<16xf32>
        %get3A_1584 = arith.constant 0 : i32
        %get3A_1585 = arith.index_cast %get3A_1584 : i32 to index
        %get3A_1586 = arith.index_cast %scan3A_188 : i32 to index
        %get3A_1587 = arith.constant 1008 : index
        %get3A_1588 = tpu.vector_load %arg9[%get3A_1585, %get3A_1586, %get3A_1587] {strides = array<i32>} : memref<2x16x1024xf32, #tpu.memory_space<vmem>>, vector<1x1x16xf32>,
        %get3A_1589 = vector.shape_cast %get3A_1588 : vector<1x1x16xf32> to vector<16xf32>
        %mul3A_1590 = arith.mulf %get3A_1583, %gather3A_189 : vector<16xf32>
        %mul3A_1591 = arith.mulf %get3A_1589, %gather3A_192 : vector<16xf32>
        %add3A_1592 = arith.addf %mul3A_1590, %mul3A_1591 : vector<16xf32>
        %swap3A_1593 = arith.constant 0 : i32
        %swap3A_1594 = arith.index_cast %swap3A_1593 : i32 to index
        %swap3A_1595 = arith.index_cast %scan3A_188 : i32 to index
        %swap3A_1596 = arith.constant 1008 : index
        %swap3A_1597 = tpu.vector_load %arg10[%swap3A_1594, %swap3A_1595, %swap3A_1596] {strides = array<i32>} : memref<2x16x1024xf32, #tpu.memory_space<vmem>>, vector<1x1x16xf32>,
        %swap3A_1598 = vector.shape_cast %swap3A_1597 : vector<1x1x16xf32> to vector<16xf32>
        %swap3A_1599 = vector.shape_cast %add3A_1592 : vector<16xf32> to vector<1x1x16xf32>
        tpu.vector_store %arg10[%swap3A_1594, %swap3A_1595, %swap3A_1596], %swap3A_1599 {strides = array<i32>} : memref<2x16x1024xf32, #tpu.memory_space<vmem>>, vector<1x1x16xf32>,
      }
      %scan3A_103 = arith.constant 16 : i32
      %mul3A_104 = arith.constant 16 : i32
      %mul3A_105 = arith.muli %add3A_60, %mul3A_104 : i32
      %add3A_106 = arith.addi %mul3A_2, %mul3A_105 : i32
      %dma_start3A_107 = arith.constant 0 : i32
      %dma_start3A_108 = arith.constant 0 : i32
      %dma_start3A_109 = arith.constant 0 : i32
      %dma_start3A_110 = tpu.memref_slice %arg10[%dma_start3A_107, %dma_start3A_108, %dma_start3A_109] : memref<2x16x1024xf32, #tpu.memory_space<vmem>> -> memref<1x16x1024xf32, #tpu.memory_space<vmem>>
      %dma_start3A_111 = tpu.memref_squeeze %dma_start3A_110 : memref<1x16x1024xf32, #tpu.memory_space<vmem>> -> memref<16x1024xf32, #tpu.memory_space<vmem>>
      %dma_start3A_112 = arith.constant 0 : i32
      %dma_start3A_113 = tpu.memref_slice %arg7[%add3A_106, %dma_start3A_112] : memref<8192x1024xf32, #tpu.memory_space<hbm>> -> memref<16x1024xf32, #tpu.memory_space<hbm>>
      %dma_start3A_114 = arith.constant 0 : i32
      %dma_start3A_115 = tpu.memref_slice %arg7[%add3A_106, %dma_start3A_114] : memref<8192x1024xf32, #tpu.memory_space<hbm>> -> memref<16x1024xf32, #tpu.memory_space<hbm>>
      %dma_start3A_116 = arith.constant 0 : i32
      %dma_start3A_117 = arith.constant 0 : i32
      %dma_start3A_118 = tpu.memref_slice %arg10[%dma_start3A_107, %dma_start3A_116, %dma_start3A_117] : memref<2x16x1024xf32, #tpu.memory_space<vmem>> -> memref<1x16x1024xf32, #tpu.memory_space<vmem>>
      %dma_start3A_119 = tpu.memref_squeeze %dma_start3A_118 : memref<1x16x1024xf32, #tpu.memory_space<vmem>> -> memref<16x1024xf32, #tpu.memory_space<vmem>>
      tpu.enqueue_dma source(%dma_start3A_119 : memref<16x1024xf32, #tpu.memory_space<vmem>>) target(%dma_start3A_115 : memref<16x1024xf32, #tpu.memory_space<hbm>>) target_semaphore(%arg19 : memref<!tpu.dma_semaphore, #tpu.memory_space<semaphore_mem>>)
      %mul3A_120 = arith.constant 2 : i32
      %mul3A_121 = arith.muli %scan3A_56, %mul3A_120 : i32
      %add3A_122 = arith.constant 1 : i32
      %add3A_123 = arith.addi %mul3A_121, %add3A_122 : i32
      %lt3A_124 = arith.constant 15 : i32
      %lt3A_125 = arith.cmpi slt, %add3A_123, %lt3A_124 : i32
      %convert_element_type3A_126 = arith.extui %lt3A_125 : i1 to i32
      %cond3A_127 = arith.constant 0 : i32
      %cond3A_128 = arith.cmpi ne, %convert_element_type3A_126, %cond3A_127 : i32
      scf.if %cond3A_128 {
        %add3A_188 = arith.constant 1 : i32
        %add3A_189 = arith.addi %add3A_123, %add3A_188 : i32
        %mul3A_190 = arith.constant 16 : i32
        %mul3A_191 = arith.muli %add3A_189, %mul3A_190 : i32
        %mul3A_192 = arith.constant 16 : i32
        %mul3A_193 = arith.muli %add3A_189, %mul3A_192 : i32
        %dma_start3A_194 = arith.constant 0 : i32
        %dma_start3A_195 = arith.constant 0 : i32
        %dma_start3A_196 = arith.constant 0 : i32
        %dma_start3A_197 = tpu.memref_slice %arg8[%dma_start3A_194, %dma_start3A_195, %dma_start3A_196] : memref<2x16x1024xf32, #tpu.memory_space<vmem>> -> memref<1x16x1024xf32, #tpu.memory_space<vmem>>
        %dma_start3A_198 = tpu.memref_squeeze %dma_start3A_197 : memref<1x16x1024xf32, #tpu.memory_space<vmem>> -> memref<16x1024xf32, #tpu.memory_space<vmem>>
        %dma_start3A_199 = tpu.memref_slice %arg11[%mul3A_191] : memref<256xi32, #tpu.memory_space<vmem>> -> memref<16xi32, #tpu.memory_space<vmem>>
        %dma_start3A_200 = arith.constant 0 : i32
        %dma_start3A_201 = arith.constant 0 : i32
        %dma_start3A_202 = tpu.memref_slice %arg2[%dma_start3A_200, %dma_start3A_201] : memref<21760x1024xf32, #tpu.memory_space<hbm>> -> memref<21760x1024xf32, #tpu.memory_space<hbm>>
        tpu.enqueue_indirect_dma source(%dma_start3A_202 : memref<21760x1024xf32, #tpu.memory_space<hbm>>) target(%dma_start3A_198 : memref<16x1024xf32, #tpu.memory_space<vmem>>) offsets(%dma_start3A_199 : memref<16xi32, #tpu.memory_space<vmem>>) semaphore(%arg15 : memref<!tpu.dma_semaphore, #tpu.memory_space<semaphore_mem>>)
        %dma_start3A_203 = arith.constant 0 : i32
        %dma_start3A_204 = arith.constant 0 : i32
        %dma_start3A_205 = arith.constant 0 : i32
        %dma_start3A_206 = tpu.memref_slice %arg9[%dma_start3A_203, %dma_start3A_204, %dma_start3A_205] : memref<2x16x1024xf32, #tpu.memory_space<vmem>> -> memref<1x16x1024xf32, #tpu.memory_space<vmem>>
        %dma_start3A_207 = tpu.memref_squeeze %dma_start3A_206 : memref<1x16x1024xf32, #tpu.memory_space<vmem>> -> memref<16x1024xf32, #tpu.memory_space<vmem>>
        %dma_start3A_208 = tpu.memref_slice %arg12[%mul3A_193] : memref<256xi32, #tpu.memory_space<vmem>> -> memref<16xi32, #tpu.memory_space<vmem>>
        %dma_start3A_209 = arith.constant 0 : i32
        %dma_start3A_210 = arith.constant 0 : i32
        %dma_start3A_211 = tpu.memref_slice %arg2[%dma_start3A_209, %dma_start3A_210] : memref<21760x1024xf32, #tpu.memory_space<hbm>> -> memref<21760x1024xf32, #tpu.memory_space<hbm>>
        tpu.enqueue_indirect_dma source(%dma_start3A_211 : memref<21760x1024xf32, #tpu.memory_space<hbm>>) target(%dma_start3A_207 : memref<16x1024xf32, #tpu.memory_space<vmem>>) offsets(%dma_start3A_208 : memref<16xi32, #tpu.memory_space<vmem>>) semaphore(%arg17 : memref<!tpu.dma_semaphore, #tpu.memory_space<semaphore_mem>>)
      } else {
      }
      %ge3A_129 = arith.constant 2 : i32
      %ge3A_130 = arith.cmpi sge, %add3A_123, %ge3A_129 : i32
      %convert_element_type3A_131 = arith.extui %ge3A_130 : i1 to i32
      %cond3A_132 = arith.constant 0 : i32
      %cond3A_133 = arith.cmpi ne, %convert_element_type3A_131, %cond3A_132 : i32
      scf.if %cond3A_133 {
        %sub3A = arith.constant 2 : i32
        %sub3A_188 = arith.subi %add3A_123, %sub3A : i32
        %mul3A_189 = arith.constant 16 : i32
        %mul3A_190 = arith.muli %sub3A_188, %mul3A_189 : i32
        %add3A_191 = arith.addi %mul3A_2, %mul3A_190 : i32
        %dma_wait3A_192 = arith.constant 1 : i32
        %dma_wait3A_193 = arith.constant 0 : i32
        %dma_wait3A_194 = arith.constant 0 : i32
        %dma_wait3A_195 = tpu.memref_slice %arg10[%dma_wait3A_192, %dma_wait3A_193, %dma_wait3A_194] : memref<2x16x1024xf32, #tpu.memory_space<vmem>> -> memref<1x16x1024xf32, #tpu.memory_space<vmem>>
        %dma_wait3A_196 = tpu.memref_squeeze %dma_wait3A_195 : memref<1x16x1024xf32, #tpu.memory_space<vmem>> -> memref<16x1024xf32, #tpu.memory_space<vmem>>
        %dma_wait3A_197 = arith.constant 0 : i32
        %dma_wait3A_198 = tpu.memref_slice %arg7[%add3A_191, %dma_wait3A_197] : memref<8192x1024xf32, #tpu.memory_space<hbm>> -> memref<16x1024xf32, #tpu.memory_space<hbm>>
        %dma_wait3A_199 = arith.constant 0 : i32
        %dma_wait3A_200 = tpu.memref_slice %arg7[%add3A_191, %dma_wait3A_199] : memref<8192x1024xf32, #tpu.memory_space<hbm>> -> memref<16x1024xf32, #tpu.memory_space<hbm>>
        %dma_wait3A_201 = arith.constant 0 : i32
        %dma_wait3A_202 = arith.constant 0 : i32
        %dma_wait3A_203 = tpu.memref_slice %arg10[%dma_wait3A_192, %dma_wait3A_201, %dma_wait3A_202] : memref<2x16x1024xf32, #tpu.memory_space<vmem>> -> memref<1x16x1024xf32, #tpu.memory_space<vmem>>
        %dma_wait3A_204 = tpu.memref_squeeze %dma_wait3A_203 : memref<1x16x1024xf32, #tpu.memory_space<vmem>> -> memref<16x1024xf32, #tpu.memory_space<vmem>>
        tpu.wait_dma2 semaphore(%arg20 : memref<!tpu.dma_semaphore, #tpu.memory_space<semaphore_mem>>) src(%dma_wait3A_204 : memref<16x1024xf32, #tpu.memory_space<vmem>>) dst(%dma_wait3A_200 : memref<16x1024xf32, #tpu.memory_space<hbm>>)
      } else {
      }
      %mul3A_134 = arith.constant 16 : i32
      %mul3A_135 = arith.muli %add3A_123, %mul3A_134 : i32
      %mul3A_136 = arith.constant 16 : i32
      %mul3A_137 = arith.muli %add3A_123, %mul3A_136 : i32
      %dma_wait3A_138 = arith.constant 1 : i32
      %dma_wait3A_139 = arith.constant 0 : i32
      %dma_wait3A_140 = arith.constant 0 : i32
      %dma_wait3A_141 = tpu.memref_slice %arg8[%dma_wait3A_138, %dma_wait3A_139, %dma_wait3A_140] : memref<2x16x1024xf32, #tpu.memory_space<vmem>> -> memref<1x16x1024xf32, #tpu.memory_space<vmem>>
      %dma_wait3A_142 = tpu.memref_squeeze %dma_wait3A_141 : memref<1x16x1024xf32, #tpu.memory_space<vmem>> -> memref<16x1024xf32, #tpu.memory_space<vmem>>
      %dma_wait3A_143 = tpu.memref_slice %arg11[%mul3A_135] : memref<256xi32, #tpu.memory_space<vmem>> -> memref<16xi32, #tpu.memory_space<vmem>>
      %dma_wait3A_144 = arith.constant 0 : i32
      %dma_wait3A_145 = arith.constant 0 : i32
      %dma_wait3A_146 = tpu.memref_slice %arg2[%dma_wait3A_144, %dma_wait3A_145] : memref<21760x1024xf32, #tpu.memory_space<hbm>> -> memref<21760x1024xf32, #tpu.memory_space<hbm>>
      tpu.wait_indirect_dma semaphore(%arg16 : memref<!tpu.dma_semaphore, #tpu.memory_space<semaphore_mem>>) src(%dma_wait3A_146 : memref<21760x1024xf32, #tpu.memory_space<hbm>>) dst(%dma_wait3A_142 : memref<16x1024xf32, #tpu.memory_space<vmem>>)
      %dma_wait3A_147 = arith.constant 1 : i32
      %dma_wait3A_148 = arith.constant 0 : i32
      %dma_wait3A_149 = arith.constant 0 : i32
      %dma_wait3A_150 = tpu.memref_slice %arg9[%dma_wait3A_147, %dma_wait3A_148, %dma_wait3A_149] : memref<2x16x1024xf32, #tpu.memory_space<vmem>> -> memref<1x16x1024xf32, #tpu.memory_space<vmem>>
      %dma_wait3A_151 = tpu.memref_squeeze %dma_wait3A_150 : memref<1x16x1024xf32, #tpu.memory_space<vmem>> -> memref<16x1024xf32, #tpu.memory_space<vmem>>
      %dma_wait3A_152 = tpu.memref_slice %arg12[%mul3A_137] : memref<256xi32, #tpu.memory_space<vmem>> -> memref<16xi32, #tpu.memory_space<vmem>>
      %dma_wait3A_153 = arith.constant 0 : i32
      %dma_wait3A_154 = arith.constant 0 : i32
      %dma_wait3A_155 = tpu.memref_slice %arg2[%dma_wait3A_153, %dma_wait3A_154] : memref<21760x1024xf32, #tpu.memory_space<hbm>> -> memref<21760x1024xf32, #tpu.memory_space<hbm>>
      tpu.wait_indirect_dma semaphore(%arg18 : memref<!tpu.dma_semaphore, #tpu.memory_space<semaphore_mem>>) src(%dma_wait3A_155 : memref<21760x1024xf32, #tpu.memory_space<hbm>>) dst(%dma_wait3A_151 : memref<16x1024xf32, #tpu.memory_space<vmem>>)
      %mul3A_156 = arith.constant 16 : i32
      %mul3A_157 = arith.muli %add3A_123, %mul3A_156 : i32
      %get3A_158 = arith.index_cast %mul3A_157 : i32 to index
      %get3A_159 = tpu.vector_load %arg13[%get3A_158] {strides = array<i32>} : memref<256xf32, #tpu.memory_space<vmem>>, vector<16xf32>,
      %get3A_160 = vector.shape_cast %get3A_159 : vector<16xf32> to vector<16xf32>
      %mul3A_161 = arith.constant 16 : i32
      %mul3A_162 = arith.muli %add3A_123, %mul3A_161 : i32
      %get3A_163 = arith.index_cast %mul3A_162 : i32 to index
      %get3A_164 = tpu.vector_load %arg14[%get3A_163] {strides = array<i32>} : memref<256xf32, #tpu.memory_space<vmem>>, vector<16xf32>,
      %get3A_165 = vector.shape_cast %get3A_164 : vector<16xf32> to vector<16xf32>
      %scan3A_166 = arith.constant 0 : i32
      %scan3A_167 = arith.constant 0 : i32
      %scan3A_168 = arith.constant 16 : i32
      %scan3A_169 = arith.addi %scan3A_167, %scan3A_168 : i32
      %scan3A_170 = arith.constant 1 : i32
      scf.for %scan3A_188 = %scan3A_167 to %scan3A_169 step %scan3A_170  : i32 {
        %broadcast_in_dim3A = vector.broadcast %scan3A_188 : i32 to vector<16x1xi32>
        %gather3A = vector.shape_cast %broadcast_in_dim3A : vector<16x1xi32> to vector<16xi32>
        %gather3A_189 = tpu.dynamic_gather %get3A_160[%gather3A] in [0] : vector<16xf32>, vector<16xi32> -> vector<16xf32>
        %broadcast_in_dim3A_190 = vector.broadcast %scan3A_188 : i32 to vector<16x1xi32>
        %gather3A_191 = vector.shape_cast %broadcast_in_dim3A_190 : vector<16x1xi32> to vector<16xi32>
        %gather3A_192 = tpu.dynamic_gather %get3A_165[%gather3A_191] in [0] : vector<16xf32>, vector<16xi32> -> vector<16xf32>
        %get3A_193 = arith.constant 1 : i32
        %get3A_194 = arith.index_cast %get3A_193 : i32 to index
        %get3A_195 = arith.index_cast %scan3A_188 : i32 to index
        %get3A_196 = arith.constant 0 : index
        %get3A_197 = tpu.vector_load %arg8[%get3A_194, %get3A_195, %get3A_196] {strides = array<i32>} : memref<2x16x1024xf32, #tpu.memory_space<vmem>>, vector<1x1x16xf32>,
        %get3A_198 = vector.shape_cast %get3A_197 : vector<1x1x16xf32> to vector<16xf32>
        %get3A_199 = arith.constant 1 : i32
        %get3A_200 = arith.index_cast %get3A_199 : i32 to index
        %get3A_201 = arith.index_cast %scan3A_188 : i32 to index
        %get3A_202 = arith.constant 0 : index
        %get3A_203 = tpu.vector_load %arg9[%get3A_200, %get3A_201, %get3A_202] {strides = array<i32>} : memref<2x16x1024xf32, #tpu.memory_space<vmem>>, vector<1x1x16xf32>,
        %get3A_204 = vector.shape_cast %get3A_203 : vector<1x1x16xf32> to vector<16xf32>
        %mul3A_205 = arith.mulf %get3A_198, %gather3A_189 : vector<16xf32>
        %mul3A_206 = arith.mulf %get3A_204, %gather3A_192 : vector<16xf32>
        %add3A_207 = arith.addf %mul3A_205, %mul3A_206 : vector<16xf32>
        %swap3A = arith.constant 1 : i32
        %swap3A_208 = arith.index_cast %swap3A : i32 to index
        %swap3A_209 = arith.index_cast %scan3A_188 : i32 to index
        %swap3A_210 = arith.constant 0 : index
        %swap3A_211 = tpu.vector_load %arg10[%swap3A_208, %swap3A_209, %swap3A_210] {strides = array<i32>} : memref<2x16x1024xf32, #tpu.memory_space<vmem>>, vector<1x1x16xf32>,
        %swap3A_212 = vector.shape_cast %swap3A_211 : vector<1x1x16xf32> to vector<16xf32>
        %swap3A_213 = vector.shape_cast %add3A_207 : vector<16xf32> to vector<1x1x16xf32>
        tpu.vector_store %arg10[%swap3A_208, %swap3A_209, %swap3A_210], %swap3A_213 {strides = array<i32>} : memref<2x16x1024xf32, #tpu.memory_space<vmem>>, vector<1x1x16xf32>,
        %get3A_214 = arith.constant 1 : i32
        %get3A_215 = arith.index_cast %get3A_214 : i32 to index
        %get3A_216 = arith.index_cast %scan3A_188 : i32 to index
        %get3A_217 = arith.constant 16 : index
        %get3A_218 = tpu.vector_load %arg8[%get3A_215, %get3A_216, %get3A_217] {strides = array<i32>} : memref<2x16x1024xf32, #tpu.memory_space<vmem>>, vector<1x1x16xf32>,
        %get3A_219 = vector.shape_cast %get3A_218 : vector<1x1x16xf32> to vector<16xf32>
        %get3A_220 = arith.constant 1 : i32
        %get3A_221 = arith.index_cast %get3A_220 : i32 to index
        %get3A_222 = arith.index_cast %scan3A_188 : i32 to index
        %get3A_223 = arith.constant 16 : index
        %get3A_224 = tpu.vector_load %arg9[%get3A_221, %get3A_222, %get3A_223] {strides = array<i32>} : memref<2x16x1024xf32, #tpu.memory_space<vmem>>, vector<1x1x16xf32>,
        %get3A_225 = vector.shape_cast %get3A_224 : vector<1x1x16xf32> to vector<16xf32>
        %mul3A_226 = arith.mulf %get3A_219, %gather3A_189 : vector<16xf32>
        %mul3A_227 = arith.mulf %get3A_225, %gather3A_192 : vector<16xf32>
        %add3A_228 = arith.addf %mul3A_226, %mul3A_227 : vector<16xf32>
        %swap3A_229 = arith.constant 1 : i32
        %swap3A_230 = arith.index_cast %swap3A_229 : i32 to index
        %swap3A_231 = arith.index_cast %scan3A_188 : i32 to index
        %swap3A_232 = arith.constant 16 : index
        %swap3A_233 = tpu.vector_load %arg10[%swap3A_230, %swap3A_231, %swap3A_232] {strides = array<i32>} : memref<2x16x1024xf32, #tpu.memory_space<vmem>>, vector<1x1x16xf32>,
        %swap3A_234 = vector.shape_cast %swap3A_233 : vector<1x1x16xf32> to vector<16xf32>
        %swap3A_235 = vector.shape_cast %add3A_228 : vector<16xf32> to vector<1x1x16xf32>
        tpu.vector_store %arg10[%swap3A_230, %swap3A_231, %swap3A_232], %swap3A_235 {strides = array<i32>} : memref<2x16x1024xf32, #tpu.memory_space<vmem>>, vector<1x1x16xf32>,
        %get3A_236 = arith.constant 1 : i32
        %get3A_237 = arith.index_cast %get3A_236 : i32 to index
        %get3A_238 = arith.index_cast %scan3A_188 : i32 to index
        %get3A_239 = arith.constant 32 : index
        %get3A_240 = tpu.vector_load %arg8[%get3A_237, %get3A_238, %get3A_239] {strides = array<i32>} : memref<2x16x1024xf32, #tpu.memory_space<vmem>>, vector<1x1x16xf32>,
        %get3A_241 = vector.shape_cast %get3A_240 : vector<1x1x16xf32> to vector<16xf32>
        %get3A_242 = arith.constant 1 : i32
        %get3A_243 = arith.index_cast %get3A_242 : i32 to index
        %get3A_244 = arith.index_cast %scan3A_188 : i32 to index
        %get3A_245 = arith.constant 32 : index
        %get3A_246 = tpu.vector_load %arg9[%get3A_243, %get3A_244, %get3A_245] {strides = array<i32>} : memref<2x16x1024xf32, #tpu.memory_space<vmem>>, vector<1x1x16xf32>,
        %get3A_247 = vector.shape_cast %get3A_246 : vector<1x1x16xf32> to vector<16xf32>
        %mul3A_248 = arith.mulf %get3A_241, %gather3A_189 : vector<16xf32>
        %mul3A_249 = arith.mulf %get3A_247, %gather3A_192 : vector<16xf32>
        %add3A_250 = arith.addf %mul3A_248, %mul3A_249 : vector<16xf32>
        %swap3A_251 = arith.constant 1 : i32
        %swap3A_252 = arith.index_cast %swap3A_251 : i32 to index
        %swap3A_253 = arith.index_cast %scan3A_188 : i32 to index
        %swap3A_254 = arith.constant 32 : index
        %swap3A_255 = tpu.vector_load %arg10[%swap3A_252, %swap3A_253, %swap3A_254] {strides = array<i32>} : memref<2x16x1024xf32, #tpu.memory_space<vmem>>, vector<1x1x16xf32>,
        %swap3A_256 = vector.shape_cast %swap3A_255 : vector<1x1x16xf32> to vector<16xf32>
        %swap3A_257 = vector.shape_cast %add3A_250 : vector<16xf32> to vector<1x1x16xf32>
        tpu.vector_store %arg10[%swap3A_252, %swap3A_253, %swap3A_254], %swap3A_257 {strides = array<i32>} : memref<2x16x1024xf32, #tpu.memory_space<vmem>>, vector<1x1x16xf32>,
        %get3A_258 = arith.constant 1 : i32
        %get3A_259 = arith.index_cast %get3A_258 : i32 to index
        %get3A_260 = arith.index_cast %scan3A_188 : i32 to index
        %get3A_261 = arith.constant 48 : index
        %get3A_262 = tpu.vector_load %arg8[%get3A_259, %get3A_260, %get3A_261] {strides = array<i32>} : memref<2x16x1024xf32, #tpu.memory_space<vmem>>, vector<1x1x16xf32>,
        %get3A_263 = vector.shape_cast %get3A_262 : vector<1x1x16xf32> to vector<16xf32>
        %get3A_264 = arith.constant 1 : i32
        %get3A_265 = arith.index_cast %get3A_264 : i32 to index
        %get3A_266 = arith.index_cast %scan3A_188 : i32 to index
        %get3A_267 = arith.constant 48 : index
        %get3A_268 = tpu.vector_load %arg9[%get3A_265, %get3A_266, %get3A_267] {strides = array<i32>} : memref<2x16x1024xf32, #tpu.memory_space<vmem>>, vector<1x1x16xf32>,
        %get3A_269 = vector.shape_cast %get3A_268 : vector<1x1x16xf32> to vector<16xf32>
        %mul3A_270 = arith.mulf %get3A_263, %gather3A_189 : vector<16xf32>
        %mul3A_271 = arith.mulf %get3A_269, %gather3A_192 : vector<16xf32>
        %add3A_272 = arith.addf %mul3A_270, %mul3A_271 : vector<16xf32>
        %swap3A_273 = arith.constant 1 : i32
        %swap3A_274 = arith.index_cast %swap3A_273 : i32 to index
        %swap3A_275 = arith.index_cast %scan3A_188 : i32 to index
        %swap3A_276 = arith.constant 48 : index
        %swap3A_277 = tpu.vector_load %arg10[%swap3A_274, %swap3A_275, %swap3A_276] {strides = array<i32>} : memref<2x16x1024xf32, #tpu.memory_space<vmem>>, vector<1x1x16xf32>,
        %swap3A_278 = vector.shape_cast %swap3A_277 : vector<1x1x16xf32> to vector<16xf32>
        %swap3A_279 = vector.shape_cast %add3A_272 : vector<16xf32> to vector<1x1x16xf32>
        tpu.vector_store %arg10[%swap3A_274, %swap3A_275, %swap3A_276], %swap3A_279 {strides = array<i32>} : memref<2x16x1024xf32, #tpu.memory_space<vmem>>, vector<1x1x16xf32>,
        %get3A_280 = arith.constant 1 : i32
        %get3A_281 = arith.index_cast %get3A_280 : i32 to index
        %get3A_282 = arith.index_cast %scan3A_188 : i32 to index
        %get3A_283 = arith.constant 64 : index
        %get3A_284 = tpu.vector_load %arg8[%get3A_281, %get3A_282, %get3A_283] {strides = array<i32>} : memref<2x16x1024xf32, #tpu.memory_space<vmem>>, vector<1x1x16xf32>,
        %get3A_285 = vector.shape_cast %get3A_284 : vector<1x1x16xf32> to vector<16xf32>
        %get3A_286 = arith.constant 1 : i32
        %get3A_287 = arith.index_cast %get3A_286 : i32 to index
        %get3A_288 = arith.index_cast %scan3A_188 : i32 to index
        %get3A_289 = arith.constant 64 : index
        %get3A_290 = tpu.vector_load %arg9[%get3A_287, %get3A_288, %get3A_289] {strides = array<i32>} : memref<2x16x1024xf32, #tpu.memory_space<vmem>>, vector<1x1x16xf32>,
        %get3A_291 = vector.shape_cast %get3A_290 : vector<1x1x16xf32> to vector<16xf32>
        %mul3A_292 = arith.mulf %get3A_285, %gather3A_189 : vector<16xf32>
        %mul3A_293 = arith.mulf %get3A_291, %gather3A_192 : vector<16xf32>
        %add3A_294 = arith.addf %mul3A_292, %mul3A_293 : vector<16xf32>
        %swap3A_295 = arith.constant 1 : i32
        %swap3A_296 = arith.index_cast %swap3A_295 : i32 to index
        %swap3A_297 = arith.index_cast %scan3A_188 : i32 to index
        %swap3A_298 = arith.constant 64 : index
        %swap3A_299 = tpu.vector_load %arg10[%swap3A_296, %swap3A_297, %swap3A_298] {strides = array<i32>} : memref<2x16x1024xf32, #tpu.memory_space<vmem>>, vector<1x1x16xf32>,
        %swap3A_300 = vector.shape_cast %swap3A_299 : vector<1x1x16xf32> to vector<16xf32>
        %swap3A_301 = vector.shape_cast %add3A_294 : vector<16xf32> to vector<1x1x16xf32>
        tpu.vector_store %arg10[%swap3A_296, %swap3A_297, %swap3A_298], %swap3A_301 {strides = array<i32>} : memref<2x16x1024xf32, #tpu.memory_space<vmem>>, vector<1x1x16xf32>,
        %get3A_302 = arith.constant 1 : i32
        %get3A_303 = arith.index_cast %get3A_302 : i32 to index
        %get3A_304 = arith.index_cast %scan3A_188 : i32 to index
        %get3A_305 = arith.constant 80 : index
        %get3A_306 = tpu.vector_load %arg8[%get3A_303, %get3A_304, %get3A_305] {strides = array<i32>} : memref<2x16x1024xf32, #tpu.memory_space<vmem>>, vector<1x1x16xf32>,
        %get3A_307 = vector.shape_cast %get3A_306 : vector<1x1x16xf32> to vector<16xf32>
        %get3A_308 = arith.constant 1 : i32
        %get3A_309 = arith.index_cast %get3A_308 : i32 to index
        %get3A_310 = arith.index_cast %scan3A_188 : i32 to index
        %get3A_311 = arith.constant 80 : index
        %get3A_312 = tpu.vector_load %arg9[%get3A_309, %get3A_310, %get3A_311] {strides = array<i32>} : memref<2x16x1024xf32, #tpu.memory_space<vmem>>, vector<1x1x16xf32>,
        %get3A_313 = vector.shape_cast %get3A_312 : vector<1x1x16xf32> to vector<16xf32>
        %mul3A_314 = arith.mulf %get3A_307, %gather3A_189 : vector<16xf32>
        %mul3A_315 = arith.mulf %get3A_313, %gather3A_192 : vector<16xf32>
        %add3A_316 = arith.addf %mul3A_314, %mul3A_315 : vector<16xf32>
        %swap3A_317 = arith.constant 1 : i32
        %swap3A_318 = arith.index_cast %swap3A_317 : i32 to index
        %swap3A_319 = arith.index_cast %scan3A_188 : i32 to index
        %swap3A_320 = arith.constant 80 : index
        %swap3A_321 = tpu.vector_load %arg10[%swap3A_318, %swap3A_319, %swap3A_320] {strides = array<i32>} : memref<2x16x1024xf32, #tpu.memory_space<vmem>>, vector<1x1x16xf32>,
        %swap3A_322 = vector.shape_cast %swap3A_321 : vector<1x1x16xf32> to vector<16xf32>
        %swap3A_323 = vector.shape_cast %add3A_316 : vector<16xf32> to vector<1x1x16xf32>
        tpu.vector_store %arg10[%swap3A_318, %swap3A_319, %swap3A_320], %swap3A_323 {strides = array<i32>} : memref<2x16x1024xf32, #tpu.memory_space<vmem>>, vector<1x1x16xf32>,
        %get3A_324 = arith.constant 1 : i32
        %get3A_325 = arith.index_cast %get3A_324 : i32 to index
        %get3A_326 = arith.index_cast %scan3A_188 : i32 to index
        %get3A_327 = arith.constant 96 : index
        %get3A_328 = tpu.vector_load %arg8[%get3A_325, %get3A_326, %get3A_327] {strides = array<i32>} : memref<2x16x1024xf32, #tpu.memory_space<vmem>>, vector<1x1x16xf32>,
        %get3A_329 = vector.shape_cast %get3A_328 : vector<1x1x16xf32> to vector<16xf32>
        %get3A_330 = arith.constant 1 : i32
        %get3A_331 = arith.index_cast %get3A_330 : i32 to index
        %get3A_332 = arith.index_cast %scan3A_188 : i32 to index
        %get3A_333 = arith.constant 96 : index
        %get3A_334 = tpu.vector_load %arg9[%get3A_331, %get3A_332, %get3A_333] {strides = array<i32>} : memref<2x16x1024xf32, #tpu.memory_space<vmem>>, vector<1x1x16xf32>,
        %get3A_335 = vector.shape_cast %get3A_334 : vector<1x1x16xf32> to vector<16xf32>
        %mul3A_336 = arith.mulf %get3A_329, %gather3A_189 : vector<16xf32>
        %mul3A_337 = arith.mulf %get3A_335, %gather3A_192 : vector<16xf32>
        %add3A_338 = arith.addf %mul3A_336, %mul3A_337 : vector<16xf32>
        %swap3A_339 = arith.constant 1 : i32
        %swap3A_340 = arith.index_cast %swap3A_339 : i32 to index
        %swap3A_341 = arith.index_cast %scan3A_188 : i32 to index
        %swap3A_342 = arith.constant 96 : index
        %swap3A_343 = tpu.vector_load %arg10[%swap3A_340, %swap3A_341, %swap3A_342] {strides = array<i32>} : memref<2x16x1024xf32, #tpu.memory_space<vmem>>, vector<1x1x16xf32>,
        %swap3A_344 = vector.shape_cast %swap3A_343 : vector<1x1x16xf32> to vector<16xf32>
        %swap3A_345 = vector.shape_cast %add3A_338 : vector<16xf32> to vector<1x1x16xf32>
        tpu.vector_store %arg10[%swap3A_340, %swap3A_341, %swap3A_342], %swap3A_345 {strides = array<i32>} : memref<2x16x1024xf32, #tpu.memory_space<vmem>>, vector<1x1x16xf32>,
        %get3A_346 = arith.constant 1 : i32
        %get3A_347 = arith.index_cast %get3A_346 : i32 to index
        %get3A_348 = arith.index_cast %scan3A_188 : i32 to index
        %get3A_349 = arith.constant 112 : index
        %get3A_350 = tpu.vector_load %arg8[%get3A_347, %get3A_348, %get3A_349] {strides = array<i32>} : memref<2x16x1024xf32, #tpu.memory_space<vmem>>, vector<1x1x16xf32>,
        %get3A_351 = vector.shape_cast %get3A_350 : vector<1x1x16xf32> to vector<16xf32>
        %get3A_352 = arith.constant 1 : i32
        %get3A_353 = arith.index_cast %get3A_352 : i32 to index
        %get3A_354 = arith.index_cast %scan3A_188 : i32 to index
        %get3A_355 = arith.constant 112 : index
        %get3A_356 = tpu.vector_load %arg9[%get3A_353, %get3A_354, %get3A_355] {strides = array<i32>} : memref<2x16x1024xf32, #tpu.memory_space<vmem>>, vector<1x1x16xf32>,
        %get3A_357 = vector.shape_cast %get3A_356 : vector<1x1x16xf32> to vector<16xf32>
        %mul3A_358 = arith.mulf %get3A_351, %gather3A_189 : vector<16xf32>
        %mul3A_359 = arith.mulf %get3A_357, %gather3A_192 : vector<16xf32>
        %add3A_360 = arith.addf %mul3A_358, %mul3A_359 : vector<16xf32>
        %swap3A_361 = arith.constant 1 : i32
        %swap3A_362 = arith.index_cast %swap3A_361 : i32 to index
        %swap3A_363 = arith.index_cast %scan3A_188 : i32 to index
        %swap3A_364 = arith.constant 112 : index
        %swap3A_365 = tpu.vector_load %arg10[%swap3A_362, %swap3A_363, %swap3A_364] {strides = array<i32>} : memref<2x16x1024xf32, #tpu.memory_space<vmem>>, vector<1x1x16xf32>,
        %swap3A_366 = vector.shape_cast %swap3A_365 : vector<1x1x16xf32> to vector<16xf32>
        %swap3A_367 = vector.shape_cast %add3A_360 : vector<16xf32> to vector<1x1x16xf32>
        tpu.vector_store %arg10[%swap3A_362, %swap3A_363, %swap3A_364], %swap3A_367 {strides = array<i32>} : memref<2x16x1024xf32, #tpu.memory_space<vmem>>, vector<1x1x16xf32>,
        %get3A_368 = arith.constant 1 : i32
        %get3A_369 = arith.index_cast %get3A_368 : i32 to index
        %get3A_370 = arith.index_cast %scan3A_188 : i32 to index
        %get3A_371 = arith.constant 128 : index
        %get3A_372 = tpu.vector_load %arg8[%get3A_369, %get3A_370, %get3A_371] {strides = array<i32>} : memref<2x16x1024xf32, #tpu.memory_space<vmem>>, vector<1x1x16xf32>,
        %get3A_373 = vector.shape_cast %get3A_372 : vector<1x1x16xf32> to vector<16xf32>
        %get3A_374 = arith.constant 1 : i32
        %get3A_375 = arith.index_cast %get3A_374 : i32 to index
        %get3A_376 = arith.index_cast %scan3A_188 : i32 to index
        %get3A_377 = arith.constant 128 : index
        %get3A_378 = tpu.vector_load %arg9[%get3A_375, %get3A_376, %get3A_377] {strides = array<i32>} : memref<2x16x1024xf32, #tpu.memory_space<vmem>>, vector<1x1x16xf32>,
        %get3A_379 = vector.shape_cast %get3A_378 : vector<1x1x16xf32> to vector<16xf32>
        %mul3A_380 = arith.mulf %get3A_373, %gather3A_189 : vector<16xf32>
        %mul3A_381 = arith.mulf %get3A_379, %gather3A_192 : vector<16xf32>
        %add3A_382 = arith.addf %mul3A_380, %mul3A_381 : vector<16xf32>
        %swap3A_383 = arith.constant 1 : i32
        %swap3A_384 = arith.index_cast %swap3A_383 : i32 to index
        %swap3A_385 = arith.index_cast %scan3A_188 : i32 to index
        %swap3A_386 = arith.constant 128 : index
        %swap3A_387 = tpu.vector_load %arg10[%swap3A_384, %swap3A_385, %swap3A_386] {strides = array<i32>} : memref<2x16x1024xf32, #tpu.memory_space<vmem>>, vector<1x1x16xf32>,
        %swap3A_388 = vector.shape_cast %swap3A_387 : vector<1x1x16xf32> to vector<16xf32>
        %swap3A_389 = vector.shape_cast %add3A_382 : vector<16xf32> to vector<1x1x16xf32>
        tpu.vector_store %arg10[%swap3A_384, %swap3A_385, %swap3A_386], %swap3A_389 {strides = array<i32>} : memref<2x16x1024xf32, #tpu.memory_space<vmem>>, vector<1x1x16xf32>,
        %get3A_390 = arith.constant 1 : i32
        %get3A_391 = arith.index_cast %get3A_390 : i32 to index
        %get3A_392 = arith.index_cast %scan3A_188 : i32 to index
        %get3A_393 = arith.constant 144 : index
        %get3A_394 = tpu.vector_load %arg8[%get3A_391, %get3A_392, %get3A_393] {strides = array<i32>} : memref<2x16x1024xf32, #tpu.memory_space<vmem>>, vector<1x1x16xf32>,
        %get3A_395 = vector.shape_cast %get3A_394 : vector<1x1x16xf32> to vector<16xf32>
        %get3A_396 = arith.constant 1 : i32
        %get3A_397 = arith.index_cast %get3A_396 : i32 to index
        %get3A_398 = arith.index_cast %scan3A_188 : i32 to index
        %get3A_399 = arith.constant 144 : index
        %get3A_400 = tpu.vector_load %arg9[%get3A_397, %get3A_398, %get3A_399] {strides = array<i32>} : memref<2x16x1024xf32, #tpu.memory_space<vmem>>, vector<1x1x16xf32>,
        %get3A_401 = vector.shape_cast %get3A_400 : vector<1x1x16xf32> to vector<16xf32>
        %mul3A_402 = arith.mulf %get3A_395, %gather3A_189 : vector<16xf32>
        %mul3A_403 = arith.mulf %get3A_401, %gather3A_192 : vector<16xf32>
        %add3A_404 = arith.addf %mul3A_402, %mul3A_403 : vector<16xf32>
        %swap3A_405 = arith.constant 1 : i32
        %swap3A_406 = arith.index_cast %swap3A_405 : i32 to index
        %swap3A_407 = arith.index_cast %scan3A_188 : i32 to index
        %swap3A_408 = arith.constant 144 : index
        %swap3A_409 = tpu.vector_load %arg10[%swap3A_406, %swap3A_407, %swap3A_408] {strides = array<i32>} : memref<2x16x1024xf32, #tpu.memory_space<vmem>>, vector<1x1x16xf32>,
        %swap3A_410 = vector.shape_cast %swap3A_409 : vector<1x1x16xf32> to vector<16xf32>
        %swap3A_411 = vector.shape_cast %add3A_404 : vector<16xf32> to vector<1x1x16xf32>
        tpu.vector_store %arg10[%swap3A_406, %swap3A_407, %swap3A_408], %swap3A_411 {strides = array<i32>} : memref<2x16x1024xf32, #tpu.memory_space<vmem>>, vector<1x1x16xf32>,
        %get3A_412 = arith.constant 1 : i32
        %get3A_413 = arith.index_cast %get3A_412 : i32 to index
        %get3A_414 = arith.index_cast %scan3A_188 : i32 to index
        %get3A_415 = arith.constant 160 : index
        %get3A_416 = tpu.vector_load %arg8[%get3A_413, %get3A_414, %get3A_415] {strides = array<i32>} : memref<2x16x1024xf32, #tpu.memory_space<vmem>>, vector<1x1x16xf32>,
        %get3A_417 = vector.shape_cast %get3A_416 : vector<1x1x16xf32> to vector<16xf32>
        %get3A_418 = arith.constant 1 : i32
        %get3A_419 = arith.index_cast %get3A_418 : i32 to index
        %get3A_420 = arith.index_cast %scan3A_188 : i32 to index
        %get3A_421 = arith.constant 160 : index
        %get3A_422 = tpu.vector_load %arg9[%get3A_419, %get3A_420, %get3A_421] {strides = array<i32>} : memref<2x16x1024xf32, #tpu.memory_space<vmem>>, vector<1x1x16xf32>,
        %get3A_423 = vector.shape_cast %get3A_422 : vector<1x1x16xf32> to vector<16xf32>
        %mul3A_424 = arith.mulf %get3A_417, %gather3A_189 : vector<16xf32>
        %mul3A_425 = arith.mulf %get3A_423, %gather3A_192 : vector<16xf32>
        %add3A_426 = arith.addf %mul3A_424, %mul3A_425 : vector<16xf32>
        %swap3A_427 = arith.constant 1 : i32
        %swap3A_428 = arith.index_cast %swap3A_427 : i32 to index
        %swap3A_429 = arith.index_cast %scan3A_188 : i32 to index
        %swap3A_430 = arith.constant 160 : index
        %swap3A_431 = tpu.vector_load %arg10[%swap3A_428, %swap3A_429, %swap3A_430] {strides = array<i32>} : memref<2x16x1024xf32, #tpu.memory_space<vmem>>, vector<1x1x16xf32>,
        %swap3A_432 = vector.shape_cast %swap3A_431 : vector<1x1x16xf32> to vector<16xf32>
        %swap3A_433 = vector.shape_cast %add3A_426 : vector<16xf32> to vector<1x1x16xf32>
        tpu.vector_store %arg10[%swap3A_428, %swap3A_429, %swap3A_430], %swap3A_433 {strides = array<i32>} : memref<2x16x1024xf32, #tpu.memory_space<vmem>>, vector<1x1x16xf32>,
        %get3A_434 = arith.constant 1 : i32
        %get3A_435 = arith.index_cast %get3A_434 : i32 to index
        %get3A_436 = arith.index_cast %scan3A_188 : i32 to index
        %get3A_437 = arith.constant 176 : index
        %get3A_438 = tpu.vector_load %arg8[%get3A_435, %get3A_436, %get3A_437] {strides = array<i32>} : memref<2x16x1024xf32, #tpu.memory_space<vmem>>, vector<1x1x16xf32>,
        %get3A_439 = vector.shape_cast %get3A_438 : vector<1x1x16xf32> to vector<16xf32>
        %get3A_440 = arith.constant 1 : i32
        %get3A_441 = arith.index_cast %get3A_440 : i32 to index
        %get3A_442 = arith.index_cast %scan3A_188 : i32 to index
        %get3A_443 = arith.constant 176 : index
        %get3A_444 = tpu.vector_load %arg9[%get3A_441, %get3A_442, %get3A_443] {strides = array<i32>} : memref<2x16x1024xf32, #tpu.memory_space<vmem>>, vector<1x1x16xf32>,
        %get3A_445 = vector.shape_cast %get3A_444 : vector<1x1x16xf32> to vector<16xf32>
        %mul3A_446 = arith.mulf %get3A_439, %gather3A_189 : vector<16xf32>
        %mul3A_447 = arith.mulf %get3A_445, %gather3A_192 : vector<16xf32>
        %add3A_448 = arith.addf %mul3A_446, %mul3A_447 : vector<16xf32>
        %swap3A_449 = arith.constant 1 : i32
        %swap3A_450 = arith.index_cast %swap3A_449 : i32 to index
        %swap3A_451 = arith.index_cast %scan3A_188 : i32 to index
        %swap3A_452 = arith.constant 176 : index
        %swap3A_453 = tpu.vector_load %arg10[%swap3A_450, %swap3A_451, %swap3A_452] {strides = array<i32>} : memref<2x16x1024xf32, #tpu.memory_space<vmem>>, vector<1x1x16xf32>,
        %swap3A_454 = vector.shape_cast %swap3A_453 : vector<1x1x16xf32> to vector<16xf32>
        %swap3A_455 = vector.shape_cast %add3A_448 : vector<16xf32> to vector<1x1x16xf32>
        tpu.vector_store %arg10[%swap3A_450, %swap3A_451, %swap3A_452], %swap3A_455 {strides = array<i32>} : memref<2x16x1024xf32, #tpu.memory_space<vmem>>, vector<1x1x16xf32>,
        %get3A_456 = arith.constant 1 : i32
        %get3A_457 = arith.index_cast %get3A_456 : i32 to index
        %get3A_458 = arith.index_cast %scan3A_188 : i32 to index
        %get3A_459 = arith.constant 192 : index
        %get3A_460 = tpu.vector_load %arg8[%get3A_457, %get3A_458, %get3A_459] {strides = array<i32>} : memref<2x16x1024xf32, #tpu.memory_space<vmem>>, vector<1x1x16xf32>,
        %get3A_461 = vector.shape_cast %get3A_460 : vector<1x1x16xf32> to vector<16xf32>
        %get3A_462 = arith.constant 1 : i32
        %get3A_463 = arith.index_cast %get3A_462 : i32 to index
        %get3A_464 = arith.index_cast %scan3A_188 : i32 to index
        %get3A_465 = arith.constant 192 : index
        %get3A_466 = tpu.vector_load %arg9[%get3A_463, %get3A_464, %get3A_465] {strides = array<i32>} : memref<2x16x1024xf32, #tpu.memory_space<vmem>>, vector<1x1x16xf32>,
        %get3A_467 = vector.shape_cast %get3A_466 : vector<1x1x16xf32> to vector<16xf32>
        %mul3A_468 = arith.mulf %get3A_461, %gather3A_189 : vector<16xf32>
        %mul3A_469 = arith.mulf %get3A_467, %gather3A_192 : vector<16xf32>
        %add3A_470 = arith.addf %mul3A_468, %mul3A_469 : vector<16xf32>
        %swap3A_471 = arith.constant 1 : i32
        %swap3A_472 = arith.index_cast %swap3A_471 : i32 to index
        %swap3A_473 = arith.index_cast %scan3A_188 : i32 to index
        %swap3A_474 = arith.constant 192 : index
        %swap3A_475 = tpu.vector_load %arg10[%swap3A_472, %swap3A_473, %swap3A_474] {strides = array<i32>} : memref<2x16x1024xf32, #tpu.memory_space<vmem>>, vector<1x1x16xf32>,
        %swap3A_476 = vector.shape_cast %swap3A_475 : vector<1x1x16xf32> to vector<16xf32>
        %swap3A_477 = vector.shape_cast %add3A_470 : vector<16xf32> to vector<1x1x16xf32>
        tpu.vector_store %arg10[%swap3A_472, %swap3A_473, %swap3A_474], %swap3A_477 {strides = array<i32>} : memref<2x16x1024xf32, #tpu.memory_space<vmem>>, vector<1x1x16xf32>,
        %get3A_478 = arith.constant 1 : i32
        %get3A_479 = arith.index_cast %get3A_478 : i32 to index
        %get3A_480 = arith.index_cast %scan3A_188 : i32 to index
        %get3A_481 = arith.constant 208 : index
        %get3A_482 = tpu.vector_load %arg8[%get3A_479, %get3A_480, %get3A_481] {strides = array<i32>} : memref<2x16x1024xf32, #tpu.memory_space<vmem>>, vector<1x1x16xf32>,
        %get3A_483 = vector.shape_cast %get3A_482 : vector<1x1x16xf32> to vector<16xf32>
        %get3A_484 = arith.constant 1 : i32
        %get3A_485 = arith.index_cast %get3A_484 : i32 to index
        %get3A_486 = arith.index_cast %scan3A_188 : i32 to index
        %get3A_487 = arith.constant 208 : index
        %get3A_488 = tpu.vector_load %arg9[%get3A_485, %get3A_486, %get3A_487] {strides = array<i32>} : memref<2x16x1024xf32, #tpu.memory_space<vmem>>, vector<1x1x16xf32>,
        %get3A_489 = vector.shape_cast %get3A_488 : vector<1x1x16xf32> to vector<16xf32>
        %mul3A_490 = arith.mulf %get3A_483, %gather3A_189 : vector<16xf32>
        %mul3A_491 = arith.mulf %get3A_489, %gather3A_192 : vector<16xf32>
        %add3A_492 = arith.addf %mul3A_490, %mul3A_491 : vector<16xf32>
        %swap3A_493 = arith.constant 1 : i32
        %swap3A_494 = arith.index_cast %swap3A_493 : i32 to index
        %swap3A_495 = arith.index_cast %scan3A_188 : i32 to index
        %swap3A_496 = arith.constant 208 : index
        %swap3A_497 = tpu.vector_load %arg10[%swap3A_494, %swap3A_495, %swap3A_496] {strides = array<i32>} : memref<2x16x1024xf32, #tpu.memory_space<vmem>>, vector<1x1x16xf32>,
        %swap3A_498 = vector.shape_cast %swap3A_497 : vector<1x1x16xf32> to vector<16xf32>
        %swap3A_499 = vector.shape_cast %add3A_492 : vector<16xf32> to vector<1x1x16xf32>
        tpu.vector_store %arg10[%swap3A_494, %swap3A_495, %swap3A_496], %swap3A_499 {strides = array<i32>} : memref<2x16x1024xf32, #tpu.memory_space<vmem>>, vector<1x1x16xf32>,
        %get3A_500 = arith.constant 1 : i32
        %get3A_501 = arith.index_cast %get3A_500 : i32 to index
        %get3A_502 = arith.index_cast %scan3A_188 : i32 to index
        %get3A_503 = arith.constant 224 : index
        %get3A_504 = tpu.vector_load %arg8[%get3A_501, %get3A_502, %get3A_503] {strides = array<i32>} : memref<2x16x1024xf32, #tpu.memory_space<vmem>>, vector<1x1x16xf32>,
        %get3A_505 = vector.shape_cast %get3A_504 : vector<1x1x16xf32> to vector<16xf32>
        %get3A_506 = arith.constant 1 : i32
        %get3A_507 = arith.index_cast %get3A_506 : i32 to index
        %get3A_508 = arith.index_cast %scan3A_188 : i32 to index
        %get3A_509 = arith.constant 224 : index
        %get3A_510 = tpu.vector_load %arg9[%get3A_507, %get3A_508, %get3A_509] {strides = array<i32>} : memref<2x16x1024xf32, #tpu.memory_space<vmem>>, vector<1x1x16xf32>,
        %get3A_511 = vector.shape_cast %get3A_510 : vector<1x1x16xf32> to vector<16xf32>
        %mul3A_512 = arith.mulf %get3A_505, %gather3A_189 : vector<16xf32>
        %mul3A_513 = arith.mulf %get3A_511, %gather3A_192 : vector<16xf32>
        %add3A_514 = arith.addf %mul3A_512, %mul3A_513 : vector<16xf32>
        %swap3A_515 = arith.constant 1 : i32
        %swap3A_516 = arith.index_cast %swap3A_515 : i32 to index
        %swap3A_517 = arith.index_cast %scan3A_188 : i32 to index
        %swap3A_518 = arith.constant 224 : index
        %swap3A_519 = tpu.vector_load %arg10[%swap3A_516, %swap3A_517, %swap3A_518] {strides = array<i32>} : memref<2x16x1024xf32, #tpu.memory_space<vmem>>, vector<1x1x16xf32>,
        %swap3A_520 = vector.shape_cast %swap3A_519 : vector<1x1x16xf32> to vector<16xf32>
        %swap3A_521 = vector.shape_cast %add3A_514 : vector<16xf32> to vector<1x1x16xf32>
        tpu.vector_store %arg10[%swap3A_516, %swap3A_517, %swap3A_518], %swap3A_521 {strides = array<i32>} : memref<2x16x1024xf32, #tpu.memory_space<vmem>>, vector<1x1x16xf32>,
        %get3A_522 = arith.constant 1 : i32
        %get3A_523 = arith.index_cast %get3A_522 : i32 to index
        %get3A_524 = arith.index_cast %scan3A_188 : i32 to index
        %get3A_525 = arith.constant 240 : index
        %get3A_526 = tpu.vector_load %arg8[%get3A_523, %get3A_524, %get3A_525] {strides = array<i32>} : memref<2x16x1024xf32, #tpu.memory_space<vmem>>, vector<1x1x16xf32>,
        %get3A_527 = vector.shape_cast %get3A_526 : vector<1x1x16xf32> to vector<16xf32>
        %get3A_528 = arith.constant 1 : i32
        %get3A_529 = arith.index_cast %get3A_528 : i32 to index
        %get3A_530 = arith.index_cast %scan3A_188 : i32 to index
        %get3A_531 = arith.constant 240 : index
        %get3A_532 = tpu.vector_load %arg9[%get3A_529, %get3A_530, %get3A_531] {strides = array<i32>} : memref<2x16x1024xf32, #tpu.memory_space<vmem>>, vector<1x1x16xf32>,
        %get3A_533 = vector.shape_cast %get3A_532 : vector<1x1x16xf32> to vector<16xf32>
        %mul3A_534 = arith.mulf %get3A_527, %gather3A_189 : vector<16xf32>
        %mul3A_535 = arith.mulf %get3A_533, %gather3A_192 : vector<16xf32>
        %add3A_536 = arith.addf %mul3A_534, %mul3A_535 : vector<16xf32>
        %swap3A_537 = arith.constant 1 : i32
        %swap3A_538 = arith.index_cast %swap3A_537 : i32 to index
        %swap3A_539 = arith.index_cast %scan3A_188 : i32 to index
        %swap3A_540 = arith.constant 240 : index
        %swap3A_541 = tpu.vector_load %arg10[%swap3A_538, %swap3A_539, %swap3A_540] {strides = array<i32>} : memref<2x16x1024xf32, #tpu.memory_space<vmem>>, vector<1x1x16xf32>,
        %swap3A_542 = vector.shape_cast %swap3A_541 : vector<1x1x16xf32> to vector<16xf32>
        %swap3A_543 = vector.shape_cast %add3A_536 : vector<16xf32> to vector<1x1x16xf32>
        tpu.vector_store %arg10[%swap3A_538, %swap3A_539, %swap3A_540], %swap3A_543 {strides = array<i32>} : memref<2x16x1024xf32, #tpu.memory_space<vmem>>, vector<1x1x16xf32>,
        %get3A_544 = arith.constant 1 : i32
        %get3A_545 = arith.index_cast %get3A_544 : i32 to index
        %get3A_546 = arith.index_cast %scan3A_188 : i32 to index
        %get3A_547 = arith.constant 256 : index
        %get3A_548 = tpu.vector_load %arg8[%get3A_545, %get3A_546, %get3A_547] {strides = array<i32>} : memref<2x16x1024xf32, #tpu.memory_space<vmem>>, vector<1x1x16xf32>,
        %get3A_549 = vector.shape_cast %get3A_548 : vector<1x1x16xf32> to vector<16xf32>
        %get3A_550 = arith.constant 1 : i32
        %get3A_551 = arith.index_cast %get3A_550 : i32 to index
        %get3A_552 = arith.index_cast %scan3A_188 : i32 to index
        %get3A_553 = arith.constant 256 : index
        %get3A_554 = tpu.vector_load %arg9[%get3A_551, %get3A_552, %get3A_553] {strides = array<i32>} : memref<2x16x1024xf32, #tpu.memory_space<vmem>>, vector<1x1x16xf32>,
        %get3A_555 = vector.shape_cast %get3A_554 : vector<1x1x16xf32> to vector<16xf32>
        %mul3A_556 = arith.mulf %get3A_549, %gather3A_189 : vector<16xf32>
        %mul3A_557 = arith.mulf %get3A_555, %gather3A_192 : vector<16xf32>
        %add3A_558 = arith.addf %mul3A_556, %mul3A_557 : vector<16xf32>
        %swap3A_559 = arith.constant 1 : i32
        %swap3A_560 = arith.index_cast %swap3A_559 : i32 to index
        %swap3A_561 = arith.index_cast %scan3A_188 : i32 to index
        %swap3A_562 = arith.constant 256 : index
        %swap3A_563 = tpu.vector_load %arg10[%swap3A_560, %swap3A_561, %swap3A_562] {strides = array<i32>} : memref<2x16x1024xf32, #tpu.memory_space<vmem>>, vector<1x1x16xf32>,
        %swap3A_564 = vector.shape_cast %swap3A_563 : vector<1x1x16xf32> to vector<16xf32>
        %swap3A_565 = vector.shape_cast %add3A_558 : vector<16xf32> to vector<1x1x16xf32>
        tpu.vector_store %arg10[%swap3A_560, %swap3A_561, %swap3A_562], %swap3A_565 {strides = array<i32>} : memref<2x16x1024xf32, #tpu.memory_space<vmem>>, vector<1x1x16xf32>,
        %get3A_566 = arith.constant 1 : i32
        %get3A_567 = arith.index_cast %get3A_566 : i32 to index
        %get3A_568 = arith.index_cast %scan3A_188 : i32 to index
        %get3A_569 = arith.constant 272 : index
        %get3A_570 = tpu.vector_load %arg8[%get3A_567, %get3A_568, %get3A_569] {strides = array<i32>} : memref<2x16x1024xf32, #tpu.memory_space<vmem>>, vector<1x1x16xf32>,
        %get3A_571 = vector.shape_cast %get3A_570 : vector<1x1x16xf32> to vector<16xf32>
        %get3A_572 = arith.constant 1 : i32
        %get3A_573 = arith.index_cast %get3A_572 : i32 to index
        %get3A_574 = arith.index_cast %scan3A_188 : i32 to index
        %get3A_575 = arith.constant 272 : index
        %get3A_576 = tpu.vector_load %arg9[%get3A_573, %get3A_574, %get3A_575] {strides = array<i32>} : memref<2x16x1024xf32, #tpu.memory_space<vmem>>, vector<1x1x16xf32>,
        %get3A_577 = vector.shape_cast %get3A_576 : vector<1x1x16xf32> to vector<16xf32>
        %mul3A_578 = arith.mulf %get3A_571, %gather3A_189 : vector<16xf32>
        %mul3A_579 = arith.mulf %get3A_577, %gather3A_192 : vector<16xf32>
        %add3A_580 = arith.addf %mul3A_578, %mul3A_579 : vector<16xf32>
        %swap3A_581 = arith.constant 1 : i32
        %swap3A_582 = arith.index_cast %swap3A_581 : i32 to index
        %swap3A_583 = arith.index_cast %scan3A_188 : i32 to index
        %swap3A_584 = arith.constant 272 : index
        %swap3A_585 = tpu.vector_load %arg10[%swap3A_582, %swap3A_583, %swap3A_584] {strides = array<i32>} : memref<2x16x1024xf32, #tpu.memory_space<vmem>>, vector<1x1x16xf32>,
        %swap3A_586 = vector.shape_cast %swap3A_585 : vector<1x1x16xf32> to vector<16xf32>
        %swap3A_587 = vector.shape_cast %add3A_580 : vector<16xf32> to vector<1x1x16xf32>
        tpu.vector_store %arg10[%swap3A_582, %swap3A_583, %swap3A_584], %swap3A_587 {strides = array<i32>} : memref<2x16x1024xf32, #tpu.memory_space<vmem>>, vector<1x1x16xf32>,
        %get3A_588 = arith.constant 1 : i32
        %get3A_589 = arith.index_cast %get3A_588 : i32 to index
        %get3A_590 = arith.index_cast %scan3A_188 : i32 to index
        %get3A_591 = arith.constant 288 : index
        %get3A_592 = tpu.vector_load %arg8[%get3A_589, %get3A_590, %get3A_591] {strides = array<i32>} : memref<2x16x1024xf32, #tpu.memory_space<vmem>>, vector<1x1x16xf32>,
        %get3A_593 = vector.shape_cast %get3A_592 : vector<1x1x16xf32> to vector<16xf32>
        %get3A_594 = arith.constant 1 : i32
        %get3A_595 = arith.index_cast %get3A_594 : i32 to index
        %get3A_596 = arith.index_cast %scan3A_188 : i32 to index
        %get3A_597 = arith.constant 288 : index
        %get3A_598 = tpu.vector_load %arg9[%get3A_595, %get3A_596, %get3A_597] {strides = array<i32>} : memref<2x16x1024xf32, #tpu.memory_space<vmem>>, vector<1x1x16xf32>,
        %get3A_599 = vector.shape_cast %get3A_598 : vector<1x1x16xf32> to vector<16xf32>
        %mul3A_600 = arith.mulf %get3A_593, %gather3A_189 : vector<16xf32>
        %mul3A_601 = arith.mulf %get3A_599, %gather3A_192 : vector<16xf32>
        %add3A_602 = arith.addf %mul3A_600, %mul3A_601 : vector<16xf32>
        %swap3A_603 = arith.constant 1 : i32
        %swap3A_604 = arith.index_cast %swap3A_603 : i32 to index
        %swap3A_605 = arith.index_cast %scan3A_188 : i32 to index
        %swap3A_606 = arith.constant 288 : index
        %swap3A_607 = tpu.vector_load %arg10[%swap3A_604, %swap3A_605, %swap3A_606] {strides = array<i32>} : memref<2x16x1024xf32, #tpu.memory_space<vmem>>, vector<1x1x16xf32>,
        %swap3A_608 = vector.shape_cast %swap3A_607 : vector<1x1x16xf32> to vector<16xf32>
        %swap3A_609 = vector.shape_cast %add3A_602 : vector<16xf32> to vector<1x1x16xf32>
        tpu.vector_store %arg10[%swap3A_604, %swap3A_605, %swap3A_606], %swap3A_609 {strides = array<i32>} : memref<2x16x1024xf32, #tpu.memory_space<vmem>>, vector<1x1x16xf32>,
        %get3A_610 = arith.constant 1 : i32
        %get3A_611 = arith.index_cast %get3A_610 : i32 to index
        %get3A_612 = arith.index_cast %scan3A_188 : i32 to index
        %get3A_613 = arith.constant 304 : index
        %get3A_614 = tpu.vector_load %arg8[%get3A_611, %get3A_612, %get3A_613] {strides = array<i32>} : memref<2x16x1024xf32, #tpu.memory_space<vmem>>, vector<1x1x16xf32>,
        %get3A_615 = vector.shape_cast %get3A_614 : vector<1x1x16xf32> to vector<16xf32>
        %get3A_616 = arith.constant 1 : i32
        %get3A_617 = arith.index_cast %get3A_616 : i32 to index
        %get3A_618 = arith.index_cast %scan3A_188 : i32 to index
        %get3A_619 = arith.constant 304 : index
        %get3A_620 = tpu.vector_load %arg9[%get3A_617, %get3A_618, %get3A_619] {strides = array<i32>} : memref<2x16x1024xf32, #tpu.memory_space<vmem>>, vector<1x1x16xf32>,
        %get3A_621 = vector.shape_cast %get3A_620 : vector<1x1x16xf32> to vector<16xf32>
        %mul3A_622 = arith.mulf %get3A_615, %gather3A_189 : vector<16xf32>
        %mul3A_623 = arith.mulf %get3A_621, %gather3A_192 : vector<16xf32>
        %add3A_624 = arith.addf %mul3A_622, %mul3A_623 : vector<16xf32>
        %swap3A_625 = arith.constant 1 : i32
        %swap3A_626 = arith.index_cast %swap3A_625 : i32 to index
        %swap3A_627 = arith.index_cast %scan3A_188 : i32 to index
        %swap3A_628 = arith.constant 304 : index
        %swap3A_629 = tpu.vector_load %arg10[%swap3A_626, %swap3A_627, %swap3A_628] {strides = array<i32>} : memref<2x16x1024xf32, #tpu.memory_space<vmem>>, vector<1x1x16xf32>,
        %swap3A_630 = vector.shape_cast %swap3A_629 : vector<1x1x16xf32> to vector<16xf32>
        %swap3A_631 = vector.shape_cast %add3A_624 : vector<16xf32> to vector<1x1x16xf32>
        tpu.vector_store %arg10[%swap3A_626, %swap3A_627, %swap3A_628], %swap3A_631 {strides = array<i32>} : memref<2x16x1024xf32, #tpu.memory_space<vmem>>, vector<1x1x16xf32>,
        %get3A_632 = arith.constant 1 : i32
        %get3A_633 = arith.index_cast %get3A_632 : i32 to index
        %get3A_634 = arith.index_cast %scan3A_188 : i32 to index
        %get3A_635 = arith.constant 320 : index
        %get3A_636 = tpu.vector_load %arg8[%get3A_633, %get3A_634, %get3A_635] {strides = array<i32>} : memref<2x16x1024xf32, #tpu.memory_space<vmem>>, vector<1x1x16xf32>,
        %get3A_637 = vector.shape_cast %get3A_636 : vector<1x1x16xf32> to vector<16xf32>
        %get3A_638 = arith.constant 1 : i32
        %get3A_639 = arith.index_cast %get3A_638 : i32 to index
        %get3A_640 = arith.index_cast %scan3A_188 : i32 to index
        %get3A_641 = arith.constant 320 : index
        %get3A_642 = tpu.vector_load %arg9[%get3A_639, %get3A_640, %get3A_641] {strides = array<i32>} : memref<2x16x1024xf32, #tpu.memory_space<vmem>>, vector<1x1x16xf32>,
        %get3A_643 = vector.shape_cast %get3A_642 : vector<1x1x16xf32> to vector<16xf32>
        %mul3A_644 = arith.mulf %get3A_637, %gather3A_189 : vector<16xf32>
        %mul3A_645 = arith.mulf %get3A_643, %gather3A_192 : vector<16xf32>
        %add3A_646 = arith.addf %mul3A_644, %mul3A_645 : vector<16xf32>
        %swap3A_647 = arith.constant 1 : i32
        %swap3A_648 = arith.index_cast %swap3A_647 : i32 to index
        %swap3A_649 = arith.index_cast %scan3A_188 : i32 to index
        %swap3A_650 = arith.constant 320 : index
        %swap3A_651 = tpu.vector_load %arg10[%swap3A_648, %swap3A_649, %swap3A_650] {strides = array<i32>} : memref<2x16x1024xf32, #tpu.memory_space<vmem>>, vector<1x1x16xf32>,
        %swap3A_652 = vector.shape_cast %swap3A_651 : vector<1x1x16xf32> to vector<16xf32>
        %swap3A_653 = vector.shape_cast %add3A_646 : vector<16xf32> to vector<1x1x16xf32>
        tpu.vector_store %arg10[%swap3A_648, %swap3A_649, %swap3A_650], %swap3A_653 {strides = array<i32>} : memref<2x16x1024xf32, #tpu.memory_space<vmem>>, vector<1x1x16xf32>,
        %get3A_654 = arith.constant 1 : i32
        %get3A_655 = arith.index_cast %get3A_654 : i32 to index
        %get3A_656 = arith.index_cast %scan3A_188 : i32 to index
        %get3A_657 = arith.constant 336 : index
        %get3A_658 = tpu.vector_load %arg8[%get3A_655, %get3A_656, %get3A_657] {strides = array<i32>} : memref<2x16x1024xf32, #tpu.memory_space<vmem>>, vector<1x1x16xf32>,
        %get3A_659 = vector.shape_cast %get3A_658 : vector<1x1x16xf32> to vector<16xf32>
        %get3A_660 = arith.constant 1 : i32
        %get3A_661 = arith.index_cast %get3A_660 : i32 to index
        %get3A_662 = arith.index_cast %scan3A_188 : i32 to index
        %get3A_663 = arith.constant 336 : index
        %get3A_664 = tpu.vector_load %arg9[%get3A_661, %get3A_662, %get3A_663] {strides = array<i32>} : memref<2x16x1024xf32, #tpu.memory_space<vmem>>, vector<1x1x16xf32>,
        %get3A_665 = vector.shape_cast %get3A_664 : vector<1x1x16xf32> to vector<16xf32>
        %mul3A_666 = arith.mulf %get3A_659, %gather3A_189 : vector<16xf32>
        %mul3A_667 = arith.mulf %get3A_665, %gather3A_192 : vector<16xf32>
        %add3A_668 = arith.addf %mul3A_666, %mul3A_667 : vector<16xf32>
        %swap3A_669 = arith.constant 1 : i32
        %swap3A_670 = arith.index_cast %swap3A_669 : i32 to index
        %swap3A_671 = arith.index_cast %scan3A_188 : i32 to index
        %swap3A_672 = arith.constant 336 : index
        %swap3A_673 = tpu.vector_load %arg10[%swap3A_670, %swap3A_671, %swap3A_672] {strides = array<i32>} : memref<2x16x1024xf32, #tpu.memory_space<vmem>>, vector<1x1x16xf32>,
        %swap3A_674 = vector.shape_cast %swap3A_673 : vector<1x1x16xf32> to vector<16xf32>
        %swap3A_675 = vector.shape_cast %add3A_668 : vector<16xf32> to vector<1x1x16xf32>
        tpu.vector_store %arg10[%swap3A_670, %swap3A_671, %swap3A_672], %swap3A_675 {strides = array<i32>} : memref<2x16x1024xf32, #tpu.memory_space<vmem>>, vector<1x1x16xf32>,
        %get3A_676 = arith.constant 1 : i32
        %get3A_677 = arith.index_cast %get3A_676 : i32 to index
        %get3A_678 = arith.index_cast %scan3A_188 : i32 to index
        %get3A_679 = arith.constant 352 : index
        %get3A_680 = tpu.vector_load %arg8[%get3A_677, %get3A_678, %get3A_679] {strides = array<i32>} : memref<2x16x1024xf32, #tpu.memory_space<vmem>>, vector<1x1x16xf32>,
        %get3A_681 = vector.shape_cast %get3A_680 : vector<1x1x16xf32> to vector<16xf32>
        %get3A_682 = arith.constant 1 : i32
        %get3A_683 = arith.index_cast %get3A_682 : i32 to index
        %get3A_684 = arith.index_cast %scan3A_188 : i32 to index
        %get3A_685 = arith.constant 352 : index
        %get3A_686 = tpu.vector_load %arg9[%get3A_683, %get3A_684, %get3A_685] {strides = array<i32>} : memref<2x16x1024xf32, #tpu.memory_space<vmem>>, vector<1x1x16xf32>,
        %get3A_687 = vector.shape_cast %get3A_686 : vector<1x1x16xf32> to vector<16xf32>
        %mul3A_688 = arith.mulf %get3A_681, %gather3A_189 : vector<16xf32>
        %mul3A_689 = arith.mulf %get3A_687, %gather3A_192 : vector<16xf32>
        %add3A_690 = arith.addf %mul3A_688, %mul3A_689 : vector<16xf32>
        %swap3A_691 = arith.constant 1 : i32
        %swap3A_692 = arith.index_cast %swap3A_691 : i32 to index
        %swap3A_693 = arith.index_cast %scan3A_188 : i32 to index
        %swap3A_694 = arith.constant 352 : index
        %swap3A_695 = tpu.vector_load %arg10[%swap3A_692, %swap3A_693, %swap3A_694] {strides = array<i32>} : memref<2x16x1024xf32, #tpu.memory_space<vmem>>, vector<1x1x16xf32>,
        %swap3A_696 = vector.shape_cast %swap3A_695 : vector<1x1x16xf32> to vector<16xf32>
        %swap3A_697 = vector.shape_cast %add3A_690 : vector<16xf32> to vector<1x1x16xf32>
        tpu.vector_store %arg10[%swap3A_692, %swap3A_693, %swap3A_694], %swap3A_697 {strides = array<i32>} : memref<2x16x1024xf32, #tpu.memory_space<vmem>>, vector<1x1x16xf32>,
        %get3A_698 = arith.constant 1 : i32
        %get3A_699 = arith.index_cast %get3A_698 : i32 to index
        %get3A_700 = arith.index_cast %scan3A_188 : i32 to index
        %get3A_701 = arith.constant 368 : index
        %get3A_702 = tpu.vector_load %arg8[%get3A_699, %get3A_700, %get3A_701] {strides = array<i32>} : memref<2x16x1024xf32, #tpu.memory_space<vmem>>, vector<1x1x16xf32>,
        %get3A_703 = vector.shape_cast %get3A_702 : vector<1x1x16xf32> to vector<16xf32>
        %get3A_704 = arith.constant 1 : i32
        %get3A_705 = arith.index_cast %get3A_704 : i32 to index
        %get3A_706 = arith.index_cast %scan3A_188 : i32 to index
        %get3A_707 = arith.constant 368 : index
        %get3A_708 = tpu.vector_load %arg9[%get3A_705, %get3A_706, %get3A_707] {strides = array<i32>} : memref<2x16x1024xf32, #tpu.memory_space<vmem>>, vector<1x1x16xf32>,
        %get3A_709 = vector.shape_cast %get3A_708 : vector<1x1x16xf32> to vector<16xf32>
        %mul3A_710 = arith.mulf %get3A_703, %gather3A_189 : vector<16xf32>
        %mul3A_711 = arith.mulf %get3A_709, %gather3A_192 : vector<16xf32>
        %add3A_712 = arith.addf %mul3A_710, %mul3A_711 : vector<16xf32>
        %swap3A_713 = arith.constant 1 : i32
        %swap3A_714 = arith.index_cast %swap3A_713 : i32 to index
        %swap3A_715 = arith.index_cast %scan3A_188 : i32 to index
        %swap3A_716 = arith.constant 368 : index
        %swap3A_717 = tpu.vector_load %arg10[%swap3A_714, %swap3A_715, %swap3A_716] {strides = array<i32>} : memref<2x16x1024xf32, #tpu.memory_space<vmem>>, vector<1x1x16xf32>,
        %swap3A_718 = vector.shape_cast %swap3A_717 : vector<1x1x16xf32> to vector<16xf32>
        %swap3A_719 = vector.shape_cast %add3A_712 : vector<16xf32> to vector<1x1x16xf32>
        tpu.vector_store %arg10[%swap3A_714, %swap3A_715, %swap3A_716], %swap3A_719 {strides = array<i32>} : memref<2x16x1024xf32, #tpu.memory_space<vmem>>, vector<1x1x16xf32>,
        %get3A_720 = arith.constant 1 : i32
        %get3A_721 = arith.index_cast %get3A_720 : i32 to index
        %get3A_722 = arith.index_cast %scan3A_188 : i32 to index
        %get3A_723 = arith.constant 384 : index
        %get3A_724 = tpu.vector_load %arg8[%get3A_721, %get3A_722, %get3A_723] {strides = array<i32>} : memref<2x16x1024xf32, #tpu.memory_space<vmem>>, vector<1x1x16xf32>,
        %get3A_725 = vector.shape_cast %get3A_724 : vector<1x1x16xf32> to vector<16xf32>
        %get3A_726 = arith.constant 1 : i32
        %get3A_727 = arith.index_cast %get3A_726 : i32 to index
        %get3A_728 = arith.index_cast %scan3A_188 : i32 to index
        %get3A_729 = arith.constant 384 : index
        %get3A_730 = tpu.vector_load %arg9[%get3A_727, %get3A_728, %get3A_729] {strides = array<i32>} : memref<2x16x1024xf32, #tpu.memory_space<vmem>>, vector<1x1x16xf32>,
        %get3A_731 = vector.shape_cast %get3A_730 : vector<1x1x16xf32> to vector<16xf32>
        %mul3A_732 = arith.mulf %get3A_725, %gather3A_189 : vector<16xf32>
        %mul3A_733 = arith.mulf %get3A_731, %gather3A_192 : vector<16xf32>
        %add3A_734 = arith.addf %mul3A_732, %mul3A_733 : vector<16xf32>
        %swap3A_735 = arith.constant 1 : i32
        %swap3A_736 = arith.index_cast %swap3A_735 : i32 to index
        %swap3A_737 = arith.index_cast %scan3A_188 : i32 to index
        %swap3A_738 = arith.constant 384 : index
        %swap3A_739 = tpu.vector_load %arg10[%swap3A_736, %swap3A_737, %swap3A_738] {strides = array<i32>} : memref<2x16x1024xf32, #tpu.memory_space<vmem>>, vector<1x1x16xf32>,
        %swap3A_740 = vector.shape_cast %swap3A_739 : vector<1x1x16xf32> to vector<16xf32>
        %swap3A_741 = vector.shape_cast %add3A_734 : vector<16xf32> to vector<1x1x16xf32>
        tpu.vector_store %arg10[%swap3A_736, %swap3A_737, %swap3A_738], %swap3A_741 {strides = array<i32>} : memref<2x16x1024xf32, #tpu.memory_space<vmem>>, vector<1x1x16xf32>,
        %get3A_742 = arith.constant 1 : i32
        %get3A_743 = arith.index_cast %get3A_742 : i32 to index
        %get3A_744 = arith.index_cast %scan3A_188 : i32 to index
        %get3A_745 = arith.constant 400 : index
        %get3A_746 = tpu.vector_load %arg8[%get3A_743, %get3A_744, %get3A_745] {strides = array<i32>} : memref<2x16x1024xf32, #tpu.memory_space<vmem>>, vector<1x1x16xf32>,
        %get3A_747 = vector.shape_cast %get3A_746 : vector<1x1x16xf32> to vector<16xf32>
        %get3A_748 = arith.constant 1 : i32
        %get3A_749 = arith.index_cast %get3A_748 : i32 to index
        %get3A_750 = arith.index_cast %scan3A_188 : i32 to index
        %get3A_751 = arith.constant 400 : index
        %get3A_752 = tpu.vector_load %arg9[%get3A_749, %get3A_750, %get3A_751] {strides = array<i32>} : memref<2x16x1024xf32, #tpu.memory_space<vmem>>, vector<1x1x16xf32>,
        %get3A_753 = vector.shape_cast %get3A_752 : vector<1x1x16xf32> to vector<16xf32>
        %mul3A_754 = arith.mulf %get3A_747, %gather3A_189 : vector<16xf32>
        %mul3A_755 = arith.mulf %get3A_753, %gather3A_192 : vector<16xf32>
        %add3A_756 = arith.addf %mul3A_754, %mul3A_755 : vector<16xf32>
        %swap3A_757 = arith.constant 1 : i32
        %swap3A_758 = arith.index_cast %swap3A_757 : i32 to index
        %swap3A_759 = arith.index_cast %scan3A_188 : i32 to index
        %swap3A_760 = arith.constant 400 : index
        %swap3A_761 = tpu.vector_load %arg10[%swap3A_758, %swap3A_759, %swap3A_760] {strides = array<i32>} : memref<2x16x1024xf32, #tpu.memory_space<vmem>>, vector<1x1x16xf32>,
        %swap3A_762 = vector.shape_cast %swap3A_761 : vector<1x1x16xf32> to vector<16xf32>
        %swap3A_763 = vector.shape_cast %add3A_756 : vector<16xf32> to vector<1x1x16xf32>
        tpu.vector_store %arg10[%swap3A_758, %swap3A_759, %swap3A_760], %swap3A_763 {strides = array<i32>} : memref<2x16x1024xf32, #tpu.memory_space<vmem>>, vector<1x1x16xf32>,
        %get3A_764 = arith.constant 1 : i32
        %get3A_765 = arith.index_cast %get3A_764 : i32 to index
        %get3A_766 = arith.index_cast %scan3A_188 : i32 to index
        %get3A_767 = arith.constant 416 : index
        %get3A_768 = tpu.vector_load %arg8[%get3A_765, %get3A_766, %get3A_767] {strides = array<i32>} : memref<2x16x1024xf32, #tpu.memory_space<vmem>>, vector<1x1x16xf32>,
        %get3A_769 = vector.shape_cast %get3A_768 : vector<1x1x16xf32> to vector<16xf32>
        %get3A_770 = arith.constant 1 : i32
        %get3A_771 = arith.index_cast %get3A_770 : i32 to index
        %get3A_772 = arith.index_cast %scan3A_188 : i32 to index
        %get3A_773 = arith.constant 416 : index
        %get3A_774 = tpu.vector_load %arg9[%get3A_771, %get3A_772, %get3A_773] {strides = array<i32>} : memref<2x16x1024xf32, #tpu.memory_space<vmem>>, vector<1x1x16xf32>,
        %get3A_775 = vector.shape_cast %get3A_774 : vector<1x1x16xf32> to vector<16xf32>
        %mul3A_776 = arith.mulf %get3A_769, %gather3A_189 : vector<16xf32>
        %mul3A_777 = arith.mulf %get3A_775, %gather3A_192 : vector<16xf32>
        %add3A_778 = arith.addf %mul3A_776, %mul3A_777 : vector<16xf32>
        %swap3A_779 = arith.constant 1 : i32
        %swap3A_780 = arith.index_cast %swap3A_779 : i32 to index
        %swap3A_781 = arith.index_cast %scan3A_188 : i32 to index
        %swap3A_782 = arith.constant 416 : index
        %swap3A_783 = tpu.vector_load %arg10[%swap3A_780, %swap3A_781, %swap3A_782] {strides = array<i32>} : memref<2x16x1024xf32, #tpu.memory_space<vmem>>, vector<1x1x16xf32>,
        %swap3A_784 = vector.shape_cast %swap3A_783 : vector<1x1x16xf32> to vector<16xf32>
        %swap3A_785 = vector.shape_cast %add3A_778 : vector<16xf32> to vector<1x1x16xf32>
        tpu.vector_store %arg10[%swap3A_780, %swap3A_781, %swap3A_782], %swap3A_785 {strides = array<i32>} : memref<2x16x1024xf32, #tpu.memory_space<vmem>>, vector<1x1x16xf32>,
        %get3A_786 = arith.constant 1 : i32
        %get3A_787 = arith.index_cast %get3A_786 : i32 to index
        %get3A_788 = arith.index_cast %scan3A_188 : i32 to index
        %get3A_789 = arith.constant 432 : index
        %get3A_790 = tpu.vector_load %arg8[%get3A_787, %get3A_788, %get3A_789] {strides = array<i32>} : memref<2x16x1024xf32, #tpu.memory_space<vmem>>, vector<1x1x16xf32>,
        %get3A_791 = vector.shape_cast %get3A_790 : vector<1x1x16xf32> to vector<16xf32>
        %get3A_792 = arith.constant 1 : i32
        %get3A_793 = arith.index_cast %get3A_792 : i32 to index
        %get3A_794 = arith.index_cast %scan3A_188 : i32 to index
        %get3A_795 = arith.constant 432 : index
        %get3A_796 = tpu.vector_load %arg9[%get3A_793, %get3A_794, %get3A_795] {strides = array<i32>} : memref<2x16x1024xf32, #tpu.memory_space<vmem>>, vector<1x1x16xf32>,
        %get3A_797 = vector.shape_cast %get3A_796 : vector<1x1x16xf32> to vector<16xf32>
        %mul3A_798 = arith.mulf %get3A_791, %gather3A_189 : vector<16xf32>
        %mul3A_799 = arith.mulf %get3A_797, %gather3A_192 : vector<16xf32>
        %add3A_800 = arith.addf %mul3A_798, %mul3A_799 : vector<16xf32>
        %swap3A_801 = arith.constant 1 : i32
        %swap3A_802 = arith.index_cast %swap3A_801 : i32 to index
        %swap3A_803 = arith.index_cast %scan3A_188 : i32 to index
        %swap3A_804 = arith.constant 432 : index
        %swap3A_805 = tpu.vector_load %arg10[%swap3A_802, %swap3A_803, %swap3A_804] {strides = array<i32>} : memref<2x16x1024xf32, #tpu.memory_space<vmem>>, vector<1x1x16xf32>,
        %swap3A_806 = vector.shape_cast %swap3A_805 : vector<1x1x16xf32> to vector<16xf32>
        %swap3A_807 = vector.shape_cast %add3A_800 : vector<16xf32> to vector<1x1x16xf32>
        tpu.vector_store %arg10[%swap3A_802, %swap3A_803, %swap3A_804], %swap3A_807 {strides = array<i32>} : memref<2x16x1024xf32, #tpu.memory_space<vmem>>, vector<1x1x16xf32>,
        %get3A_808 = arith.constant 1 : i32
        %get3A_809 = arith.index_cast %get3A_808 : i32 to index
        %get3A_810 = arith.index_cast %scan3A_188 : i32 to index
        %get3A_811 = arith.constant 448 : index
        %get3A_812 = tpu.vector_load %arg8[%get3A_809, %get3A_810, %get3A_811] {strides = array<i32>} : memref<2x16x1024xf32, #tpu.memory_space<vmem>>, vector<1x1x16xf32>,
        %get3A_813 = vector.shape_cast %get3A_812 : vector<1x1x16xf32> to vector<16xf32>
        %get3A_814 = arith.constant 1 : i32
        %get3A_815 = arith.index_cast %get3A_814 : i32 to index
        %get3A_816 = arith.index_cast %scan3A_188 : i32 to index
        %get3A_817 = arith.constant 448 : index
        %get3A_818 = tpu.vector_load %arg9[%get3A_815, %get3A_816, %get3A_817] {strides = array<i32>} : memref<2x16x1024xf32, #tpu.memory_space<vmem>>, vector<1x1x16xf32>,
        %get3A_819 = vector.shape_cast %get3A_818 : vector<1x1x16xf32> to vector<16xf32>
        %mul3A_820 = arith.mulf %get3A_813, %gather3A_189 : vector<16xf32>
        %mul3A_821 = arith.mulf %get3A_819, %gather3A_192 : vector<16xf32>
        %add3A_822 = arith.addf %mul3A_820, %mul3A_821 : vector<16xf32>
        %swap3A_823 = arith.constant 1 : i32
        %swap3A_824 = arith.index_cast %swap3A_823 : i32 to index
        %swap3A_825 = arith.index_cast %scan3A_188 : i32 to index
        %swap3A_826 = arith.constant 448 : index
        %swap3A_827 = tpu.vector_load %arg10[%swap3A_824, %swap3A_825, %swap3A_826] {strides = array<i32>} : memref<2x16x1024xf32, #tpu.memory_space<vmem>>, vector<1x1x16xf32>,
        %swap3A_828 = vector.shape_cast %swap3A_827 : vector<1x1x16xf32> to vector<16xf32>
        %swap3A_829 = vector.shape_cast %add3A_822 : vector<16xf32> to vector<1x1x16xf32>
        tpu.vector_store %arg10[%swap3A_824, %swap3A_825, %swap3A_826], %swap3A_829 {strides = array<i32>} : memref<2x16x1024xf32, #tpu.memory_space<vmem>>, vector<1x1x16xf32>,
        %get3A_830 = arith.constant 1 : i32
        %get3A_831 = arith.index_cast %get3A_830 : i32 to index
        %get3A_832 = arith.index_cast %scan3A_188 : i32 to index
        %get3A_833 = arith.constant 464 : index
        %get3A_834 = tpu.vector_load %arg8[%get3A_831, %get3A_832, %get3A_833] {strides = array<i32>} : memref<2x16x1024xf32, #tpu.memory_space<vmem>>, vector<1x1x16xf32>,
        %get3A_835 = vector.shape_cast %get3A_834 : vector<1x1x16xf32> to vector<16xf32>
        %get3A_836 = arith.constant 1 : i32
        %get3A_837 = arith.index_cast %get3A_836 : i32 to index
        %get3A_838 = arith.index_cast %scan3A_188 : i32 to index
        %get3A_839 = arith.constant 464 : index
        %get3A_840 = tpu.vector_load %arg9[%get3A_837, %get3A_838, %get3A_839] {strides = array<i32>} : memref<2x16x1024xf32, #tpu.memory_space<vmem>>, vector<1x1x16xf32>,
        %get3A_841 = vector.shape_cast %get3A_840 : vector<1x1x16xf32> to vector<16xf32>
        %mul3A_842 = arith.mulf %get3A_835, %gather3A_189 : vector<16xf32>
        %mul3A_843 = arith.mulf %get3A_841, %gather3A_192 : vector<16xf32>
        %add3A_844 = arith.addf %mul3A_842, %mul3A_843 : vector<16xf32>
        %swap3A_845 = arith.constant 1 : i32
        %swap3A_846 = arith.index_cast %swap3A_845 : i32 to index
        %swap3A_847 = arith.index_cast %scan3A_188 : i32 to index
        %swap3A_848 = arith.constant 464 : index
        %swap3A_849 = tpu.vector_load %arg10[%swap3A_846, %swap3A_847, %swap3A_848] {strides = array<i32>} : memref<2x16x1024xf32, #tpu.memory_space<vmem>>, vector<1x1x16xf32>,
        %swap3A_850 = vector.shape_cast %swap3A_849 : vector<1x1x16xf32> to vector<16xf32>
        %swap3A_851 = vector.shape_cast %add3A_844 : vector<16xf32> to vector<1x1x16xf32>
        tpu.vector_store %arg10[%swap3A_846, %swap3A_847, %swap3A_848], %swap3A_851 {strides = array<i32>} : memref<2x16x1024xf32, #tpu.memory_space<vmem>>, vector<1x1x16xf32>,
        %get3A_852 = arith.constant 1 : i32
        %get3A_853 = arith.index_cast %get3A_852 : i32 to index
        %get3A_854 = arith.index_cast %scan3A_188 : i32 to index
        %get3A_855 = arith.constant 480 : index
        %get3A_856 = tpu.vector_load %arg8[%get3A_853, %get3A_854, %get3A_855] {strides = array<i32>} : memref<2x16x1024xf32, #tpu.memory_space<vmem>>, vector<1x1x16xf32>,
        %get3A_857 = vector.shape_cast %get3A_856 : vector<1x1x16xf32> to vector<16xf32>
        %get3A_858 = arith.constant 1 : i32
        %get3A_859 = arith.index_cast %get3A_858 : i32 to index
        %get3A_860 = arith.index_cast %scan3A_188 : i32 to index
        %get3A_861 = arith.constant 480 : index
        %get3A_862 = tpu.vector_load %arg9[%get3A_859, %get3A_860, %get3A_861] {strides = array<i32>} : memref<2x16x1024xf32, #tpu.memory_space<vmem>>, vector<1x1x16xf32>,
        %get3A_863 = vector.shape_cast %get3A_862 : vector<1x1x16xf32> to vector<16xf32>
        %mul3A_864 = arith.mulf %get3A_857, %gather3A_189 : vector<16xf32>
        %mul3A_865 = arith.mulf %get3A_863, %gather3A_192 : vector<16xf32>
        %add3A_866 = arith.addf %mul3A_864, %mul3A_865 : vector<16xf32>
        %swap3A_867 = arith.constant 1 : i32
        %swap3A_868 = arith.index_cast %swap3A_867 : i32 to index
        %swap3A_869 = arith.index_cast %scan3A_188 : i32 to index
        %swap3A_870 = arith.constant 480 : index
        %swap3A_871 = tpu.vector_load %arg10[%swap3A_868, %swap3A_869, %swap3A_870] {strides = array<i32>} : memref<2x16x1024xf32, #tpu.memory_space<vmem>>, vector<1x1x16xf32>,
        %swap3A_872 = vector.shape_cast %swap3A_871 : vector<1x1x16xf32> to vector<16xf32>
        %swap3A_873 = vector.shape_cast %add3A_866 : vector<16xf32> to vector<1x1x16xf32>
        tpu.vector_store %arg10[%swap3A_868, %swap3A_869, %swap3A_870], %swap3A_873 {strides = array<i32>} : memref<2x16x1024xf32, #tpu.memory_space<vmem>>, vector<1x1x16xf32>,
        %get3A_874 = arith.constant 1 : i32
        %get3A_875 = arith.index_cast %get3A_874 : i32 to index
        %get3A_876 = arith.index_cast %scan3A_188 : i32 to index
        %get3A_877 = arith.constant 496 : index
        %get3A_878 = tpu.vector_load %arg8[%get3A_875, %get3A_876, %get3A_877] {strides = array<i32>} : memref<2x16x1024xf32, #tpu.memory_space<vmem>>, vector<1x1x16xf32>,
        %get3A_879 = vector.shape_cast %get3A_878 : vector<1x1x16xf32> to vector<16xf32>
        %get3A_880 = arith.constant 1 : i32
        %get3A_881 = arith.index_cast %get3A_880 : i32 to index
        %get3A_882 = arith.index_cast %scan3A_188 : i32 to index
        %get3A_883 = arith.constant 496 : index
        %get3A_884 = tpu.vector_load %arg9[%get3A_881, %get3A_882, %get3A_883] {strides = array<i32>} : memref<2x16x1024xf32, #tpu.memory_space<vmem>>, vector<1x1x16xf32>,
        %get3A_885 = vector.shape_cast %get3A_884 : vector<1x1x16xf32> to vector<16xf32>
        %mul3A_886 = arith.mulf %get3A_879, %gather3A_189 : vector<16xf32>
        %mul3A_887 = arith.mulf %get3A_885, %gather3A_192 : vector<16xf32>
        %add3A_888 = arith.addf %mul3A_886, %mul3A_887 : vector<16xf32>
        %swap3A_889 = arith.constant 1 : i32
        %swap3A_890 = arith.index_cast %swap3A_889 : i32 to index
        %swap3A_891 = arith.index_cast %scan3A_188 : i32 to index
        %swap3A_892 = arith.constant 496 : index
        %swap3A_893 = tpu.vector_load %arg10[%swap3A_890, %swap3A_891, %swap3A_892] {strides = array<i32>} : memref<2x16x1024xf32, #tpu.memory_space<vmem>>, vector<1x1x16xf32>,
        %swap3A_894 = vector.shape_cast %swap3A_893 : vector<1x1x16xf32> to vector<16xf32>
        %swap3A_895 = vector.shape_cast %add3A_888 : vector<16xf32> to vector<1x1x16xf32>
        tpu.vector_store %arg10[%swap3A_890, %swap3A_891, %swap3A_892], %swap3A_895 {strides = array<i32>} : memref<2x16x1024xf32, #tpu.memory_space<vmem>>, vector<1x1x16xf32>,
        %get3A_896 = arith.constant 1 : i32
        %get3A_897 = arith.index_cast %get3A_896 : i32 to index
        %get3A_898 = arith.index_cast %scan3A_188 : i32 to index
        %get3A_899 = arith.constant 512 : index
        %get3A_900 = tpu.vector_load %arg8[%get3A_897, %get3A_898, %get3A_899] {strides = array<i32>} : memref<2x16x1024xf32, #tpu.memory_space<vmem>>, vector<1x1x16xf32>,
        %get3A_901 = vector.shape_cast %get3A_900 : vector<1x1x16xf32> to vector<16xf32>
        %get3A_902 = arith.constant 1 : i32
        %get3A_903 = arith.index_cast %get3A_902 : i32 to index
        %get3A_904 = arith.index_cast %scan3A_188 : i32 to index
        %get3A_905 = arith.constant 512 : index
        %get3A_906 = tpu.vector_load %arg9[%get3A_903, %get3A_904, %get3A_905] {strides = array<i32>} : memref<2x16x1024xf32, #tpu.memory_space<vmem>>, vector<1x1x16xf32>,
        %get3A_907 = vector.shape_cast %get3A_906 : vector<1x1x16xf32> to vector<16xf32>
        %mul3A_908 = arith.mulf %get3A_901, %gather3A_189 : vector<16xf32>
        %mul3A_909 = arith.mulf %get3A_907, %gather3A_192 : vector<16xf32>
        %add3A_910 = arith.addf %mul3A_908, %mul3A_909 : vector<16xf32>
        %swap3A_911 = arith.constant 1 : i32
        %swap3A_912 = arith.index_cast %swap3A_911 : i32 to index
        %swap3A_913 = arith.index_cast %scan3A_188 : i32 to index
        %swap3A_914 = arith.constant 512 : index
        %swap3A_915 = tpu.vector_load %arg10[%swap3A_912, %swap3A_913, %swap3A_914] {strides = array<i32>} : memref<2x16x1024xf32, #tpu.memory_space<vmem>>, vector<1x1x16xf32>,
        %swap3A_916 = vector.shape_cast %swap3A_915 : vector<1x1x16xf32> to vector<16xf32>
        %swap3A_917 = vector.shape_cast %add3A_910 : vector<16xf32> to vector<1x1x16xf32>
        tpu.vector_store %arg10[%swap3A_912, %swap3A_913, %swap3A_914], %swap3A_917 {strides = array<i32>} : memref<2x16x1024xf32, #tpu.memory_space<vmem>>, vector<1x1x16xf32>,
        %get3A_918 = arith.constant 1 : i32
        %get3A_919 = arith.index_cast %get3A_918 : i32 to index
        %get3A_920 = arith.index_cast %scan3A_188 : i32 to index
        %get3A_921 = arith.constant 528 : index
        %get3A_922 = tpu.vector_load %arg8[%get3A_919, %get3A_920, %get3A_921] {strides = array<i32>} : memref<2x16x1024xf32, #tpu.memory_space<vmem>>, vector<1x1x16xf32>,
        %get3A_923 = vector.shape_cast %get3A_922 : vector<1x1x16xf32> to vector<16xf32>
        %get3A_924 = arith.constant 1 : i32
        %get3A_925 = arith.index_cast %get3A_924 : i32 to index
        %get3A_926 = arith.index_cast %scan3A_188 : i32 to index
        %get3A_927 = arith.constant 528 : index
        %get3A_928 = tpu.vector_load %arg9[%get3A_925, %get3A_926, %get3A_927] {strides = array<i32>} : memref<2x16x1024xf32, #tpu.memory_space<vmem>>, vector<1x1x16xf32>,
        %get3A_929 = vector.shape_cast %get3A_928 : vector<1x1x16xf32> to vector<16xf32>
        %mul3A_930 = arith.mulf %get3A_923, %gather3A_189 : vector<16xf32>
        %mul3A_931 = arith.mulf %get3A_929, %gather3A_192 : vector<16xf32>
        %add3A_932 = arith.addf %mul3A_930, %mul3A_931 : vector<16xf32>
        %swap3A_933 = arith.constant 1 : i32
        %swap3A_934 = arith.index_cast %swap3A_933 : i32 to index
        %swap3A_935 = arith.index_cast %scan3A_188 : i32 to index
        %swap3A_936 = arith.constant 528 : index
        %swap3A_937 = tpu.vector_load %arg10[%swap3A_934, %swap3A_935, %swap3A_936] {strides = array<i32>} : memref<2x16x1024xf32, #tpu.memory_space<vmem>>, vector<1x1x16xf32>,
        %swap3A_938 = vector.shape_cast %swap3A_937 : vector<1x1x16xf32> to vector<16xf32>
        %swap3A_939 = vector.shape_cast %add3A_932 : vector<16xf32> to vector<1x1x16xf32>
        tpu.vector_store %arg10[%swap3A_934, %swap3A_935, %swap3A_936], %swap3A_939 {strides = array<i32>} : memref<2x16x1024xf32, #tpu.memory_space<vmem>>, vector<1x1x16xf32>,
        %get3A_940 = arith.constant 1 : i32
        %get3A_941 = arith.index_cast %get3A_940 : i32 to index
        %get3A_942 = arith.index_cast %scan3A_188 : i32 to index
        %get3A_943 = arith.constant 544 : index
        %get3A_944 = tpu.vector_load %arg8[%get3A_941, %get3A_942, %get3A_943] {strides = array<i32>} : memref<2x16x1024xf32, #tpu.memory_space<vmem>>, vector<1x1x16xf32>,
        %get3A_945 = vector.shape_cast %get3A_944 : vector<1x1x16xf32> to vector<16xf32>
        %get3A_946 = arith.constant 1 : i32
        %get3A_947 = arith.index_cast %get3A_946 : i32 to index
        %get3A_948 = arith.index_cast %scan3A_188 : i32 to index
        %get3A_949 = arith.constant 544 : index
        %get3A_950 = tpu.vector_load %arg9[%get3A_947, %get3A_948, %get3A_949] {strides = array<i32>} : memref<2x16x1024xf32, #tpu.memory_space<vmem>>, vector<1x1x16xf32>,
        %get3A_951 = vector.shape_cast %get3A_950 : vector<1x1x16xf32> to vector<16xf32>
        %mul3A_952 = arith.mulf %get3A_945, %gather3A_189 : vector<16xf32>
        %mul3A_953 = arith.mulf %get3A_951, %gather3A_192 : vector<16xf32>
        %add3A_954 = arith.addf %mul3A_952, %mul3A_953 : vector<16xf32>
        %swap3A_955 = arith.constant 1 : i32
        %swap3A_956 = arith.index_cast %swap3A_955 : i32 to index
        %swap3A_957 = arith.index_cast %scan3A_188 : i32 to index
        %swap3A_958 = arith.constant 544 : index
        %swap3A_959 = tpu.vector_load %arg10[%swap3A_956, %swap3A_957, %swap3A_958] {strides = array<i32>} : memref<2x16x1024xf32, #tpu.memory_space<vmem>>, vector<1x1x16xf32>,
        %swap3A_960 = vector.shape_cast %swap3A_959 : vector<1x1x16xf32> to vector<16xf32>
        %swap3A_961 = vector.shape_cast %add3A_954 : vector<16xf32> to vector<1x1x16xf32>
        tpu.vector_store %arg10[%swap3A_956, %swap3A_957, %swap3A_958], %swap3A_961 {strides = array<i32>} : memref<2x16x1024xf32, #tpu.memory_space<vmem>>, vector<1x1x16xf32>,
        %get3A_962 = arith.constant 1 : i32
        %get3A_963 = arith.index_cast %get3A_962 : i32 to index
        %get3A_964 = arith.index_cast %scan3A_188 : i32 to index
        %get3A_965 = arith.constant 560 : index
        %get3A_966 = tpu.vector_load %arg8[%get3A_963, %get3A_964, %get3A_965] {strides = array<i32>} : memref<2x16x1024xf32, #tpu.memory_space<vmem>>, vector<1x1x16xf32>,
        %get3A_967 = vector.shape_cast %get3A_966 : vector<1x1x16xf32> to vector<16xf32>
        %get3A_968 = arith.constant 1 : i32
        %get3A_969 = arith.index_cast %get3A_968 : i32 to index
        %get3A_970 = arith.index_cast %scan3A_188 : i32 to index
        %get3A_971 = arith.constant 560 : index
        %get3A_972 = tpu.vector_load %arg9[%get3A_969, %get3A_970, %get3A_971] {strides = array<i32>} : memref<2x16x1024xf32, #tpu.memory_space<vmem>>, vector<1x1x16xf32>,
        %get3A_973 = vector.shape_cast %get3A_972 : vector<1x1x16xf32> to vector<16xf32>
        %mul3A_974 = arith.mulf %get3A_967, %gather3A_189 : vector<16xf32>
        %mul3A_975 = arith.mulf %get3A_973, %gather3A_192 : vector<16xf32>
        %add3A_976 = arith.addf %mul3A_974, %mul3A_975 : vector<16xf32>
        %swap3A_977 = arith.constant 1 : i32
        %swap3A_978 = arith.index_cast %swap3A_977 : i32 to index
        %swap3A_979 = arith.index_cast %scan3A_188 : i32 to index
        %swap3A_980 = arith.constant 560 : index
        %swap3A_981 = tpu.vector_load %arg10[%swap3A_978, %swap3A_979, %swap3A_980] {strides = array<i32>} : memref<2x16x1024xf32, #tpu.memory_space<vmem>>, vector<1x1x16xf32>,
        %swap3A_982 = vector.shape_cast %swap3A_981 : vector<1x1x16xf32> to vector<16xf32>
        %swap3A_983 = vector.shape_cast %add3A_976 : vector<16xf32> to vector<1x1x16xf32>
        tpu.vector_store %arg10[%swap3A_978, %swap3A_979, %swap3A_980], %swap3A_983 {strides = array<i32>} : memref<2x16x1024xf32, #tpu.memory_space<vmem>>, vector<1x1x16xf32>,
        %get3A_984 = arith.constant 1 : i32
        %get3A_985 = arith.index_cast %get3A_984 : i32 to index
        %get3A_986 = arith.index_cast %scan3A_188 : i32 to index
        %get3A_987 = arith.constant 576 : index
        %get3A_988 = tpu.vector_load %arg8[%get3A_985, %get3A_986, %get3A_987] {strides = array<i32>} : memref<2x16x1024xf32, #tpu.memory_space<vmem>>, vector<1x1x16xf32>,
        %get3A_989 = vector.shape_cast %get3A_988 : vector<1x1x16xf32> to vector<16xf32>
        %get3A_990 = arith.constant 1 : i32
        %get3A_991 = arith.index_cast %get3A_990 : i32 to index
        %get3A_992 = arith.index_cast %scan3A_188 : i32 to index
        %get3A_993 = arith.constant 576 : index
        %get3A_994 = tpu.vector_load %arg9[%get3A_991, %get3A_992, %get3A_993] {strides = array<i32>} : memref<2x16x1024xf32, #tpu.memory_space<vmem>>, vector<1x1x16xf32>,
        %get3A_995 = vector.shape_cast %get3A_994 : vector<1x1x16xf32> to vector<16xf32>
        %mul3A_996 = arith.mulf %get3A_989, %gather3A_189 : vector<16xf32>
        %mul3A_997 = arith.mulf %get3A_995, %gather3A_192 : vector<16xf32>
        %add3A_998 = arith.addf %mul3A_996, %mul3A_997 : vector<16xf32>
        %swap3A_999 = arith.constant 1 : i32
        %swap3A_1000 = arith.index_cast %swap3A_999 : i32 to index
        %swap3A_1001 = arith.index_cast %scan3A_188 : i32 to index
        %swap3A_1002 = arith.constant 576 : index
        %swap3A_1003 = tpu.vector_load %arg10[%swap3A_1000, %swap3A_1001, %swap3A_1002] {strides = array<i32>} : memref<2x16x1024xf32, #tpu.memory_space<vmem>>, vector<1x1x16xf32>,
        %swap3A_1004 = vector.shape_cast %swap3A_1003 : vector<1x1x16xf32> to vector<16xf32>
        %swap3A_1005 = vector.shape_cast %add3A_998 : vector<16xf32> to vector<1x1x16xf32>
        tpu.vector_store %arg10[%swap3A_1000, %swap3A_1001, %swap3A_1002], %swap3A_1005 {strides = array<i32>} : memref<2x16x1024xf32, #tpu.memory_space<vmem>>, vector<1x1x16xf32>,
        %get3A_1006 = arith.constant 1 : i32
        %get3A_1007 = arith.index_cast %get3A_1006 : i32 to index
        %get3A_1008 = arith.index_cast %scan3A_188 : i32 to index
        %get3A_1009 = arith.constant 592 : index
        %get3A_1010 = tpu.vector_load %arg8[%get3A_1007, %get3A_1008, %get3A_1009] {strides = array<i32>} : memref<2x16x1024xf32, #tpu.memory_space<vmem>>, vector<1x1x16xf32>,
        %get3A_1011 = vector.shape_cast %get3A_1010 : vector<1x1x16xf32> to vector<16xf32>
        %get3A_1012 = arith.constant 1 : i32
        %get3A_1013 = arith.index_cast %get3A_1012 : i32 to index
        %get3A_1014 = arith.index_cast %scan3A_188 : i32 to index
        %get3A_1015 = arith.constant 592 : index
        %get3A_1016 = tpu.vector_load %arg9[%get3A_1013, %get3A_1014, %get3A_1015] {strides = array<i32>} : memref<2x16x1024xf32, #tpu.memory_space<vmem>>, vector<1x1x16xf32>,
        %get3A_1017 = vector.shape_cast %get3A_1016 : vector<1x1x16xf32> to vector<16xf32>
        %mul3A_1018 = arith.mulf %get3A_1011, %gather3A_189 : vector<16xf32>
        %mul3A_1019 = arith.mulf %get3A_1017, %gather3A_192 : vector<16xf32>
        %add3A_1020 = arith.addf %mul3A_1018, %mul3A_1019 : vector<16xf32>
        %swap3A_1021 = arith.constant 1 : i32
        %swap3A_1022 = arith.index_cast %swap3A_1021 : i32 to index
        %swap3A_1023 = arith.index_cast %scan3A_188 : i32 to index
        %swap3A_1024 = arith.constant 592 : index
        %swap3A_1025 = tpu.vector_load %arg10[%swap3A_1022, %swap3A_1023, %swap3A_1024] {strides = array<i32>} : memref<2x16x1024xf32, #tpu.memory_space<vmem>>, vector<1x1x16xf32>,
        %swap3A_1026 = vector.shape_cast %swap3A_1025 : vector<1x1x16xf32> to vector<16xf32>
        %swap3A_1027 = vector.shape_cast %add3A_1020 : vector<16xf32> to vector<1x1x16xf32>
        tpu.vector_store %arg10[%swap3A_1022, %swap3A_1023, %swap3A_1024], %swap3A_1027 {strides = array<i32>} : memref<2x16x1024xf32, #tpu.memory_space<vmem>>, vector<1x1x16xf32>,
        %get3A_1028 = arith.constant 1 : i32
        %get3A_1029 = arith.index_cast %get3A_1028 : i32 to index
        %get3A_1030 = arith.index_cast %scan3A_188 : i32 to index
        %get3A_1031 = arith.constant 608 : index
        %get3A_1032 = tpu.vector_load %arg8[%get3A_1029, %get3A_1030, %get3A_1031] {strides = array<i32>} : memref<2x16x1024xf32, #tpu.memory_space<vmem>>, vector<1x1x16xf32>,
        %get3A_1033 = vector.shape_cast %get3A_1032 : vector<1x1x16xf32> to vector<16xf32>
        %get3A_1034 = arith.constant 1 : i32
        %get3A_1035 = arith.index_cast %get3A_1034 : i32 to index
        %get3A_1036 = arith.index_cast %scan3A_188 : i32 to index
        %get3A_1037 = arith.constant 608 : index
        %get3A_1038 = tpu.vector_load %arg9[%get3A_1035, %get3A_1036, %get3A_1037] {strides = array<i32>} : memref<2x16x1024xf32, #tpu.memory_space<vmem>>, vector<1x1x16xf32>,
        %get3A_1039 = vector.shape_cast %get3A_1038 : vector<1x1x16xf32> to vector<16xf32>
        %mul3A_1040 = arith.mulf %get3A_1033, %gather3A_189 : vector<16xf32>
        %mul3A_1041 = arith.mulf %get3A_1039, %gather3A_192 : vector<16xf32>
        %add3A_1042 = arith.addf %mul3A_1040, %mul3A_1041 : vector<16xf32>
        %swap3A_1043 = arith.constant 1 : i32
        %swap3A_1044 = arith.index_cast %swap3A_1043 : i32 to index
        %swap3A_1045 = arith.index_cast %scan3A_188 : i32 to index
        %swap3A_1046 = arith.constant 608 : index
        %swap3A_1047 = tpu.vector_load %arg10[%swap3A_1044, %swap3A_1045, %swap3A_1046] {strides = array<i32>} : memref<2x16x1024xf32, #tpu.memory_space<vmem>>, vector<1x1x16xf32>,
        %swap3A_1048 = vector.shape_cast %swap3A_1047 : vector<1x1x16xf32> to vector<16xf32>
        %swap3A_1049 = vector.shape_cast %add3A_1042 : vector<16xf32> to vector<1x1x16xf32>
        tpu.vector_store %arg10[%swap3A_1044, %swap3A_1045, %swap3A_1046], %swap3A_1049 {strides = array<i32>} : memref<2x16x1024xf32, #tpu.memory_space<vmem>>, vector<1x1x16xf32>,
        %get3A_1050 = arith.constant 1 : i32
        %get3A_1051 = arith.index_cast %get3A_1050 : i32 to index
        %get3A_1052 = arith.index_cast %scan3A_188 : i32 to index
        %get3A_1053 = arith.constant 624 : index
        %get3A_1054 = tpu.vector_load %arg8[%get3A_1051, %get3A_1052, %get3A_1053] {strides = array<i32>} : memref<2x16x1024xf32, #tpu.memory_space<vmem>>, vector<1x1x16xf32>,
        %get3A_1055 = vector.shape_cast %get3A_1054 : vector<1x1x16xf32> to vector<16xf32>
        %get3A_1056 = arith.constant 1 : i32
        %get3A_1057 = arith.index_cast %get3A_1056 : i32 to index
        %get3A_1058 = arith.index_cast %scan3A_188 : i32 to index
        %get3A_1059 = arith.constant 624 : index
        %get3A_1060 = tpu.vector_load %arg9[%get3A_1057, %get3A_1058, %get3A_1059] {strides = array<i32>} : memref<2x16x1024xf32, #tpu.memory_space<vmem>>, vector<1x1x16xf32>,
        %get3A_1061 = vector.shape_cast %get3A_1060 : vector<1x1x16xf32> to vector<16xf32>
        %mul3A_1062 = arith.mulf %get3A_1055, %gather3A_189 : vector<16xf32>
        %mul3A_1063 = arith.mulf %get3A_1061, %gather3A_192 : vector<16xf32>
        %add3A_1064 = arith.addf %mul3A_1062, %mul3A_1063 : vector<16xf32>
        %swap3A_1065 = arith.constant 1 : i32
        %swap3A_1066 = arith.index_cast %swap3A_1065 : i32 to index
        %swap3A_1067 = arith.index_cast %scan3A_188 : i32 to index
        %swap3A_1068 = arith.constant 624 : index
        %swap3A_1069 = tpu.vector_load %arg10[%swap3A_1066, %swap3A_1067, %swap3A_1068] {strides = array<i32>} : memref<2x16x1024xf32, #tpu.memory_space<vmem>>, vector<1x1x16xf32>,
        %swap3A_1070 = vector.shape_cast %swap3A_1069 : vector<1x1x16xf32> to vector<16xf32>
        %swap3A_1071 = vector.shape_cast %add3A_1064 : vector<16xf32> to vector<1x1x16xf32>
        tpu.vector_store %arg10[%swap3A_1066, %swap3A_1067, %swap3A_1068], %swap3A_1071 {strides = array<i32>} : memref<2x16x1024xf32, #tpu.memory_space<vmem>>, vector<1x1x16xf32>,
        %get3A_1072 = arith.constant 1 : i32
        %get3A_1073 = arith.index_cast %get3A_1072 : i32 to index
        %get3A_1074 = arith.index_cast %scan3A_188 : i32 to index
        %get3A_1075 = arith.constant 640 : index
        %get3A_1076 = tpu.vector_load %arg8[%get3A_1073, %get3A_1074, %get3A_1075] {strides = array<i32>} : memref<2x16x1024xf32, #tpu.memory_space<vmem>>, vector<1x1x16xf32>,
        %get3A_1077 = vector.shape_cast %get3A_1076 : vector<1x1x16xf32> to vector<16xf32>
        %get3A_1078 = arith.constant 1 : i32
        %get3A_1079 = arith.index_cast %get3A_1078 : i32 to index
        %get3A_1080 = arith.index_cast %scan3A_188 : i32 to index
        %get3A_1081 = arith.constant 640 : index
        %get3A_1082 = tpu.vector_load %arg9[%get3A_1079, %get3A_1080, %get3A_1081] {strides = array<i32>} : memref<2x16x1024xf32, #tpu.memory_space<vmem>>, vector<1x1x16xf32>,
        %get3A_1083 = vector.shape_cast %get3A_1082 : vector<1x1x16xf32> to vector<16xf32>
        %mul3A_1084 = arith.mulf %get3A_1077, %gather3A_189 : vector<16xf32>
        %mul3A_1085 = arith.mulf %get3A_1083, %gather3A_192 : vector<16xf32>
        %add3A_1086 = arith.addf %mul3A_1084, %mul3A_1085 : vector<16xf32>
        %swap3A_1087 = arith.constant 1 : i32
        %swap3A_1088 = arith.index_cast %swap3A_1087 : i32 to index
        %swap3A_1089 = arith.index_cast %scan3A_188 : i32 to index
        %swap3A_1090 = arith.constant 640 : index
        %swap3A_1091 = tpu.vector_load %arg10[%swap3A_1088, %swap3A_1089, %swap3A_1090] {strides = array<i32>} : memref<2x16x1024xf32, #tpu.memory_space<vmem>>, vector<1x1x16xf32>,
        %swap3A_1092 = vector.shape_cast %swap3A_1091 : vector<1x1x16xf32> to vector<16xf32>
        %swap3A_1093 = vector.shape_cast %add3A_1086 : vector<16xf32> to vector<1x1x16xf32>
        tpu.vector_store %arg10[%swap3A_1088, %swap3A_1089, %swap3A_1090], %swap3A_1093 {strides = array<i32>} : memref<2x16x1024xf32, #tpu.memory_space<vmem>>, vector<1x1x16xf32>,
        %get3A_1094 = arith.constant 1 : i32
        %get3A_1095 = arith.index_cast %get3A_1094 : i32 to index
        %get3A_1096 = arith.index_cast %scan3A_188 : i32 to index
        %get3A_1097 = arith.constant 656 : index
        %get3A_1098 = tpu.vector_load %arg8[%get3A_1095, %get3A_1096, %get3A_1097] {strides = array<i32>} : memref<2x16x1024xf32, #tpu.memory_space<vmem>>, vector<1x1x16xf32>,
        %get3A_1099 = vector.shape_cast %get3A_1098 : vector<1x1x16xf32> to vector<16xf32>
        %get3A_1100 = arith.constant 1 : i32
        %get3A_1101 = arith.index_cast %get3A_1100 : i32 to index
        %get3A_1102 = arith.index_cast %scan3A_188 : i32 to index
        %get3A_1103 = arith.constant 656 : index
        %get3A_1104 = tpu.vector_load %arg9[%get3A_1101, %get3A_1102, %get3A_1103] {strides = array<i32>} : memref<2x16x1024xf32, #tpu.memory_space<vmem>>, vector<1x1x16xf32>,
        %get3A_1105 = vector.shape_cast %get3A_1104 : vector<1x1x16xf32> to vector<16xf32>
        %mul3A_1106 = arith.mulf %get3A_1099, %gather3A_189 : vector<16xf32>
        %mul3A_1107 = arith.mulf %get3A_1105, %gather3A_192 : vector<16xf32>
        %add3A_1108 = arith.addf %mul3A_1106, %mul3A_1107 : vector<16xf32>
        %swap3A_1109 = arith.constant 1 : i32
        %swap3A_1110 = arith.index_cast %swap3A_1109 : i32 to index
        %swap3A_1111 = arith.index_cast %scan3A_188 : i32 to index
        %swap3A_1112 = arith.constant 656 : index
        %swap3A_1113 = tpu.vector_load %arg10[%swap3A_1110, %swap3A_1111, %swap3A_1112] {strides = array<i32>} : memref<2x16x1024xf32, #tpu.memory_space<vmem>>, vector<1x1x16xf32>,
        %swap3A_1114 = vector.shape_cast %swap3A_1113 : vector<1x1x16xf32> to vector<16xf32>
        %swap3A_1115 = vector.shape_cast %add3A_1108 : vector<16xf32> to vector<1x1x16xf32>
        tpu.vector_store %arg10[%swap3A_1110, %swap3A_1111, %swap3A_1112], %swap3A_1115 {strides = array<i32>} : memref<2x16x1024xf32, #tpu.memory_space<vmem>>, vector<1x1x16xf32>,
        %get3A_1116 = arith.constant 1 : i32
        %get3A_1117 = arith.index_cast %get3A_1116 : i32 to index
        %get3A_1118 = arith.index_cast %scan3A_188 : i32 to index
        %get3A_1119 = arith.constant 672 : index
        %get3A_1120 = tpu.vector_load %arg8[%get3A_1117, %get3A_1118, %get3A_1119] {strides = array<i32>} : memref<2x16x1024xf32, #tpu.memory_space<vmem>>, vector<1x1x16xf32>,
        %get3A_1121 = vector.shape_cast %get3A_1120 : vector<1x1x16xf32> to vector<16xf32>
        %get3A_1122 = arith.constant 1 : i32
        %get3A_1123 = arith.index_cast %get3A_1122 : i32 to index
        %get3A_1124 = arith.index_cast %scan3A_188 : i32 to index
        %get3A_1125 = arith.constant 672 : index
        %get3A_1126 = tpu.vector_load %arg9[%get3A_1123, %get3A_1124, %get3A_1125] {strides = array<i32>} : memref<2x16x1024xf32, #tpu.memory_space<vmem>>, vector<1x1x16xf32>,
        %get3A_1127 = vector.shape_cast %get3A_1126 : vector<1x1x16xf32> to vector<16xf32>
        %mul3A_1128 = arith.mulf %get3A_1121, %gather3A_189 : vector<16xf32>
        %mul3A_1129 = arith.mulf %get3A_1127, %gather3A_192 : vector<16xf32>
        %add3A_1130 = arith.addf %mul3A_1128, %mul3A_1129 : vector<16xf32>
        %swap3A_1131 = arith.constant 1 : i32
        %swap3A_1132 = arith.index_cast %swap3A_1131 : i32 to index
        %swap3A_1133 = arith.index_cast %scan3A_188 : i32 to index
        %swap3A_1134 = arith.constant 672 : index
        %swap3A_1135 = tpu.vector_load %arg10[%swap3A_1132, %swap3A_1133, %swap3A_1134] {strides = array<i32>} : memref<2x16x1024xf32, #tpu.memory_space<vmem>>, vector<1x1x16xf32>,
        %swap3A_1136 = vector.shape_cast %swap3A_1135 : vector<1x1x16xf32> to vector<16xf32>
        %swap3A_1137 = vector.shape_cast %add3A_1130 : vector<16xf32> to vector<1x1x16xf32>
        tpu.vector_store %arg10[%swap3A_1132, %swap3A_1133, %swap3A_1134], %swap3A_1137 {strides = array<i32>} : memref<2x16x1024xf32, #tpu.memory_space<vmem>>, vector<1x1x16xf32>,
        %get3A_1138 = arith.constant 1 : i32
        %get3A_1139 = arith.index_cast %get3A_1138 : i32 to index
        %get3A_1140 = arith.index_cast %scan3A_188 : i32 to index
        %get3A_1141 = arith.constant 688 : index
        %get3A_1142 = tpu.vector_load %arg8[%get3A_1139, %get3A_1140, %get3A_1141] {strides = array<i32>} : memref<2x16x1024xf32, #tpu.memory_space<vmem>>, vector<1x1x16xf32>,
        %get3A_1143 = vector.shape_cast %get3A_1142 : vector<1x1x16xf32> to vector<16xf32>
        %get3A_1144 = arith.constant 1 : i32
        %get3A_1145 = arith.index_cast %get3A_1144 : i32 to index
        %get3A_1146 = arith.index_cast %scan3A_188 : i32 to index
        %get3A_1147 = arith.constant 688 : index
        %get3A_1148 = tpu.vector_load %arg9[%get3A_1145, %get3A_1146, %get3A_1147] {strides = array<i32>} : memref<2x16x1024xf32, #tpu.memory_space<vmem>>, vector<1x1x16xf32>,
        %get3A_1149 = vector.shape_cast %get3A_1148 : vector<1x1x16xf32> to vector<16xf32>
        %mul3A_1150 = arith.mulf %get3A_1143, %gather3A_189 : vector<16xf32>
        %mul3A_1151 = arith.mulf %get3A_1149, %gather3A_192 : vector<16xf32>
        %add3A_1152 = arith.addf %mul3A_1150, %mul3A_1151 : vector<16xf32>
        %swap3A_1153 = arith.constant 1 : i32
        %swap3A_1154 = arith.index_cast %swap3A_1153 : i32 to index
        %swap3A_1155 = arith.index_cast %scan3A_188 : i32 to index
        %swap3A_1156 = arith.constant 688 : index
        %swap3A_1157 = tpu.vector_load %arg10[%swap3A_1154, %swap3A_1155, %swap3A_1156] {strides = array<i32>} : memref<2x16x1024xf32, #tpu.memory_space<vmem>>, vector<1x1x16xf32>,
        %swap3A_1158 = vector.shape_cast %swap3A_1157 : vector<1x1x16xf32> to vector<16xf32>
        %swap3A_1159 = vector.shape_cast %add3A_1152 : vector<16xf32> to vector<1x1x16xf32>
        tpu.vector_store %arg10[%swap3A_1154, %swap3A_1155, %swap3A_1156], %swap3A_1159 {strides = array<i32>} : memref<2x16x1024xf32, #tpu.memory_space<vmem>>, vector<1x1x16xf32>,
        %get3A_1160 = arith.constant 1 : i32
        %get3A_1161 = arith.index_cast %get3A_1160 : i32 to index
        %get3A_1162 = arith.index_cast %scan3A_188 : i32 to index
        %get3A_1163 = arith.constant 704 : index
        %get3A_1164 = tpu.vector_load %arg8[%get3A_1161, %get3A_1162, %get3A_1163] {strides = array<i32>} : memref<2x16x1024xf32, #tpu.memory_space<vmem>>, vector<1x1x16xf32>,
        %get3A_1165 = vector.shape_cast %get3A_1164 : vector<1x1x16xf32> to vector<16xf32>
        %get3A_1166 = arith.constant 1 : i32
        %get3A_1167 = arith.index_cast %get3A_1166 : i32 to index
        %get3A_1168 = arith.index_cast %scan3A_188 : i32 to index
        %get3A_1169 = arith.constant 704 : index
        %get3A_1170 = tpu.vector_load %arg9[%get3A_1167, %get3A_1168, %get3A_1169] {strides = array<i32>} : memref<2x16x1024xf32, #tpu.memory_space<vmem>>, vector<1x1x16xf32>,
        %get3A_1171 = vector.shape_cast %get3A_1170 : vector<1x1x16xf32> to vector<16xf32>
        %mul3A_1172 = arith.mulf %get3A_1165, %gather3A_189 : vector<16xf32>
        %mul3A_1173 = arith.mulf %get3A_1171, %gather3A_192 : vector<16xf32>
        %add3A_1174 = arith.addf %mul3A_1172, %mul3A_1173 : vector<16xf32>
        %swap3A_1175 = arith.constant 1 : i32
        %swap3A_1176 = arith.index_cast %swap3A_1175 : i32 to index
        %swap3A_1177 = arith.index_cast %scan3A_188 : i32 to index
        %swap3A_1178 = arith.constant 704 : index
        %swap3A_1179 = tpu.vector_load %arg10[%swap3A_1176, %swap3A_1177, %swap3A_1178] {strides = array<i32>} : memref<2x16x1024xf32, #tpu.memory_space<vmem>>, vector<1x1x16xf32>,
        %swap3A_1180 = vector.shape_cast %swap3A_1179 : vector<1x1x16xf32> to vector<16xf32>
        %swap3A_1181 = vector.shape_cast %add3A_1174 : vector<16xf32> to vector<1x1x16xf32>
        tpu.vector_store %arg10[%swap3A_1176, %swap3A_1177, %swap3A_1178], %swap3A_1181 {strides = array<i32>} : memref<2x16x1024xf32, #tpu.memory_space<vmem>>, vector<1x1x16xf32>,
        %get3A_1182 = arith.constant 1 : i32
        %get3A_1183 = arith.index_cast %get3A_1182 : i32 to index
        %get3A_1184 = arith.index_cast %scan3A_188 : i32 to index
        %get3A_1185 = arith.constant 720 : index
        %get3A_1186 = tpu.vector_load %arg8[%get3A_1183, %get3A_1184, %get3A_1185] {strides = array<i32>} : memref<2x16x1024xf32, #tpu.memory_space<vmem>>, vector<1x1x16xf32>,
        %get3A_1187 = vector.shape_cast %get3A_1186 : vector<1x1x16xf32> to vector<16xf32>
        %get3A_1188 = arith.constant 1 : i32
        %get3A_1189 = arith.index_cast %get3A_1188 : i32 to index
        %get3A_1190 = arith.index_cast %scan3A_188 : i32 to index
        %get3A_1191 = arith.constant 720 : index
        %get3A_1192 = tpu.vector_load %arg9[%get3A_1189, %get3A_1190, %get3A_1191] {strides = array<i32>} : memref<2x16x1024xf32, #tpu.memory_space<vmem>>, vector<1x1x16xf32>,
        %get3A_1193 = vector.shape_cast %get3A_1192 : vector<1x1x16xf32> to vector<16xf32>
        %mul3A_1194 = arith.mulf %get3A_1187, %gather3A_189 : vector<16xf32>
        %mul3A_1195 = arith.mulf %get3A_1193, %gather3A_192 : vector<16xf32>
        %add3A_1196 = arith.addf %mul3A_1194, %mul3A_1195 : vector<16xf32>
        %swap3A_1197 = arith.constant 1 : i32
        %swap3A_1198 = arith.index_cast %swap3A_1197 : i32 to index
        %swap3A_1199 = arith.index_cast %scan3A_188 : i32 to index
        %swap3A_1200 = arith.constant 720 : index
        %swap3A_1201 = tpu.vector_load %arg10[%swap3A_1198, %swap3A_1199, %swap3A_1200] {strides = array<i32>} : memref<2x16x1024xf32, #tpu.memory_space<vmem>>, vector<1x1x16xf32>,
        %swap3A_1202 = vector.shape_cast %swap3A_1201 : vector<1x1x16xf32> to vector<16xf32>
        %swap3A_1203 = vector.shape_cast %add3A_1196 : vector<16xf32> to vector<1x1x16xf32>
        tpu.vector_store %arg10[%swap3A_1198, %swap3A_1199, %swap3A_1200], %swap3A_1203 {strides = array<i32>} : memref<2x16x1024xf32, #tpu.memory_space<vmem>>, vector<1x1x16xf32>,
        %get3A_1204 = arith.constant 1 : i32
        %get3A_1205 = arith.index_cast %get3A_1204 : i32 to index
        %get3A_1206 = arith.index_cast %scan3A_188 : i32 to index
        %get3A_1207 = arith.constant 736 : index
        %get3A_1208 = tpu.vector_load %arg8[%get3A_1205, %get3A_1206, %get3A_1207] {strides = array<i32>} : memref<2x16x1024xf32, #tpu.memory_space<vmem>>, vector<1x1x16xf32>,
        %get3A_1209 = vector.shape_cast %get3A_1208 : vector<1x1x16xf32> to vector<16xf32>
        %get3A_1210 = arith.constant 1 : i32
        %get3A_1211 = arith.index_cast %get3A_1210 : i32 to index
        %get3A_1212 = arith.index_cast %scan3A_188 : i32 to index
        %get3A_1213 = arith.constant 736 : index
        %get3A_1214 = tpu.vector_load %arg9[%get3A_1211, %get3A_1212, %get3A_1213] {strides = array<i32>} : memref<2x16x1024xf32, #tpu.memory_space<vmem>>, vector<1x1x16xf32>,
        %get3A_1215 = vector.shape_cast %get3A_1214 : vector<1x1x16xf32> to vector<16xf32>
        %mul3A_1216 = arith.mulf %get3A_1209, %gather3A_189 : vector<16xf32>
        %mul3A_1217 = arith.mulf %get3A_1215, %gather3A_192 : vector<16xf32>
        %add3A_1218 = arith.addf %mul3A_1216, %mul3A_1217 : vector<16xf32>
        %swap3A_1219 = arith.constant 1 : i32
        %swap3A_1220 = arith.index_cast %swap3A_1219 : i32 to index
        %swap3A_1221 = arith.index_cast %scan3A_188 : i32 to index
        %swap3A_1222 = arith.constant 736 : index
        %swap3A_1223 = tpu.vector_load %arg10[%swap3A_1220, %swap3A_1221, %swap3A_1222] {strides = array<i32>} : memref<2x16x1024xf32, #tpu.memory_space<vmem>>, vector<1x1x16xf32>,
        %swap3A_1224 = vector.shape_cast %swap3A_1223 : vector<1x1x16xf32> to vector<16xf32>
        %swap3A_1225 = vector.shape_cast %add3A_1218 : vector<16xf32> to vector<1x1x16xf32>
        tpu.vector_store %arg10[%swap3A_1220, %swap3A_1221, %swap3A_1222], %swap3A_1225 {strides = array<i32>} : memref<2x16x1024xf32, #tpu.memory_space<vmem>>, vector<1x1x16xf32>,
        %get3A_1226 = arith.constant 1 : i32
        %get3A_1227 = arith.index_cast %get3A_1226 : i32 to index
        %get3A_1228 = arith.index_cast %scan3A_188 : i32 to index
        %get3A_1229 = arith.constant 752 : index
        %get3A_1230 = tpu.vector_load %arg8[%get3A_1227, %get3A_1228, %get3A_1229] {strides = array<i32>} : memref<2x16x1024xf32, #tpu.memory_space<vmem>>, vector<1x1x16xf32>,
        %get3A_1231 = vector.shape_cast %get3A_1230 : vector<1x1x16xf32> to vector<16xf32>
        %get3A_1232 = arith.constant 1 : i32
        %get3A_1233 = arith.index_cast %get3A_1232 : i32 to index
        %get3A_1234 = arith.index_cast %scan3A_188 : i32 to index
        %get3A_1235 = arith.constant 752 : index
        %get3A_1236 = tpu.vector_load %arg9[%get3A_1233, %get3A_1234, %get3A_1235] {strides = array<i32>} : memref<2x16x1024xf32, #tpu.memory_space<vmem>>, vector<1x1x16xf32>,
        %get3A_1237 = vector.shape_cast %get3A_1236 : vector<1x1x16xf32> to vector<16xf32>
        %mul3A_1238 = arith.mulf %get3A_1231, %gather3A_189 : vector<16xf32>
        %mul3A_1239 = arith.mulf %get3A_1237, %gather3A_192 : vector<16xf32>
        %add3A_1240 = arith.addf %mul3A_1238, %mul3A_1239 : vector<16xf32>
        %swap3A_1241 = arith.constant 1 : i32
        %swap3A_1242 = arith.index_cast %swap3A_1241 : i32 to index
        %swap3A_1243 = arith.index_cast %scan3A_188 : i32 to index
        %swap3A_1244 = arith.constant 752 : index
        %swap3A_1245 = tpu.vector_load %arg10[%swap3A_1242, %swap3A_1243, %swap3A_1244] {strides = array<i32>} : memref<2x16x1024xf32, #tpu.memory_space<vmem>>, vector<1x1x16xf32>,
        %swap3A_1246 = vector.shape_cast %swap3A_1245 : vector<1x1x16xf32> to vector<16xf32>
        %swap3A_1247 = vector.shape_cast %add3A_1240 : vector<16xf32> to vector<1x1x16xf32>
        tpu.vector_store %arg10[%swap3A_1242, %swap3A_1243, %swap3A_1244], %swap3A_1247 {strides = array<i32>} : memref<2x16x1024xf32, #tpu.memory_space<vmem>>, vector<1x1x16xf32>,
        %get3A_1248 = arith.constant 1 : i32
        %get3A_1249 = arith.index_cast %get3A_1248 : i32 to index
        %get3A_1250 = arith.index_cast %scan3A_188 : i32 to index
        %get3A_1251 = arith.constant 768 : index
        %get3A_1252 = tpu.vector_load %arg8[%get3A_1249, %get3A_1250, %get3A_1251] {strides = array<i32>} : memref<2x16x1024xf32, #tpu.memory_space<vmem>>, vector<1x1x16xf32>,
        %get3A_1253 = vector.shape_cast %get3A_1252 : vector<1x1x16xf32> to vector<16xf32>
        %get3A_1254 = arith.constant 1 : i32
        %get3A_1255 = arith.index_cast %get3A_1254 : i32 to index
        %get3A_1256 = arith.index_cast %scan3A_188 : i32 to index
        %get3A_1257 = arith.constant 768 : index
        %get3A_1258 = tpu.vector_load %arg9[%get3A_1255, %get3A_1256, %get3A_1257] {strides = array<i32>} : memref<2x16x1024xf32, #tpu.memory_space<vmem>>, vector<1x1x16xf32>,
        %get3A_1259 = vector.shape_cast %get3A_1258 : vector<1x1x16xf32> to vector<16xf32>
        %mul3A_1260 = arith.mulf %get3A_1253, %gather3A_189 : vector<16xf32>
        %mul3A_1261 = arith.mulf %get3A_1259, %gather3A_192 : vector<16xf32>
        %add3A_1262 = arith.addf %mul3A_1260, %mul3A_1261 : vector<16xf32>
        %swap3A_1263 = arith.constant 1 : i32
        %swap3A_1264 = arith.index_cast %swap3A_1263 : i32 to index
        %swap3A_1265 = arith.index_cast %scan3A_188 : i32 to index
        %swap3A_1266 = arith.constant 768 : index
        %swap3A_1267 = tpu.vector_load %arg10[%swap3A_1264, %swap3A_1265, %swap3A_1266] {strides = array<i32>} : memref<2x16x1024xf32, #tpu.memory_space<vmem>>, vector<1x1x16xf32>,
        %swap3A_1268 = vector.shape_cast %swap3A_1267 : vector<1x1x16xf32> to vector<16xf32>
        %swap3A_1269 = vector.shape_cast %add3A_1262 : vector<16xf32> to vector<1x1x16xf32>
        tpu.vector_store %arg10[%swap3A_1264, %swap3A_1265, %swap3A_1266], %swap3A_1269 {strides = array<i32>} : memref<2x16x1024xf32, #tpu.memory_space<vmem>>, vector<1x1x16xf32>,
        %get3A_1270 = arith.constant 1 : i32
        %get3A_1271 = arith.index_cast %get3A_1270 : i32 to index
        %get3A_1272 = arith.index_cast %scan3A_188 : i32 to index
        %get3A_1273 = arith.constant 784 : index
        %get3A_1274 = tpu.vector_load %arg8[%get3A_1271, %get3A_1272, %get3A_1273] {strides = array<i32>} : memref<2x16x1024xf32, #tpu.memory_space<vmem>>, vector<1x1x16xf32>,
        %get3A_1275 = vector.shape_cast %get3A_1274 : vector<1x1x16xf32> to vector<16xf32>
        %get3A_1276 = arith.constant 1 : i32
        %get3A_1277 = arith.index_cast %get3A_1276 : i32 to index
        %get3A_1278 = arith.index_cast %scan3A_188 : i32 to index
        %get3A_1279 = arith.constant 784 : index
        %get3A_1280 = tpu.vector_load %arg9[%get3A_1277, %get3A_1278, %get3A_1279] {strides = array<i32>} : memref<2x16x1024xf32, #tpu.memory_space<vmem>>, vector<1x1x16xf32>,
        %get3A_1281 = vector.shape_cast %get3A_1280 : vector<1x1x16xf32> to vector<16xf32>
        %mul3A_1282 = arith.mulf %get3A_1275, %gather3A_189 : vector<16xf32>
        %mul3A_1283 = arith.mulf %get3A_1281, %gather3A_192 : vector<16xf32>
        %add3A_1284 = arith.addf %mul3A_1282, %mul3A_1283 : vector<16xf32>
        %swap3A_1285 = arith.constant 1 : i32
        %swap3A_1286 = arith.index_cast %swap3A_1285 : i32 to index
        %swap3A_1287 = arith.index_cast %scan3A_188 : i32 to index
        %swap3A_1288 = arith.constant 784 : index
        %swap3A_1289 = tpu.vector_load %arg10[%swap3A_1286, %swap3A_1287, %swap3A_1288] {strides = array<i32>} : memref<2x16x1024xf32, #tpu.memory_space<vmem>>, vector<1x1x16xf32>,
        %swap3A_1290 = vector.shape_cast %swap3A_1289 : vector<1x1x16xf32> to vector<16xf32>
        %swap3A_1291 = vector.shape_cast %add3A_1284 : vector<16xf32> to vector<1x1x16xf32>
        tpu.vector_store %arg10[%swap3A_1286, %swap3A_1287, %swap3A_1288], %swap3A_1291 {strides = array<i32>} : memref<2x16x1024xf32, #tpu.memory_space<vmem>>, vector<1x1x16xf32>,
        %get3A_1292 = arith.constant 1 : i32
        %get3A_1293 = arith.index_cast %get3A_1292 : i32 to index
        %get3A_1294 = arith.index_cast %scan3A_188 : i32 to index
        %get3A_1295 = arith.constant 800 : index
        %get3A_1296 = tpu.vector_load %arg8[%get3A_1293, %get3A_1294, %get3A_1295] {strides = array<i32>} : memref<2x16x1024xf32, #tpu.memory_space<vmem>>, vector<1x1x16xf32>,
        %get3A_1297 = vector.shape_cast %get3A_1296 : vector<1x1x16xf32> to vector<16xf32>
        %get3A_1298 = arith.constant 1 : i32
        %get3A_1299 = arith.index_cast %get3A_1298 : i32 to index
        %get3A_1300 = arith.index_cast %scan3A_188 : i32 to index
        %get3A_1301 = arith.constant 800 : index
        %get3A_1302 = tpu.vector_load %arg9[%get3A_1299, %get3A_1300, %get3A_1301] {strides = array<i32>} : memref<2x16x1024xf32, #tpu.memory_space<vmem>>, vector<1x1x16xf32>,
        %get3A_1303 = vector.shape_cast %get3A_1302 : vector<1x1x16xf32> to vector<16xf32>
        %mul3A_1304 = arith.mulf %get3A_1297, %gather3A_189 : vector<16xf32>
        %mul3A_1305 = arith.mulf %get3A_1303, %gather3A_192 : vector<16xf32>
        %add3A_1306 = arith.addf %mul3A_1304, %mul3A_1305 : vector<16xf32>
        %swap3A_1307 = arith.constant 1 : i32
        %swap3A_1308 = arith.index_cast %swap3A_1307 : i32 to index
        %swap3A_1309 = arith.index_cast %scan3A_188 : i32 to index
        %swap3A_1310 = arith.constant 800 : index
        %swap3A_1311 = tpu.vector_load %arg10[%swap3A_1308, %swap3A_1309, %swap3A_1310] {strides = array<i32>} : memref<2x16x1024xf32, #tpu.memory_space<vmem>>, vector<1x1x16xf32>,
        %swap3A_1312 = vector.shape_cast %swap3A_1311 : vector<1x1x16xf32> to vector<16xf32>
        %swap3A_1313 = vector.shape_cast %add3A_1306 : vector<16xf32> to vector<1x1x16xf32>
        tpu.vector_store %arg10[%swap3A_1308, %swap3A_1309, %swap3A_1310], %swap3A_1313 {strides = array<i32>} : memref<2x16x1024xf32, #tpu.memory_space<vmem>>, vector<1x1x16xf32>,
        %get3A_1314 = arith.constant 1 : i32
        %get3A_1315 = arith.index_cast %get3A_1314 : i32 to index
        %get3A_1316 = arith.index_cast %scan3A_188 : i32 to index
        %get3A_1317 = arith.constant 816 : index
        %get3A_1318 = tpu.vector_load %arg8[%get3A_1315, %get3A_1316, %get3A_1317] {strides = array<i32>} : memref<2x16x1024xf32, #tpu.memory_space<vmem>>, vector<1x1x16xf32>,
        %get3A_1319 = vector.shape_cast %get3A_1318 : vector<1x1x16xf32> to vector<16xf32>
        %get3A_1320 = arith.constant 1 : i32
        %get3A_1321 = arith.index_cast %get3A_1320 : i32 to index
        %get3A_1322 = arith.index_cast %scan3A_188 : i32 to index
        %get3A_1323 = arith.constant 816 : index
        %get3A_1324 = tpu.vector_load %arg9[%get3A_1321, %get3A_1322, %get3A_1323] {strides = array<i32>} : memref<2x16x1024xf32, #tpu.memory_space<vmem>>, vector<1x1x16xf32>,
        %get3A_1325 = vector.shape_cast %get3A_1324 : vector<1x1x16xf32> to vector<16xf32>
        %mul3A_1326 = arith.mulf %get3A_1319, %gather3A_189 : vector<16xf32>
        %mul3A_1327 = arith.mulf %get3A_1325, %gather3A_192 : vector<16xf32>
        %add3A_1328 = arith.addf %mul3A_1326, %mul3A_1327 : vector<16xf32>
        %swap3A_1329 = arith.constant 1 : i32
        %swap3A_1330 = arith.index_cast %swap3A_1329 : i32 to index
        %swap3A_1331 = arith.index_cast %scan3A_188 : i32 to index
        %swap3A_1332 = arith.constant 816 : index
        %swap3A_1333 = tpu.vector_load %arg10[%swap3A_1330, %swap3A_1331, %swap3A_1332] {strides = array<i32>} : memref<2x16x1024xf32, #tpu.memory_space<vmem>>, vector<1x1x16xf32>,
        %swap3A_1334 = vector.shape_cast %swap3A_1333 : vector<1x1x16xf32> to vector<16xf32>
        %swap3A_1335 = vector.shape_cast %add3A_1328 : vector<16xf32> to vector<1x1x16xf32>
        tpu.vector_store %arg10[%swap3A_1330, %swap3A_1331, %swap3A_1332], %swap3A_1335 {strides = array<i32>} : memref<2x16x1024xf32, #tpu.memory_space<vmem>>, vector<1x1x16xf32>,
        %get3A_1336 = arith.constant 1 : i32
        %get3A_1337 = arith.index_cast %get3A_1336 : i32 to index
        %get3A_1338 = arith.index_cast %scan3A_188 : i32 to index
        %get3A_1339 = arith.constant 832 : index
        %get3A_1340 = tpu.vector_load %arg8[%get3A_1337, %get3A_1338, %get3A_1339] {strides = array<i32>} : memref<2x16x1024xf32, #tpu.memory_space<vmem>>, vector<1x1x16xf32>,
        %get3A_1341 = vector.shape_cast %get3A_1340 : vector<1x1x16xf32> to vector<16xf32>
        %get3A_1342 = arith.constant 1 : i32
        %get3A_1343 = arith.index_cast %get3A_1342 : i32 to index
        %get3A_1344 = arith.index_cast %scan3A_188 : i32 to index
        %get3A_1345 = arith.constant 832 : index
        %get3A_1346 = tpu.vector_load %arg9[%get3A_1343, %get3A_1344, %get3A_1345] {strides = array<i32>} : memref<2x16x1024xf32, #tpu.memory_space<vmem>>, vector<1x1x16xf32>,
        %get3A_1347 = vector.shape_cast %get3A_1346 : vector<1x1x16xf32> to vector<16xf32>
        %mul3A_1348 = arith.mulf %get3A_1341, %gather3A_189 : vector<16xf32>
        %mul3A_1349 = arith.mulf %get3A_1347, %gather3A_192 : vector<16xf32>
        %add3A_1350 = arith.addf %mul3A_1348, %mul3A_1349 : vector<16xf32>
        %swap3A_1351 = arith.constant 1 : i32
        %swap3A_1352 = arith.index_cast %swap3A_1351 : i32 to index
        %swap3A_1353 = arith.index_cast %scan3A_188 : i32 to index
        %swap3A_1354 = arith.constant 832 : index
        %swap3A_1355 = tpu.vector_load %arg10[%swap3A_1352, %swap3A_1353, %swap3A_1354] {strides = array<i32>} : memref<2x16x1024xf32, #tpu.memory_space<vmem>>, vector<1x1x16xf32>,
        %swap3A_1356 = vector.shape_cast %swap3A_1355 : vector<1x1x16xf32> to vector<16xf32>
        %swap3A_1357 = vector.shape_cast %add3A_1350 : vector<16xf32> to vector<1x1x16xf32>
        tpu.vector_store %arg10[%swap3A_1352, %swap3A_1353, %swap3A_1354], %swap3A_1357 {strides = array<i32>} : memref<2x16x1024xf32, #tpu.memory_space<vmem>>, vector<1x1x16xf32>,
        %get3A_1358 = arith.constant 1 : i32
        %get3A_1359 = arith.index_cast %get3A_1358 : i32 to index
        %get3A_1360 = arith.index_cast %scan3A_188 : i32 to index
        %get3A_1361 = arith.constant 848 : index
        %get3A_1362 = tpu.vector_load %arg8[%get3A_1359, %get3A_1360, %get3A_1361] {strides = array<i32>} : memref<2x16x1024xf32, #tpu.memory_space<vmem>>, vector<1x1x16xf32>,
        %get3A_1363 = vector.shape_cast %get3A_1362 : vector<1x1x16xf32> to vector<16xf32>
        %get3A_1364 = arith.constant 1 : i32
        %get3A_1365 = arith.index_cast %get3A_1364 : i32 to index
        %get3A_1366 = arith.index_cast %scan3A_188 : i32 to index
        %get3A_1367 = arith.constant 848 : index
        %get3A_1368 = tpu.vector_load %arg9[%get3A_1365, %get3A_1366, %get3A_1367] {strides = array<i32>} : memref<2x16x1024xf32, #tpu.memory_space<vmem>>, vector<1x1x16xf32>,
        %get3A_1369 = vector.shape_cast %get3A_1368 : vector<1x1x16xf32> to vector<16xf32>
        %mul3A_1370 = arith.mulf %get3A_1363, %gather3A_189 : vector<16xf32>
        %mul3A_1371 = arith.mulf %get3A_1369, %gather3A_192 : vector<16xf32>
        %add3A_1372 = arith.addf %mul3A_1370, %mul3A_1371 : vector<16xf32>
        %swap3A_1373 = arith.constant 1 : i32
        %swap3A_1374 = arith.index_cast %swap3A_1373 : i32 to index
        %swap3A_1375 = arith.index_cast %scan3A_188 : i32 to index
        %swap3A_1376 = arith.constant 848 : index
        %swap3A_1377 = tpu.vector_load %arg10[%swap3A_1374, %swap3A_1375, %swap3A_1376] {strides = array<i32>} : memref<2x16x1024xf32, #tpu.memory_space<vmem>>, vector<1x1x16xf32>,
        %swap3A_1378 = vector.shape_cast %swap3A_1377 : vector<1x1x16xf32> to vector<16xf32>
        %swap3A_1379 = vector.shape_cast %add3A_1372 : vector<16xf32> to vector<1x1x16xf32>
        tpu.vector_store %arg10[%swap3A_1374, %swap3A_1375, %swap3A_1376], %swap3A_1379 {strides = array<i32>} : memref<2x16x1024xf32, #tpu.memory_space<vmem>>, vector<1x1x16xf32>,
        %get3A_1380 = arith.constant 1 : i32
        %get3A_1381 = arith.index_cast %get3A_1380 : i32 to index
        %get3A_1382 = arith.index_cast %scan3A_188 : i32 to index
        %get3A_1383 = arith.constant 864 : index
        %get3A_1384 = tpu.vector_load %arg8[%get3A_1381, %get3A_1382, %get3A_1383] {strides = array<i32>} : memref<2x16x1024xf32, #tpu.memory_space<vmem>>, vector<1x1x16xf32>,
        %get3A_1385 = vector.shape_cast %get3A_1384 : vector<1x1x16xf32> to vector<16xf32>
        %get3A_1386 = arith.constant 1 : i32
        %get3A_1387 = arith.index_cast %get3A_1386 : i32 to index
        %get3A_1388 = arith.index_cast %scan3A_188 : i32 to index
        %get3A_1389 = arith.constant 864 : index
        %get3A_1390 = tpu.vector_load %arg9[%get3A_1387, %get3A_1388, %get3A_1389] {strides = array<i32>} : memref<2x16x1024xf32, #tpu.memory_space<vmem>>, vector<1x1x16xf32>,
        %get3A_1391 = vector.shape_cast %get3A_1390 : vector<1x1x16xf32> to vector<16xf32>
        %mul3A_1392 = arith.mulf %get3A_1385, %gather3A_189 : vector<16xf32>
        %mul3A_1393 = arith.mulf %get3A_1391, %gather3A_192 : vector<16xf32>
        %add3A_1394 = arith.addf %mul3A_1392, %mul3A_1393 : vector<16xf32>
        %swap3A_1395 = arith.constant 1 : i32
        %swap3A_1396 = arith.index_cast %swap3A_1395 : i32 to index
        %swap3A_1397 = arith.index_cast %scan3A_188 : i32 to index
        %swap3A_1398 = arith.constant 864 : index
        %swap3A_1399 = tpu.vector_load %arg10[%swap3A_1396, %swap3A_1397, %swap3A_1398] {strides = array<i32>} : memref<2x16x1024xf32, #tpu.memory_space<vmem>>, vector<1x1x16xf32>,
        %swap3A_1400 = vector.shape_cast %swap3A_1399 : vector<1x1x16xf32> to vector<16xf32>
        %swap3A_1401 = vector.shape_cast %add3A_1394 : vector<16xf32> to vector<1x1x16xf32>
        tpu.vector_store %arg10[%swap3A_1396, %swap3A_1397, %swap3A_1398], %swap3A_1401 {strides = array<i32>} : memref<2x16x1024xf32, #tpu.memory_space<vmem>>, vector<1x1x16xf32>,
        %get3A_1402 = arith.constant 1 : i32
        %get3A_1403 = arith.index_cast %get3A_1402 : i32 to index
        %get3A_1404 = arith.index_cast %scan3A_188 : i32 to index
        %get3A_1405 = arith.constant 880 : index
        %get3A_1406 = tpu.vector_load %arg8[%get3A_1403, %get3A_1404, %get3A_1405] {strides = array<i32>} : memref<2x16x1024xf32, #tpu.memory_space<vmem>>, vector<1x1x16xf32>,
        %get3A_1407 = vector.shape_cast %get3A_1406 : vector<1x1x16xf32> to vector<16xf32>
        %get3A_1408 = arith.constant 1 : i32
        %get3A_1409 = arith.index_cast %get3A_1408 : i32 to index
        %get3A_1410 = arith.index_cast %scan3A_188 : i32 to index
        %get3A_1411 = arith.constant 880 : index
        %get3A_1412 = tpu.vector_load %arg9[%get3A_1409, %get3A_1410, %get3A_1411] {strides = array<i32>} : memref<2x16x1024xf32, #tpu.memory_space<vmem>>, vector<1x1x16xf32>,
        %get3A_1413 = vector.shape_cast %get3A_1412 : vector<1x1x16xf32> to vector<16xf32>
        %mul3A_1414 = arith.mulf %get3A_1407, %gather3A_189 : vector<16xf32>
        %mul3A_1415 = arith.mulf %get3A_1413, %gather3A_192 : vector<16xf32>
        %add3A_1416 = arith.addf %mul3A_1414, %mul3A_1415 : vector<16xf32>
        %swap3A_1417 = arith.constant 1 : i32
        %swap3A_1418 = arith.index_cast %swap3A_1417 : i32 to index
        %swap3A_1419 = arith.index_cast %scan3A_188 : i32 to index
        %swap3A_1420 = arith.constant 880 : index
        %swap3A_1421 = tpu.vector_load %arg10[%swap3A_1418, %swap3A_1419, %swap3A_1420] {strides = array<i32>} : memref<2x16x1024xf32, #tpu.memory_space<vmem>>, vector<1x1x16xf32>,
        %swap3A_1422 = vector.shape_cast %swap3A_1421 : vector<1x1x16xf32> to vector<16xf32>
        %swap3A_1423 = vector.shape_cast %add3A_1416 : vector<16xf32> to vector<1x1x16xf32>
        tpu.vector_store %arg10[%swap3A_1418, %swap3A_1419, %swap3A_1420], %swap3A_1423 {strides = array<i32>} : memref<2x16x1024xf32, #tpu.memory_space<vmem>>, vector<1x1x16xf32>,
        %get3A_1424 = arith.constant 1 : i32
        %get3A_1425 = arith.index_cast %get3A_1424 : i32 to index
        %get3A_1426 = arith.index_cast %scan3A_188 : i32 to index
        %get3A_1427 = arith.constant 896 : index
        %get3A_1428 = tpu.vector_load %arg8[%get3A_1425, %get3A_1426, %get3A_1427] {strides = array<i32>} : memref<2x16x1024xf32, #tpu.memory_space<vmem>>, vector<1x1x16xf32>,
        %get3A_1429 = vector.shape_cast %get3A_1428 : vector<1x1x16xf32> to vector<16xf32>
        %get3A_1430 = arith.constant 1 : i32
        %get3A_1431 = arith.index_cast %get3A_1430 : i32 to index
        %get3A_1432 = arith.index_cast %scan3A_188 : i32 to index
        %get3A_1433 = arith.constant 896 : index
        %get3A_1434 = tpu.vector_load %arg9[%get3A_1431, %get3A_1432, %get3A_1433] {strides = array<i32>} : memref<2x16x1024xf32, #tpu.memory_space<vmem>>, vector<1x1x16xf32>,
        %get3A_1435 = vector.shape_cast %get3A_1434 : vector<1x1x16xf32> to vector<16xf32>
        %mul3A_1436 = arith.mulf %get3A_1429, %gather3A_189 : vector<16xf32>
        %mul3A_1437 = arith.mulf %get3A_1435, %gather3A_192 : vector<16xf32>
        %add3A_1438 = arith.addf %mul3A_1436, %mul3A_1437 : vector<16xf32>
        %swap3A_1439 = arith.constant 1 : i32
        %swap3A_1440 = arith.index_cast %swap3A_1439 : i32 to index
        %swap3A_1441 = arith.index_cast %scan3A_188 : i32 to index
        %swap3A_1442 = arith.constant 896 : index
        %swap3A_1443 = tpu.vector_load %arg10[%swap3A_1440, %swap3A_1441, %swap3A_1442] {strides = array<i32>} : memref<2x16x1024xf32, #tpu.memory_space<vmem>>, vector<1x1x16xf32>,
        %swap3A_1444 = vector.shape_cast %swap3A_1443 : vector<1x1x16xf32> to vector<16xf32>
        %swap3A_1445 = vector.shape_cast %add3A_1438 : vector<16xf32> to vector<1x1x16xf32>
        tpu.vector_store %arg10[%swap3A_1440, %swap3A_1441, %swap3A_1442], %swap3A_1445 {strides = array<i32>} : memref<2x16x1024xf32, #tpu.memory_space<vmem>>, vector<1x1x16xf32>,
        %get3A_1446 = arith.constant 1 : i32
        %get3A_1447 = arith.index_cast %get3A_1446 : i32 to index
        %get3A_1448 = arith.index_cast %scan3A_188 : i32 to index
        %get3A_1449 = arith.constant 912 : index
        %get3A_1450 = tpu.vector_load %arg8[%get3A_1447, %get3A_1448, %get3A_1449] {strides = array<i32>} : memref<2x16x1024xf32, #tpu.memory_space<vmem>>, vector<1x1x16xf32>,
        %get3A_1451 = vector.shape_cast %get3A_1450 : vector<1x1x16xf32> to vector<16xf32>
        %get3A_1452 = arith.constant 1 : i32
        %get3A_1453 = arith.index_cast %get3A_1452 : i32 to index
        %get3A_1454 = arith.index_cast %scan3A_188 : i32 to index
        %get3A_1455 = arith.constant 912 : index
        %get3A_1456 = tpu.vector_load %arg9[%get3A_1453, %get3A_1454, %get3A_1455] {strides = array<i32>} : memref<2x16x1024xf32, #tpu.memory_space<vmem>>, vector<1x1x16xf32>,
        %get3A_1457 = vector.shape_cast %get3A_1456 : vector<1x1x16xf32> to vector<16xf32>
        %mul3A_1458 = arith.mulf %get3A_1451, %gather3A_189 : vector<16xf32>
        %mul3A_1459 = arith.mulf %get3A_1457, %gather3A_192 : vector<16xf32>
        %add3A_1460 = arith.addf %mul3A_1458, %mul3A_1459 : vector<16xf32>
        %swap3A_1461 = arith.constant 1 : i32
        %swap3A_1462 = arith.index_cast %swap3A_1461 : i32 to index
        %swap3A_1463 = arith.index_cast %scan3A_188 : i32 to index
        %swap3A_1464 = arith.constant 912 : index
        %swap3A_1465 = tpu.vector_load %arg10[%swap3A_1462, %swap3A_1463, %swap3A_1464] {strides = array<i32>} : memref<2x16x1024xf32, #tpu.memory_space<vmem>>, vector<1x1x16xf32>,
        %swap3A_1466 = vector.shape_cast %swap3A_1465 : vector<1x1x16xf32> to vector<16xf32>
        %swap3A_1467 = vector.shape_cast %add3A_1460 : vector<16xf32> to vector<1x1x16xf32>
        tpu.vector_store %arg10[%swap3A_1462, %swap3A_1463, %swap3A_1464], %swap3A_1467 {strides = array<i32>} : memref<2x16x1024xf32, #tpu.memory_space<vmem>>, vector<1x1x16xf32>,
        %get3A_1468 = arith.constant 1 : i32
        %get3A_1469 = arith.index_cast %get3A_1468 : i32 to index
        %get3A_1470 = arith.index_cast %scan3A_188 : i32 to index
        %get3A_1471 = arith.constant 928 : index
        %get3A_1472 = tpu.vector_load %arg8[%get3A_1469, %get3A_1470, %get3A_1471] {strides = array<i32>} : memref<2x16x1024xf32, #tpu.memory_space<vmem>>, vector<1x1x16xf32>,
        %get3A_1473 = vector.shape_cast %get3A_1472 : vector<1x1x16xf32> to vector<16xf32>
        %get3A_1474 = arith.constant 1 : i32
        %get3A_1475 = arith.index_cast %get3A_1474 : i32 to index
        %get3A_1476 = arith.index_cast %scan3A_188 : i32 to index
        %get3A_1477 = arith.constant 928 : index
        %get3A_1478 = tpu.vector_load %arg9[%get3A_1475, %get3A_1476, %get3A_1477] {strides = array<i32>} : memref<2x16x1024xf32, #tpu.memory_space<vmem>>, vector<1x1x16xf32>,
        %get3A_1479 = vector.shape_cast %get3A_1478 : vector<1x1x16xf32> to vector<16xf32>
        %mul3A_1480 = arith.mulf %get3A_1473, %gather3A_189 : vector<16xf32>
        %mul3A_1481 = arith.mulf %get3A_1479, %gather3A_192 : vector<16xf32>
        %add3A_1482 = arith.addf %mul3A_1480, %mul3A_1481 : vector<16xf32>
        %swap3A_1483 = arith.constant 1 : i32
        %swap3A_1484 = arith.index_cast %swap3A_1483 : i32 to index
        %swap3A_1485 = arith.index_cast %scan3A_188 : i32 to index
        %swap3A_1486 = arith.constant 928 : index
        %swap3A_1487 = tpu.vector_load %arg10[%swap3A_1484, %swap3A_1485, %swap3A_1486] {strides = array<i32>} : memref<2x16x1024xf32, #tpu.memory_space<vmem>>, vector<1x1x16xf32>,
        %swap3A_1488 = vector.shape_cast %swap3A_1487 : vector<1x1x16xf32> to vector<16xf32>
        %swap3A_1489 = vector.shape_cast %add3A_1482 : vector<16xf32> to vector<1x1x16xf32>
        tpu.vector_store %arg10[%swap3A_1484, %swap3A_1485, %swap3A_1486], %swap3A_1489 {strides = array<i32>} : memref<2x16x1024xf32, #tpu.memory_space<vmem>>, vector<1x1x16xf32>,
        %get3A_1490 = arith.constant 1 : i32
        %get3A_1491 = arith.index_cast %get3A_1490 : i32 to index
        %get3A_1492 = arith.index_cast %scan3A_188 : i32 to index
        %get3A_1493 = arith.constant 944 : index
        %get3A_1494 = tpu.vector_load %arg8[%get3A_1491, %get3A_1492, %get3A_1493] {strides = array<i32>} : memref<2x16x1024xf32, #tpu.memory_space<vmem>>, vector<1x1x16xf32>,
        %get3A_1495 = vector.shape_cast %get3A_1494 : vector<1x1x16xf32> to vector<16xf32>
        %get3A_1496 = arith.constant 1 : i32
        %get3A_1497 = arith.index_cast %get3A_1496 : i32 to index
        %get3A_1498 = arith.index_cast %scan3A_188 : i32 to index
        %get3A_1499 = arith.constant 944 : index
        %get3A_1500 = tpu.vector_load %arg9[%get3A_1497, %get3A_1498, %get3A_1499] {strides = array<i32>} : memref<2x16x1024xf32, #tpu.memory_space<vmem>>, vector<1x1x16xf32>,
        %get3A_1501 = vector.shape_cast %get3A_1500 : vector<1x1x16xf32> to vector<16xf32>
        %mul3A_1502 = arith.mulf %get3A_1495, %gather3A_189 : vector<16xf32>
        %mul3A_1503 = arith.mulf %get3A_1501, %gather3A_192 : vector<16xf32>
        %add3A_1504 = arith.addf %mul3A_1502, %mul3A_1503 : vector<16xf32>
        %swap3A_1505 = arith.constant 1 : i32
        %swap3A_1506 = arith.index_cast %swap3A_1505 : i32 to index
        %swap3A_1507 = arith.index_cast %scan3A_188 : i32 to index
        %swap3A_1508 = arith.constant 944 : index
        %swap3A_1509 = tpu.vector_load %arg10[%swap3A_1506, %swap3A_1507, %swap3A_1508] {strides = array<i32>} : memref<2x16x1024xf32, #tpu.memory_space<vmem>>, vector<1x1x16xf32>,
        %swap3A_1510 = vector.shape_cast %swap3A_1509 : vector<1x1x16xf32> to vector<16xf32>
        %swap3A_1511 = vector.shape_cast %add3A_1504 : vector<16xf32> to vector<1x1x16xf32>
        tpu.vector_store %arg10[%swap3A_1506, %swap3A_1507, %swap3A_1508], %swap3A_1511 {strides = array<i32>} : memref<2x16x1024xf32, #tpu.memory_space<vmem>>, vector<1x1x16xf32>,
        %get3A_1512 = arith.constant 1 : i32
        %get3A_1513 = arith.index_cast %get3A_1512 : i32 to index
        %get3A_1514 = arith.index_cast %scan3A_188 : i32 to index
        %get3A_1515 = arith.constant 960 : index
        %get3A_1516 = tpu.vector_load %arg8[%get3A_1513, %get3A_1514, %get3A_1515] {strides = array<i32>} : memref<2x16x1024xf32, #tpu.memory_space<vmem>>, vector<1x1x16xf32>,
        %get3A_1517 = vector.shape_cast %get3A_1516 : vector<1x1x16xf32> to vector<16xf32>
        %get3A_1518 = arith.constant 1 : i32
        %get3A_1519 = arith.index_cast %get3A_1518 : i32 to index
        %get3A_1520 = arith.index_cast %scan3A_188 : i32 to index
        %get3A_1521 = arith.constant 960 : index
        %get3A_1522 = tpu.vector_load %arg9[%get3A_1519, %get3A_1520, %get3A_1521] {strides = array<i32>} : memref<2x16x1024xf32, #tpu.memory_space<vmem>>, vector<1x1x16xf32>,
        %get3A_1523 = vector.shape_cast %get3A_1522 : vector<1x1x16xf32> to vector<16xf32>
        %mul3A_1524 = arith.mulf %get3A_1517, %gather3A_189 : vector<16xf32>
        %mul3A_1525 = arith.mulf %get3A_1523, %gather3A_192 : vector<16xf32>
        %add3A_1526 = arith.addf %mul3A_1524, %mul3A_1525 : vector<16xf32>
        %swap3A_1527 = arith.constant 1 : i32
        %swap3A_1528 = arith.index_cast %swap3A_1527 : i32 to index
        %swap3A_1529 = arith.index_cast %scan3A_188 : i32 to index
        %swap3A_1530 = arith.constant 960 : index
        %swap3A_1531 = tpu.vector_load %arg10[%swap3A_1528, %swap3A_1529, %swap3A_1530] {strides = array<i32>} : memref<2x16x1024xf32, #tpu.memory_space<vmem>>, vector<1x1x16xf32>,
        %swap3A_1532 = vector.shape_cast %swap3A_1531 : vector<1x1x16xf32> to vector<16xf32>
        %swap3A_1533 = vector.shape_cast %add3A_1526 : vector<16xf32> to vector<1x1x16xf32>
        tpu.vector_store %arg10[%swap3A_1528, %swap3A_1529, %swap3A_1530], %swap3A_1533 {strides = array<i32>} : memref<2x16x1024xf32, #tpu.memory_space<vmem>>, vector<1x1x16xf32>,
        %get3A_1534 = arith.constant 1 : i32
        %get3A_1535 = arith.index_cast %get3A_1534 : i32 to index
        %get3A_1536 = arith.index_cast %scan3A_188 : i32 to index
        %get3A_1537 = arith.constant 976 : index
        %get3A_1538 = tpu.vector_load %arg8[%get3A_1535, %get3A_1536, %get3A_1537] {strides = array<i32>} : memref<2x16x1024xf32, #tpu.memory_space<vmem>>, vector<1x1x16xf32>,
        %get3A_1539 = vector.shape_cast %get3A_1538 : vector<1x1x16xf32> to vector<16xf32>
        %get3A_1540 = arith.constant 1 : i32
        %get3A_1541 = arith.index_cast %get3A_1540 : i32 to index
        %get3A_1542 = arith.index_cast %scan3A_188 : i32 to index
        %get3A_1543 = arith.constant 976 : index
        %get3A_1544 = tpu.vector_load %arg9[%get3A_1541, %get3A_1542, %get3A_1543] {strides = array<i32>} : memref<2x16x1024xf32, #tpu.memory_space<vmem>>, vector<1x1x16xf32>,
        %get3A_1545 = vector.shape_cast %get3A_1544 : vector<1x1x16xf32> to vector<16xf32>
        %mul3A_1546 = arith.mulf %get3A_1539, %gather3A_189 : vector<16xf32>
        %mul3A_1547 = arith.mulf %get3A_1545, %gather3A_192 : vector<16xf32>
        %add3A_1548 = arith.addf %mul3A_1546, %mul3A_1547 : vector<16xf32>
        %swap3A_1549 = arith.constant 1 : i32
        %swap3A_1550 = arith.index_cast %swap3A_1549 : i32 to index
        %swap3A_1551 = arith.index_cast %scan3A_188 : i32 to index
        %swap3A_1552 = arith.constant 976 : index
        %swap3A_1553 = tpu.vector_load %arg10[%swap3A_1550, %swap3A_1551, %swap3A_1552] {strides = array<i32>} : memref<2x16x1024xf32, #tpu.memory_space<vmem>>, vector<1x1x16xf32>,
        %swap3A_1554 = vector.shape_cast %swap3A_1553 : vector<1x1x16xf32> to vector<16xf32>
        %swap3A_1555 = vector.shape_cast %add3A_1548 : vector<16xf32> to vector<1x1x16xf32>
        tpu.vector_store %arg10[%swap3A_1550, %swap3A_1551, %swap3A_1552], %swap3A_1555 {strides = array<i32>} : memref<2x16x1024xf32, #tpu.memory_space<vmem>>, vector<1x1x16xf32>,
        %get3A_1556 = arith.constant 1 : i32
        %get3A_1557 = arith.index_cast %get3A_1556 : i32 to index
        %get3A_1558 = arith.index_cast %scan3A_188 : i32 to index
        %get3A_1559 = arith.constant 992 : index
        %get3A_1560 = tpu.vector_load %arg8[%get3A_1557, %get3A_1558, %get3A_1559] {strides = array<i32>} : memref<2x16x1024xf32, #tpu.memory_space<vmem>>, vector<1x1x16xf32>,
        %get3A_1561 = vector.shape_cast %get3A_1560 : vector<1x1x16xf32> to vector<16xf32>
        %get3A_1562 = arith.constant 1 : i32
        %get3A_1563 = arith.index_cast %get3A_1562 : i32 to index
        %get3A_1564 = arith.index_cast %scan3A_188 : i32 to index
        %get3A_1565 = arith.constant 992 : index
        %get3A_1566 = tpu.vector_load %arg9[%get3A_1563, %get3A_1564, %get3A_1565] {strides = array<i32>} : memref<2x16x1024xf32, #tpu.memory_space<vmem>>, vector<1x1x16xf32>,
        %get3A_1567 = vector.shape_cast %get3A_1566 : vector<1x1x16xf32> to vector<16xf32>
        %mul3A_1568 = arith.mulf %get3A_1561, %gather3A_189 : vector<16xf32>
        %mul3A_1569 = arith.mulf %get3A_1567, %gather3A_192 : vector<16xf32>
        %add3A_1570 = arith.addf %mul3A_1568, %mul3A_1569 : vector<16xf32>
        %swap3A_1571 = arith.constant 1 : i32
        %swap3A_1572 = arith.index_cast %swap3A_1571 : i32 to index
        %swap3A_1573 = arith.index_cast %scan3A_188 : i32 to index
        %swap3A_1574 = arith.constant 992 : index
        %swap3A_1575 = tpu.vector_load %arg10[%swap3A_1572, %swap3A_1573, %swap3A_1574] {strides = array<i32>} : memref<2x16x1024xf32, #tpu.memory_space<vmem>>, vector<1x1x16xf32>,
        %swap3A_1576 = vector.shape_cast %swap3A_1575 : vector<1x1x16xf32> to vector<16xf32>
        %swap3A_1577 = vector.shape_cast %add3A_1570 : vector<16xf32> to vector<1x1x16xf32>
        tpu.vector_store %arg10[%swap3A_1572, %swap3A_1573, %swap3A_1574], %swap3A_1577 {strides = array<i32>} : memref<2x16x1024xf32, #tpu.memory_space<vmem>>, vector<1x1x16xf32>,
        %get3A_1578 = arith.constant 1 : i32
        %get3A_1579 = arith.index_cast %get3A_1578 : i32 to index
        %get3A_1580 = arith.index_cast %scan3A_188 : i32 to index
        %get3A_1581 = arith.constant 1008 : index
        %get3A_1582 = tpu.vector_load %arg8[%get3A_1579, %get3A_1580, %get3A_1581] {strides = array<i32>} : memref<2x16x1024xf32, #tpu.memory_space<vmem>>, vector<1x1x16xf32>,
        %get3A_1583 = vector.shape_cast %get3A_1582 : vector<1x1x16xf32> to vector<16xf32>
        %get3A_1584 = arith.constant 1 : i32
        %get3A_1585 = arith.index_cast %get3A_1584 : i32 to index
        %get3A_1586 = arith.index_cast %scan3A_188 : i32 to index
        %get3A_1587 = arith.constant 1008 : index
        %get3A_1588 = tpu.vector_load %arg9[%get3A_1585, %get3A_1586, %get3A_1587] {strides = array<i32>} : memref<2x16x1024xf32, #tpu.memory_space<vmem>>, vector<1x1x16xf32>,
        %get3A_1589 = vector.shape_cast %get3A_1588 : vector<1x1x16xf32> to vector<16xf32>
        %mul3A_1590 = arith.mulf %get3A_1583, %gather3A_189 : vector<16xf32>
        %mul3A_1591 = arith.mulf %get3A_1589, %gather3A_192 : vector<16xf32>
        %add3A_1592 = arith.addf %mul3A_1590, %mul3A_1591 : vector<16xf32>
        %swap3A_1593 = arith.constant 1 : i32
        %swap3A_1594 = arith.index_cast %swap3A_1593 : i32 to index
        %swap3A_1595 = arith.index_cast %scan3A_188 : i32 to index
        %swap3A_1596 = arith.constant 1008 : index
        %swap3A_1597 = tpu.vector_load %arg10[%swap3A_1594, %swap3A_1595, %swap3A_1596] {strides = array<i32>} : memref<2x16x1024xf32, #tpu.memory_space<vmem>>, vector<1x1x16xf32>,
        %swap3A_1598 = vector.shape_cast %swap3A_1597 : vector<1x1x16xf32> to vector<16xf32>
        %swap3A_1599 = vector.shape_cast %add3A_1592 : vector<16xf32> to vector<1x1x16xf32>
        tpu.vector_store %arg10[%swap3A_1594, %swap3A_1595, %swap3A_1596], %swap3A_1599 {strides = array<i32>} : memref<2x16x1024xf32, #tpu.memory_space<vmem>>, vector<1x1x16xf32>,
      }
      %scan3A_171 = arith.constant 16 : i32
      %mul3A_172 = arith.constant 16 : i32
      %mul3A_173 = arith.muli %add3A_123, %mul3A_172 : i32
      %add3A_174 = arith.addi %mul3A_2, %mul3A_173 : i32
      %dma_start3A_175 = arith.constant 1 : i32
      %dma_start3A_176 = arith.constant 0 : i32
      %dma_start3A_177 = arith.constant 0 : i32
      %dma_start3A_178 = tpu.memref_slice %arg10[%dma_start3A_175, %dma_start3A_176, %dma_start3A_177] : memref<2x16x1024xf32, #tpu.memory_space<vmem>> -> memref<1x16x1024xf32, #tpu.memory_space<vmem>>
      %dma_start3A_179 = tpu.memref_squeeze %dma_start3A_178 : memref<1x16x1024xf32, #tpu.memory_space<vmem>> -> memref<16x1024xf32, #tpu.memory_space<vmem>>
      %dma_start3A_180 = arith.constant 0 : i32
      %dma_start3A_181 = tpu.memref_slice %arg7[%add3A_174, %dma_start3A_180] : memref<8192x1024xf32, #tpu.memory_space<hbm>> -> memref<16x1024xf32, #tpu.memory_space<hbm>>
      %dma_start3A_182 = arith.constant 0 : i32
      %dma_start3A_183 = tpu.memref_slice %arg7[%add3A_174, %dma_start3A_182] : memref<8192x1024xf32, #tpu.memory_space<hbm>> -> memref<16x1024xf32, #tpu.memory_space<hbm>>
      %dma_start3A_184 = arith.constant 0 : i32
      %dma_start3A_185 = arith.constant 0 : i32
      %dma_start3A_186 = tpu.memref_slice %arg10[%dma_start3A_175, %dma_start3A_184, %dma_start3A_185] : memref<2x16x1024xf32, #tpu.memory_space<vmem>> -> memref<1x16x1024xf32, #tpu.memory_space<vmem>>
      %dma_start3A_187 = tpu.memref_squeeze %dma_start3A_186 : memref<1x16x1024xf32, #tpu.memory_space<vmem>> -> memref<16x1024xf32, #tpu.memory_space<vmem>>
      tpu.enqueue_dma source(%dma_start3A_187 : memref<16x1024xf32, #tpu.memory_space<vmem>>) target(%dma_start3A_183 : memref<16x1024xf32, #tpu.memory_space<hbm>>) target_semaphore(%arg20 : memref<!tpu.dma_semaphore, #tpu.memory_space<semaphore_mem>>)
    }
    %scan3A_26 = arith.constant 8 : i32
    %add3A_27 = arith.constant 224 : i32
    %add3A_28 = arith.addi %mul3A_2, %add3A_27 : i32
    %dma_wait3A = arith.constant 0 : i32
    %dma_wait3A_29 = arith.constant 0 : i32
    %dma_wait3A_30 = arith.constant 0 : i32
    %dma_wait3A_31 = tpu.memref_slice %arg10[%dma_wait3A, %dma_wait3A_29, %dma_wait3A_30] : memref<2x16x1024xf32, #tpu.memory_space<vmem>> -> memref<1x16x1024xf32, #tpu.memory_space<vmem>>
    %dma_wait3A_32 = tpu.memref_squeeze %dma_wait3A_31 : memref<1x16x1024xf32, #tpu.memory_space<vmem>> -> memref<16x1024xf32, #tpu.memory_space<vmem>>
    %dma_wait3A_33 = arith.constant 0 : i32
    %dma_wait3A_34 = tpu.memref_slice %arg7[%add3A_28, %dma_wait3A_33] : memref<8192x1024xf32, #tpu.memory_space<hbm>> -> memref<16x1024xf32, #tpu.memory_space<hbm>>
    %dma_wait3A_35 = arith.constant 0 : i32
    %dma_wait3A_36 = tpu.memref_slice %arg7[%add3A_28, %dma_wait3A_35] : memref<8192x1024xf32, #tpu.memory_space<hbm>> -> memref<16x1024xf32, #tpu.memory_space<hbm>>
    %dma_wait3A_37 = arith.constant 0 : i32
    %dma_wait3A_38 = arith.constant 0 : i32
    %dma_wait3A_39 = tpu.memref_slice %arg10[%dma_wait3A, %dma_wait3A_37, %dma_wait3A_38] : memref<2x16x1024xf32, #tpu.memory_space<vmem>> -> memref<1x16x1024xf32, #tpu.memory_space<vmem>>
    %dma_wait3A_40 = tpu.memref_squeeze %dma_wait3A_39 : memref<1x16x1024xf32, #tpu.memory_space<vmem>> -> memref<16x1024xf32, #tpu.memory_space<vmem>>
    tpu.wait_dma2 semaphore(%arg19 : memref<!tpu.dma_semaphore, #tpu.memory_space<semaphore_mem>>) src(%dma_wait3A_40 : memref<16x1024xf32, #tpu.memory_space<vmem>>) dst(%dma_wait3A_36 : memref<16x1024xf32, #tpu.memory_space<hbm>>)
    %add3A_41 = arith.constant 240 : i32
    %add3A_42 = arith.addi %mul3A_2, %add3A_41 : i32
    %dma_wait3A_43 = arith.constant 1 : i32
    %dma_wait3A_44 = arith.constant 0 : i32
    %dma_wait3A_45 = arith.constant 0 : i32
    %dma_wait3A_46 = tpu.memref_slice %arg10[%dma_wait3A_43, %dma_wait3A_44, %dma_wait3A_45] : memref<2x16x1024xf32, #tpu.memory_space<vmem>> -> memref<1x16x1024xf32, #tpu.memory_space<vmem>>
    %dma_wait3A_47 = tpu.memref_squeeze %dma_wait3A_46 : memref<1x16x1024xf32, #tpu.memory_space<vmem>> -> memref<16x1024xf32, #tpu.memory_space<vmem>>
    %dma_wait3A_48 = arith.constant 0 : i32
    %dma_wait3A_49 = tpu.memref_slice %arg7[%add3A_42, %dma_wait3A_48] : memref<8192x1024xf32, #tpu.memory_space<hbm>> -> memref<16x1024xf32, #tpu.memory_space<hbm>>
    %dma_wait3A_50 = arith.constant 0 : i32
    %dma_wait3A_51 = tpu.memref_slice %arg7[%add3A_42, %dma_wait3A_50] : memref<8192x1024xf32, #tpu.memory_space<hbm>> -> memref<16x1024xf32, #tpu.memory_space<hbm>>
    %dma_wait3A_52 = arith.constant 0 : i32
    %dma_wait3A_53 = arith.constant 0 : i32
    %dma_wait3A_54 = tpu.memref_slice %arg10[%dma_wait3A_43, %dma_wait3A_52, %dma_wait3A_53] : memref<2x16x1024xf32, #tpu.memory_space<vmem>> -> memref<1x16x1024xf32, #tpu.memory_space<vmem>>
    %dma_wait3A_55 = tpu.memref_squeeze %dma_wait3A_54 : memref<1x16x1024xf32, #tpu.memory_space<vmem>> -> memref<16x1024xf32, #tpu.memory_space<vmem>>
    tpu.wait_dma2 semaphore(%arg20 : memref<!tpu.dma_semaphore, #tpu.memory_space<semaphore_mem>>) src(%dma_wait3A_55 : memref<16x1024xf32, #tpu.memory_space<vmem>>) dst(%dma_wait3A_51 : memref<16x1024xf32, #tpu.memory_space<hbm>>)
    return
  }
}

#map = affine_map<(d0, d1) -> (0, 0)>
#map1 = affine_map<(d0, d1) -> (0)>
module attributes {stable_mosaic.version = 14 : i64} {
  func.func @body(%arg0: i32, %arg1: i32, %arg2: memref<8192x1024xf32, #tpu.memory_space<hbm>>, %arg3: memref<8192xi32, #tpu.memory_space<hbm>>, %arg4: memref<8192xi32, #tpu.memory_space<hbm>>, %arg5: memref<21760x1024xf32, #tpu.memory_space<hbm>>, %arg6: memref<64x1024xf32, #tpu.memory_space<vmem>>, %arg7: memref<64xi32, #tpu.memory_space<vmem>>, %arg8: memref<64xi32, #tpu.memory_space<vmem>>, %arg9: memref<!tpu.dma_semaphore, #tpu.memory_space<semaphore_mem>>, %arg10: memref<!tpu.dma_semaphore, #tpu.memory_space<semaphore_mem>>) attributes {dimension_semantics = [#tpu.dimension_semantics<core_parallel>, #tpu.dimension_semantics<subcore_parallel>], iteration_bounds = array<i64: 2, 16>, scalar_prefetch = 0 : i64, scratch_operands = 5 : i64, tpu.core_type = #tpu.core_type<sc_vector_subcore>, window_params = [{transform_indices = #map}, {transform_indices = #map1}, {transform_indices = #map1}, {transform_indices = #map}]} {
    %mul3A = arith.constant 2 : i32
    %mul3A_0 = arith.muli %arg1, %mul3A : i32
    %add3A = arith.addi %mul3A_0, %arg0 : i32
    %mul3A_1 = arith.constant 256 : i32
    %mul3A_2 = arith.muli %add3A, %mul3A_1 : i32
    %add3A_3 = arith.constant 0 : i32
    %add3A_4 = arith.addi %mul3A_2, %add3A_3 : i32
    "tpu.region"() ({
      %run_scoped3A = tpu.sem_alloc : memref<!tpu.dma_semaphore, #tpu.memory_space<semaphore_mem>>
      %dma_start3A_63 = arith.constant 0 : i32
      %dma_start3A_64 = tpu.memref_slice %arg2[%add3A_4, %dma_start3A_63] : memref<8192x1024xf32, #tpu.memory_space<hbm>> -> memref<64x1024xf32, #tpu.memory_space<hbm>>
      %dma_start3A_65 = arith.constant 0 : i32
      %dma_start3A_66 = tpu.memref_slice %arg2[%add3A_4, %dma_start3A_65] : memref<8192x1024xf32, #tpu.memory_space<hbm>> -> memref<64x1024xf32, #tpu.memory_space<hbm>>
      tpu.enqueue_dma source(%dma_start3A_66 : memref<64x1024xf32, #tpu.memory_space<hbm>>) target(%arg6 : memref<64x1024xf32, #tpu.memory_space<vmem>>) target_semaphore(%run_scoped3A : memref<!tpu.dma_semaphore, #tpu.memory_space<semaphore_mem>>)
      %dma_wait3A_67 = arith.constant 0 : i32
      %dma_wait3A_68 = tpu.memref_slice %arg2[%add3A_4, %dma_wait3A_67] : memref<8192x1024xf32, #tpu.memory_space<hbm>> -> memref<64x1024xf32, #tpu.memory_space<hbm>>
      %dma_wait3A_69 = arith.constant 0 : i32
      %dma_wait3A_70 = tpu.memref_slice %arg2[%add3A_4, %dma_wait3A_69] : memref<8192x1024xf32, #tpu.memory_space<hbm>> -> memref<64x1024xf32, #tpu.memory_space<hbm>>
      tpu.wait_dma2 semaphore(%run_scoped3A : memref<!tpu.dma_semaphore, #tpu.memory_space<semaphore_mem>>) src(%dma_wait3A_70 : memref<64x1024xf32, #tpu.memory_space<hbm>>) dst(%arg6 : memref<64x1024xf32, #tpu.memory_space<vmem>>)
      tpu.yield
    }) : () -> ()
    "tpu.region"() ({
      %run_scoped3A = tpu.sem_alloc : memref<!tpu.dma_semaphore, #tpu.memory_space<semaphore_mem>>
      %dma_start3A_63 = tpu.memref_slice %arg3[%add3A_4] : memref<8192xi32, #tpu.memory_space<hbm>> -> memref<64xi32, #tpu.memory_space<hbm>>
      %dma_start3A_64 = tpu.memref_slice %arg3[%add3A_4] : memref<8192xi32, #tpu.memory_space<hbm>> -> memref<64xi32, #tpu.memory_space<hbm>>
      tpu.enqueue_dma source(%dma_start3A_64 : memref<64xi32, #tpu.memory_space<hbm>>) target(%arg7 : memref<64xi32, #tpu.memory_space<vmem>>) target_semaphore(%run_scoped3A : memref<!tpu.dma_semaphore, #tpu.memory_space<semaphore_mem>>)
      %dma_wait3A_65 = tpu.memref_slice %arg3[%add3A_4] : memref<8192xi32, #tpu.memory_space<hbm>> -> memref<64xi32, #tpu.memory_space<hbm>>
      %dma_wait3A_66 = tpu.memref_slice %arg3[%add3A_4] : memref<8192xi32, #tpu.memory_space<hbm>> -> memref<64xi32, #tpu.memory_space<hbm>>
      tpu.wait_dma2 semaphore(%run_scoped3A : memref<!tpu.dma_semaphore, #tpu.memory_space<semaphore_mem>>) src(%dma_wait3A_66 : memref<64xi32, #tpu.memory_space<hbm>>) dst(%arg7 : memref<64xi32, #tpu.memory_space<vmem>>)
      tpu.yield
    }) : () -> ()
    "tpu.region"() ({
      %run_scoped3A = tpu.sem_alloc : memref<!tpu.dma_semaphore, #tpu.memory_space<semaphore_mem>>
      %dma_start3A_63 = tpu.memref_slice %arg4[%add3A_4] : memref<8192xi32, #tpu.memory_space<hbm>> -> memref<64xi32, #tpu.memory_space<hbm>>
      %dma_start3A_64 = tpu.memref_slice %arg4[%add3A_4] : memref<8192xi32, #tpu.memory_space<hbm>> -> memref<64xi32, #tpu.memory_space<hbm>>
      tpu.enqueue_dma source(%dma_start3A_64 : memref<64xi32, #tpu.memory_space<hbm>>) target(%arg8 : memref<64xi32, #tpu.memory_space<vmem>>) target_semaphore(%run_scoped3A : memref<!tpu.dma_semaphore, #tpu.memory_space<semaphore_mem>>)
      %dma_wait3A_65 = tpu.memref_slice %arg4[%add3A_4] : memref<8192xi32, #tpu.memory_space<hbm>> -> memref<64xi32, #tpu.memory_space<hbm>>
      %dma_wait3A_66 = tpu.memref_slice %arg4[%add3A_4] : memref<8192xi32, #tpu.memory_space<hbm>> -> memref<64xi32, #tpu.memory_space<hbm>>
      tpu.wait_dma2 semaphore(%run_scoped3A : memref<!tpu.dma_semaphore, #tpu.memory_space<semaphore_mem>>) src(%dma_wait3A_66 : memref<64xi32, #tpu.memory_space<hbm>>) dst(%arg8 : memref<64xi32, #tpu.memory_space<vmem>>)
      tpu.yield
    }) : () -> ()
    %dma_start3A = arith.constant 0 : i32
    %dma_start3A_5 = arith.constant 0 : i32
    %dma_start3A_6 = tpu.memref_slice %arg5[%dma_start3A, %dma_start3A_5] : memref<21760x1024xf32, #tpu.memory_space<hbm>> -> memref<21760x1024xf32, #tpu.memory_space<hbm>>
    tpu.enqueue_indirect_dma source(%arg6 : memref<64x1024xf32, #tpu.memory_space<vmem>>) target(%dma_start3A_6 : memref<21760x1024xf32, #tpu.memory_space<hbm>>) offsets(%arg7 : memref<64xi32, #tpu.memory_space<vmem>>) semaphore(%arg9 : memref<!tpu.dma_semaphore, #tpu.memory_space<semaphore_mem>>)
    %dma_start3A_7 = arith.constant 0 : i32
    %dma_start3A_8 = arith.constant 0 : i32
    %dma_start3A_9 = tpu.memref_slice %arg5[%dma_start3A_7, %dma_start3A_8] : memref<21760x1024xf32, #tpu.memory_space<hbm>> -> memref<21760x1024xf32, #tpu.memory_space<hbm>>
    tpu.enqueue_indirect_dma source(%arg6 : memref<64x1024xf32, #tpu.memory_space<vmem>>) target(%dma_start3A_9 : memref<21760x1024xf32, #tpu.memory_space<hbm>>) offsets(%arg8 : memref<64xi32, #tpu.memory_space<vmem>>) semaphore(%arg10 : memref<!tpu.dma_semaphore, #tpu.memory_space<semaphore_mem>>)
    %dma_wait3A = arith.constant 0 : i32
    %dma_wait3A_10 = arith.constant 0 : i32
    %dma_wait3A_11 = tpu.memref_slice %arg5[%dma_wait3A, %dma_wait3A_10] : memref<21760x1024xf32, #tpu.memory_space<hbm>> -> memref<21760x1024xf32, #tpu.memory_space<hbm>>
    tpu.wait_indirect_dma semaphore(%arg9 : memref<!tpu.dma_semaphore, #tpu.memory_space<semaphore_mem>>) src(%arg6 : memref<64x1024xf32, #tpu.memory_space<vmem>>) dst(%dma_wait3A_11 : memref<21760x1024xf32, #tpu.memory_space<hbm>>)
    %dma_wait3A_12 = arith.constant 0 : i32
    %dma_wait3A_13 = arith.constant 0 : i32
    %dma_wait3A_14 = tpu.memref_slice %arg5[%dma_wait3A_12, %dma_wait3A_13] : memref<21760x1024xf32, #tpu.memory_space<hbm>> -> memref<21760x1024xf32, #tpu.memory_space<hbm>>
    tpu.wait_indirect_dma semaphore(%arg10 : memref<!tpu.dma_semaphore, #tpu.memory_space<semaphore_mem>>) src(%arg6 : memref<64x1024xf32, #tpu.memory_space<vmem>>) dst(%dma_wait3A_14 : memref<21760x1024xf32, #tpu.memory_space<hbm>>)
    %mul3A_15 = arith.constant 256 : i32
    %mul3A_16 = arith.muli %add3A, %mul3A_15 : i32
    %add3A_17 = arith.constant 64 : i32
    %add3A_18 = arith.addi %mul3A_16, %add3A_17 : i32
    "tpu.region"() ({
      %run_scoped3A = tpu.sem_alloc : memref<!tpu.dma_semaphore, #tpu.memory_space<semaphore_mem>>
      %dma_start3A_63 = arith.constant 0 : i32
      %dma_start3A_64 = tpu.memref_slice %arg2[%add3A_18, %dma_start3A_63] : memref<8192x1024xf32, #tpu.memory_space<hbm>> -> memref<64x1024xf32, #tpu.memory_space<hbm>>
      %dma_start3A_65 = arith.constant 0 : i32
      %dma_start3A_66 = tpu.memref_slice %arg2[%add3A_18, %dma_start3A_65] : memref<8192x1024xf32, #tpu.memory_space<hbm>> -> memref<64x1024xf32, #tpu.memory_space<hbm>>
      tpu.enqueue_dma source(%dma_start3A_66 : memref<64x1024xf32, #tpu.memory_space<hbm>>) target(%arg6 : memref<64x1024xf32, #tpu.memory_space<vmem>>) target_semaphore(%run_scoped3A : memref<!tpu.dma_semaphore, #tpu.memory_space<semaphore_mem>>)
      %dma_wait3A_67 = arith.constant 0 : i32
      %dma_wait3A_68 = tpu.memref_slice %arg2[%add3A_18, %dma_wait3A_67] : memref<8192x1024xf32, #tpu.memory_space<hbm>> -> memref<64x1024xf32, #tpu.memory_space<hbm>>
      %dma_wait3A_69 = arith.constant 0 : i32
      %dma_wait3A_70 = tpu.memref_slice %arg2[%add3A_18, %dma_wait3A_69] : memref<8192x1024xf32, #tpu.memory_space<hbm>> -> memref<64x1024xf32, #tpu.memory_space<hbm>>
      tpu.wait_dma2 semaphore(%run_scoped3A : memref<!tpu.dma_semaphore, #tpu.memory_space<semaphore_mem>>) src(%dma_wait3A_70 : memref<64x1024xf32, #tpu.memory_space<hbm>>) dst(%arg6 : memref<64x1024xf32, #tpu.memory_space<vmem>>)
      tpu.yield
    }) : () -> ()
    "tpu.region"() ({
      %run_scoped3A = tpu.sem_alloc : memref<!tpu.dma_semaphore, #tpu.memory_space<semaphore_mem>>
      %dma_start3A_63 = tpu.memref_slice %arg3[%add3A_18] : memref<8192xi32, #tpu.memory_space<hbm>> -> memref<64xi32, #tpu.memory_space<hbm>>
      %dma_start3A_64 = tpu.memref_slice %arg3[%add3A_18] : memref<8192xi32, #tpu.memory_space<hbm>> -> memref<64xi32, #tpu.memory_space<hbm>>
      tpu.enqueue_dma source(%dma_start3A_64 : memref<64xi32, #tpu.memory_space<hbm>>) target(%arg7 : memref<64xi32, #tpu.memory_space<vmem>>) target_semaphore(%run_scoped3A : memref<!tpu.dma_semaphore, #tpu.memory_space<semaphore_mem>>)
      %dma_wait3A_65 = tpu.memref_slice %arg3[%add3A_18] : memref<8192xi32, #tpu.memory_space<hbm>> -> memref<64xi32, #tpu.memory_space<hbm>>
      %dma_wait3A_66 = tpu.memref_slice %arg3[%add3A_18] : memref<8192xi32, #tpu.memory_space<hbm>> -> memref<64xi32, #tpu.memory_space<hbm>>
      tpu.wait_dma2 semaphore(%run_scoped3A : memref<!tpu.dma_semaphore, #tpu.memory_space<semaphore_mem>>) src(%dma_wait3A_66 : memref<64xi32, #tpu.memory_space<hbm>>) dst(%arg7 : memref<64xi32, #tpu.memory_space<vmem>>)
      tpu.yield
    }) : () -> ()
    "tpu.region"() ({
      %run_scoped3A = tpu.sem_alloc : memref<!tpu.dma_semaphore, #tpu.memory_space<semaphore_mem>>
      %dma_start3A_63 = tpu.memref_slice %arg4[%add3A_18] : memref<8192xi32, #tpu.memory_space<hbm>> -> memref<64xi32, #tpu.memory_space<hbm>>
      %dma_start3A_64 = tpu.memref_slice %arg4[%add3A_18] : memref<8192xi32, #tpu.memory_space<hbm>> -> memref<64xi32, #tpu.memory_space<hbm>>
      tpu.enqueue_dma source(%dma_start3A_64 : memref<64xi32, #tpu.memory_space<hbm>>) target(%arg8 : memref<64xi32, #tpu.memory_space<vmem>>) target_semaphore(%run_scoped3A : memref<!tpu.dma_semaphore, #tpu.memory_space<semaphore_mem>>)
      %dma_wait3A_65 = tpu.memref_slice %arg4[%add3A_18] : memref<8192xi32, #tpu.memory_space<hbm>> -> memref<64xi32, #tpu.memory_space<hbm>>
      %dma_wait3A_66 = tpu.memref_slice %arg4[%add3A_18] : memref<8192xi32, #tpu.memory_space<hbm>> -> memref<64xi32, #tpu.memory_space<hbm>>
      tpu.wait_dma2 semaphore(%run_scoped3A : memref<!tpu.dma_semaphore, #tpu.memory_space<semaphore_mem>>) src(%dma_wait3A_66 : memref<64xi32, #tpu.memory_space<hbm>>) dst(%arg8 : memref<64xi32, #tpu.memory_space<vmem>>)
      tpu.yield
    }) : () -> ()
    %dma_start3A_19 = arith.constant 0 : i32
    %dma_start3A_20 = arith.constant 0 : i32
    %dma_start3A_21 = tpu.memref_slice %arg5[%dma_start3A_19, %dma_start3A_20] : memref<21760x1024xf32, #tpu.memory_space<hbm>> -> memref<21760x1024xf32, #tpu.memory_space<hbm>>
    tpu.enqueue_indirect_dma source(%arg6 : memref<64x1024xf32, #tpu.memory_space<vmem>>) target(%dma_start3A_21 : memref<21760x1024xf32, #tpu.memory_space<hbm>>) offsets(%arg7 : memref<64xi32, #tpu.memory_space<vmem>>) semaphore(%arg9 : memref<!tpu.dma_semaphore, #tpu.memory_space<semaphore_mem>>)
    %dma_start3A_22 = arith.constant 0 : i32
    %dma_start3A_23 = arith.constant 0 : i32
    %dma_start3A_24 = tpu.memref_slice %arg5[%dma_start3A_22, %dma_start3A_23] : memref<21760x1024xf32, #tpu.memory_space<hbm>> -> memref<21760x1024xf32, #tpu.memory_space<hbm>>
    tpu.enqueue_indirect_dma source(%arg6 : memref<64x1024xf32, #tpu.memory_space<vmem>>) target(%dma_start3A_24 : memref<21760x1024xf32, #tpu.memory_space<hbm>>) offsets(%arg8 : memref<64xi32, #tpu.memory_space<vmem>>) semaphore(%arg10 : memref<!tpu.dma_semaphore, #tpu.memory_space<semaphore_mem>>)
    %dma_wait3A_25 = arith.constant 0 : i32
    %dma_wait3A_26 = arith.constant 0 : i32
    %dma_wait3A_27 = tpu.memref_slice %arg5[%dma_wait3A_25, %dma_wait3A_26] : memref<21760x1024xf32, #tpu.memory_space<hbm>> -> memref<21760x1024xf32, #tpu.memory_space<hbm>>
    tpu.wait_indirect_dma semaphore(%arg9 : memref<!tpu.dma_semaphore, #tpu.memory_space<semaphore_mem>>) src(%arg6 : memref<64x1024xf32, #tpu.memory_space<vmem>>) dst(%dma_wait3A_27 : memref<21760x1024xf32, #tpu.memory_space<hbm>>)
    %dma_wait3A_28 = arith.constant 0 : i32
    %dma_wait3A_29 = arith.constant 0 : i32
    %dma_wait3A_30 = tpu.memref_slice %arg5[%dma_wait3A_28, %dma_wait3A_29] : memref<21760x1024xf32, #tpu.memory_space<hbm>> -> memref<21760x1024xf32, #tpu.memory_space<hbm>>
    tpu.wait_indirect_dma semaphore(%arg10 : memref<!tpu.dma_semaphore, #tpu.memory_space<semaphore_mem>>) src(%arg6 : memref<64x1024xf32, #tpu.memory_space<vmem>>) dst(%dma_wait3A_30 : memref<21760x1024xf32, #tpu.memory_space<hbm>>)
    %mul3A_31 = arith.constant 256 : i32
    %mul3A_32 = arith.muli %add3A, %mul3A_31 : i32
    %add3A_33 = arith.constant 128 : i32
    %add3A_34 = arith.addi %mul3A_32, %add3A_33 : i32
    "tpu.region"() ({
      %run_scoped3A = tpu.sem_alloc : memref<!tpu.dma_semaphore, #tpu.memory_space<semaphore_mem>>
      %dma_start3A_63 = arith.constant 0 : i32
      %dma_start3A_64 = tpu.memref_slice %arg2[%add3A_34, %dma_start3A_63] : memref<8192x1024xf32, #tpu.memory_space<hbm>> -> memref<64x1024xf32, #tpu.memory_space<hbm>>
      %dma_start3A_65 = arith.constant 0 : i32
      %dma_start3A_66 = tpu.memref_slice %arg2[%add3A_34, %dma_start3A_65] : memref<8192x1024xf32, #tpu.memory_space<hbm>> -> memref<64x1024xf32, #tpu.memory_space<hbm>>
      tpu.enqueue_dma source(%dma_start3A_66 : memref<64x1024xf32, #tpu.memory_space<hbm>>) target(%arg6 : memref<64x1024xf32, #tpu.memory_space<vmem>>) target_semaphore(%run_scoped3A : memref<!tpu.dma_semaphore, #tpu.memory_space<semaphore_mem>>)
      %dma_wait3A_67 = arith.constant 0 : i32
      %dma_wait3A_68 = tpu.memref_slice %arg2[%add3A_34, %dma_wait3A_67] : memref<8192x1024xf32, #tpu.memory_space<hbm>> -> memref<64x1024xf32, #tpu.memory_space<hbm>>
      %dma_wait3A_69 = arith.constant 0 : i32
      %dma_wait3A_70 = tpu.memref_slice %arg2[%add3A_34, %dma_wait3A_69] : memref<8192x1024xf32, #tpu.memory_space<hbm>> -> memref<64x1024xf32, #tpu.memory_space<hbm>>
      tpu.wait_dma2 semaphore(%run_scoped3A : memref<!tpu.dma_semaphore, #tpu.memory_space<semaphore_mem>>) src(%dma_wait3A_70 : memref<64x1024xf32, #tpu.memory_space<hbm>>) dst(%arg6 : memref<64x1024xf32, #tpu.memory_space<vmem>>)
      tpu.yield
    }) : () -> ()
    "tpu.region"() ({
      %run_scoped3A = tpu.sem_alloc : memref<!tpu.dma_semaphore, #tpu.memory_space<semaphore_mem>>
      %dma_start3A_63 = tpu.memref_slice %arg3[%add3A_34] : memref<8192xi32, #tpu.memory_space<hbm>> -> memref<64xi32, #tpu.memory_space<hbm>>
      %dma_start3A_64 = tpu.memref_slice %arg3[%add3A_34] : memref<8192xi32, #tpu.memory_space<hbm>> -> memref<64xi32, #tpu.memory_space<hbm>>
      tpu.enqueue_dma source(%dma_start3A_64 : memref<64xi32, #tpu.memory_space<hbm>>) target(%arg7 : memref<64xi32, #tpu.memory_space<vmem>>) target_semaphore(%run_scoped3A : memref<!tpu.dma_semaphore, #tpu.memory_space<semaphore_mem>>)
      %dma_wait3A_65 = tpu.memref_slice %arg3[%add3A_34] : memref<8192xi32, #tpu.memory_space<hbm>> -> memref<64xi32, #tpu.memory_space<hbm>>
      %dma_wait3A_66 = tpu.memref_slice %arg3[%add3A_34] : memref<8192xi32, #tpu.memory_space<hbm>> -> memref<64xi32, #tpu.memory_space<hbm>>
      tpu.wait_dma2 semaphore(%run_scoped3A : memref<!tpu.dma_semaphore, #tpu.memory_space<semaphore_mem>>) src(%dma_wait3A_66 : memref<64xi32, #tpu.memory_space<hbm>>) dst(%arg7 : memref<64xi32, #tpu.memory_space<vmem>>)
      tpu.yield
    }) : () -> ()
    "tpu.region"() ({
      %run_scoped3A = tpu.sem_alloc : memref<!tpu.dma_semaphore, #tpu.memory_space<semaphore_mem>>
      %dma_start3A_63 = tpu.memref_slice %arg4[%add3A_34] : memref<8192xi32, #tpu.memory_space<hbm>> -> memref<64xi32, #tpu.memory_space<hbm>>
      %dma_start3A_64 = tpu.memref_slice %arg4[%add3A_34] : memref<8192xi32, #tpu.memory_space<hbm>> -> memref<64xi32, #tpu.memory_space<hbm>>
      tpu.enqueue_dma source(%dma_start3A_64 : memref<64xi32, #tpu.memory_space<hbm>>) target(%arg8 : memref<64xi32, #tpu.memory_space<vmem>>) target_semaphore(%run_scoped3A : memref<!tpu.dma_semaphore, #tpu.memory_space<semaphore_mem>>)
      %dma_wait3A_65 = tpu.memref_slice %arg4[%add3A_34] : memref<8192xi32, #tpu.memory_space<hbm>> -> memref<64xi32, #tpu.memory_space<hbm>>
      %dma_wait3A_66 = tpu.memref_slice %arg4[%add3A_34] : memref<8192xi32, #tpu.memory_space<hbm>> -> memref<64xi32, #tpu.memory_space<hbm>>
      tpu.wait_dma2 semaphore(%run_scoped3A : memref<!tpu.dma_semaphore, #tpu.memory_space<semaphore_mem>>) src(%dma_wait3A_66 : memref<64xi32, #tpu.memory_space<hbm>>) dst(%arg8 : memref<64xi32, #tpu.memory_space<vmem>>)
      tpu.yield
    }) : () -> ()
    %dma_start3A_35 = arith.constant 0 : i32
    %dma_start3A_36 = arith.constant 0 : i32
    %dma_start3A_37 = tpu.memref_slice %arg5[%dma_start3A_35, %dma_start3A_36] : memref<21760x1024xf32, #tpu.memory_space<hbm>> -> memref<21760x1024xf32, #tpu.memory_space<hbm>>
    tpu.enqueue_indirect_dma source(%arg6 : memref<64x1024xf32, #tpu.memory_space<vmem>>) target(%dma_start3A_37 : memref<21760x1024xf32, #tpu.memory_space<hbm>>) offsets(%arg7 : memref<64xi32, #tpu.memory_space<vmem>>) semaphore(%arg9 : memref<!tpu.dma_semaphore, #tpu.memory_space<semaphore_mem>>)
    %dma_start3A_38 = arith.constant 0 : i32
    %dma_start3A_39 = arith.constant 0 : i32
    %dma_start3A_40 = tpu.memref_slice %arg5[%dma_start3A_38, %dma_start3A_39] : memref<21760x1024xf32, #tpu.memory_space<hbm>> -> memref<21760x1024xf32, #tpu.memory_space<hbm>>
    tpu.enqueue_indirect_dma source(%arg6 : memref<64x1024xf32, #tpu.memory_space<vmem>>) target(%dma_start3A_40 : memref<21760x1024xf32, #tpu.memory_space<hbm>>) offsets(%arg8 : memref<64xi32, #tpu.memory_space<vmem>>) semaphore(%arg10 : memref<!tpu.dma_semaphore, #tpu.memory_space<semaphore_mem>>)
    %dma_wait3A_41 = arith.constant 0 : i32
    %dma_wait3A_42 = arith.constant 0 : i32
    %dma_wait3A_43 = tpu.memref_slice %arg5[%dma_wait3A_41, %dma_wait3A_42] : memref<21760x1024xf32, #tpu.memory_space<hbm>> -> memref<21760x1024xf32, #tpu.memory_space<hbm>>
    tpu.wait_indirect_dma semaphore(%arg9 : memref<!tpu.dma_semaphore, #tpu.memory_space<semaphore_mem>>) src(%arg6 : memref<64x1024xf32, #tpu.memory_space<vmem>>) dst(%dma_wait3A_43 : memref<21760x1024xf32, #tpu.memory_space<hbm>>)
    %dma_wait3A_44 = arith.constant 0 : i32
    %dma_wait3A_45 = arith.constant 0 : i32
    %dma_wait3A_46 = tpu.memref_slice %arg5[%dma_wait3A_44, %dma_wait3A_45] : memref<21760x1024xf32, #tpu.memory_space<hbm>> -> memref<21760x1024xf32, #tpu.memory_space<hbm>>
    tpu.wait_indirect_dma semaphore(%arg10 : memref<!tpu.dma_semaphore, #tpu.memory_space<semaphore_mem>>) src(%arg6 : memref<64x1024xf32, #tpu.memory_space<vmem>>) dst(%dma_wait3A_46 : memref<21760x1024xf32, #tpu.memory_space<hbm>>)
    %mul3A_47 = arith.constant 256 : i32
    %mul3A_48 = arith.muli %add3A, %mul3A_47 : i32
    %add3A_49 = arith.constant 192 : i32
    %add3A_50 = arith.addi %mul3A_48, %add3A_49 : i32
    "tpu.region"() ({
      %run_scoped3A = tpu.sem_alloc : memref<!tpu.dma_semaphore, #tpu.memory_space<semaphore_mem>>
      %dma_start3A_63 = arith.constant 0 : i32
      %dma_start3A_64 = tpu.memref_slice %arg2[%add3A_50, %dma_start3A_63] : memref<8192x1024xf32, #tpu.memory_space<hbm>> -> memref<64x1024xf32, #tpu.memory_space<hbm>>
      %dma_start3A_65 = arith.constant 0 : i32
      %dma_start3A_66 = tpu.memref_slice %arg2[%add3A_50, %dma_start3A_65] : memref<8192x1024xf32, #tpu.memory_space<hbm>> -> memref<64x1024xf32, #tpu.memory_space<hbm>>
      tpu.enqueue_dma source(%dma_start3A_66 : memref<64x1024xf32, #tpu.memory_space<hbm>>) target(%arg6 : memref<64x1024xf32, #tpu.memory_space<vmem>>) target_semaphore(%run_scoped3A : memref<!tpu.dma_semaphore, #tpu.memory_space<semaphore_mem>>)
      %dma_wait3A_67 = arith.constant 0 : i32
      %dma_wait3A_68 = tpu.memref_slice %arg2[%add3A_50, %dma_wait3A_67] : memref<8192x1024xf32, #tpu.memory_space<hbm>> -> memref<64x1024xf32, #tpu.memory_space<hbm>>
      %dma_wait3A_69 = arith.constant 0 : i32
      %dma_wait3A_70 = tpu.memref_slice %arg2[%add3A_50, %dma_wait3A_69] : memref<8192x1024xf32, #tpu.memory_space<hbm>> -> memref<64x1024xf32, #tpu.memory_space<hbm>>
      tpu.wait_dma2 semaphore(%run_scoped3A : memref<!tpu.dma_semaphore, #tpu.memory_space<semaphore_mem>>) src(%dma_wait3A_70 : memref<64x1024xf32, #tpu.memory_space<hbm>>) dst(%arg6 : memref<64x1024xf32, #tpu.memory_space<vmem>>)
      tpu.yield
    }) : () -> ()
    "tpu.region"() ({
      %run_scoped3A = tpu.sem_alloc : memref<!tpu.dma_semaphore, #tpu.memory_space<semaphore_mem>>
      %dma_start3A_63 = tpu.memref_slice %arg3[%add3A_50] : memref<8192xi32, #tpu.memory_space<hbm>> -> memref<64xi32, #tpu.memory_space<hbm>>
      %dma_start3A_64 = tpu.memref_slice %arg3[%add3A_50] : memref<8192xi32, #tpu.memory_space<hbm>> -> memref<64xi32, #tpu.memory_space<hbm>>
      tpu.enqueue_dma source(%dma_start3A_64 : memref<64xi32, #tpu.memory_space<hbm>>) target(%arg7 : memref<64xi32, #tpu.memory_space<vmem>>) target_semaphore(%run_scoped3A : memref<!tpu.dma_semaphore, #tpu.memory_space<semaphore_mem>>)
      %dma_wait3A_65 = tpu.memref_slice %arg3[%add3A_50] : memref<8192xi32, #tpu.memory_space<hbm>> -> memref<64xi32, #tpu.memory_space<hbm>>
      %dma_wait3A_66 = tpu.memref_slice %arg3[%add3A_50] : memref<8192xi32, #tpu.memory_space<hbm>> -> memref<64xi32, #tpu.memory_space<hbm>>
      tpu.wait_dma2 semaphore(%run_scoped3A : memref<!tpu.dma_semaphore, #tpu.memory_space<semaphore_mem>>) src(%dma_wait3A_66 : memref<64xi32, #tpu.memory_space<hbm>>) dst(%arg7 : memref<64xi32, #tpu.memory_space<vmem>>)
      tpu.yield
    }) : () -> ()
    "tpu.region"() ({
      %run_scoped3A = tpu.sem_alloc : memref<!tpu.dma_semaphore, #tpu.memory_space<semaphore_mem>>
      %dma_start3A_63 = tpu.memref_slice %arg4[%add3A_50] : memref<8192xi32, #tpu.memory_space<hbm>> -> memref<64xi32, #tpu.memory_space<hbm>>
      %dma_start3A_64 = tpu.memref_slice %arg4[%add3A_50] : memref<8192xi32, #tpu.memory_space<hbm>> -> memref<64xi32, #tpu.memory_space<hbm>>
      tpu.enqueue_dma source(%dma_start3A_64 : memref<64xi32, #tpu.memory_space<hbm>>) target(%arg8 : memref<64xi32, #tpu.memory_space<vmem>>) target_semaphore(%run_scoped3A : memref<!tpu.dma_semaphore, #tpu.memory_space<semaphore_mem>>)
      %dma_wait3A_65 = tpu.memref_slice %arg4[%add3A_50] : memref<8192xi32, #tpu.memory_space<hbm>> -> memref<64xi32, #tpu.memory_space<hbm>>
      %dma_wait3A_66 = tpu.memref_slice %arg4[%add3A_50] : memref<8192xi32, #tpu.memory_space<hbm>> -> memref<64xi32, #tpu.memory_space<hbm>>
      tpu.wait_dma2 semaphore(%run_scoped3A : memref<!tpu.dma_semaphore, #tpu.memory_space<semaphore_mem>>) src(%dma_wait3A_66 : memref<64xi32, #tpu.memory_space<hbm>>) dst(%arg8 : memref<64xi32, #tpu.memory_space<vmem>>)
      tpu.yield
    }) : () -> ()
    %dma_start3A_51 = arith.constant 0 : i32
    %dma_start3A_52 = arith.constant 0 : i32
    %dma_start3A_53 = tpu.memref_slice %arg5[%dma_start3A_51, %dma_start3A_52] : memref<21760x1024xf32, #tpu.memory_space<hbm>> -> memref<21760x1024xf32, #tpu.memory_space<hbm>>
    tpu.enqueue_indirect_dma source(%arg6 : memref<64x1024xf32, #tpu.memory_space<vmem>>) target(%dma_start3A_53 : memref<21760x1024xf32, #tpu.memory_space<hbm>>) offsets(%arg7 : memref<64xi32, #tpu.memory_space<vmem>>) semaphore(%arg9 : memref<!tpu.dma_semaphore, #tpu.memory_space<semaphore_mem>>)
    %dma_start3A_54 = arith.constant 0 : i32
    %dma_start3A_55 = arith.constant 0 : i32
    %dma_start3A_56 = tpu.memref_slice %arg5[%dma_start3A_54, %dma_start3A_55] : memref<21760x1024xf32, #tpu.memory_space<hbm>> -> memref<21760x1024xf32, #tpu.memory_space<hbm>>
    tpu.enqueue_indirect_dma source(%arg6 : memref<64x1024xf32, #tpu.memory_space<vmem>>) target(%dma_start3A_56 : memref<21760x1024xf32, #tpu.memory_space<hbm>>) offsets(%arg8 : memref<64xi32, #tpu.memory_space<vmem>>) semaphore(%arg10 : memref<!tpu.dma_semaphore, #tpu.memory_space<semaphore_mem>>)
    %dma_wait3A_57 = arith.constant 0 : i32
    %dma_wait3A_58 = arith.constant 0 : i32
    %dma_wait3A_59 = tpu.memref_slice %arg5[%dma_wait3A_57, %dma_wait3A_58] : memref<21760x1024xf32, #tpu.memory_space<hbm>> -> memref<21760x1024xf32, #tpu.memory_space<hbm>>
    tpu.wait_indirect_dma semaphore(%arg9 : memref<!tpu.dma_semaphore, #tpu.memory_space<semaphore_mem>>) src(%arg6 : memref<64x1024xf32, #tpu.memory_space<vmem>>) dst(%dma_wait3A_59 : memref<21760x1024xf32, #tpu.memory_space<hbm>>)
    %dma_wait3A_60 = arith.constant 0 : i32
    %dma_wait3A_61 = arith.constant 0 : i32
    %dma_wait3A_62 = tpu.memref_slice %arg5[%dma_wait3A_60, %dma_wait3A_61] : memref<21760x1024xf32, #tpu.memory_space<hbm>> -> memref<21760x1024xf32, #tpu.memory_space<hbm>>
    tpu.wait_indirect_dma semaphore(%arg10 : memref<!tpu.dma_semaphore, #tpu.memory_space<semaphore_mem>>) src(%arg6 : memref<64x1024xf32, #tpu.memory_space<vmem>>) dst(%dma_wait3A_62 : memref<21760x1024xf32, #tpu.memory_space<hbm>>)
    return
  }
}

module attributes {stable_mosaic.version = 14 : i64} {
  func.func @_routing_body(%arg0: i32, %arg1: memref<1x8192xf32, #tpu.memory_space<vmem>>, %arg2: memref<1x8192xf32, #tpu.memory_space<vmem>>, %arg3: memref<1x8192xi32, #tpu.memory_space<vmem>>, %arg4: memref<1x8192xi32, #tpu.memory_space<vmem>>, %arg5: memref<8192x32xbf16, #tpu.memory_space<vmem>>, %arg6: memref<16x1x16xf32, #tpu.memory_space<vmem>>, %arg7: memref<16x1x16xf32, #tpu.memory_space<vmem>>, %arg8: memref<1x1x1024xi32, #tpu.memory_space<vmem>>, %arg9: memref<1x1x1024xi32, #tpu.memory_space<vmem>>, %arg10: memref<1x1x1024xi32, #tpu.memory_space<vmem>>, %arg11: memref<1x1x1024xi32, #tpu.memory_space<vmem>>, %arg12: memref<1x1x1024xf32, #tpu.memory_space<vmem>>, %arg13: memref<1x1x1024xf32, #tpu.memory_space<vmem>>, %arg14: memref<8x128xf32, #tpu.memory_space<vmem>>, %arg15: memref<8x128xf32, #tpu.memory_space<vmem>>) attributes {dimension_semantics = [#tpu.dimension_semantics<arbitrary>], iteration_bounds = array<i64: 8>, scalar_prefetch = 0 : i64, scratch_operands = 1 : i64, tpu.core_type = #tpu.core_type<tc>, window_params = [{pipeline_mode = #tpu.pipeline_mode<synchronous>, transform_indices = @transform_0, window_bounds = array<i64: 1, 8192>}, {pipeline_mode = #tpu.pipeline_mode<synchronous>, transform_indices = @transform_1, window_bounds = array<i64: 1, 8192>}, {pipeline_mode = #tpu.pipeline_mode<synchronous>, transform_indices = @transform_2, window_bounds = array<i64: 1, 8192>}, {pipeline_mode = #tpu.pipeline_mode<synchronous>, transform_indices = @transform_3, window_bounds = array<i64: 1, 8192>}, {pipeline_mode = #tpu.pipeline_mode<synchronous>, transform_indices = @transform_4, window_bounds = array<i64: 8192, 32>}, {pipeline_mode = #tpu.pipeline_mode<synchronous>, transform_indices = @transform_5, window_bounds = array<i64: 16, 1, 16>}, {pipeline_mode = #tpu.pipeline_mode<synchronous>, transform_indices = @transform_6, window_bounds = array<i64: 16, 1, 16>}, {transform_indices = @transform_7, window_bounds = array<i64: 1, 1, 1024>}, {transform_indices = @transform_8, window_bounds = array<i64: 1, 1, 1024>}, {transform_indices = @transform_9, window_bounds = array<i64: 1, 1, 1024>}, {transform_indices = @transform_10, window_bounds = array<i64: 1, 1, 1024>}, {transform_indices = @transform_11, window_bounds = array<i64: 1, 1, 1024>}, {transform_indices = @transform_12, window_bounds = array<i64: 1, 1, 1024>}, {pipeline_mode = #tpu.pipeline_mode<synchronous>, transform_indices = @transform_13, window_bounds = array<i64: 8, 128>}]} {
    %mul3A = arith.constant 1024 : i32
    %mul3A_0 = arith.muli %arg0, %mul3A : i32
    %eq3A = arith.constant 0 : i32
    %eq3A_1 = arith.cmpi eq, %arg0, %eq3A : i32
    %convert_element_type3A = arith.extui %eq3A_1 : i1 to i32
    %cond3A = arith.constant 0 : i32
    %cond3A_2 = arith.cmpi ne, %convert_element_type3A, %cond3A : i32
    scf.if %cond3A_2 {
      %get3A_115 = arith.constant 0 : index
      %get3A_116 = arith.constant 0 : index
      %get3A_117 = vector.load %arg5[%get3A_115, %get3A_116] : memref<8192x32xbf16, #tpu.memory_space<vmem>>, vector<8192x32xbf16>
      %convert_element_type3A_118 = arith.extf %get3A_117 : vector<8192x32xbf16> to vector<8192x32xf32>
      %reduce_sum3A_119 = arith.constant dense<0.000000e+00> : vector<32xf32>
      %reduce_sum3A_120 = vector.multi_reduction <add>, %convert_element_type3A_118, %reduce_sum3A_119 [0] : vector<8192x32xf32> to vector<32xf32>
      %broadcast_in_dim3A_121 = vector.shape_cast %reduce_sum3A_120 : vector<32xf32> to vector<1x32xf32>
      %iota3A_122 = tpu.iota {dimensions = array<i32: 1>} : vector<1x32xi32>
      %ge3A = arith.constant 16 : i32
      %ge3A_123 = vector.broadcast %ge3A : i32 to vector<1x32xi32>
      %ge3A_124 = arith.cmpi sge, %iota3A_122, %ge3A_123 : vector<1x32xi32>
      %slice3A_125 = vector.extract_strided_slice %broadcast_in_dim3A_121 {offsets = [0, 16], sizes = [1, 16], strides = [1, 1]} : vector<1x32xf32> to vector<1x16xf32>
      %slice3A_126 = vector.extract_strided_slice %broadcast_in_dim3A_121 {offsets = [0, 0], sizes = [1, 16], strides = [1, 1]} : vector<1x32xf32> to vector<1x16xf32>
      %concatenate3A = tpu.concatenate %slice3A_125, %slice3A_126 in 1 : vector<1x16xf32>, vector<1x16xf32> -> vector<1x32xf32>
      %jit3A_127 = arith.constant 0.000000e+00 : f32
      %broadcast_in_dim3A_128 = vector.broadcast %jit3A_127 : f32 to vector<1x32xf32>
      %select_n3A_129 = arith.select %ge3A_124, %concatenate3A, %broadcast_in_dim3A_128 : vector<1x32xi1>, vector<1x32xf32>
      %swap3A_130 = arith.constant 0 : index
      %swap3A_131 = arith.constant 0 : index
      %swap3A_132 = vector.load %arg15[%swap3A_130, %swap3A_131] : memref<8x128xf32, #tpu.memory_space<vmem>>, vector<1x32xf32>
      tpu.vector_store %arg15[%swap3A_130, %swap3A_131], %select_n3A_129 {strides = array<i32>} : memref<8x128xf32, #tpu.memory_space<vmem>>, vector<1x32xf32>,
    } else {
    }
    %get3A = arith.constant 0 : index
    %get3A_3 = arith.index_cast %mul3A_0 : i32 to index
    %get3A_4 = vector.load %arg1[%get3A, %get3A_3] : memref<1x8192xf32, #tpu.memory_space<vmem>>, vector<1x1024xf32>
    %get3A_5 = vector.shape_cast %get3A_4 : vector<1x1024xf32> to vector<1024xf32>
    %reshape3A = vector.shape_cast %get3A_5 : vector<1024xf32> to vector<1024x1xf32>
    %iota3A = tpu.iota {dimensions = array<i32: 1>} : vector<1x1024xi32>
    %iota3A_6 = tpu.iota {dimensions = array<i32: 0>} : vector<1024x1xi32>
    %lt3A = vector.broadcast %iota3A : vector<1x1024xi32> to vector<1024x1024xi32>
    %lt3A_7 = vector.broadcast %iota3A_6 : vector<1024x1xi32> to vector<1024x1024xi32>
    %lt3A_8 = arith.cmpi slt, %lt3A, %lt3A_7 : vector<1024x1024xi32>
    %broadcast_in_dim3A = arith.constant 0.000000e+00 : f32
    %broadcast_in_dim3A_9 = vector.broadcast %broadcast_in_dim3A : f32 to vector<1024x32xf32>
    %scan3A = arith.constant 0 : i32
    %scan3A_10 = arith.constant 8 : i32
    %scan3A_11 = arith.addi %scan3A, %scan3A_10 : i32
    %scan3A_12 = arith.constant 1 : i32
    %scan3A_13 = scf.for %scan3A_115 = %scan3A to %scan3A_11 step %scan3A_12 iter_args(%scan3A_116 = %broadcast_in_dim3A_9) -> (vector<1024x32xf32>)  : i32 {
      %mul3A_117 = arith.constant 1024 : i32
      %mul3A_118 = arith.muli %scan3A_115, %mul3A_117 : i32
      %get3A_119 = arith.constant 0 : index
      %get3A_120 = arith.index_cast %mul3A_118 : i32 to index
      %get3A_121 = vector.load %arg1[%get3A_119, %get3A_120] : memref<1x8192xf32, #tpu.memory_space<vmem>>, vector<1x1024xf32>
      %get3A_122 = vector.shape_cast %get3A_121 : vector<1x1024xf32> to vector<1024xf32>
      %reshape3A_123 = vector.shape_cast %get3A_122 : vector<1024xf32> to vector<1x1024xf32>
      %eq3A_124 = arith.cmpi eq, %scan3A_115, %arg0 : i32
      %convert_element_type3A_125 = arith.extui %eq3A_124 : i1 to i32
      %cond3A_126 = arith.constant 0 : i32
      %cond3A_127 = arith.cmpi ne, %convert_element_type3A_125, %cond3A_126 : i32
      %cond3A_128 = scf.if %cond3A_127 -> (vector<1024x1024xbf16>) {
        %gt3A = vector.broadcast %reshape3A_123 : vector<1x1024xf32> to vector<1024x1024xf32>
        %gt3A_134 = vector.broadcast %reshape3A : vector<1024x1xf32> to vector<1024x1024xf32>
        %gt3A_135 = arith.cmpf ogt, %gt3A, %gt3A_134 : vector<1024x1024xf32>
        %eq3A_136 = vector.broadcast %reshape3A_123 : vector<1x1024xf32> to vector<1024x1024xf32>
        %eq3A_137 = vector.broadcast %reshape3A : vector<1024x1xf32> to vector<1024x1024xf32>
        %eq3A_138 = arith.cmpf oeq, %eq3A_136, %eq3A_137 : vector<1024x1024xf32>
        %and3A = arith.andi %eq3A_138, %lt3A_8 : vector<1024x1024xi1>
        %or3A = arith.ori %gt3A_135, %and3A : vector<1024x1024xi1>
        %convert_element_type3A_139 = arith.extui %or3A : vector<1024x1024xi1> to vector<1024x1024xi32>
        %convert_element_type3A_140 = arith.sitofp %convert_element_type3A_139 : vector<1024x1024xi32> to vector<1024x1024xf32>
        %convert_element_type3A_141 = arith.truncf %convert_element_type3A_140 : vector<1024x1024xf32> to vector<1024x1024xbf16>
        scf.yield %convert_element_type3A_141 : vector<1024x1024xbf16>
      } else {
        %lt3A_134 = arith.cmpi slt, %scan3A_115, %arg0 : i32
        %convert_element_type3A_135 = arith.extui %lt3A_134 : i1 to i32
        %cond3A_136 = arith.constant 0 : i32
        %cond3A_137 = arith.cmpi ne, %convert_element_type3A_135, %cond3A_136 : i32
        %cond3A_138 = scf.if %cond3A_137 -> (vector<1024x1024xbf16>) {
          %ge3A = vector.broadcast %reshape3A_123 : vector<1x1024xf32> to vector<1024x1024xf32>
          %ge3A_139 = vector.broadcast %reshape3A : vector<1024x1xf32> to vector<1024x1024xf32>
          %ge3A_140 = arith.cmpf oge, %ge3A, %ge3A_139 : vector<1024x1024xf32>
          %convert_element_type3A_141 = arith.extui %ge3A_140 : vector<1024x1024xi1> to vector<1024x1024xi32>
          %convert_element_type3A_142 = arith.sitofp %convert_element_type3A_141 : vector<1024x1024xi32> to vector<1024x1024xf32>
          %convert_element_type3A_143 = arith.truncf %convert_element_type3A_142 : vector<1024x1024xf32> to vector<1024x1024xbf16>
          scf.yield %convert_element_type3A_143 : vector<1024x1024xbf16>
        } else {
          %gt3A = vector.broadcast %reshape3A_123 : vector<1x1024xf32> to vector<1024x1024xf32>
          %gt3A_139 = vector.broadcast %reshape3A : vector<1024x1xf32> to vector<1024x1024xf32>
          %gt3A_140 = arith.cmpf ogt, %gt3A, %gt3A_139 : vector<1024x1024xf32>
          %convert_element_type3A_141 = arith.extui %gt3A_140 : vector<1024x1024xi1> to vector<1024x1024xi32>
          %convert_element_type3A_142 = arith.sitofp %convert_element_type3A_141 : vector<1024x1024xi32> to vector<1024x1024xf32>
          %convert_element_type3A_143 = arith.truncf %convert_element_type3A_142 : vector<1024x1024xf32> to vector<1024x1024xbf16>
          scf.yield %convert_element_type3A_143 : vector<1024x1024xbf16>
        }
        scf.yield %cond3A_138 : vector<1024x1024xbf16>
      }
      %get3A_129 = arith.index_cast %mul3A_118 : i32 to index
      %get3A_130 = arith.constant 0 : index
      %get3A_131 = vector.load %arg5[%get3A_129, %get3A_130] : memref<8192x32xbf16, #tpu.memory_space<vmem>>, vector<1024x32xbf16>
      %dot_general3A = arith.constant dense<0.000000e+00> : vector<1024x32xf32>
      %dot_general3A_132 = tpu.matmul %cond3A_128, %get3A_131, %dot_general3A {dimension_numbers = #tpu.dot_dimension_numbers<[1], [0], [0], [1], [0, 0, 1, 1], [], []>, transpose_lhs_hint = false} : vector<1024x1024xbf16>, vector<1024x32xbf16>, vector<1024x32xf32> -> vector<1024x32xf32>
      %add3A_133 = arith.addf %scan3A_116, %dot_general3A_132 : vector<1024x32xf32>
      scf.yield %add3A_133 : vector<1024x32xf32>
    }
    %scan3A_14 = arith.constant 8 : i32
    %get3A_15 = arith.index_cast %mul3A_0 : i32 to index
    %get3A_16 = arith.constant 0 : index
    %get3A_17 = vector.load %arg5[%get3A_15, %get3A_16] : memref<8192x32xbf16, #tpu.memory_space<vmem>>, vector<1024x32xbf16>
    %convert_element_type3A_18 = arith.extf %get3A_17 : vector<1024x32xbf16> to vector<1024x32xf32>
    %get3A_19 = arith.constant 0 : index
    %get3A_20 = arith.constant 0 : index
    %get3A_21 = vector.load %arg15[%get3A_19, %get3A_20] : memref<8x128xf32, #tpu.memory_space<vmem>>, vector<1x32xf32>
    %add3A = vector.broadcast %get3A_21 : vector<1x32xf32> to vector<1024x32xf32>
    %add3A_22 = arith.addf %scan3A_13, %add3A : vector<1024x32xf32>
    %mul3A_23 = arith.mulf %add3A_22, %convert_element_type3A_18 : vector<1024x32xf32>
    %slice3A = vector.extract_strided_slice %mul3A_23 {offsets = [0, 0], sizes = [1024, 16], strides = [1, 1]} : vector<1024x32xf32> to vector<1024x16xf32>
    %reduce_sum3A = arith.constant dense<0.000000e+00> : vector<1024xf32>
    %reduce_sum3A_24 = vector.multi_reduction <add>, %slice3A, %reduce_sum3A [1] : vector<1024x16xf32> to vector<1024xf32>
    %convert_element_type3A_25 = arith.fptosi %reduce_sum3A_24 : vector<1024xf32> to vector<1024xi32>
    %slice3A_26 = vector.extract_strided_slice %mul3A_23 {offsets = [0, 16], sizes = [1024, 16], strides = [1, 1]} : vector<1024x32xf32> to vector<1024x16xf32>
    %reduce_sum3A_27 = arith.constant dense<0.000000e+00> : vector<1024xf32>
    %reduce_sum3A_28 = vector.multi_reduction <add>, %slice3A_26, %reduce_sum3A_27 [1] : vector<1024x16xf32> to vector<1024xf32>
    %convert_element_type3A_29 = arith.fptosi %reduce_sum3A_28 : vector<1024xf32> to vector<1024xi32>
    %get3A_30 = arith.constant 0 : index
    %get3A_31 = arith.index_cast %mul3A_0 : i32 to index
    %get3A_32 = vector.load %arg3[%get3A_30, %get3A_31] : memref<1x8192xi32, #tpu.memory_space<vmem>>, vector<1x1024xi32>
    %get3A_33 = vector.shape_cast %get3A_32 : vector<1x1024xi32> to vector<1024xi32>
    %get3A_34 = arith.constant 0 : index
    %get3A_35 = arith.index_cast %mul3A_0 : i32 to index
    %get3A_36 = vector.load %arg4[%get3A_34, %get3A_35] : memref<1x8192xi32, #tpu.memory_space<vmem>>, vector<1x1024xi32>
    %get3A_37 = vector.shape_cast %get3A_36 : vector<1x1024xi32> to vector<1024xi32>
    %lt3A_38 = arith.constant 1280 : i32
    %lt3A_39 = vector.broadcast %lt3A_38 : i32 to vector<1024xi32>
    %lt3A_40 = arith.cmpi slt, %convert_element_type3A_25, %lt3A_39 : vector<1024xi32>
    %lt3A_41 = arith.constant 1280 : i32
    %lt3A_42 = vector.broadcast %lt3A_41 : i32 to vector<1024xi32>
    %lt3A_43 = arith.cmpi slt, %convert_element_type3A_29, %lt3A_42 : vector<1024xi32>
    %mul3A_44 = arith.constant 1280 : i32
    %mul3A_45 = vector.broadcast %mul3A_44 : i32 to vector<1024xi32>
    %mul3A_46 = arith.muli %get3A_33, %mul3A_45 : vector<1024xi32>
    %min3A = arith.constant 1279 : i32
    %min3A_47 = vector.broadcast %min3A : i32 to vector<1024xi32>
    %min3A_48 = arith.minsi %convert_element_type3A_25, %min3A_47 : vector<1024xi32>
    %add3A_49 = arith.addi %mul3A_46, %min3A_48 : vector<1024xi32>
    %mul3A_50 = arith.constant 1280 : i32
    %mul3A_51 = vector.broadcast %mul3A_50 : i32 to vector<1024xi32>
    %mul3A_52 = arith.muli %get3A_37, %mul3A_51 : vector<1024xi32>
    %min3A_53 = arith.constant 1279 : i32
    %min3A_54 = vector.broadcast %min3A_53 : i32 to vector<1024xi32>
    %min3A_55 = arith.minsi %convert_element_type3A_29, %min3A_54 : vector<1024xi32>
    %add3A_56 = arith.addi %mul3A_52, %min3A_55 : vector<1024xi32>
    %jit3A = arith.constant 20480 : i32
    %broadcast_in_dim3A_57 = vector.broadcast %jit3A : i32 to vector<1024xi32>
    %select_n3A = arith.select %lt3A_40, %add3A_49, %broadcast_in_dim3A_57 : vector<1024xi1>, vector<1024xi32>
    %swap3A = arith.constant 0 : index
    %swap3A_58 = arith.constant 0 : index
    %swap3A_59 = arith.constant 0 : index
    %swap3A_60 = vector.load %arg8[%swap3A, %swap3A_58, %swap3A_59] : memref<1x1x1024xi32, #tpu.memory_space<vmem>>, vector<1x1x1024xi32>
    %swap3A_61 = vector.shape_cast %swap3A_60 : vector<1x1x1024xi32> to vector<1024xi32>
    %swap3A_62 = vector.shape_cast %select_n3A : vector<1024xi32> to vector<1x1x1024xi32>
    tpu.vector_store %arg8[%swap3A, %swap3A_58, %swap3A_59], %swap3A_62 {strides = array<i32>} : memref<1x1x1024xi32, #tpu.memory_space<vmem>>, vector<1x1x1024xi32>,
    %jit3A_63 = arith.constant 20480 : i32
    %broadcast_in_dim3A_64 = vector.broadcast %jit3A_63 : i32 to vector<1024xi32>
    %select_n3A_65 = arith.select %lt3A_43, %add3A_56, %broadcast_in_dim3A_64 : vector<1024xi1>, vector<1024xi32>
    %swap3A_66 = arith.constant 0 : index
    %swap3A_67 = arith.constant 0 : index
    %swap3A_68 = arith.constant 0 : index
    %swap3A_69 = vector.load %arg9[%swap3A_66, %swap3A_67, %swap3A_68] : memref<1x1x1024xi32, #tpu.memory_space<vmem>>, vector<1x1x1024xi32>
    %swap3A_70 = vector.shape_cast %swap3A_69 : vector<1x1x1024xi32> to vector<1024xi32>
    %swap3A_71 = vector.shape_cast %select_n3A_65 : vector<1024xi32> to vector<1x1x1024xi32>
    tpu.vector_store %arg9[%swap3A_66, %swap3A_67, %swap3A_68], %swap3A_71 {strides = array<i32>} : memref<1x1x1024xi32, #tpu.memory_space<vmem>>, vector<1x1x1024xi32>,
    %swap3A_72 = arith.constant 0 : index
    %swap3A_73 = arith.constant 0 : index
    %swap3A_74 = arith.constant 0 : index
    %swap3A_75 = vector.load %arg10[%swap3A_72, %swap3A_73, %swap3A_74] : memref<1x1x1024xi32, #tpu.memory_space<vmem>>, vector<1x1x1024xi32>
    %swap3A_76 = vector.shape_cast %swap3A_75 : vector<1x1x1024xi32> to vector<1024xi32>
    %swap3A_77 = vector.shape_cast %add3A_49 : vector<1024xi32> to vector<1x1x1024xi32>
    tpu.vector_store %arg10[%swap3A_72, %swap3A_73, %swap3A_74], %swap3A_77 {strides = array<i32>} : memref<1x1x1024xi32, #tpu.memory_space<vmem>>, vector<1x1x1024xi32>,
    %swap3A_78 = arith.constant 0 : index
    %swap3A_79 = arith.constant 0 : index
    %swap3A_80 = arith.constant 0 : index
    %swap3A_81 = vector.load %arg11[%swap3A_78, %swap3A_79, %swap3A_80] : memref<1x1x1024xi32, #tpu.memory_space<vmem>>, vector<1x1x1024xi32>
    %swap3A_82 = vector.shape_cast %swap3A_81 : vector<1x1x1024xi32> to vector<1024xi32>
    %swap3A_83 = vector.shape_cast %add3A_56 : vector<1024xi32> to vector<1x1x1024xi32>
    tpu.vector_store %arg11[%swap3A_78, %swap3A_79, %swap3A_80], %swap3A_83 {strides = array<i32>} : memref<1x1x1024xi32, #tpu.memory_space<vmem>>, vector<1x1x1024xi32>,
    %get3A_84 = arith.constant 0 : index
    %get3A_85 = arith.index_cast %mul3A_0 : i32 to index
    %get3A_86 = vector.load %arg1[%get3A_84, %get3A_85] : memref<1x8192xf32, #tpu.memory_space<vmem>>, vector<1x1024xf32>
    %get3A_87 = vector.shape_cast %get3A_86 : vector<1x1024xf32> to vector<1024xf32>
    %jit3A_88 = arith.constant 0.000000e+00 : f32
    %broadcast_in_dim3A_89 = vector.broadcast %jit3A_88 : f32 to vector<1024xf32>
    %select_n3A_90 = arith.select %lt3A_40, %get3A_87, %broadcast_in_dim3A_89 : vector<1024xi1>, vector<1024xf32>
    %swap3A_91 = arith.constant 0 : index
    %swap3A_92 = arith.constant 0 : index
    %swap3A_93 = arith.constant 0 : index
    %swap3A_94 = vector.load %arg12[%swap3A_91, %swap3A_92, %swap3A_93] : memref<1x1x1024xf32, #tpu.memory_space<vmem>>, vector<1x1x1024xf32>
    %swap3A_95 = vector.shape_cast %swap3A_94 : vector<1x1x1024xf32> to vector<1024xf32>
    %swap3A_96 = vector.shape_cast %select_n3A_90 : vector<1024xf32> to vector<1x1x1024xf32>
    tpu.vector_store %arg12[%swap3A_91, %swap3A_92, %swap3A_93], %swap3A_96 {strides = array<i32>} : memref<1x1x1024xf32, #tpu.memory_space<vmem>>, vector<1x1x1024xf32>,
    %get3A_97 = arith.constant 0 : index
    %get3A_98 = arith.index_cast %mul3A_0 : i32 to index
    %get3A_99 = vector.load %arg2[%get3A_97, %get3A_98] : memref<1x8192xf32, #tpu.memory_space<vmem>>, vector<1x1024xf32>
    %get3A_100 = vector.shape_cast %get3A_99 : vector<1x1024xf32> to vector<1024xf32>
    %jit3A_101 = arith.constant 0.000000e+00 : f32
    %broadcast_in_dim3A_102 = vector.broadcast %jit3A_101 : f32 to vector<1024xf32>
    %select_n3A_103 = arith.select %lt3A_43, %get3A_100, %broadcast_in_dim3A_102 : vector<1024xi1>, vector<1024xf32>
    %swap3A_104 = arith.constant 0 : index
    %swap3A_105 = arith.constant 0 : index
    %swap3A_106 = arith.constant 0 : index
    %swap3A_107 = vector.load %arg13[%swap3A_104, %swap3A_105, %swap3A_106] : memref<1x1x1024xf32, #tpu.memory_space<vmem>>, vector<1x1x1024xf32>
    %swap3A_108 = vector.shape_cast %swap3A_107 : vector<1x1x1024xf32> to vector<1024xf32>
    %swap3A_109 = vector.shape_cast %select_n3A_103 : vector<1024xf32> to vector<1x1x1024xf32>
    tpu.vector_store %arg13[%swap3A_104, %swap3A_105, %swap3A_106], %swap3A_109 {strides = array<i32>} : memref<1x1x1024xf32, #tpu.memory_space<vmem>>, vector<1x1x1024xf32>,
    %eq3A_110 = arith.constant 0 : i32
    %eq3A_111 = arith.cmpi eq, %arg0, %eq3A_110 : i32
    %convert_element_type3A_112 = arith.extui %eq3A_111 : i1 to i32
    %cond3A_113 = arith.constant 0 : i32
    %cond3A_114 = arith.cmpi ne, %convert_element_type3A_112, %cond3A_113 : i32
    scf.if %cond3A_114 {
      %get3A_115 = arith.constant 0 : index
      %get3A_116 = arith.constant 0 : index
      %get3A_117 = arith.constant 0 : index
      %get3A_118 = vector.load %arg6[%get3A_115, %get3A_116, %get3A_117] : memref<16x1x16xf32, #tpu.memory_space<vmem>>, vector<16x1x16xf32>
      %get3A_119 = vector.shape_cast %get3A_118 : vector<16x1x16xf32> to vector<16x16xf32>
      %reduce_sum3A_120 = arith.constant dense<0.000000e+00> : vector<16xf32>
      %reduce_sum3A_121 = vector.multi_reduction <add>, %get3A_119, %reduce_sum3A_120 [0] : vector<16x16xf32> to vector<16xf32>
      %div3A = arith.constant 8.192000e+03 : f32
      %div3A_122 = vector.broadcast %div3A : f32 to vector<16xf32>
      %div3A_123 = arith.divf %reduce_sum3A_121, %div3A_122 : vector<16xf32>
      %get3A_124 = arith.constant 0 : index
      %get3A_125 = arith.constant 0 : index
      %get3A_126 = arith.constant 0 : index
      %get3A_127 = vector.load %arg7[%get3A_124, %get3A_125, %get3A_126] : memref<16x1x16xf32, #tpu.memory_space<vmem>>, vector<16x1x16xf32>
      %get3A_128 = vector.shape_cast %get3A_127 : vector<16x1x16xf32> to vector<16x16xf32>
      %reduce_sum3A_129 = arith.constant dense<0.000000e+00> : vector<16xf32>
      %reduce_sum3A_130 = vector.multi_reduction <add>, %get3A_128, %reduce_sum3A_129 [0] : vector<16x16xf32> to vector<16xf32>
      %div3A_131 = arith.constant 8.192000e+03 : f32
      %div3A_132 = vector.broadcast %div3A_131 : f32 to vector<16xf32>
      %div3A_133 = arith.divf %reduce_sum3A_130, %div3A_132 : vector<16xf32>
      %mul3A_134 = arith.mulf %div3A_123, %div3A_133 : vector<16xf32>
      %reduce_sum3A_135 = vector.shape_cast %mul3A_134 : vector<16xf32> to vector<1x16xf32>
      %reduce_sum3A_136 = arith.constant dense<0.000000e+00> : vector<1xf32>
      %reduce_sum3A_137 = vector.multi_reduction <add>, %reduce_sum3A_135, %reduce_sum3A_136 [1] : vector<1x16xf32> to vector<1xf32>
      %reduce_sum3A_138 = vector.shape_cast %reduce_sum3A_137 : vector<1xf32> to vector<1x1xf32>
      %reduce_sum3A_139 = vector.extract %reduce_sum3A_138[0, 0] : f32 from vector<1x1xf32>
      %mul3A_140 = arith.constant 1.600000e+01 : f32
      %mul3A_141 = arith.mulf %reduce_sum3A_139, %mul3A_140 : f32
      %mul3A_142 = arith.constant 0.00999999977 : f32
      %mul3A_143 = arith.mulf %mul3A_141, %mul3A_142 : f32
      %broadcast_in_dim3A_144 = vector.broadcast %mul3A_143 : f32 to vector<8x128xf32>
      %swap3A_145 = arith.constant 0 : index
      %swap3A_146 = arith.constant 0 : index
      %swap3A_147 = vector.load %arg14[%swap3A_145, %swap3A_146] : memref<8x128xf32, #tpu.memory_space<vmem>>, vector<8x128xf32>
      tpu.vector_store %arg14[%swap3A_145, %swap3A_146], %broadcast_in_dim3A_144 {strides = array<i32>} : memref<8x128xf32, #tpu.memory_space<vmem>>, vector<8x128xf32>,
    } else {
    }
    return
  }
  func.func @transform_0(%arg0: i32) -> (i32, i32) {
    %c0_i32 = arith.constant 0 : i32
    %c0_i32_0 = arith.constant 0 : i32
    %c0_i32_1 = arith.constant 0 : i32
    return %c0_i32, %c0_i32_0 : i32, i32
  }
  func.func @transform_1(%arg0: i32) -> (i32, i32) {
    %c0_i32 = arith.constant 0 : i32
    %c0_i32_0 = arith.constant 0 : i32
    %c0_i32_1 = arith.constant 0 : i32
    return %c0_i32, %c0_i32_0 : i32, i32
  }
  func.func @transform_2(%arg0: i32) -> (i32, i32) {
    %c0_i32 = arith.constant 0 : i32
    %c0_i32_0 = arith.constant 0 : i32
    %c0_i32_1 = arith.constant 0 : i32
    return %c0_i32, %c0_i32_0 : i32, i32
  }
  func.func @transform_3(%arg0: i32) -> (i32, i32) {
    %c0_i32 = arith.constant 0 : i32
    %c0_i32_0 = arith.constant 0 : i32
    %c0_i32_1 = arith.constant 0 : i32
    return %c0_i32, %c0_i32_0 : i32, i32
  }
  func.func @transform_4(%arg0: i32) -> (i32, i32) {
    %c0_i32 = arith.constant 0 : i32
    %c0_i32_0 = arith.constant 0 : i32
    %c0_i32_1 = arith.constant 0 : i32
    return %c0_i32, %c0_i32_0 : i32, i32
  }
  func.func @transform_5(%arg0: i32) -> (i32, i32, i32) {
    %c0_i32 = arith.constant 0 : i32
    %c0_i32_0 = arith.constant 0 : i32
    %c0_i32_1 = arith.constant 0 : i32
    %c0_i32_2 = arith.constant 0 : i32
    return %c0_i32, %c0_i32_0, %c0_i32_1 : i32, i32, i32
  }
  func.func @transform_6(%arg0: i32) -> (i32, i32, i32) {
    %c0_i32 = arith.constant 0 : i32
    %c0_i32_0 = arith.constant 0 : i32
    %c0_i32_1 = arith.constant 0 : i32
    %c0_i32_2 = arith.constant 0 : i32
    return %c0_i32, %c0_i32_0, %c0_i32_1 : i32, i32, i32
  }
  func.func @transform_7(%arg0: i32) -> (i32, i32, i32) {
    %c0_i32 = arith.constant 0 : i32
    %c0_i32_0 = arith.constant 0 : i32
    %c0_i32_1 = arith.constant 0 : i32
    return %arg0, %c0_i32, %c0_i32_0 : i32, i32, i32
  }
  func.func @transform_8(%arg0: i32) -> (i32, i32, i32) {
    %c0_i32 = arith.constant 0 : i32
    %c0_i32_0 = arith.constant 0 : i32
    %c0_i32_1 = arith.constant 0 : i32
    return %arg0, %c0_i32, %c0_i32_0 : i32, i32, i32
  }
  func.func @transform_9(%arg0: i32) -> (i32, i32, i32) {
    %c0_i32 = arith.constant 0 : i32
    %c0_i32_0 = arith.constant 0 : i32
    %c0_i32_1 = arith.constant 0 : i32
    return %arg0, %c0_i32, %c0_i32_0 : i32, i32, i32
  }
  func.func @transform_10(%arg0: i32) -> (i32, i32, i32) {
    %c0_i32 = arith.constant 0 : i32
    %c0_i32_0 = arith.constant 0 : i32
    %c0_i32_1 = arith.constant 0 : i32
    return %arg0, %c0_i32, %c0_i32_0 : i32, i32, i32
  }
  func.func @transform_11(%arg0: i32) -> (i32, i32, i32) {
    %c0_i32 = arith.constant 0 : i32
    %c0_i32_0 = arith.constant 0 : i32
    %c0_i32_1 = arith.constant 0 : i32
    return %arg0, %c0_i32, %c0_i32_0 : i32, i32, i32
  }
  func.func @transform_12(%arg0: i32) -> (i32, i32, i32) {
    %c0_i32 = arith.constant 0 : i32
    %c0_i32_0 = arith.constant 0 : i32
    %c0_i32_1 = arith.constant 0 : i32
    return %arg0, %c0_i32, %c0_i32_0 : i32, i32, i32
  }
  func.func @transform_13(%arg0: i32) -> (i32, i32) {
    %c0_i32 = arith.constant 0 : i32
    %c0_i32_0 = arith.constant 0 : i32
    %c0_i32_1 = arith.constant 0 : i32
    return %c0_i32, %c0_i32_0 : i32, i32
  }
}

module attributes {stable_mosaic.version = 14 : i64} {
  func.func @_gating_body(%arg0: i32, %arg1: memref<512x1024xf32, #tpu.memory_space<vmem>>, %arg2: memref<1024x16xf32, #tpu.memory_space<vmem>>, %arg3: memref<1x1x512xf32, #tpu.memory_space<vmem>>, %arg4: memref<1x1x512xf32, #tpu.memory_space<vmem>>, %arg5: memref<1x1x512xi32, #tpu.memory_space<vmem>>, %arg6: memref<1x1x512xi32, #tpu.memory_space<vmem>>, %arg7: memref<512x32xbf16, #tpu.memory_space<vmem>>, %arg8: memref<1x1x16xf32, #tpu.memory_space<vmem>>, %arg9: memref<1x1x16xf32, #tpu.memory_space<vmem>>) attributes {dimension_semantics = [#tpu.dimension_semantics<arbitrary>], iteration_bounds = array<i64: 16>, scalar_prefetch = 0 : i64, scratch_operands = 0 : i64, tpu.core_type = #tpu.core_type<tc>, window_params = [{transform_indices = @transform_0, window_bounds = array<i64: 512, 1024>}, {pipeline_mode = #tpu.pipeline_mode<synchronous>, transform_indices = @transform_1, window_bounds = array<i64: 1024, 16>}, {transform_indices = @transform_2, window_bounds = array<i64: 1, 1, 512>}, {transform_indices = @transform_3, window_bounds = array<i64: 1, 1, 512>}, {transform_indices = @transform_4, window_bounds = array<i64: 1, 1, 512>}, {transform_indices = @transform_5, window_bounds = array<i64: 1, 1, 512>}, {transform_indices = @transform_6, window_bounds = array<i64: 512, 32>}, {transform_indices = @transform_7, window_bounds = array<i64: 1, 1, 16>}, {transform_indices = @transform_8, window_bounds = array<i64: 1, 1, 16>}]} {
    %get3A = arith.constant 0 : index
    %get3A_0 = arith.constant 0 : index
    %get3A_1 = vector.load %arg1[%get3A, %get3A_0] : memref<512x1024xf32, #tpu.memory_space<vmem>>, vector<512x1024xf32>
    %get3A_2 = arith.constant 0 : index
    %get3A_3 = arith.constant 0 : index
    %get3A_4 = vector.load %arg2[%get3A_2, %get3A_3] : memref<1024x16xf32, #tpu.memory_space<vmem>>, vector<1024x16xf32>
    %dot_general3A = arith.constant dense<0.000000e+00> : vector<512x16xf32>
    %dot_general3A_5 = tpu.matmul %get3A_1, %get3A_4, %dot_general3A {dimension_numbers = #tpu.dot_dimension_numbers<[1], [0], [0], [1], [0, 0, 1, 1], [], []>, transpose_lhs_hint = false} : vector<512x1024xf32>, vector<1024x16xf32>, vector<512x16xf32> -> vector<512x16xf32>
    %reduce_max3A = arith.constant dense<0xFF800000> : vector<512xf32>
    %reduce_max3A_6 = vector.multi_reduction <maximumf>, %dot_general3A_5, %reduce_max3A [1] : vector<512x16xf32> to vector<512xf32>
    %broadcast_in_dim3A = vector.shape_cast %reduce_max3A_6 : vector<512xf32> to vector<512x1xf32>
    %sub3A = vector.broadcast %broadcast_in_dim3A : vector<512x1xf32> to vector<512x16xf32>
    %sub3A_7 = arith.subf %dot_general3A_5, %sub3A : vector<512x16xf32>
    %exp3A = math.exp %sub3A_7 : vector<512x16xf32>
    %reduce_sum3A = arith.constant dense<0.000000e+00> : vector<512xf32>
    %reduce_sum3A_8 = vector.multi_reduction <add>, %exp3A, %reduce_sum3A [1] : vector<512x16xf32> to vector<512xf32>
    %broadcast_in_dim3A_9 = vector.shape_cast %reduce_sum3A_8 : vector<512xf32> to vector<512x1xf32>
    %div3A = vector.broadcast %broadcast_in_dim3A_9 : vector<512x1xf32> to vector<512x16xf32>
    %div3A_10 = arith.divf %exp3A, %div3A : vector<512x16xf32>
    %iota3A = tpu.iota {dimensions = array<i32: 1>} : vector<512x16xi32>
    %reduce_max3A_11 = arith.constant dense<0xFF800000> : vector<512xf32>
    %reduce_max3A_12 = vector.multi_reduction <maximumf>, %div3A_10, %reduce_max3A_11 [1] : vector<512x16xf32> to vector<512xf32>
    %broadcast_in_dim3A_13 = vector.shape_cast %reduce_max3A_12 : vector<512xf32> to vector<512x1xf32>
    %eq3A = vector.broadcast %broadcast_in_dim3A_13 : vector<512x1xf32> to vector<512x16xf32>
    %eq3A_14 = arith.cmpf oeq, %div3A_10, %eq3A : vector<512x16xf32>
    %jit3A = arith.constant 16 : i32
    %broadcast_in_dim3A_15 = vector.broadcast %jit3A : i32 to vector<512x16xi32>
    %select_n3A = arith.select %eq3A_14, %iota3A, %broadcast_in_dim3A_15 : vector<512x16xi1>, vector<512x16xi32>
    %reduce_min3A = arith.constant dense<2147483647> : vector<512xi32>
    %reduce_min3A_16 = vector.multi_reduction <minsi>, %select_n3A, %reduce_min3A [1] : vector<512x16xi32> to vector<512xi32>
    %broadcast_in_dim3A_17 = vector.shape_cast %reduce_min3A_16 : vector<512xi32> to vector<512x1xi32>
    %eq3A_18 = vector.broadcast %broadcast_in_dim3A_17 : vector<512x1xi32> to vector<512x16xi32>
    %eq3A_19 = arith.cmpi eq, %iota3A, %eq3A_18 : vector<512x16xi32>
    %jit3A_20 = arith.constant 0xFF800000 : f32
    %broadcast_in_dim3A_21 = vector.broadcast %jit3A_20 : f32 to vector<512x16xf32>
    %select_n3A_22 = arith.select %eq3A_19, %broadcast_in_dim3A_21, %div3A_10 : vector<512x16xi1>, vector<512x16xf32>
    %reduce_max3A_23 = arith.constant dense<0xFF800000> : vector<512xf32>
    %reduce_max3A_24 = vector.multi_reduction <maximumf>, %select_n3A_22, %reduce_max3A_23 [1] : vector<512x16xf32> to vector<512xf32>
    %broadcast_in_dim3A_25 = vector.shape_cast %reduce_max3A_24 : vector<512xf32> to vector<512x1xf32>
    %eq3A_26 = vector.broadcast %broadcast_in_dim3A_25 : vector<512x1xf32> to vector<512x16xf32>
    %eq3A_27 = arith.cmpf oeq, %select_n3A_22, %eq3A_26 : vector<512x16xf32>
    %jit3A_28 = arith.constant 16 : i32
    %broadcast_in_dim3A_29 = vector.broadcast %jit3A_28 : i32 to vector<512x16xi32>
    %select_n3A_30 = arith.select %eq3A_27, %iota3A, %broadcast_in_dim3A_29 : vector<512x16xi1>, vector<512x16xi32>
    %reduce_min3A_31 = arith.constant dense<2147483647> : vector<512xi32>
    %reduce_min3A_32 = vector.multi_reduction <minsi>, %select_n3A_30, %reduce_min3A_31 [1] : vector<512x16xi32> to vector<512xi32>
    %broadcast_in_dim3A_33 = vector.shape_cast %reduce_min3A_32 : vector<512xi32> to vector<512x1xi32>
    %eq3A_34 = vector.broadcast %broadcast_in_dim3A_33 : vector<512x1xi32> to vector<512x16xi32>
    %eq3A_35 = arith.cmpi eq, %iota3A, %eq3A_34 : vector<512x16xi32>
    %squeeze3A = vector.shape_cast %broadcast_in_dim3A_13 : vector<512x1xf32> to vector<512xf32>
    %swap3A = arith.constant 0 : index
    %swap3A_36 = arith.constant 0 : index
    %swap3A_37 = arith.constant 0 : index
    %swap3A_38 = vector.load %arg3[%swap3A, %swap3A_36, %swap3A_37] : memref<1x1x512xf32, #tpu.memory_space<vmem>>, vector<1x1x512xf32>
    %swap3A_39 = vector.shape_cast %swap3A_38 : vector<1x1x512xf32> to vector<512xf32>
    %swap3A_40 = vector.shape_cast %squeeze3A : vector<512xf32> to vector<1x1x512xf32>
    tpu.vector_store %arg3[%swap3A, %swap3A_36, %swap3A_37], %swap3A_40 {strides = array<i32>} : memref<1x1x512xf32, #tpu.memory_space<vmem>>, vector<1x1x512xf32>,
    %squeeze3A_41 = vector.shape_cast %broadcast_in_dim3A_25 : vector<512x1xf32> to vector<512xf32>
    %swap3A_42 = arith.constant 0 : index
    %swap3A_43 = arith.constant 0 : index
    %swap3A_44 = arith.constant 0 : index
    %swap3A_45 = vector.load %arg4[%swap3A_42, %swap3A_43, %swap3A_44] : memref<1x1x512xf32, #tpu.memory_space<vmem>>, vector<1x1x512xf32>
    %swap3A_46 = vector.shape_cast %swap3A_45 : vector<1x1x512xf32> to vector<512xf32>
    %swap3A_47 = vector.shape_cast %squeeze3A_41 : vector<512xf32> to vector<1x1x512xf32>
    tpu.vector_store %arg4[%swap3A_42, %swap3A_43, %swap3A_44], %swap3A_47 {strides = array<i32>} : memref<1x1x512xf32, #tpu.memory_space<vmem>>, vector<1x1x512xf32>,
    %squeeze3A_48 = vector.shape_cast %broadcast_in_dim3A_17 : vector<512x1xi32> to vector<512xi32>
    %swap3A_49 = arith.constant 0 : index
    %swap3A_50 = arith.constant 0 : index
    %swap3A_51 = arith.constant 0 : index
    %swap3A_52 = vector.load %arg5[%swap3A_49, %swap3A_50, %swap3A_51] : memref<1x1x512xi32, #tpu.memory_space<vmem>>, vector<1x1x512xi32>
    %swap3A_53 = vector.shape_cast %swap3A_52 : vector<1x1x512xi32> to vector<512xi32>
    %swap3A_54 = vector.shape_cast %squeeze3A_48 : vector<512xi32> to vector<1x1x512xi32>
    tpu.vector_store %arg5[%swap3A_49, %swap3A_50, %swap3A_51], %swap3A_54 {strides = array<i32>} : memref<1x1x512xi32, #tpu.memory_space<vmem>>, vector<1x1x512xi32>,
    %squeeze3A_55 = vector.shape_cast %broadcast_in_dim3A_33 : vector<512x1xi32> to vector<512xi32>
    %swap3A_56 = arith.constant 0 : index
    %swap3A_57 = arith.constant 0 : index
    %swap3A_58 = arith.constant 0 : index
    %swap3A_59 = vector.load %arg6[%swap3A_56, %swap3A_57, %swap3A_58] : memref<1x1x512xi32, #tpu.memory_space<vmem>>, vector<1x1x512xi32>
    %swap3A_60 = vector.shape_cast %swap3A_59 : vector<1x1x512xi32> to vector<512xi32>
    %swap3A_61 = vector.shape_cast %squeeze3A_55 : vector<512xi32> to vector<1x1x512xi32>
    tpu.vector_store %arg6[%swap3A_56, %swap3A_57, %swap3A_58], %swap3A_61 {strides = array<i32>} : memref<1x1x512xi32, #tpu.memory_space<vmem>>, vector<1x1x512xi32>,
    %convert_element_type3A = arith.extui %eq3A_19 : vector<512x16xi1> to vector<512x16xi32>
    %convert_element_type3A_62 = arith.sitofp %convert_element_type3A : vector<512x16xi32> to vector<512x16xf32>
    %convert_element_type3A_63 = arith.truncf %convert_element_type3A_62 : vector<512x16xf32> to vector<512x16xbf16>
    %swap3A_64 = arith.constant 0 : index
    %swap3A_65 = arith.constant 0 : index
    %swap3A_66 = vector.load %arg7[%swap3A_64, %swap3A_65] : memref<512x32xbf16, #tpu.memory_space<vmem>>, vector<512x16xbf16>
    tpu.vector_store %arg7[%swap3A_64, %swap3A_65], %convert_element_type3A_63 {strides = array<i32>} : memref<512x32xbf16, #tpu.memory_space<vmem>>, vector<512x16xbf16>,
    %convert_element_type3A_67 = arith.extui %eq3A_35 : vector<512x16xi1> to vector<512x16xi32>
    %convert_element_type3A_68 = arith.sitofp %convert_element_type3A_67 : vector<512x16xi32> to vector<512x16xf32>
    %convert_element_type3A_69 = arith.truncf %convert_element_type3A_68 : vector<512x16xf32> to vector<512x16xbf16>
    %swap3A_70 = arith.constant 0 : index
    %swap3A_71 = arith.constant 16 : index
    %swap3A_72 = vector.load %arg7[%swap3A_70, %swap3A_71] : memref<512x32xbf16, #tpu.memory_space<vmem>>, vector<512x16xbf16>
    tpu.vector_store %arg7[%swap3A_70, %swap3A_71], %convert_element_type3A_69 {strides = array<i32>} : memref<512x32xbf16, #tpu.memory_space<vmem>>, vector<512x16xbf16>,
    %reduce_sum3A_73 = arith.constant dense<0.000000e+00> : vector<16xf32>
    %reduce_sum3A_74 = vector.multi_reduction <add>, %div3A_10, %reduce_sum3A_73 [0] : vector<512x16xf32> to vector<16xf32>
    %swap3A_75 = arith.constant 0 : index
    %swap3A_76 = arith.constant 0 : index
    %swap3A_77 = arith.constant 0 : index
    %swap3A_78 = vector.load %arg8[%swap3A_75, %swap3A_76, %swap3A_77] : memref<1x1x16xf32, #tpu.memory_space<vmem>>, vector<1x1x16xf32>
    %swap3A_79 = vector.shape_cast %swap3A_78 : vector<1x1x16xf32> to vector<16xf32>
    %swap3A_80 = vector.shape_cast %reduce_sum3A_74 : vector<16xf32> to vector<1x1x16xf32>
    tpu.vector_store %arg8[%swap3A_75, %swap3A_76, %swap3A_77], %swap3A_80 {strides = array<i32>} : memref<1x1x16xf32, #tpu.memory_space<vmem>>, vector<1x1x16xf32>,
    %convert_element_type3A_81 = arith.extui %eq3A_19 : vector<512x16xi1> to vector<512x16xi32>
    %convert_element_type3A_82 = arith.sitofp %convert_element_type3A_81 : vector<512x16xi32> to vector<512x16xf32>
    %reduce_sum3A_83 = arith.constant dense<0.000000e+00> : vector<16xf32>
    %reduce_sum3A_84 = vector.multi_reduction <add>, %convert_element_type3A_82, %reduce_sum3A_83 [0] : vector<512x16xf32> to vector<16xf32>
    %swap3A_85 = arith.constant 0 : index
    %swap3A_86 = arith.constant 0 : index
    %swap3A_87 = arith.constant 0 : index
    %swap3A_88 = vector.load %arg9[%swap3A_85, %swap3A_86, %swap3A_87] : memref<1x1x16xf32, #tpu.memory_space<vmem>>, vector<1x1x16xf32>
    %swap3A_89 = vector.shape_cast %swap3A_88 : vector<1x1x16xf32> to vector<16xf32>
    %swap3A_90 = vector.shape_cast %reduce_sum3A_84 : vector<16xf32> to vector<1x1x16xf32>
    tpu.vector_store %arg9[%swap3A_85, %swap3A_86, %swap3A_87], %swap3A_90 {strides = array<i32>} : memref<1x1x16xf32, #tpu.memory_space<vmem>>, vector<1x1x16xf32>,
    return
  }
  func.func @transform_0(%arg0: i32) -> (i32, i32) {
    %c0_i32 = arith.constant 0 : i32
    %c0_i32_0 = arith.constant 0 : i32
    return %arg0, %c0_i32 : i32, i32
  }
  func.func @transform_1(%arg0: i32) -> (i32, i32) {
    %c0_i32 = arith.constant 0 : i32
    %c0_i32_0 = arith.constant 0 : i32
    %c0_i32_1 = arith.constant 0 : i32
    return %c0_i32, %c0_i32_0 : i32, i32
  }
  func.func @transform_2(%arg0: i32) -> (i32, i32, i32) {
    %c0_i32 = arith.constant 0 : i32
    %c0_i32_0 = arith.constant 0 : i32
    %c0_i32_1 = arith.constant 0 : i32
    return %arg0, %c0_i32, %c0_i32_0 : i32, i32, i32
  }
  func.func @transform_3(%arg0: i32) -> (i32, i32, i32) {
    %c0_i32 = arith.constant 0 : i32
    %c0_i32_0 = arith.constant 0 : i32
    %c0_i32_1 = arith.constant 0 : i32
    return %arg0, %c0_i32, %c0_i32_0 : i32, i32, i32
  }
  func.func @transform_4(%arg0: i32) -> (i32, i32, i32) {
    %c0_i32 = arith.constant 0 : i32
    %c0_i32_0 = arith.constant 0 : i32
    %c0_i32_1 = arith.constant 0 : i32
    return %arg0, %c0_i32, %c0_i32_0 : i32, i32, i32
  }
  func.func @transform_5(%arg0: i32) -> (i32, i32, i32) {
    %c0_i32 = arith.constant 0 : i32
    %c0_i32_0 = arith.constant 0 : i32
    %c0_i32_1 = arith.constant 0 : i32
    return %arg0, %c0_i32, %c0_i32_0 : i32, i32, i32
  }
  func.func @transform_6(%arg0: i32) -> (i32, i32) {
    %c0_i32 = arith.constant 0 : i32
    %c0_i32_0 = arith.constant 0 : i32
    return %arg0, %c0_i32 : i32, i32
  }
  func.func @transform_7(%arg0: i32) -> (i32, i32, i32) {
    %c0_i32 = arith.constant 0 : i32
    %c0_i32_0 = arith.constant 0 : i32
    %c0_i32_1 = arith.constant 0 : i32
    return %arg0, %c0_i32, %c0_i32_0 : i32, i32, i32
  }
  func.func @transform_8(%arg0: i32) -> (i32, i32, i32) {
    %c0_i32 = arith.constant 0 : i32
    %c0_i32_0 = arith.constant 0 : i32
    %c0_i32_1 = arith.constant 0 : i32
    return %arg0, %c0_i32, %c0_i32_0 : i32, i32, i32
  }
}

module attributes {stable_mosaic.version = 14 : i64} {
  func.func @_ffn_body(%arg0: i32, %arg1: i32, %arg2: memref<1280x1024xf32, #tpu.memory_space<vmem>>, %arg3: memref<1x1024x2048xf32, #tpu.memory_space<vmem>>, %arg4: memref<16x4096xf32, #tpu.memory_space<vmem>>, %arg5: memref<1x2048x1024xf32, #tpu.memory_space<vmem>>, %arg6: memref<16x1024xf32, #tpu.memory_space<vmem>>, %arg7: memref<1280x1024xf32, #tpu.memory_space<vmem>>) attributes {dimension_semantics = [#tpu.dimension_semantics<arbitrary>, #tpu.dimension_semantics<arbitrary>], iteration_bounds = array<i64: 16, 2>, scalar_prefetch = 0 : i64, scratch_operands = 0 : i64, tpu.core_type = #tpu.core_type<tc>, window_params = [{transform_indices = @transform_0, window_bounds = array<i64: 1280, 1024>}, {transform_indices = @transform_1, window_bounds = array<i64: 1, 1024, 2048>}, {pipeline_mode = #tpu.pipeline_mode<synchronous>, transform_indices = @transform_2, window_bounds = array<i64: 16, 4096>}, {transform_indices = @transform_3, window_bounds = array<i64: 1, 2048, 1024>}, {pipeline_mode = #tpu.pipeline_mode<synchronous>, transform_indices = @transform_4, window_bounds = array<i64: 16, 1024>}, {transform_indices = @transform_5, window_bounds = array<i64: 1280, 1024>}]} {
    %get3A = arith.constant 0 : index
    %get3A_0 = arith.constant 0 : index
    %get3A_1 = vector.load %arg2[%get3A, %get3A_0] : memref<1280x1024xf32, #tpu.memory_space<vmem>>, vector<1280x1024xf32>
    %convert_element_type3A = arith.truncf %get3A_1 : vector<1280x1024xf32> to vector<1280x1024xbf16>
    %get3A_2 = arith.constant 0 : index
    %get3A_3 = arith.constant 0 : index
    %get3A_4 = arith.constant 0 : index
    %get3A_5 = vector.load %arg3[%get3A_2, %get3A_3, %get3A_4] : memref<1x1024x2048xf32, #tpu.memory_space<vmem>>, vector<1x1024x2048xf32>
    %get3A_6 = vector.shape_cast %get3A_5 : vector<1x1024x2048xf32> to vector<1024x2048xf32>
    %convert_element_type3A_7 = arith.truncf %get3A_6 : vector<1024x2048xf32> to vector<1024x2048xbf16>
    %mul3A = arith.constant 2048 : i32
    %mul3A_8 = arith.muli %arg1, %mul3A : i32
    %get3A_9 = arith.index_cast %arg0 : i32 to index
    %get3A_10 = arith.index_cast %mul3A_8 : i32 to index
    %get3A_11 = vector.load %arg4[%get3A_9, %get3A_10] : memref<16x4096xf32, #tpu.memory_space<vmem>>, vector<1x2048xf32>
    %dot_general3A = arith.constant dense<0.000000e+00> : vector<1280x2048xf32>
    %dot_general3A_12 = tpu.matmul %convert_element_type3A, %convert_element_type3A_7, %dot_general3A {dimension_numbers = #tpu.dot_dimension_numbers<[1], [0], [0], [1], [0, 0, 1, 1], [], []>, transpose_lhs_hint = false} : vector<1280x1024xbf16>, vector<1024x2048xbf16>, vector<1280x2048xf32> -> vector<1280x2048xf32>
    %add3A = vector.broadcast %get3A_11 : vector<1x2048xf32> to vector<1280x2048xf32>
    %add3A_13 = arith.addf %dot_general3A_12, %add3A : vector<1280x2048xf32>
    %mul3A_14 = arith.constant 5.000000e-01 : f32
    %mul3A_15 = vector.broadcast %mul3A_14 : f32 to vector<1280x2048xf32>
    %mul3A_16 = arith.mulf %mul3A_15, %add3A_13 : vector<1280x2048xf32>
    %mul3A_17 = arith.constant 0.707106769 : f32
    %mul3A_18 = vector.broadcast %mul3A_17 : f32 to vector<1280x2048xf32>
    %mul3A_19 = arith.mulf %add3A_13, %mul3A_18 : vector<1280x2048xf32>
    %erf3A = math.erf %mul3A_19 : vector<1280x2048xf32>
    %add3A_20 = arith.constant 1.000000e+00 : f32
    %add3A_21 = vector.broadcast %add3A_20 : f32 to vector<1280x2048xf32>
    %add3A_22 = arith.addf %add3A_21, %erf3A : vector<1280x2048xf32>
    %mul3A_23 = arith.mulf %mul3A_16, %add3A_22 : vector<1280x2048xf32>
    %convert_element_type3A_24 = arith.truncf %mul3A_23 : vector<1280x2048xf32> to vector<1280x2048xbf16>
    %get3A_25 = arith.constant 0 : index
    %get3A_26 = arith.constant 0 : index
    %get3A_27 = arith.constant 0 : index
    %get3A_28 = vector.load %arg5[%get3A_25, %get3A_26, %get3A_27] : memref<1x2048x1024xf32, #tpu.memory_space<vmem>>, vector<1x2048x1024xf32>
    %get3A_29 = vector.shape_cast %get3A_28 : vector<1x2048x1024xf32> to vector<2048x1024xf32>
    %convert_element_type3A_30 = arith.truncf %get3A_29 : vector<2048x1024xf32> to vector<2048x1024xbf16>
    %dot_general3A_31 = arith.constant dense<0.000000e+00> : vector<1280x1024xf32>
    %dot_general3A_32 = tpu.matmul %convert_element_type3A_24, %convert_element_type3A_30, %dot_general3A_31 {dimension_numbers = #tpu.dot_dimension_numbers<[1], [0], [0], [1], [0, 0, 1, 1], [], []>, transpose_lhs_hint = false} : vector<1280x2048xbf16>, vector<2048x1024xbf16>, vector<1280x1024xf32> -> vector<1280x1024xf32>
    %eq3A = arith.constant 0 : i32
    %eq3A_33 = arith.cmpi eq, %arg1, %eq3A : i32
    %convert_element_type3A_34 = arith.extui %eq3A_33 : i1 to i32
    %cond3A = arith.constant 0 : i32
    %cond3A_35 = arith.cmpi ne, %convert_element_type3A_34, %cond3A : i32
    scf.if %cond3A_35 {
      %get3A_40 = arith.index_cast %arg0 : i32 to index
      %get3A_41 = arith.constant 0 : index
      %get3A_42 = vector.load %arg6[%get3A_40, %get3A_41] : memref<16x1024xf32, #tpu.memory_space<vmem>>, vector<1x1024xf32>
      %add3A_43 = vector.broadcast %get3A_42 : vector<1x1024xf32> to vector<1280x1024xf32>
      %add3A_44 = arith.addf %dot_general3A_32, %add3A_43 : vector<1280x1024xf32>
      %swap3A = arith.constant 0 : index
      %swap3A_45 = arith.constant 0 : index
      %swap3A_46 = vector.load %arg7[%swap3A, %swap3A_45] : memref<1280x1024xf32, #tpu.memory_space<vmem>>, vector<1280x1024xf32>
      tpu.vector_store %arg7[%swap3A, %swap3A_45], %add3A_44 {strides = array<i32>} : memref<1280x1024xf32, #tpu.memory_space<vmem>>, vector<1280x1024xf32>,
    } else {
    }
    %ne3A = arith.constant 0 : i32
    %ne3A_36 = arith.cmpi ne, %arg1, %ne3A : i32
    %convert_element_type3A_37 = arith.extui %ne3A_36 : i1 to i32
    %cond3A_38 = arith.constant 0 : i32
    %cond3A_39 = arith.cmpi ne, %convert_element_type3A_37, %cond3A_38 : i32
    scf.if %cond3A_39 {
      %get3A_40 = arith.constant 0 : index
      %get3A_41 = arith.constant 0 : index
      %get3A_42 = vector.load %arg7[%get3A_40, %get3A_41] : memref<1280x1024xf32, #tpu.memory_space<vmem>>, vector<1280x1024xf32>
      %add3A_43 = arith.addf %get3A_42, %dot_general3A_32 : vector<1280x1024xf32>
      %swap3A = arith.constant 0 : index
      %swap3A_44 = arith.constant 0 : index
      %swap3A_45 = vector.load %arg7[%swap3A, %swap3A_44] : memref<1280x1024xf32, #tpu.memory_space<vmem>>, vector<1280x1024xf32>
      tpu.vector_store %arg7[%swap3A, %swap3A_44], %add3A_43 {strides = array<i32>} : memref<1280x1024xf32, #tpu.memory_space<vmem>>, vector<1280x1024xf32>,
    } else {
    }
    return
  }
  func.func @transform_0(%arg0: i32, %arg1: i32) -> (i32, i32) {
    %c0_i32 = arith.constant 0 : i32
    %c0_i32_0 = arith.constant 0 : i32
    return %arg0, %c0_i32 : i32, i32
  }
  func.func @transform_1(%arg0: i32, %arg1: i32) -> (i32, i32, i32) {
    %c0_i32 = arith.constant 0 : i32
    %c0_i32_0 = arith.constant 0 : i32
    return %arg0, %c0_i32, %arg1 : i32, i32, i32
  }
  func.func @transform_2(%arg0: i32, %arg1: i32) -> (i32, i32) {
    %c0_i32 = arith.constant 0 : i32
    %c0_i32_0 = arith.constant 0 : i32
    %c0_i32_1 = arith.constant 0 : i32
    return %c0_i32, %c0_i32_0 : i32, i32
  }
  func.func @transform_3(%arg0: i32, %arg1: i32) -> (i32, i32, i32) {
    %c0_i32 = arith.constant 0 : i32
    %c0_i32_0 = arith.constant 0 : i32
    return %arg0, %arg1, %c0_i32 : i32, i32, i32
  }
  func.func @transform_4(%arg0: i32, %arg1: i32) -> (i32, i32) {
    %c0_i32 = arith.constant 0 : i32
    %c0_i32_0 = arith.constant 0 : i32
    %c0_i32_1 = arith.constant 0 : i32
    return %c0_i32, %c0_i32_0 : i32, i32
  }
  func.func @transform_5(%arg0: i32, %arg1: i32) -> (i32, i32) {
    %c0_i32 = arith.constant 0 : i32
    %c0_i32_0 = arith.constant 0 : i32
    return %arg0, %c0_i32 : i32, i32
  }
}

</mosaic_0001>

<sc_bundles>
// kernel: kernel.10.cloned.1.call-start
scs
__scs_entry_jumppad:
0x0: {  	(pc) =	sbr.rel $0x88, $3  }
0x1: {  	(tag) =	ssettag $0x0;
	lr =	simm.s32 $0x1  }
0x2: {  	[smem:$0x3F9B] =	sst lr;
	_ =	strace $0xD0000000  }
0x3: {  	_ = 	snop  }
0x4: {  	_ = 	snop  }
0x5: {  	_ = 	snop  }
0x6: {  	_ = 	snop  }
0x7: {  	_ = 	snop  }
__scs_overlays_trampoline_lowered:
0x8: {  	[smem:$0x3FAA] =	sst s0  }
0x9: {  	[smem:$0x3FAB] =	sst s1  }
0xa: {  	[smem:$0x3FAC] =	sst s2  }
0xb: {  	[smem:$0x3FAD] =	sst s3  }
0xc: {  	[smem:$0x3FAE] =	sst s4  }
0xd: {  	[smem:$0x3FAF] =	sst s5  }
0xe: {  	[smem:$0x3FB0] =	sst s6  }
0xf: {  	[smem:$0x3FB1] =	sst s7  }
0x10: {  	[smem:$0x3FB2] =	sst s8  }
0x11: {  	[smem:$0x3FB3] =	sst s9;
	s0 =	simm.s32 @!p0 $0x0  }
0x12: {  	s1 =	sld [smem:$0x3F99];
	s0 =	simm.s32 @p0 $0x1  }
0x13: {  	[smem:$0x3FB4] =	sst s0;
	s0 =	simm.s32 @!p1 $0x0  }
0x14: {  	s2 =	sld [smem:$0x3F98];
	s0 =	simm.s32 @p1 $0x1  }
0x15: {  	[smem:$0x3FB5] =	sst s0;
	s0 =	simm.s32 @!p2 $0x0  }
0x16: {  	s3 =	sld [smem:$0x3FDB];
	s0 =	simm.s32 @p2 $0x1  }
0x17: {  	s4 =	simm.s32 $0x1BF5;
	[smem:$0x3FB7] =	sst s0  }
0x18: {  	s0 =	sld [smem:$0x3F9A];
	_ =	swait.ge [sflag:s4], $0x0  }
0x19: {  	s7 =	sld [smem:$0x3F9B]  }
0x1a: {  	s8 =	sadd.s32 $0xFFFFE003, lr  }
0x1b: {  	s9 =	sadd.s32 $0xFFFFFEF7, lr;
	s5 =	simm.s32 $0xFFFFFFFF;
	p2 =	slt.u32 s8, $0xFFFFF086  }
0x1c: {  	p1 =	slt.u32 s9, $0xF7A;
	s5 =	simm.s32 @!p2 $0x0  }
0x1d: {  	s5 =	simm.s32 @p1 $0x1;
	p0 =	seq.s32 s7, s2  }
0x1e: {  	s7 =	smul.u32 @!p0 $0xF7A, s2;
	p2 =	seq.s32 @!p0 s5, $0x0  }
0x1f: {  	s9 =	smul.u32 $0xF7A, s1;
	s8 =	simm.s32 @!p0 $0x1BF5;
	p2 =	por !p2, p0  }
0x20: {  	[sflag:s8] =	ssyncset.s32 @!p0 $0xFFFFF086;
	s6 =	sadd.s32 @!p0 s3, s7;
	s7 =	simm.s32 @!p0 $0x108  }
0x21: {  	s3 =	sadd.s32 s3, s9;
	s6 =	sadd.s32 @!p0 $0x88, s6;
	s7 =	simm.s32 @p2 $0x1082  }
0x22: {  	[simem:s7], [sflag:s8] =	dma.local @!p0 [hbm:s6], $0xF7A  }
0x23: {  	s9 =	sor.u32 $0xD0000000, s2;
	s6 =	simm.s32 $0x108;
	_ =	swait.ge @!p0 [sflag:s8], $0x0  }
0x24: {  	s3 =	sadd.s32 $0x88, s3;
	s6 =	simm.s32 @!p1 $0x1082;
	[sflag:s4] =	ssyncset.s32 $0xFFFFF086  }
0x25: {  	[simem:s6], [sflag:s4] =	dma.local [hbm:s3], $0xF7A  }
0x26: {  	[smem:$0x3F9B] =	sst s1;
	(tag) =	ssettag s2;
	_ =	strace s9  }
0x27: {  	s1 =	sld [smem:$0x3FAB]  }
0x28: {  	s2 =	sld [smem:$0x3FAC]  }
0x29: {  	s4 =	sld [smem:$0x3FAE]  }
0x2a: {  	p0 =	seq.s32 s5, $0x0;
	s5 =	sld [smem:$0x3FAF]  }
0x2b: {  	s6 =	sld [smem:$0x3FB0]  }
0x2c: {  	s7 =	sld [smem:$0x3FB1]  }
0x2d: {  	s3 =	simm.s32 $0x108;
	s8 =	sld [smem:$0x3FB2]  }
0x2e: {  	s3 =	simm.s32 @!p0 $0x1082;
	s9 =	sld [smem:$0x3FB3]  }
0x2f: {  	lr =	sadd.s32 s0, s3;
	s0 =	sld [smem:$0x3FAA]  }
0x30: {  	s3 =	sld [smem:$0x3FAD]  }
0x31: {  	[smem:$0x3FB6] =	sst s10  }
0x32: {  	s10 =	sld [smem:$0x3FB4];
	_ =	sdelay $0x3  }
0x33: {  	p0 =	seq.s32 s10, $0x1;
	s10 =	sld [smem:$0x3FB6];
	_ =	sdelay $0x3  }
0x34: {  	[smem:$0x3FB6] =	sst s10  }
0x35: {  	s10 =	sld [smem:$0x3FB5];
	_ =	sdelay $0x3  }
0x36: {  	p1 =	seq.s32 s10, $0x1;
	s10 =	sld [smem:$0x3FB6];
	_ =	sdelay $0x3  }
0x37: {  	[smem:$0x3FB6] =	sst s10  }
0x38: {  	s10 =	sld [smem:$0x3FB7]  }
0x39: {  	_ = 	snop;
	(pc) =	sbr.ind lr, $3  }
0x3a: {  	_ = 	snop  }
0x3b: {  	_ = 	snop  }
0x3c: {  	p2 =	seq.s32 s10, $0x1;
	s10 =	sld [smem:$0x3FB6]  }
0x3d: {  	_ =	shalt  }
0x3e: {  	_ =	shalt  }
0x3f: {  	_ =	shalt  }
0x40: {  	_ =	shalt  }
0x41: {  	_ =	shalt  }
0x42: {  	_ =	shalt  }
0x43: {  	_ =	shalt  }
0x44: {  	_ =	shalt  }
0x45: {  	_ =	shalt  }
0x46: {  	_ =	shalt  }
0x47: {  	_ =	shalt  }
0x48: {  	_ =	shalt  }
0x49: {  	_ =	shalt  }
0x4a: {  	_ =	shalt  }
0x4b: {  	_ =	shalt  }
0x4c: {  	_ =	shalt  }
0x4d: {  	_ =	shalt  }
0x4e: {  	_ =	shalt  }
0x4f: {  	_ =	shalt  }
0x50: {  	_ =	shalt  }
0x51: {  	_ =	shalt  }
0x52: {  	_ =	shalt  }
0x53: {  	_ =	shalt  }
0x54: {  	_ =	shalt  }
0x55: {  	_ =	shalt  }
0x56: {  	_ =	shalt  }
0x57: {  	_ =	shalt  }
0x58: {  	_ =	shalt  }
0x59: {  	_ =	shalt  }
0x5a: {  	_ =	shalt  }
0x5b: {  	_ =	shalt  }
0x5c: {  	_ =	shalt  }
0x5d: {  	_ =	shalt  }
0x5e: {  	_ =	shalt  }
0x5f: {  	_ =	shalt  }
0x60: {  	_ =	shalt  }
0x61: {  	_ =	shalt  }
0x62: {  	_ =	shalt  }
0x63: {  	_ =	shalt  }
0x64: {  	_ =	shalt  }
0x65: {  	_ =	shalt  }
0x66: {  	_ =	shalt  }
0x67: {  	_ =	shalt  }
0x68: {  	_ =	shalt  }
0x69: {  	_ =	shalt  }
0x6a: {  	_ =	shalt  }
0x6b: {  	_ =	shalt  }
0x6c: {  	_ =	shalt  }
0x6d: {  	_ =	shalt  }
0x6e: {  	_ =	shalt  }
0x6f: {  	_ =	shalt  }
0x70: {  	_ =	shalt  }
0x71: {  	_ =	shalt  }
0x72: {  	_ =	shalt  }
0x73: {  	_ =	shalt  }
0x74: {  	_ =	shalt  }
0x75: {  	_ =	shalt  }
0x76: {  	_ =	shalt  }
0x77: {  	_ =	shalt  }
0x78: {  	_ =	shalt  }
0x79: {  	_ =	shalt  }
0x7a: {  	_ =	shalt  }
0x7b: {  	_ =	shalt  }
0x7c: {  	_ =	shalt  }
0x7d: {  	_ =	shalt  }
0x7e: {  	_ =	shalt  }
0x7f: {  	_ =	shalt  }
0x80: {  	_ =	shalt  }
0x81: {  	_ =	shalt  }
0x82: {  	_ =	shalt  }
0x83: {  	_ =	shalt  }
0x84: {  	_ =	shalt  }
0x85: {  	_ =	shalt  }
0x86: {  	_ =	shalt  }
0x87: {  	_ =	shalt  }
.Lfunc_end0:
.L_simem_size_0:
called_computation.1_lowered:
.L_overlay_start_0:
0x88: {  	s2 =	sld [smem:$0x3FD9]  }
0x89: {  	s3 =	sld [smem:$0x3FFE];
	_ =	sdelay $0x1  }
0x8a: {  	s1 =	srdreg.scid  }
0x8b: {  	s0 =	sand.u32 $0x1, s1  }
0x8c: {  	s14 =	sshll.u32 s0, $0xA;
	s2 =	sadd.s32 s3, s2  }
0x8d: {  	s2 =	sadd.s32 s2, s14  }
0x8e: {  	[smem:$0x3FC2] =	sst s2  }
0x8f: {  	_ = 	snop  }
0x90: {  	s2 =	sld [smem:$0x3FD0];
	_ =	sdelay $0x2  }
0x91: {  	s15 =	simm.s32 $0xA;
	s4 =	simm.s32 $0x10  }
0x92: {  	[smem:s4], [sflag:s15] =	dma.local [hbm:s2], $0x1  }
0x93: {  	_ =	swait.eq [sflag:s15], $0x1  }
0x94: {  	[sflag:s15] =	ssyncset.done $0x0  }
0x95: {  	[sflag:s15] =	ssyncadd.s32 $0xFFFFFFFF  }
0x96: {  	s16 =	sld [smem:$0x10];
	(tm) =	ssettm $0x1  }
0x97: {  	s17 =	sld [smem:$0x3FFB];
	_ =	sdelay $0x3  }
0x98: {  	_ =	strace s17  }
0x99: {  	s3 =	sld [smem:$0x3FFC];
	_ =	sdelay $0x3  }
0x9a: {  	_ =	strace s3  }
0x9b: {  	s3 =	sld [smem:$0x3FFD];
	_ =	sdelay $0x3  }
0x9c: {  	_ =	strace s3  }
0x9d: {  	_ =	strace $0x8FFFFFFF  }
0x9e: {  	s18 =	sld [smem:$0x3FDB];
	_ =	sdelay $0x1  }
0x9f: {  	s19 =	simm.s32 $_scs_section_size  }
0xa0: {  	s5 =	simm.s32 $_size__tile_overlayer_lowered;
	s6 =	simm.s32 $_tile_overlayer_lowered  }
0xa1: {  	s22 =	simm.s32 $0x1BFF;
	s21 =	sshll.u32 s6, $0x1;
	s3 =	sadd.s32 s19, s18  }
0xa2: {  	s7 =	simm.s32 $0x0;
	s20 =	sshll.u32 s5, $0x1;
	s5 =	sadd.s32 s21, s3  }
0xa3: {  	[timem:s7], [sflag:s22] =	dma.local [hbm:s5], s20  }
0xa4: {  	_ =	swait.ge [sflag:s22], s20  }
0xa5: {  	s4 =	ssub.s32 $0x0, s20;
	[sflag:s22] =	ssyncset.done $0x0  }
0xa6: {  	[sflag:s22] =	ssyncadd.s32 s4;
	_ =	sdelay $0x1  }
0xa7: {  	s23 =	simm.s32 $0x1B8B  }
0xa8: {  	_ =	swait.ge [sflag:s23], $0x1  }
0xa9: {  	[sflag:s23] =	ssyncset.done $0x0  }
0xaa: {  	s25 =	simm.s32 $0x1B8E;
	s24 =	sld [smem:$0x3FFE];
	[sflag:s23] =	ssyncadd.s32 $0xFFFFFFFF  }
0xab: {  	s26 =	simm.s32 $execute0_lowered;
	[smem:$0x3FD2] =	sst s25  }
0xac: {  	s5 =	sshll.u32 s26, $0x1;
	_ =	strace $0x80000049;
	[dreg:$0x1] =	wrdreg $0xFFFFFFFF  }
0xad: {  	s28 =	simm.s32 $_size_execute0_lowered;
	s3 =	sadd.s32 s3, s5;
	[dreg:$0x0] =	wrdreg $0x0  }
0xae: {  	s5 =	sshll.u32 s28, $0x1;
	[dreg:$0x2] =	wrdreg s3  }
0xaf: {  	[dreg:$0x3] =	wrdreg s5  }
0xb0: {  	[dreg:$0x4] =	wrdreg $0xC0  }
0xb1: {  	_ =	task [dreg:s7], $0x5FFFF  }
0xb2: {  	[dreg:$0x1] =	wrdreg $0xFFFFFFFF  }
0xb3: {  	[dreg:$0x0] =	wrdreg $0x60  }
0xb4: {  	[dreg:$0x2] =	wrdreg s24  }
0xb5: {  	[dreg:$0x3] =	wrdreg s16  }
0xb6: {  	[dreg:$0x4] =	wrdreg $0x9  }
0xb7: {  	_ =	task.clear_ibuf [dreg:s7], $0x5FFFF;
	_ =	strace $0x90000049  }
0xb8: {  	s29 =	simm.s32 $0x9;
	_ =	strace $0x8000004B  }
0xb9: {  	_ =	swait.ge [sflag:s29], $0x1  }
0xba: {  	[sflag:s29] =	ssyncadd.s32 $0xFFFFFFFF  }
0xbb: {  	_ =	strace $0x9000004B  }
0xbc: {  	_ =	sfence  }
0xbd: {  	s30 =	sld [smem:$0x0];
	_ =	sdelay $0x2  }
0xbe: {  	s31 =	sshll.u32 s1, $0xD;
	s1 =	sshrl.u32 s1, $0x2  }
0xbf: {  	s3 =	sand.u32 $0x4000, s31;
	s1 =	sadd.s32 s1, s30  }
0xc0: {  	s0 =	sor.u32 s3, s0;
	s1 =	sshll.u32 s1, $0x11  }
0xc1: {  	s0 =	sor.u32 s1, s0  }
0xc2: {  	s0 =	sadd.s32 $0x8F2B, s0  }
0xc3: {  	[sflag:s0] =	ssyncadd.remote.s32 $0x1  }
0xc4: {  	_ =	sfence.sel $0xFFFF  }
0xc5: {  	[dreg:$0x0] =	wrdreg $0xFFFFFFFF;
	(pc) =	sbr.abs _section_cstart, $3  }
0xc6: {  	[dreg:$0x1] =	wrdreg $0xFFFFFFFF  }
0xc7: {  	_ =	task.clear_ibuf [dreg:s7], $0x2FFFF;
	_ =	strace $0x9FFFFFFF  }
0xc8: {  	(tm) =	ssettm $0x7FFFFFFF  }
0xc9: {  	_ =	shalt  }
tec
execute0_lowered:
.L_overlay_start_1:
0x0: {  	(tag) =	ssettag $0x1  }
0x1: {  	s0 =	rddreg [dreg:$0x0]  }
0x2: {  	s2 =	rddreg [dreg:$0x1]  }
0x3: {  	s1 =	srdreg.scid;
	s4 =	stileid.u32  }
0x4: {  	s3 =	simm.s32 $0x0;
	s28 =	simm.s32 $0xD800;
	s29 =	simm.s32 $0xE000  }
0x5: {  	s30 =	simm.s32 $0xE800;
	s31 =	simm.s32 $0xF000;
	s14 =	simm.s32 $0x3  }
0x6: {  	s8 =	simm.s32 $0x4;
	s9 =	simm.s32 $0x14000;
	s16 =	simm.s32 $0x0  }
0x7: {  	s1 =	sand.u32 $0x1, s1;
	s4 =	sshll.u32 s4, $0x9;
	[smem:$0x7FF] =	sst s3  }
0x8: {  	s10 =	sadd.s32 $0x2AB100, s0;
	s5 =	sshll.u32 s1, $0x8;
	s1 =	ssub.s32 $0x2, s1  }
0x9: {  	s11 =	sadd.s32 $0x2AB200, s0;
	s4 =	sor.u32 s5, s4;
	s7 =	sshrl.u32 s1, $0x1  }
0xa: {  	s12 =	sadd.s32 $0x2AB300, s0;
	s6 =	sshrl.u32 s4, $0x3;
	s1 =	ssub.s32 s1, s7  }
0xb: {  	_ =	strace $0x8000004A;
	s6 =	sadd.s32 s6, s0;
	s26 =	smax.u32 s1, $0x1  }
0xc: {  	s5 =	sadd.s32 $0x2AB000, s0;
	s23 =	sadd.s32 $0x1E00, s6;
	[dreg:$0x7] =	wrdreg s26  }
0xd: {  	v2 =	vlaneseq.u32;
	s7 =	simm.s32 $0x2;
	s24 =	sadd.s32 $0x2200, s6;
	[dreg:$0x3] =	wrdreg s23  }
0xe: {  	v0 =	vand.u32 $0x7, v2;
	v1 =	vshrl.u32 v2, $0x3;
	s0 =	simm.s32 $0xF800;
	s25 =	sadd.s32 $0x2600, s6;
	[dreg:$0x4] =	wrdreg s24  }
0xf: {  	v63 =	vor.u32 $0x8, v2;
	[tilespmem:$0x1FFD0] =	vst v0;
	v62 =	vmul.u32 $0x8, v1;
	s1 =	simm.s32 $0x1;
	s6 =	sadd.s32 $0x2A00, s6;
	[dreg:$0x5] =	wrdreg s25  }
0x10: {  	[tilespmem:$0x1FFF0] =	vst v63;
	s26 =	simm.s32 $0xD000;
	[dreg:$0x6] =	wrdreg s6;
	s23 =	simm.s32 $0x7800  }
0x11: {  	vm0 =	vmmov $0xffff;
	[tilespmem:$0x1FFE0] =	vst v62;
	s24 =	simm.s32 $0xC000;
	s25 =	simm.s32 $0xC800;
	s6 =	simm.s32 $0x10000  }
.LBB2_1:
0x12: {  	s13 =	rddreg [dreg:$0x3];
	s15 =	simm.s32 $0x18000  }
0x13: {  	[tilespmem:s15], [sflag:$0x7] =	stream.linear.gather [hbm4b:s13+s3], $0x100, $0x38;
	[tilespmem:$0x18400] =	vst v63  }
0x14: {  	[dreg:$0x8] =	wrdreg s16;
	s15 =	simm.s32 $0x7  }
0x15: {  	_ =	swait.ge [sflag:s15], $0x100  }
0x16: {  	[sflag:s15] =	ssyncset.done $0x0  }
0x17: {  	s18 =	simm.s32 $0x18100;
	s17 =	rddreg [dreg:$0x4];
	[sflag:s15] =	ssyncadd.s32 $0xFFFFFF00  }
0x18: {  	[tilespmem:s18], [sflag:$0x7] =	stream.linear.gather [hbm4b:s17+s3], $0x100, $0x38;
	[tilespmem:$0x18400] =	vst v63  }
0x19: {  	_ =	swait.ge [sflag:s15], $0x100  }
0x1a: {  	[sflag:s15] =	ssyncset.done $0x0  }
0x1b: {  	s20 =	simm.s32 $0x18200;
	s19 =	rddreg [dreg:$0x5];
	[sflag:s15] =	ssyncadd.s32 $0xFFFFFF00  }
0x1c: {  	[tilespmem:s20], [sflag:$0x7] =	stream.linear.gather [hbm4b:s19+s3], $0x100, $0x38;
	[tilespmem:$0x18400] =	vst v63  }
0x1d: {  	_ =	swait.ge [sflag:s15], $0x100  }
0x1e: {  	[sflag:s15] =	ssyncset.done $0x0  }
0x1f: {  	s22 =	simm.s32 $0x18300;
	s21 =	rddreg [dreg:$0x6];
	[sflag:s15] =	ssyncadd.s32 $0xFFFFFF00  }
0x20: {  	[tilespmem:s22], [sflag:$0x7] =	stream.linear.gather [hbm4b:s21+s3], $0x100, $0x38;
	[tilespmem:$0x18400] =	vst v63  }
0x21: {  	_ =	swait.ge [sflag:s15], $0x100  }
0x22: {  	[sflag:s15] =	ssyncset.done $0x0  }
0x23: {  	[sflag:s15] =	ssyncadd.s32 $0xFFFFFF00  }
0x24: {  	v3 =	vld [tilespmem:$0x18000];
	_ =	sdelay $0x2  }
0x25: {  	v0 =	vld [tilespmem:$0x1FFD0];
	_ =	sdelay $0x1  }
0x26: {  	v1 =	vld [tilespmem:$0x1FFE0];
	v4 =	vshll.u32 v3, $0x3  }
0x27: {  	v3 =	vand.u32 $0x7, v3;
	v4 =	vand.u32 $0xFFFFFFC0, v4  }
0x28: {  	v3 =	vor.u32 v3, v4  }
0x29: {  	v4 =	vperm.xlane v3, v0;
	_ =	sdelay $0x1  }
0x2a: {  	v4 =	vadd.s32 v1, v4  }
0x2b: {  	v2 =	vld [tilespmem:$0x1FFF0];
	_ =	sdelay $0x3  }
0x2c: {  	[tilespmem:s3], [sflag:$0x1] =	stream.indirect_vreg.gather [hbm4b:s5+s3], $0x80, v4, vm0, $0xb8;
	[tilespmem:$0x18400] =	vst v63  }
0x2d: {  	s16 =	simm.s32 $0x800;
	v3 =	vperm.xlane v3, v2  }
0x2e: {  	[tilespmem:s16], [sflag:$0x1] =	stream.indirect_vreg.gather [hbm4b:s10+s3], $0x80, v4, vm0, $0xb8;
	[tilespmem:$0x18400] =	vst v63  }
0x2f: {  	s17 =	simm.s32 $0x1000;
	v3 =	vadd.s32 v1, v3  }
0x30: {  	[tilespmem:s17], [sflag:$0x1] =	stream.indirect_vreg.gather [hbm4b:s11+s3], $0x80, v4, vm0, $0xb8;
	[tilespmem:$0x18400] =	vst v63  }
0x31: {  	s18 =	simm.s32 $0x1800  }
0x32: {  	[tilespmem:s18], [sflag:$0x1] =	stream.indirect_vreg.gather [hbm4b:s12+s3], $0x80, v4, vm0, $0xb8;
	[tilespmem:$0x18400] =	vst v63  }
0x33: {  	s19 =	simm.s32 $0x2000  }
0x34: {  	[tilespmem:s19], [sflag:$0x1] =	stream.indirect_vreg.gather [hbm4b:s5+s3], $0x80, v3, vm0, $0xb8;
	[tilespmem:$0x18400] =	vst v63  }
0x35: {  	s20 =	simm.s32 $0x2800  }
0x36: {  	[tilespmem:s20], [sflag:$0x1] =	stream.indirect_vreg.gather [hbm4b:s10+s3], $0x80, v3, vm0, $0xb8;
	[tilespmem:$0x18400] =	vst v63  }
0x37: {  	s21 =	simm.s32 $0x3000  }
0x38: {  	[tilespmem:s21], [sflag:$0x1] =	stream.indirect_vreg.gather [hbm4b:s11+s3], $0x80, v3, vm0, $0xb8;
	[tilespmem:$0x18400] =	vst v63  }
0x39: {  	s22 =	simm.s32 $0x3800  }
0x3a: {  	[tilespmem:s22], [sflag:$0x1] =	stream.indirect_vreg.gather [hbm4b:s12+s3], $0x80, v3, vm0, $0xb8;
	[tilespmem:$0x18400] =	vst v63  }
0x3b: {  	v3 =	vld [tilespmem:$0x18100];
	_ =	sdelay $0x4  }
0x3c: {  	v63 =	vshll.u32 v3, $0x3  }
0x3d: {  	v3 =	vand.u32 $0x7, v3;
	v4 =	vand.u32 $0xFFFFFFC0, v63  }
0x3e: {  	v3 =	vor.u32 v3, v4  }
0x3f: {  	v4 =	vperm.xlane v3, v0;
	_ =	sdelay $0x1  }
0x40: {  	v4 =	vadd.s32 v1, v4;
	_ =	sdelay $0x3  }
0x41: {  	s15 =	simm.s32 $0x8000  }
0x42: {  	[tilespmem:s15], [sflag:$0x3] =	stream.indirect_vreg.gather [hbm4b:s5+s3], $0x80, v4, vm0, $0xb8;
	[tilespmem:$0x18400] =	vst v63  }
0x43: {  	s16 =	simm.s32 $0x8800;
	v3 =	vperm.xlane v3, v2  }
0x44: {  	[tilespmem:s16], [sflag:$0x3] =	stream.indirect_vreg.gather [hbm4b:s10+s3], $0x80, v4, vm0, $0xb8;
	[tilespmem:$0x18400] =	vst v63  }
0x45: {  	s17 =	simm.s32 $0x9000;
	v3 =	vadd.s32 v1, v3  }
0x46: {  	[tilespmem:s17], [sflag:$0x3] =	stream.indirect_vreg.gather [hbm4b:s11+s3], $0x80, v4, vm0, $0xb8;
	[tilespmem:$0x18400] =	vst v63  }
0x47: {  	s18 =	simm.s32 $0x9800  }
0x48: {  	[tilespmem:s18], [sflag:$0x3] =	stream.indirect_vreg.gather [hbm4b:s12+s3], $0x80, v4, vm0, $0xb8;
	[tilespmem:$0x18400] =	vst v63  }
0x49: {  	s19 =	simm.s32 $0xA000  }
0x4a: {  	[tilespmem:s19], [sflag:$0x3] =	stream.indirect_vreg.gather [hbm4b:s5+s3], $0x80, v3, vm0, $0xb8;
	[tilespmem:$0x18400] =	vst v63  }
0x4b: {  	s20 =	simm.s32 $0xA800  }
0x4c: {  	[tilespmem:s20], [sflag:$0x3] =	stream.indirect_vreg.gather [hbm4b:s10+s3], $0x80, v3, vm0, $0xb8;
	[tilespmem:$0x18400] =	vst v63  }
0x4d: {  	s21 =	simm.s32 $0xB000  }
0x4e: {  	[tilespmem:s21], [sflag:$0x3] =	stream.indirect_vreg.gather [hbm4b:s11+s3], $0x80, v3, vm0, $0xb8;
	[tilespmem:$0x18400] =	vst v63  }
0x4f: {  	s22 =	simm.s32 $0xB800;
	s15 =	simm.s32 $0x0  }
0x50: {  	[tilespmem:s22], [sflag:$0x3] =	stream.indirect_vreg.gather [hbm4b:s12+s3], $0x80, v3, vm0, $0xb8;
	[tilespmem:$0x18400] =	vst v63  }
.LBB2_2:
0x51: {  	s13 =	sshll.u32 s15, $0x5  }
0x52: {  	v3 =	vld [tilespmem:s13+$0x18010];
	_ =	sdelay $0x2  }
0x53: {  	v0 =	vld [tilespmem:$0x1FFD0];
	_ =	sdelay $0x1  }
0x54: {  	v1 =	vld [tilespmem:$0x1FFE0];
	v4 =	vshll.u32 v3, $0x3  }
0x55: {  	v3 =	vand.u32 $0x7, v3;
	v4 =	vand.u32 $0xFFFFFFC0, v4  }
0x56: {  	v3 =	vor.u32 v3, v4  }
0x57: {  	v4 =	vperm.xlane v3, v0;
	_ =	sdelay $0x1  }
0x58: {  	v4 =	vadd.s32 v1, v4  }
0x59: {  	v2 =	vld [tilespmem:$0x1FFF0];
	_ =	sdelay $0x2  }
0x5a: {  	s16 =	simm.s32 $0x4000  }
0x5b: {  	[tilespmem:s16], [sflag:$0x2] =	stream.indirect_vreg.gather [hbm4b:s5+s3], $0x80, v4, vm0, $0xb8;
	[tilespmem:$0x18400] =	vst v63  }
0x5c: {  	s17 =	simm.s32 $0x4800;
	v3 =	vperm.xlane v3, v2  }
0x5d: {  	[tilespmem:s17], [sflag:$0x2] =	stream.indirect_vreg.gather [hbm4b:s10+s3], $0x80, v4, vm0, $0xb8;
	[tilespmem:$0x18400] =	vst v63  }
0x5e: {  	s18 =	simm.s32 $0x5000;
	v3 =	vadd.s32 v1, v3  }
0x5f: {  	[tilespmem:s18], [sflag:$0x2] =	stream.indirect_vreg.gather [hbm4b:s11+s3], $0x80, v4, vm0, $0xb8;
	[tilespmem:$0x18400] =	vst v63  }
0x60: {  	s19 =	simm.s32 $0x5800  }
0x61: {  	[tilespmem:s19], [sflag:$0x2] =	stream.indirect_vreg.gather [hbm4b:s12+s3], $0x80, v4, vm0, $0xb8;
	[tilespmem:$0x18400] =	vst v63  }
0x62: {  	s20 =	simm.s32 $0x6000  }
0x63: {  	[tilespmem:s20], [sflag:$0x2] =	stream.indirect_vreg.gather [hbm4b:s5+s3], $0x80, v3, vm0, $0xb8;
	[tilespmem:$0x18400] =	vst v63  }
0x64: {  	s21 =	simm.s32 $0x6800  }
0x65: {  	[tilespmem:s21], [sflag:$0x2] =	stream.indirect_vreg.gather [hbm4b:s10+s3], $0x80, v3, vm0, $0xb8;
	[tilespmem:$0x18400] =	vst v63  }
0x66: {  	s22 =	simm.s32 $0x7000  }
0x67: {  	[tilespmem:s22], [sflag:$0x2] =	stream.indirect_vreg.gather [hbm4b:s11+s3], $0x80, v3, vm0, $0xb8;
	[tilespmem:$0x18400] =	vst v63  }
0x68: {  	_ = 	snop  }
0x69: {  	[tilespmem:s23], [sflag:$0x2] =	stream.indirect_vreg.gather [hbm4b:s12+s3], $0x80, v3, vm0, $0xb8;
	[tilespmem:$0x18400] =	vst v63  }
0x6a: {  	v3 =	vld [tilespmem:s13+$0x18110];
	_ =	sdelay $0x4  }
0x6b: {  	v61 =	vshll.u32 v3, $0x3  }
0x6c: {  	v3 =	vand.u32 $0x7, v3;
	v4 =	vand.u32 $0xFFFFFFC0, v61  }
0x6d: {  	v3 =	vor.u32 v3, v4  }
0x6e: {  	v4 =	vperm.xlane v3, v0;
	_ =	sdelay $0x1  }
0x6f: {  	v4 =	vadd.s32 v1, v4;
	_ =	sdelay $0x4  }
0x70: {  	[tilespmem:s24], [sflag:$0x4] =	stream.indirect_vreg.gather [hbm4b:s5+s3], $0x80, v4, vm0, $0xb8;
	[tilespmem:$0x18400] =	vst v63  }
0x71: {  	v3 =	vperm.xlane v3, v2  }
0x72: {  	[tilespmem:s25], [sflag:$0x4] =	stream.indirect_vreg.gather [hbm4b:s10+s3], $0x80, v4, vm0, $0xb8;
	[tilespmem:$0x18400] =	vst v63  }
0x73: {  	v3 =	vadd.s32 v1, v3  }
0x74: {  	[tilespmem:s26], [sflag:$0x4] =	stream.indirect_vreg.gather [hbm4b:s11+s3], $0x80, v4, vm0, $0xb8;
	[tilespmem:$0x18400] =	vst v63  }
0x75: {  	_ = 	snop  }
0x76: {  	[tilespmem:s28], [sflag:$0x4] =	stream.indirect_vreg.gather [hbm4b:s12+s3], $0x80, v4, vm0, $0xb8;
	[tilespmem:$0x18400] =	vst v63  }
0x77: {  	_ = 	snop  }
0x78: {  	[tilespmem:s29], [sflag:$0x4] =	stream.indirect_vreg.gather [hbm4b:s5+s3], $0x80, v3, vm0, $0xb8;
	[tilespmem:$0x18400] =	vst v63  }
0x79: {  	_ = 	snop  }
0x7a: {  	[tilespmem:s30], [sflag:$0x4] =	stream.indirect_vreg.gather [hbm4b:s10+s3], $0x80, v3, vm0, $0xb8;
	[tilespmem:$0x18400] =	vst v63  }
0x7b: {  	p0 =	seq.s32 s15, $0x0  }
0x7c: {  	[tilespmem:s31], [sflag:$0x4] =	stream.indirect_vreg.gather [hbm4b:s11+s3], $0x80, v3, vm0, $0xb8;
	[tilespmem:$0x18400] =	vst v63  }
0x7d: {  	s16 =	simm.s32 @!p0 $0x5  }
0x7e: {  	[tilespmem:s0], [sflag:$0x4] =	stream.indirect_vreg.gather [hbm4b:s12+s3], $0x80, v3, vm0, $0xb8;
	[tilespmem:$0x18400] =	vst v63  }
0x7f: {  	_ =	swait.ge @!p0 [sflag:s16], $0x4000  }
0x80: {  	[sflag:s16] =	ssyncset.done @!p0 $0x0  }
0x81: {  	[sflag:s16] =	ssyncadd.s32 @!p0 $0xFFFFC000  }
0x82: {  	_ =	swait.ge [sflag:s1], $0x4000  }
0x83: {  	[sflag:s1] =	ssyncset.done $0x0  }
0x84: {  	[sflag:s1] =	ssyncadd.s32 $0xFFFFC000  }
0x85: {  	_ =	swait.ge [sflag:s14], $0x4000  }
0x86: {  	[sflag:s14] =	ssyncset.done $0x0  }
0x87: {  	[sflag:s14] =	ssyncadd.s32 $0xFFFFC000  }
0x88: {  	v62 =	vld [tilespmem:s13+$0x18200]  }
0x89: {  	v63 =	vld [tilespmem:s13+$0x18300];
	_ =	sdelay $0x3  }
0x8a: {  	s17 =	simm.s32 $0x0;
	s18 =	simm.s32 $0x0;
	[tilespmem:$0x1FFB0] =	vst v62  }
0x8b: {  	s19 =	simm.s32 $0x0;
	s20 =	simm.s32 $0x0;
	s16 =	sshll.u32 s15, $0x1;
	[tilespmem:$0x1FFC0] =	vst v63  }
.LBB2_3:
0x8c: {  	s21 =	sand.u32 $0x2000, s18;
	s22 =	sand.u32 $0x380, s19;
	v0 =	vld [tilespmem:$0x1FFB0]  }
0x8d: {  	v12 =	vld [tilespmem:$0x1FFC0];
	s21 =	sor.u32 s22, s21  }
0x8e: {  	v9 =	vld [tilespmem:s21+$0x0]  }
0x8f: {  	v10 =	vld [tilespmem:s21+$0x8000]  }
0x90: {  	v15 =	vld [tilespmem:s21+$0x10]  }
0x91: {  	v16 =	vld [tilespmem:s21+$0x8010]  }
0x92: {  	v20 =	vld [tilespmem:s21+$0x20]  }
0x93: {  	v21 =	vld [tilespmem:s21+$0x8020]  }
0x94: {  	v26 =	vld [tilespmem:s21+$0x30]  }
0x95: {  	v27 =	vld [tilespmem:s21+$0x8030]  }
0x96: {  	v30 =	vld [tilespmem:s21+$0x40]  }
0x97: {  	v31 =	vld [tilespmem:s21+$0x8040]  }
0x98: {  	v32 =	vld [tilespmem:s21+$0x50]  }
0x99: {  	v33 =	vld [tilespmem:s21+$0x8050]  }
0x9a: {  	v34 =	vld [tilespmem:s21+$0x60]  }
0x9b: {  	v35 =	vld [tilespmem:s21+$0x8060]  }
0x9c: {  	v36 =	vld [tilespmem:s21+$0x70]  }
0x9d: {  	v37 =	vld [tilespmem:s21+$0x8070]  }
0x9e: {  	v38 =	vld [tilespmem:s21+$0x400]  }
0x9f: {  	v39 =	vld [tilespmem:s21+$0x8400]  }
0xa0: {  	v40 =	vld [tilespmem:s21+$0x410]  }
0xa1: {  	v41 =	vld [tilespmem:s21+$0x8410]  }
0xa2: {  	v42 =	vld [tilespmem:s21+$0x420]  }
0xa3: {  	v43 =	vld [tilespmem:s21+$0x8420]  }
0xa4: {  	v44 =	vld [tilespmem:s21+$0x430]  }
0xa5: {  	v45 =	vld [tilespmem:s21+$0x8430]  }
0xa6: {  	v46 =	vld [tilespmem:s21+$0x440]  }
0xa7: {  	v47 =	vld [tilespmem:s21+$0x8440]  }
0xa8: {  	v48 =	vld [tilespmem:s21+$0x450]  }
0xa9: {  	v49 =	vld [tilespmem:s21+$0x8450]  }
0xaa: {  	v50 =	vld [tilespmem:s21+$0x460]  }
0xab: {  	v51 =	vld [tilespmem:s21+$0x8460]  }
0xac: {  	v52 =	vld [tilespmem:s21+$0x470]  }
0xad: {  	v53 =	vld [tilespmem:s21+$0x8470]  }
0xae: {  	v54 =	vld [tilespmem:s21+$0x800]  }
0xaf: {  	v55 =	vld [tilespmem:s21+$0x8800]  }
0xb0: {  	v56 =	vld [tilespmem:s21+$0x810]  }
0xb1: {  	v57 =	vld [tilespmem:s21+$0x8810]  }
0xb2: {  	v58 =	vld [tilespmem:s21+$0x820]  }
0xb3: {  	v59 =	vld [tilespmem:s21+$0x8820]  }
0xb4: {  	v60 =	vld [tilespmem:s21+$0x830]  }
0xb5: {  	v61 =	vld [tilespmem:s21+$0x8830]  }
0xb6: {  	v62 =	vld [tilespmem:s21+$0x840]  }
0xb7: {  	v63 =	vld [tilespmem:s21+$0x8840]  }
0xb8: {  	v1 =	vld [tilespmem:s21+$0x850]  }
0xb9: {  	v2 =	vld [tilespmem:s21+$0x8850]  }
0xba: {  	v7 =	vld [tilespmem:s21+$0x860]  }
0xbb: {  	v3 =	vld [tilespmem:s21+$0x8860]  }
0xbc: {  	v28 =	vld [tilespmem:s21+$0x870]  }
0xbd: {  	v29 =	vld [tilespmem:s21+$0x8870]  }
0xbe: {  	v24 =	vld [tilespmem:s21+$0xC00]  }
0xbf: {  	v25 =	vld [tilespmem:s21+$0x8C00]  }
0xc0: {  	v22 =	vld [tilespmem:s21+$0xC10]  }
0xc1: {  	v23 =	vld [tilespmem:s21+$0x8C10]  }
0xc2: {  	v5 =	vmov s20;
	v18 =	vld [tilespmem:s21+$0xC20]  }
0xc3: {  	v5 =	vand.u32 $0xF, v5;
	v4 =	vld [tilespmem:s21+$0xC60]  }
0xc4: {  	v19 =	vld [tilespmem:s21+$0x8C20];
	v6 =	vbroadcast v5, $0x0  }
0xc5: {  	v13 =	vld [tilespmem:s21+$0xC30]  }
0xc6: {  	v17 =	vld [tilespmem:s21+$0x8C30];
	v5 =	vperm.xlane v0, v6;
	v6 =	vperm.xlane v12, v6  }
0xc7: {  	v11 =	vld [tilespmem:s21+$0xC40]  }
0xc8: {  	v14 =	vld [tilespmem:s21+$0x8C40];
	[tilespmem:$0x1FFA0] =	vst v4;
	v4 =	vmul.f32 v9, v5;
	v0 =	vmul.f32 v10, v6  }
0xc9: {  	v8 =	vld [tilespmem:s21+$0xC50];
	v15 =	vmul.f32 v15, v5;
	v16 =	vmul.f32 v16, v6  }
0xca: {  	v12 =	vld [tilespmem:s21+$0x8C50];
	v20 =	vmul.f32 v20, v5;
	v21 =	vmul.f32 v21, v6  }
0xcb: {  	v10 =	vld [tilespmem:s21+$0x8C60];
	v26 =	vmul.f32 v26, v5;
	v27 =	vmul.f32 v27, v6  }
0xcc: {  	v9 =	vld [tilespmem:s21+$0xC70];
	v30 =	vmul.f32 v30, v5;
	v31 =	vmul.f32 v31, v6  }
0xcd: {  	v40 =	vmul.f32 v40, v5;
	v41 =	vmul.f32 v41, v6;
	v4 =	vadd.f32 v0, v4;
	v0 =	vld [tilespmem:s21+$0x8C70]  }
0xce: {  	v38 =	vmul.f32 v38, v5;
	v39 =	vmul.f32 v39, v6;
	v15 =	vadd.f32 v16, v15;
	v16 =	vld [tilespmem:s21+$0x1000]  }
0xcf: {  	v1 =	vmul.f32 v1, v5;
	v40 =	vadd.f32 v41, v40;
	[tilespmem:s21+$0x10000] =	vst v4;
	v4 =	vadd.f32 v21, v20;
	v20 =	vld [tilespmem:s21+$0x9000]  }
0xd0: {  	v2 =	vmul.f32 v2, v6;
	v7 =	vmul.f32 v7, v5;
	[tilespmem:s21+$0x10010] =	vst v15;
	v21 =	vld [tilespmem:s21+$0x1010]  }
0xd1: {  	v15 =	vadd.f32 v27, v26;
	v27 =	vmul.f32 v32, v5;
	v32 =	vmul.f32 v33, v6;
	v26 =	vld [tilespmem:s21+$0x9010];
	[tilespmem:s21+$0x10410] =	vst v40  }
0xd2: {  	v3 =	vmul.f32 v3, v6;
	v1 =	vadd.f32 v2, v1;
	v40 =	vld [tilespmem:s21+$0x9050];
	[tilespmem:s21+$0x10020] =	vst v4;
	v4 =	vadd.f32 v31, v30  }
0xd3: {  	v30 =	vmul.f32 v34, v5;
	v31 =	vmul.f32 v35, v6;
	[tilespmem:s21+$0x10030] =	vst v15;
	v15 =	vadd.f32 v32, v27;
	v27 =	vld [tilespmem:s21+$0x1020]  }
0xd4: {  	v32 =	vmul.f32 v36, v5;
	v36 =	vmul.f32 v37, v6;
	v35 =	vld [tilespmem:s21+$0x1030]  }
0xd5: {  	v43 =	vmul.f32 v43, v6;
	v50 =	vmul.f32 v50, v5;
	[tilespmem:s21+$0x10850] =	vst v1;
	v37 =	vadd.f32 v31, v30;
	v30 =	vld [tilespmem:s21+$0x9020]  }
0xd6: {  	v41 =	vmul.f32 v44, v5;
	v3 =	vadd.f32 v3, v7;
	[tilespmem:s21+$0x10050] =	vst v15;
	v15 =	vadd.f32 v36, v32;
	v36 =	vld [tilespmem:s21+$0x9030]  }
0xd7: {  	v44 =	vmul.f32 v46, v5;
	[tilespmem:s21+$0x10040] =	vst v4;
	v4 =	vadd.f32 v39, v38;
	v31 =	vmul.f32 v42, v5;
	v38 =	vld [tilespmem:s21+$0x9040]  }
0xd8: {  	[tilespmem:s21+$0x10860] =	vst v3;
	v42 =	vmul.f32 v45, v6;
	v45 =	vmul.f32 v47, v6;
	v39 =	vld [tilespmem:s21+$0x1050]  }
0xd9: {  	v47 =	vmul.f32 v48, v5;
	v48 =	vmul.f32 v49, v6;
	v32 =	vld [tilespmem:s21+$0x1410];
	[tilespmem:s21+$0x10060] =	vst v37  }
0xda: {  	v0 =	vmul.f32 v0, v6;
	[tilespmem:s21+$0x10070] =	vst v15;
	v37 =	vld [tilespmem:s21+$0x1040];
	v46 =	vadd.f32 v42, v41;
	v49 =	vadd.f32 v45, v44  }
0xdb: {  	[tilespmem:s21+$0x10400] =	vst v4;
	v44 =	vmul.f32 v51, v6;
	v45 =	vadd.f32 v48, v47;
	v47 =	vmul.f32 v53, v6;
	v41 =	vld [tilespmem:s21+$0x1060]  }
0xdc: {  	v43 =	vadd.f32 v43, v31;
	v42 =	vld [tilespmem:s21+$0x9060];
	v53 =	vmul.f32 v57, v6;
	[tilespmem:s21+$0x10430] =	vst v46;
	v46 =	vmul.f32 v52, v5  }
0xdd: {  	v31 =	vld [tilespmem:s21+$0x9410];
	[tilespmem:s21+$0x10440] =	vst v49;
	v48 =	vadd.f32 v44, v50;
	v49 =	vmul.f32 v54, v5;
	v50 =	vmul.f32 v55, v6  }
0xde: {  	v15 =	vld [tilespmem:s21+$0x1440];
	[tilespmem:s21+$0x10420] =	vst v43;
	v52 =	vmul.f32 v56, v5;
	v55 =	vmul.f32 v58, v5  }
0xdf: {  	[tilespmem:s21+$0x10450] =	vst v45;
	v43 =	vld [tilespmem:s21+$0x1070];
	v56 =	vmul.f32 v59, v6;
	v58 =	vmul.f32 v60, v5;
	v51 =	vadd.f32 v47, v46  }
0xe0: {  	v44 =	vld [tilespmem:s21+$0x9070];
	v59 =	vmul.f32 v61, v6;
	v61 =	vmul.f32 v62, v5;
	[tilespmem:s21+$0x10460] =	vst v48;
	v54 =	vadd.f32 v50, v49  }
0xe1: {  	v45 =	vld [tilespmem:s21+$0x1400];
	v62 =	vmul.f32 v63, v6;
	v57 =	vadd.f32 v53, v52;
	v47 =	vmul.f32 v28, v5;
	[tilespmem:s21+$0x10470] =	vst v51  }
0xe2: {  	v60 =	vadd.f32 v56, v55;
	v46 =	vld [tilespmem:s21+$0x9400];
	v48 =	vmul.f32 v29, v6;
	v49 =	vmul.f32 v24, v5;
	[tilespmem:s21+$0x10800] =	vst v54  }
0xe3: {  	v63 =	vadd.f32 v59, v58;
	v28 =	vld [tilespmem:s21+$0x1420];
	v50 =	vmul.f32 v25, v6;
	v52 =	vmul.f32 v22, v5;
	[tilespmem:s21+$0x10810] =	vst v57  }
0xe4: {  	v34 =	vadd.f32 v62, v61;
	v24 =	vld [tilespmem:s21+$0x9420];
	v53 =	vmul.f32 v23, v6;
	v55 =	vmul.f32 v18, v5;
	[tilespmem:s21+$0x10820] =	vst v60  }
0xe5: {  	v22 =	vld [tilespmem:s21+$0x1430];
	v56 =	vmul.f32 v19, v6;
	v58 =	vmul.f32 v13, v5;
	[tilespmem:s21+$0x10830] =	vst v63;
	v51 =	vadd.f32 v48, v47  }
0xe6: {  	v18 =	vld [tilespmem:s21+$0x9430];
	v59 =	vmul.f32 v17, v6;
	v61 =	vmul.f32 v11, v5;
	[tilespmem:s21+$0x10840] =	vst v34;
	v54 =	vadd.f32 v50, v49  }
0xe7: {  	v62 =	vmul.f32 v14, v6;
	v11 =	vld [tilespmem:s21+$0x9440];
	v17 =	vmul.f32 v8, v5;
	v57 =	vadd.f32 v53, v52;
	[tilespmem:s21+$0x10870] =	vst v51  }
0xe8: {  	v19 =	vmul.f32 v12, v6;
	v12 =	vld [tilespmem:s21+$0x1450];
	v29 =	vmul.f32 v10, v6;
	v60 =	vadd.f32 v56, v55;
	[tilespmem:s21+$0x10C00] =	vst v54  }
0xe9: {  	v25 =	vld [tilespmem:$0x1FFA0];
	v63 =	vadd.f32 v59, v58;
	v34 =	vmul.f32 v9, v5;
	v48 =	vmul.f32 v16, v5;
	[tilespmem:s21+$0x10C10] =	vst v57  }
0xea: {  	v10 =	vld [tilespmem:s21+$0x9450];
	v23 =	vadd.f32 v62, v61;
	v49 =	vmul.f32 v20, v6;
	v50 =	vmul.f32 v21, v5;
	[tilespmem:s21+$0x10C20] =	vst v60  }
0xeb: {  	v8 =	vld [tilespmem:s21+$0x1460];
	v33 =	vadd.f32 v19, v17;
	v53 =	vmul.f32 v27, v5;
	v56 =	vmul.f32 v35, v5;
	[tilespmem:s21+$0x10C30] =	vst v63  }
0xec: {  	v13 =	vld [tilespmem:s21+$0x1470];
	v59 =	vmul.f32 v37, v5;
	[tilespmem:s21+$0x10C40] =	vst v23;
	v0 =	vadd.f32 v0, v34;
	v51 =	vmul.f32 v26, v6  }
0xed: {  	v14 =	vld [tilespmem:s21+$0x9470];
	v62 =	vmul.f32 v39, v5;
	[tilespmem:s21+$0x10C50] =	vst v33;
	v52 =	vadd.f32 v49, v48;
	v54 =	vmul.f32 v30, v6  }
0xee: {  	v9 =	vld [tilespmem:s21+$0x9460];
	v27 =	vmul.f32 v42, v6;
	v57 =	vmul.f32 v36, v6;
	[tilespmem:s21+$0x10C70] =	vst v0;
	v55 =	vadd.f32 v51, v50  }
0xef: {  	v16 =	vld [tilespmem:s21+$0x1800];
	v39 =	vmul.f32 v32, v5;
	v60 =	vmul.f32 v38, v6;
	[tilespmem:s21+$0x11000] =	vst v52;
	v58 =	vadd.f32 v54, v53  }
0xf0: {  	v17 =	vld [tilespmem:s21+$0x9800];
	v26 =	vmul.f32 v41, v5;
	v30 =	vmul.f32 v43, v5;
	v61 =	vadd.f32 v57, v56;
	[tilespmem:s21+$0x11010] =	vst v55  }
0xf1: {  	v19 =	vld [tilespmem:s21+$0x1810];
	v33 =	vmul.f32 v44, v6;
	v4 =	vmul.f32 v25, v5;
	v25 =	vadd.f32 v60, v59;
	[tilespmem:s21+$0x11020] =	vst v58  }
0xf2: {  	v20 =	vld [tilespmem:s21+$0x9810];
	v63 =	vmul.f32 v40, v6;
	v40 =	vmul.f32 v31, v6;
	v34 =	vadd.f32 v27, v26;
	[tilespmem:s21+$0x11030] =	vst v61  }
0xf3: {  	v21 =	vld [tilespmem:s21+$0x1820];
	v38 =	vadd.f32 v33, v30;
	[tilespmem:s21+$0x11040] =	vst v25  }
0xf4: {  	v37 =	vld [tilespmem:s21+$0x9820];
	v36 =	vmul.f32 v46, v6;
	v46 =	vadd.f32 v40, v39;
	[tilespmem:s21+$0x11060] =	vst v34  }
0xf5: {  	v35 =	vmul.f32 v45, v5;
	v45 =	vld [tilespmem:s21+$0x9830];
	v47 =	vadd.f32 v29, v4;
	[tilespmem:s21+$0x11070] =	vst v38  }
0xf6: {  	v41 =	vld [tilespmem:s21+$0x1830];
	v43 =	vmul.f32 v28, v5;
	v44 =	vmul.f32 v24, v6;
	v29 =	vadd.f32 v63, v62;
	[tilespmem:s21+$0x11410] =	vst v46  }
0xf7: {  	v49 =	vld [tilespmem:s21+$0x1840];
	v51 =	vmul.f32 v15, v5;
	v52 =	vmul.f32 v11, v6;
	v42 =	vadd.f32 v36, v35;
	[tilespmem:s21+$0x10C60] =	vst v47  }
0xf8: {  	v53 =	vld [tilespmem:s21+$0x9840];
	v59 =	vmul.f32 v8, v5;
	v50 =	vadd.f32 v44, v43;
	v60 =	vmul.f32 v9, v6;
	[tilespmem:s21+$0x11050] =	vst v29  }
0xf9: {  	v57 =	vld [tilespmem:s21+$0x1850];
	v32 =	vmul.f32 v19, v5;
	v33 =	vmul.f32 v20, v6;
	v58 =	vadd.f32 v52, v51;
	[tilespmem:s21+$0x11400] =	vst v42  }
0xfa: {  	v26 =	vld [tilespmem:s21+$0x1860];
	v36 =	vmul.f32 v21, v5;
	v37 =	vmul.f32 v37, v6;
	[tilespmem:s21+$0x11420] =	vst v50;
	v27 =	vadd.f32 v60, v59  }
0xfb: {  	v56 =	vmul.f32 v10, v6;
	v30 =	vld [tilespmem:s21+$0x9860];
	v55 =	vmul.f32 v12, v5;
	v39 =	vadd.f32 v33, v32;
	[tilespmem:s21+$0x11440] =	vst v58  }
0xfc: {  	v48 =	vmul.f32 v18, v6;
	v61 =	vld [tilespmem:s21+$0x9850];
	v47 =	vmul.f32 v22, v5;
	v42 =	vadd.f32 v37, v36;
	[tilespmem:s21+$0x11460] =	vst v27  }
0xfd: {  	v63 =	vmul.f32 v13, v5;
	v34 =	vld [tilespmem:s21+$0x1870];
	v22 =	vmul.f32 v14, v6;
	v62 =	vadd.f32 v56, v55;
	[tilespmem:s21+$0x11810] =	vst v39  }
0xfe: {  	v28 =	vmul.f32 v16, v5;
	v38 =	vld [tilespmem:s21+$0x9870];
	v29 =	vmul.f32 v17, v6;
	v54 =	vadd.f32 v48, v47;
	[tilespmem:s21+$0x11820] =	vst v42  }
0xff: {  	v40 =	vmul.f32 v41, v5;
	v41 =	vmul.f32 v45, v6;
	v31 =	vadd.f32 v22, v63;
	[tilespmem:s21+$0x11450] =	vst v62  }
0x100: {  	v43 =	vmul.f32 v49, v5;
	v35 =	vadd.f32 v29, v28;
	v44 =	vmul.f32 v53, v6;
	[tilespmem:s21+$0x11430] =	vst v54  }
0x101: {  	v45 =	vadd.f32 v41, v40;
	v49 =	vmul.f32 v26, v5;
	v50 =	vmul.f32 v30, v6;
	[tilespmem:s21+$0x11470] =	vst v31  }
0x102: {  	v46 =	vmul.f32 v57, v5;
	[tilespmem:s21+$0x11800] =	vst v35;
	v47 =	vmul.f32 v61, v6;
	v48 =	vadd.f32 v44, v43  }
0x103: {  	[tilespmem:s21+$0x11830] =	vst v45;
	v52 =	vmul.f32 v34, v5;
	v53 =	vmul.f32 v38, v6;
	v54 =	vadd.f32 v50, v49  }
0x104: {  	s22 =	sand.u32 $0x7, s17;
	v51 =	vadd.f32 v47, v46;
	[tilespmem:s21+$0x11840] =	vst v48  }
0x105: {  	s22 =	sshll.u32 s22, $0x7;
	v55 =	vadd.f32 v53, v52;
	[tilespmem:s21+$0x11860] =	vst v54  }
0x106: {  	s22 =	sadd.s32 s22, s18;
	[tilespmem:s21+$0x11850] =	vst v51  }
0x107: {  	[tilespmem:s21+$0x11870] =	vst v55;
	s21 =	sor.u32 $0x1C00, s22  }
0x108: {  	v0 =	vld [tilespmem:s21+$0x0]  }
0x109: {  	v56 =	vld [tilespmem:s21+$0x8000];
	_ =	sdelay $0x4  }
0x10a: {  	v0 =	vmul.f32 v0, v5;
	v1 =	vmul.f32 v56, v6;
	_ =	sdelay $0x1  }
0x10b: {  	v0 =	vadd.f32 v1, v0;
	_ =	sdelay $0x1  }
0x10c: {  	[tilespmem:s21+$0x10000] =	vst v0;
	s21 =	sor.u32 $0x1C10, s22  }
0x10d: {  	v0 =	vld [tilespmem:s21+$0x0]  }
0x10e: {  	v57 =	vld [tilespmem:s21+$0x8000];
	_ =	sdelay $0x4  }
0x10f: {  	v0 =	vmul.f32 v0, v5;
	v1 =	vmul.f32 v57, v6;
	_ =	sdelay $0x1  }
0x110: {  	v0 =	vadd.f32 v1, v0;
	_ =	sdelay $0x1  }
0x111: {  	[tilespmem:s21+$0x10000] =	vst v0;
	s21 =	sor.u32 $0x1C20, s22  }
0x112: {  	v0 =	vld [tilespmem:s21+$0x0]  }
0x113: {  	v58 =	vld [tilespmem:s21+$0x8000];
	_ =	sdelay $0x4  }
0x114: {  	v0 =	vmul.f32 v0, v5;
	v1 =	vmul.f32 v58, v6;
	_ =	sdelay $0x1  }
0x115: {  	v0 =	vadd.f32 v1, v0;
	_ =	sdelay $0x1  }
0x116: {  	[tilespmem:s21+$0x10000] =	vst v0;
	s21 =	sor.u32 $0x1C30, s22  }
0x117: {  	v0 =	vld [tilespmem:s21+$0x0]  }
0x118: {  	v59 =	vld [tilespmem:s21+$0x8000];
	_ =	sdelay $0x4  }
0x119: {  	v0 =	vmul.f32 v0, v5;
	v1 =	vmul.f32 v59, v6;
	_ =	sdelay $0x1  }
0x11a: {  	v0 =	vadd.f32 v1, v0;
	_ =	sdelay $0x1  }
0x11b: {  	[tilespmem:s21+$0x10000] =	vst v0;
	s21 =	sor.u32 $0x1C40, s22  }
0x11c: {  	v0 =	vld [tilespmem:s21+$0x0]  }
0x11d: {  	v60 =	vld [tilespmem:s21+$0x8000];
	_ =	sdelay $0x4  }
0x11e: {  	v0 =	vmul.f32 v0, v5;
	v1 =	vmul.f32 v60, v6;
	_ =	sdelay $0x1  }
0x11f: {  	v0 =	vadd.f32 v1, v0;
	_ =	sdelay $0x1  }
0x120: {  	[tilespmem:s21+$0x10000] =	vst v0;
	s21 =	sor.u32 $0x1C50, s22  }
0x121: {  	v0 =	vld [tilespmem:s21+$0x0]  }
0x122: {  	v61 =	vld [tilespmem:s21+$0x8000];
	_ =	sdelay $0x4  }
0x123: {  	v0 =	vmul.f32 v0, v5;
	v1 =	vmul.f32 v61, v6;
	_ =	sdelay $0x1  }
0x124: {  	v0 =	vadd.f32 v1, v0;
	_ =	sdelay $0x1  }
0x125: {  	[tilespmem:s21+$0x10000] =	vst v0;
	s21 =	sor.u32 $0x1C60, s22  }
0x126: {  	v0 =	vld [tilespmem:s21+$0x0]  }
0x127: {  	v62 =	vld [tilespmem:s21+$0x8000];
	_ =	sdelay $0x4  }
0x128: {  	v0 =	vmul.f32 v0, v5;
	v1 =	vmul.f32 v62, v6;
	_ =	sdelay $0x1  }
0x129: {  	v0 =	vadd.f32 v1, v0;
	_ =	sdelay $0x1  }
0x12a: {  	s22 =	sor.u32 $0x1C70, s22;
	[tilespmem:s21+$0x10000] =	vst v0  }
0x12b: {  	v0 =	vld [tilespmem:s22+$0x0]  }
0x12c: {  	v63 =	vld [tilespmem:s22+$0x8000];
	_ =	sdelay $0x3  }
0x12d: {  	p1 =	sne.s32 s20, $0xF  }
.Ltmp0:
0x12e: {  	v0 =	vmul.f32 v0, v5;
	v1 =	vmul.f32 v63, v6;
	(pc) =	sbr.rel @p1 .LBB2_3-.Ltmp0, $4  }
0x12f: {  	_ = 	snop  }
0x130: {  	v0 =	vadd.f32 v1, v0  }
0x131: {  	s19 =	sadd.s32 $0x80, s19  }
0x132: {  	s20 =	sadd.s32 $0x1, s20;
	s17 =	sadd.s32 $0x1, s17;
	s18 =	sadd.s32 $0x400, s18;
	[tilespmem:s22+$0x10000] =	vst v0  }
0x133: {  	s17 =	sadd.s32 s4, s13  }
0x134: {  	s16 =	sor.u32 $0x1, s16;
	s17 =	sshll.u32 s17, $0x7  }
0x135: {  	p1 =	sgt.u32 s16, $0xE;
	s17 =	sadd.s32 s2, s17  }
0x136: {  	[hbm4b:s17+s3] =	stream.linear.scatter [tilespmem:s6], [sflag:$0x5], $0x4000, $0x38;
	[tilespmem:$0x18400] =	vst v63  }
0x137: {  	v0 =	vld @!p1 [tilespmem:s13+$0x18020];
	_ =	sdelay $0x4  }
0x138: {  	v1 =	vshll.u32 @!p1 v0, $0x3  }
0x139: {  	v2 =	vlaneseq.u32 @!p1;
	v0 =	vand.u32 @!p1 $0x7, v0;
	v1 =	vand.u32 @!p1 $0xFFFFFFC0, v1  }
0x13a: {  	v3 =	vshrl.u32 @!p1 v2, $0x3;
	v0 =	vor.u32 @!p1 v0, v1;
	v1 =	vand.u32 @!p1 $0x7, v2  }
0x13b: {  	v3 =	vmul.u32 @!p1 $0x8, v3;
	v4 =	vperm.xlane @!p1 v0, v1;
	_ =	sdelay $0x1  }
0x13c: {  	v4 =	vadd.s32 @!p1 v3, v4;
	_ =	sdelay $0x3  }
0x13d: {  	vm1 =	vmmov @!p1 $0xffff;
	s17 =	simm.s32 @!p1 $0x0  }
0x13e: {  	v2 =	vor.u32 @!p1 $0x8, v2;
	[tilespmem:s17], [sflag:$0x1] =	stream.indirect_vreg.gather @!p1 [hbm4b:s5+s17], $0x80, v4, vm1, $0xb8;
	[tilespmem:$0x18400] =	vst v63  }
0x13f: {  	s18 =	simm.s32 @!p1 $0x800;
	v0 =	vperm.xlane @!p1 v0, v2  }
0x140: {  	[tilespmem:s18], [sflag:$0x1] =	stream.indirect_vreg.gather @!p1 [hbm4b:s10+s17], $0x80, v4, vm1, $0xb8;
	[tilespmem:$0x18400] =	vst v63  }
0x141: {  	v0 =	vadd.s32 @!p1 v3, v0;
	s18 =	simm.s32 @!p1 $0x1000  }
0x142: {  	[tilespmem:s18], [sflag:$0x1] =	stream.indirect_vreg.gather @!p1 [hbm4b:s11+s17], $0x80, v4, vm1, $0xb8;
	[tilespmem:$0x18400] =	vst v63  }
0x143: {  	s18 =	simm.s32 @!p1 $0x1800  }
0x144: {  	[tilespmem:s18], [sflag:$0x1] =	stream.indirect_vreg.gather @!p1 [hbm4b:s12+s17], $0x80, v4, vm1, $0xb8;
	[tilespmem:$0x18400] =	vst v63  }
0x145: {  	s18 =	simm.s32 @!p1 $0x2000  }
0x146: {  	[tilespmem:s18], [sflag:$0x1] =	stream.indirect_vreg.gather @!p1 [hbm4b:s5+s17], $0x80, v0, vm1, $0xb8;
	[tilespmem:$0x18400] =	vst v63  }
0x147: {  	s18 =	simm.s32 @!p1 $0x2800  }
0x148: {  	[tilespmem:s18], [sflag:$0x1] =	stream.indirect_vreg.gather @!p1 [hbm4b:s10+s17], $0x80, v0, vm1, $0xb8;
	[tilespmem:$0x18400] =	vst v63  }
0x149: {  	s18 =	simm.s32 @!p1 $0x3000  }
0x14a: {  	[tilespmem:s18], [sflag:$0x1] =	stream.indirect_vreg.gather @!p1 [hbm4b:s11+s17], $0x80, v0, vm1, $0xb8;
	[tilespmem:$0x18400] =	vst v63  }
0x14b: {  	s18 =	simm.s32 @!p1 $0x3800  }
0x14c: {  	[tilespmem:s18], [sflag:$0x1] =	stream.indirect_vreg.gather @!p1 [hbm4b:s12+s17], $0x80, v0, vm1, $0xb8;
	[tilespmem:$0x18400] =	vst v63  }
0x14d: {  	v0 =	vld @!p1 [tilespmem:s13+$0x18120];
	_ =	sdelay $0x4  }
0x14e: {  	v4 =	vshll.u32 @!p1 v0, $0x3  }
0x14f: {  	v0 =	vand.u32 @!p1 $0x7, v0;
	v4 =	vand.u32 @!p1 $0xFFFFFFC0, v4  }
0x150: {  	v0 =	vor.u32 @!p1 v0, v4  }
0x151: {  	v1 =	vperm.xlane @!p1 v0, v1;
	_ =	sdelay $0x1  }
0x152: {  	v1 =	vadd.s32 @!p1 v3, v1;
	_ =	sdelay $0x3  }
0x153: {  	s13 =	simm.s32 @!p1 $0x8000  }
0x154: {  	[tilespmem:s13], [sflag:$0x3] =	stream.indirect_vreg.gather @!p1 [hbm4b:s5+s17], $0x80, v1, vm1, $0xb8;
	[tilespmem:$0x18400] =	vst v63  }
0x155: {  	v0 =	vperm.xlane @!p1 v0, v2;
	s13 =	simm.s32 @!p1 $0x8800  }
0x156: {  	[tilespmem:s13], [sflag:$0x3] =	stream.indirect_vreg.gather @!p1 [hbm4b:s10+s17], $0x80, v1, vm1, $0xb8;
	[tilespmem:$0x18400] =	vst v63  }
0x157: {  	v0 =	vadd.s32 @!p1 v3, v0;
	s13 =	simm.s32 @!p1 $0x9000  }
0x158: {  	[tilespmem:s13], [sflag:$0x3] =	stream.indirect_vreg.gather @!p1 [hbm4b:s11+s17], $0x80, v1, vm1, $0xb8;
	[tilespmem:$0x18400] =	vst v63  }
0x159: {  	s13 =	simm.s32 @!p1 $0x9800  }
0x15a: {  	[tilespmem:s13], [sflag:$0x3] =	stream.indirect_vreg.gather @!p1 [hbm4b:s12+s17], $0x80, v1, vm1, $0xb8;
	[tilespmem:$0x18400] =	vst v63  }
0x15b: {  	s13 =	simm.s32 @!p1 $0xA000  }
0x15c: {  	[tilespmem:s13], [sflag:$0x3] =	stream.indirect_vreg.gather @!p1 [hbm4b:s5+s17], $0x80, v0, vm1, $0xb8;
	[tilespmem:$0x18400] =	vst v63  }
0x15d: {  	s13 =	simm.s32 @!p1 $0xA800  }
0x15e: {  	[tilespmem:s13], [sflag:$0x3] =	stream.indirect_vreg.gather @!p1 [hbm4b:s10+s17], $0x80, v0, vm1, $0xb8;
	[tilespmem:$0x18400] =	vst v63  }
0x15f: {  	s13 =	simm.s32 @!p1 $0xB000  }
0x160: {  	[tilespmem:s13], [sflag:$0x3] =	stream.indirect_vreg.gather @!p1 [hbm4b:s11+s17], $0x80, v0, vm1, $0xb8;
	[tilespmem:$0x18400] =	vst v63  }
0x161: {  	s13 =	simm.s32 @!p1 $0xB800  }
0x162: {  	[tilespmem:s13], [sflag:$0x3] =	stream.indirect_vreg.gather @!p1 [hbm4b:s12+s17], $0x80, v0, vm1, $0xb8;
	[tilespmem:$0x18400] =	vst v63  }
0x163: {  	s13 =	simm.s32 @!p0 $0x6  }
0x164: {  	_ =	swait.ge @!p0 [sflag:s13], $0x4000  }
0x165: {  	[sflag:s13] =	ssyncset.done @!p0 $0x0  }
0x166: {  	[sflag:s13] =	ssyncadd.s32 @!p0 $0xFFFFC000  }
0x167: {  	_ =	swait.ge [sflag:s7], $0x4000  }
0x168: {  	[sflag:s7] =	ssyncset.done $0x0  }
0x169: {  	[sflag:s7] =	ssyncadd.s32 $0xFFFFC000  }
0x16a: {  	_ =	swait.ge [sflag:s8], $0x4000  }
0x16b: {  	[sflag:s8] =	ssyncset.done $0x0  }
0x16c: {  	s13 =	sshll.u32 s16, $0x4;
	[sflag:s8] =	ssyncadd.s32 $0xFFFFC000  }
0x16d: {  	v3 =	vld [tilespmem:s13+$0x18200]  }
0x16e: {  	s18 =	simm.s32 $0x0;
	s17 =	simm.s32 $0x0;
	s16 =	simm.s32 $0x0;
	v4 =	vld [tilespmem:s13+$0x18300]  }
.LBB2_5:
0x16f: {  	s19 =	sand.u32 $0x2000, s16;
	s20 =	sand.u32 $0x380, s17  }
0x170: {  	s19 =	sor.u32 s20, s19  }
0x171: {  	v0 =	vld [tilespmem:s19+$0x4000]  }
0x172: {  	v1 =	vld [tilespmem:s19+$0xC000]  }
0x173: {  	v2 =	vld [tilespmem:s19+$0x4010]  }
0x174: {  	v7 =	vld [tilespmem:s19+$0xC010]  }
0x175: {  	v8 =	vld [tilespmem:s19+$0x4020]  }
0x176: {  	v9 =	vld [tilespmem:s19+$0xC020]  }
0x177: {  	v10 =	vld [tilespmem:s19+$0x4030]  }
0x178: {  	v5 =	vmov s18;
	v11 =	vld [tilespmem:s19+$0xC030]  }
0x179: {  	v5 =	vand.u32 $0xF, v5;
	v12 =	vld [tilespmem:s19+$0x4040]  }
0x17a: {  	v6 =	vbroadcast v5, $0x0;
	v13 =	vld [tilespmem:s19+$0xC040]  }
0x17b: {  	v14 =	vld [tilespmem:s19+$0x4050]  }
0x17c: {  	v15 =	vld [tilespmem:s19+$0xC050];
	v5 =	vperm.xlane v3, v6;
	v6 =	vperm.xlane v4, v6  }
0x17d: {  	v16 =	vld [tilespmem:s19+$0x4060]  }
0x17e: {  	v17 =	vld [tilespmem:s19+$0xC060];
	v0 =	vmul.f32 v0, v5;
	v1 =	vmul.f32 v1, v6  }
0x17f: {  	v18 =	vld [tilespmem:s19+$0x4070];
	v2 =	vmul.f32 v2, v5;
	v7 =	vmul.f32 v7, v6  }
0x180: {  	v51 =	vld [tilespmem:s19+$0xC070];
	v50 =	vmul.f32 v9, v6;
	v0 =	vadd.f32 v1, v0;
	v1 =	vmul.f32 v8, v5  }
0x181: {  	v52 =	vmul.f32 v11, v6;
	v2 =	vadd.f32 v7, v2;
	v7 =	vmul.f32 v10, v5  }
0x182: {  	v53 =	vmul.f32 v13, v6;
	[tilespmem:s19+$0x14000] =	vst v0;
	v0 =	vadd.f32 v50, v1;
	v1 =	vmul.f32 v12, v5  }
0x183: {  	v54 =	vmul.f32 v15, v6;
	[tilespmem:s19+$0x14010] =	vst v2;
	v2 =	vadd.f32 v52, v7;
	v7 =	vmul.f32 v14, v5  }
0x184: {  	v55 =	vmul.f32 v17, v6;
	[tilespmem:s19+$0x14020] =	vst v0;
	v0 =	vadd.f32 v53, v1;
	v1 =	vmul.f32 v16, v5  }
0x185: {  	v9 =	vmul.f32 v51, v6;
	[tilespmem:s19+$0x14030] =	vst v2;
	v2 =	vadd.f32 v54, v7;
	v7 =	vmul.f32 v18, v5  }
0x186: {  	[tilespmem:s19+$0x14040] =	vst v0;
	v0 =	vadd.f32 v55, v1  }
0x187: {  	s21 =	sand.u32 $0xFFFFE000, s16;
	[tilespmem:s19+$0x14050] =	vst v2;
	v1 =	vadd.f32 v9, v7  }
0x188: {  	s20 =	sadd.s32 s21, s17;
	[tilespmem:s19+$0x14060] =	vst v0  }
0x189: {  	s21 =	sor.u32 $0x4400, s20;
	[tilespmem:s19+$0x14070] =	vst v1  }
0x18a: {  	v0 =	vld [tilespmem:s21+$0x0]  }
0x18b: {  	v1 =	vld [tilespmem:s21+$0x8000];
	_ =	sdelay $0x4  }
0x18c: {  	v0 =	vmul.f32 v0, v5;
	v1 =	vmul.f32 v1, v6;
	_ =	sdelay $0x1  }
0x18d: {  	v0 =	vadd.f32 v1, v0;
	_ =	sdelay $0x1  }
0x18e: {  	s22 =	sor.u32 $0x4410, s20;
	[tilespmem:s21+$0x10000] =	vst v0  }
0x18f: {  	v0 =	vld [tilespmem:s22+$0x0]  }
0x190: {  	v1 =	vld [tilespmem:s22+$0x8000];
	_ =	sdelay $0x4  }
0x191: {  	v0 =	vmul.f32 v0, v5;
	v1 =	vmul.f32 v1, v6;
	_ =	sdelay $0x1  }
0x192: {  	v0 =	vadd.f32 v1, v0;
	_ =	sdelay $0x1  }
0x193: {  	[tilespmem:s22+$0x10000] =	vst v0;
	s22 =	sor.u32 $0x4420, s20  }
0x194: {  	v0 =	vld [tilespmem:s22+$0x0]  }
0x195: {  	v1 =	vld [tilespmem:s22+$0x8000];
	_ =	sdelay $0x4  }
0x196: {  	v0 =	vmul.f32 v0, v5;
	v1 =	vmul.f32 v1, v6;
	_ =	sdelay $0x1  }
0x197: {  	v0 =	vadd.f32 v1, v0;
	_ =	sdelay $0x1  }
0x198: {  	[tilespmem:s22+$0x10000] =	vst v0;
	s22 =	sor.u32 $0x4430, s20  }
0x199: {  	v0 =	vld [tilespmem:s22+$0x0]  }
0x19a: {  	v1 =	vld [tilespmem:s22+$0x8000];
	_ =	sdelay $0x4  }
0x19b: {  	v0 =	vmul.f32 v0, v5;
	v1 =	vmul.f32 v1, v6;
	_ =	sdelay $0x1  }
0x19c: {  	v0 =	vadd.f32 v1, v0;
	_ =	sdelay $0x1  }
0x19d: {  	[tilespmem:s22+$0x10000] =	vst v0;
	s22 =	sor.u32 $0x4440, s20  }
0x19e: {  	v0 =	vld [tilespmem:s22+$0x0]  }
0x19f: {  	v1 =	vld [tilespmem:s22+$0x8000];
	_ =	sdelay $0x4  }
0x1a0: {  	v0 =	vmul.f32 v0, v5;
	v1 =	vmul.f32 v1, v6;
	_ =	sdelay $0x1  }
0x1a1: {  	v0 =	vadd.f32 v1, v0;
	_ =	sdelay $0x1  }
0x1a2: {  	[tilespmem:s22+$0x10000] =	vst v0;
	s22 =	sor.u32 $0x4450, s20  }
0x1a3: {  	v0 =	vld [tilespmem:s22+$0x0]  }
0x1a4: {  	v1 =	vld [tilespmem:s22+$0x8000];
	_ =	sdelay $0x4  }
0x1a5: {  	v0 =	vmul.f32 v0, v5;
	v1 =	vmul.f32 v1, v6;
	_ =	sdelay $0x1  }
0x1a6: {  	v0 =	vadd.f32 v1, v0;
	_ =	sdelay $0x1  }
0x1a7: {  	[tilespmem:s22+$0x10000] =	vst v0;
	s22 =	sor.u32 $0x4460, s20  }
0x1a8: {  	v0 =	vld [tilespmem:s22+$0x0]  }
0x1a9: {  	v1 =	vld [tilespmem:s22+$0x8000];
	_ =	sdelay $0x4  }
0x1aa: {  	v0 =	vmul.f32 v0, v5;
	v1 =	vmul.f32 v1, v6;
	_ =	sdelay $0x1  }
0x1ab: {  	v0 =	vadd.f32 v1, v0;
	_ =	sdelay $0x1  }
0x1ac: {  	[tilespmem:s22+$0x10000] =	vst v0;
	s22 =	sor.u32 $0x4470, s20  }
0x1ad: {  	v0 =	vld [tilespmem:s22+$0x0]  }
0x1ae: {  	v1 =	vld [tilespmem:s22+$0x8000];
	_ =	sdelay $0x4  }
0x1af: {  	v0 =	vmul.f32 v0, v5;
	v1 =	vmul.f32 v1, v6;
	_ =	sdelay $0x1  }
0x1b0: {  	v0 =	vadd.f32 v1, v0;
	_ =	sdelay $0x1  }
0x1b1: {  	[tilespmem:s22+$0x10000] =	vst v0  }
0x1b2: {  	v0 =	vld [tilespmem:s19+$0x4800]  }
0x1b3: {  	v1 =	vld [tilespmem:s19+$0xC800]  }
0x1b4: {  	v2 =	vld [tilespmem:s19+$0x4810]  }
0x1b5: {  	v7 =	vld [tilespmem:s19+$0xC810]  }
0x1b6: {  	v56 =	vld [tilespmem:s19+$0x4820]  }
0x1b7: {  	v57 =	vld [tilespmem:s19+$0xC820]  }
0x1b8: {  	v58 =	vld [tilespmem:s19+$0x4830]  }
0x1b9: {  	v59 =	vld [tilespmem:s19+$0xC830]  }
0x1ba: {  	v60 =	vld [tilespmem:s19+$0x4840]  }
0x1bb: {  	v61 =	vld [tilespmem:s19+$0xC840]  }
0x1bc: {  	v62 =	vld [tilespmem:s19+$0x4850]  }
0x1bd: {  	v63 =	vld [tilespmem:s19+$0xC850]  }
0x1be: {  	v21 =	vld [tilespmem:s19+$0x4860]  }
0x1bf: {  	v22 =	vld [tilespmem:s19+$0xC860];
	v0 =	vmul.f32 v0, v5;
	v1 =	vmul.f32 v1, v6  }
0x1c0: {  	v23 =	vld [tilespmem:s19+$0x4870];
	v2 =	vmul.f32 v2, v5;
	v7 =	vmul.f32 v7, v6  }
0x1c1: {  	v25 =	vld [tilespmem:s19+$0xC870];
	v24 =	vmul.f32 v57, v6;
	v0 =	vadd.f32 v1, v0;
	v1 =	vmul.f32 v56, v5  }
0x1c2: {  	v26 =	vmul.f32 v59, v6;
	v2 =	vadd.f32 v7, v2;
	v7 =	vmul.f32 v58, v5  }
0x1c3: {  	v27 =	vmul.f32 v61, v6;
	[tilespmem:s19+$0x14800] =	vst v0;
	v0 =	vadd.f32 v24, v1;
	v1 =	vmul.f32 v60, v5  }
0x1c4: {  	v28 =	vmul.f32 v63, v6;
	[tilespmem:s19+$0x14810] =	vst v2;
	v2 =	vadd.f32 v26, v7;
	v7 =	vmul.f32 v62, v5  }
0x1c5: {  	v29 =	vmul.f32 v22, v6;
	[tilespmem:s19+$0x14820] =	vst v0;
	v0 =	vadd.f32 v27, v1;
	v1 =	vmul.f32 v21, v5  }
0x1c6: {  	v9 =	vmul.f32 v25, v6;
	[tilespmem:s19+$0x14830] =	vst v2;
	v2 =	vadd.f32 v28, v7;
	v7 =	vmul.f32 v23, v5  }
0x1c7: {  	[tilespmem:s19+$0x14840] =	vst v0;
	v0 =	vadd.f32 v29, v1  }
0x1c8: {  	[tilespmem:s19+$0x14850] =	vst v2;
	v1 =	vadd.f32 v9, v7  }
0x1c9: {  	[tilespmem:s19+$0x14860] =	vst v0  }
0x1ca: {  	s22 =	sor.u32 $0x4C00, s20;
	[tilespmem:s19+$0x14870] =	vst v1  }
0x1cb: {  	v0 =	vld [tilespmem:s22+$0x0]  }
0x1cc: {  	v1 =	vld [tilespmem:s22+$0x8000];
	_ =	sdelay $0x4  }
0x1cd: {  	v0 =	vmul.f32 v0, v5;
	v1 =	vmul.f32 v1, v6;
	_ =	sdelay $0x1  }
0x1ce: {  	v0 =	vadd.f32 v1, v0;
	_ =	sdelay $0x1  }
0x1cf: {  	[tilespmem:s22+$0x10000] =	vst v0;
	s22 =	sor.u32 $0x4C10, s20  }
0x1d0: {  	v0 =	vld [tilespmem:s22+$0x0]  }
0x1d1: {  	v1 =	vld [tilespmem:s22+$0x8000];
	_ =	sdelay $0x4  }
0x1d2: {  	v0 =	vmul.f32 v0, v5;
	v1 =	vmul.f32 v1, v6;
	_ =	sdelay $0x1  }
0x1d3: {  	v0 =	vadd.f32 v1, v0;
	_ =	sdelay $0x1  }
0x1d4: {  	[tilespmem:s22+$0x10000] =	vst v0;
	s22 =	sor.u32 $0x4C20, s20  }
0x1d5: {  	v0 =	vld [tilespmem:s22+$0x0]  }
0x1d6: {  	v1 =	vld [tilespmem:s22+$0x8000];
	_ =	sdelay $0x4  }
0x1d7: {  	v0 =	vmul.f32 v0, v5;
	v1 =	vmul.f32 v1, v6;
	_ =	sdelay $0x1  }
0x1d8: {  	v0 =	vadd.f32 v1, v0;
	_ =	sdelay $0x1  }
0x1d9: {  	[tilespmem:s22+$0x10000] =	vst v0;
	s22 =	sor.u32 $0x4C30, s20  }
0x1da: {  	v0 =	vld [tilespmem:s22+$0x0]  }
0x1db: {  	v1 =	vld [tilespmem:s22+$0x8000];
	_ =	sdelay $0x4  }
0x1dc: {  	v0 =	vmul.f32 v0, v5;
	v1 =	vmul.f32 v1, v6;
	_ =	sdelay $0x1  }
0x1dd: {  	v0 =	vadd.f32 v1, v0;
	_ =	sdelay $0x1  }
0x1de: {  	[tilespmem:s22+$0x10000] =	vst v0;
	s22 =	sor.u32 $0x4C40, s20  }
0x1df: {  	v0 =	vld [tilespmem:s22+$0x0]  }
0x1e0: {  	v1 =	vld [tilespmem:s22+$0x8000];
	_ =	sdelay $0x4  }
0x1e1: {  	v0 =	vmul.f32 v0, v5;
	v1 =	vmul.f32 v1, v6;
	_ =	sdelay $0x1  }
0x1e2: {  	v0 =	vadd.f32 v1, v0;
	_ =	sdelay $0x1  }
0x1e3: {  	[tilespmem:s22+$0x10000] =	vst v0;
	s22 =	sor.u32 $0x4C50, s20  }
0x1e4: {  	v0 =	vld [tilespmem:s22+$0x0]  }
0x1e5: {  	v1 =	vld [tilespmem:s22+$0x8000];
	_ =	sdelay $0x4  }
0x1e6: {  	v0 =	vmul.f32 v0, v5;
	v1 =	vmul.f32 v1, v6;
	_ =	sdelay $0x1  }
0x1e7: {  	v0 =	vadd.f32 v1, v0;
	_ =	sdelay $0x1  }
0x1e8: {  	[tilespmem:s22+$0x10000] =	vst v0;
	s22 =	sor.u32 $0x4C60, s20  }
0x1e9: {  	v0 =	vld [tilespmem:s22+$0x0]  }
0x1ea: {  	v1 =	vld [tilespmem:s22+$0x8000];
	_ =	sdelay $0x4  }
0x1eb: {  	v0 =	vmul.f32 v0, v5;
	v1 =	vmul.f32 v1, v6;
	_ =	sdelay $0x1  }
0x1ec: {  	v0 =	vadd.f32 v1, v0;
	_ =	sdelay $0x1  }
0x1ed: {  	[tilespmem:s22+$0x10000] =	vst v0;
	s22 =	sor.u32 $0x4C70, s20  }
0x1ee: {  	v0 =	vld [tilespmem:s22+$0x0]  }
0x1ef: {  	v1 =	vld [tilespmem:s22+$0x8000];
	_ =	sdelay $0x4  }
0x1f0: {  	v0 =	vmul.f32 v0, v5;
	v1 =	vmul.f32 v1, v6;
	_ =	sdelay $0x1  }
0x1f1: {  	v0 =	vadd.f32 v1, v0;
	_ =	sdelay $0x1  }
0x1f2: {  	[tilespmem:s22+$0x10000] =	vst v0  }
0x1f3: {  	v0 =	vld [tilespmem:s19+$0x5000]  }
0x1f4: {  	v1 =	vld [tilespmem:s19+$0xD000]  }
0x1f5: {  	v2 =	vld [tilespmem:s19+$0x5010]  }
0x1f6: {  	v7 =	vld [tilespmem:s19+$0xD010]  }
0x1f7: {  	v30 =	vld [tilespmem:s19+$0x5020]  }
0x1f8: {  	v31 =	vld [tilespmem:s19+$0xD020]  }
0x1f9: {  	v32 =	vld [tilespmem:s19+$0x5030]  }
0x1fa: {  	v33 =	vld [tilespmem:s19+$0xD030]  }
0x1fb: {  	v34 =	vld [tilespmem:s19+$0x5040]  }
0x1fc: {  	v35 =	vld [tilespmem:s19+$0xD040]  }
0x1fd: {  	v36 =	vld [tilespmem:s19+$0x5050]  }
0x1fe: {  	v37 =	vld [tilespmem:s19+$0xD050]  }
0x1ff: {  	v38 =	vld [tilespmem:s19+$0x5060]  }
0x200: {  	v39 =	vld [tilespmem:s19+$0xD060];
	v0 =	vmul.f32 v0, v5;
	v1 =	vmul.f32 v1, v6  }
0x201: {  	v40 =	vld [tilespmem:s19+$0x5070];
	v2 =	vmul.f32 v2, v5;
	v7 =	vmul.f32 v7, v6  }
0x202: {  	v42 =	vld [tilespmem:s19+$0xD070];
	v41 =	vmul.f32 v31, v6;
	v0 =	vadd.f32 v1, v0;
	v1 =	vmul.f32 v30, v5  }
0x203: {  	v43 =	vmul.f32 v33, v6;
	v2 =	vadd.f32 v7, v2;
	v7 =	vmul.f32 v32, v5  }
0x204: {  	v44 =	vmul.f32 v35, v6;
	[tilespmem:s19+$0x15000] =	vst v0;
	v0 =	vadd.f32 v41, v1;
	v1 =	vmul.f32 v34, v5  }
0x205: {  	v45 =	vmul.f32 v37, v6;
	[tilespmem:s19+$0x15010] =	vst v2;
	v2 =	vadd.f32 v43, v7;
	v7 =	vmul.f32 v36, v5  }
0x206: {  	v46 =	vmul.f32 v39, v6;
	[tilespmem:s19+$0x15020] =	vst v0;
	v0 =	vadd.f32 v44, v1;
	v1 =	vmul.f32 v38, v5  }
0x207: {  	v9 =	vmul.f32 v42, v6;
	[tilespmem:s19+$0x15030] =	vst v2;
	v2 =	vadd.f32 v45, v7;
	v7 =	vmul.f32 v40, v5  }
0x208: {  	[tilespmem:s19+$0x15040] =	vst v0;
	v0 =	vadd.f32 v46, v1  }
0x209: {  	[tilespmem:s19+$0x15050] =	vst v2;
	v1 =	vadd.f32 v9, v7  }
0x20a: {  	[tilespmem:s19+$0x15060] =	vst v0  }
0x20b: {  	s22 =	sor.u32 $0x5400, s20;
	[tilespmem:s19+$0x15070] =	vst v1  }
0x20c: {  	v0 =	vld [tilespmem:s22+$0x0]  }
0x20d: {  	v1 =	vld [tilespmem:s22+$0x8000];
	_ =	sdelay $0x4  }
0x20e: {  	v0 =	vmul.f32 v0, v5;
	v1 =	vmul.f32 v1, v6;
	_ =	sdelay $0x1  }
0x20f: {  	v0 =	vadd.f32 v1, v0;
	_ =	sdelay $0x1  }
0x210: {  	[tilespmem:s22+$0x10000] =	vst v0;
	s22 =	sor.u32 $0x5410, s20  }
0x211: {  	v0 =	vld [tilespmem:s22+$0x0]  }
0x212: {  	v1 =	vld [tilespmem:s22+$0x8000];
	_ =	sdelay $0x4  }
0x213: {  	v0 =	vmul.f32 v0, v5;
	v1 =	vmul.f32 v1, v6;
	_ =	sdelay $0x1  }
0x214: {  	v0 =	vadd.f32 v1, v0;
	_ =	sdelay $0x1  }
0x215: {  	[tilespmem:s22+$0x10000] =	vst v0;
	s22 =	sor.u32 $0x5420, s20  }
0x216: {  	v0 =	vld [tilespmem:s22+$0x0]  }
0x217: {  	v1 =	vld [tilespmem:s22+$0x8000];
	_ =	sdelay $0x4  }
0x218: {  	v0 =	vmul.f32 v0, v5;
	v1 =	vmul.f32 v1, v6;
	_ =	sdelay $0x1  }
0x219: {  	v0 =	vadd.f32 v1, v0;
	_ =	sdelay $0x1  }
0x21a: {  	[tilespmem:s22+$0x10000] =	vst v0;
	s22 =	sor.u32 $0x5430, s20  }
0x21b: {  	v0 =	vld [tilespmem:s22+$0x0]  }
0x21c: {  	v1 =	vld [tilespmem:s22+$0x8000];
	_ =	sdelay $0x4  }
0x21d: {  	v0 =	vmul.f32 v0, v5;
	v1 =	vmul.f32 v1, v6;
	_ =	sdelay $0x1  }
0x21e: {  	v0 =	vadd.f32 v1, v0;
	_ =	sdelay $0x1  }
0x21f: {  	[tilespmem:s22+$0x10000] =	vst v0;
	s22 =	sor.u32 $0x5440, s20  }
0x220: {  	v0 =	vld [tilespmem:s22+$0x0]  }
0x221: {  	v1 =	vld [tilespmem:s22+$0x8000];
	_ =	sdelay $0x4  }
0x222: {  	v0 =	vmul.f32 v0, v5;
	v1 =	vmul.f32 v1, v6;
	_ =	sdelay $0x1  }
0x223: {  	v0 =	vadd.f32 v1, v0;
	_ =	sdelay $0x1  }
0x224: {  	[tilespmem:s22+$0x10000] =	vst v0;
	s22 =	sor.u32 $0x5450, s20  }
0x225: {  	v0 =	vld [tilespmem:s22+$0x0]  }
0x226: {  	v1 =	vld [tilespmem:s22+$0x8000];
	_ =	sdelay $0x4  }
0x227: {  	v0 =	vmul.f32 v0, v5;
	v1 =	vmul.f32 v1, v6;
	_ =	sdelay $0x1  }
0x228: {  	v0 =	vadd.f32 v1, v0;
	_ =	sdelay $0x1  }
0x229: {  	[tilespmem:s22+$0x10000] =	vst v0;
	s22 =	sor.u32 $0x5460, s20  }
0x22a: {  	v0 =	vld [tilespmem:s22+$0x0]  }
0x22b: {  	v1 =	vld [tilespmem:s22+$0x8000];
	_ =	sdelay $0x4  }
0x22c: {  	v0 =	vmul.f32 v0, v5;
	v1 =	vmul.f32 v1, v6;
	_ =	sdelay $0x1  }
0x22d: {  	v0 =	vadd.f32 v1, v0;
	_ =	sdelay $0x1  }
0x22e: {  	s20 =	sor.u32 $0x5470, s20;
	[tilespmem:s22+$0x10000] =	vst v0  }
0x22f: {  	v0 =	vld [tilespmem:s20+$0x0]  }
0x230: {  	v1 =	vld [tilespmem:s20+$0x8000];
	_ =	sdelay $0x4  }
0x231: {  	v0 =	vmul.f32 v0, v5;
	v1 =	vmul.f32 v1, v6;
	_ =	sdelay $0x1  }
0x232: {  	v0 =	vadd.f32 v1, v0;
	_ =	sdelay $0x1  }
0x233: {  	[tilespmem:s20+$0x10000] =	vst v0  }
0x234: {  	v0 =	vld [tilespmem:s19+$0x5800]  }
0x235: {  	v1 =	vld [tilespmem:s19+$0xD800]  }
0x236: {  	v2 =	vld [tilespmem:s19+$0x5810]  }
0x237: {  	v7 =	vld [tilespmem:s19+$0xD810]  }
0x238: {  	v47 =	vld [tilespmem:s19+$0x5820]  }
0x239: {  	v48 =	vld [tilespmem:s19+$0xD820]  }
0x23a: {  	v49 =	vld [tilespmem:s19+$0x5830]  }
0x23b: {  	v50 =	vld [tilespmem:s19+$0xD830]  }
0x23c: {  	v51 =	vld [tilespmem:s19+$0x5840]  }
0x23d: {  	v52 =	vld [tilespmem:s19+$0xD840]  }
0x23e: {  	v53 =	vld [tilespmem:s19+$0x5850]  }
0x23f: {  	v54 =	vld [tilespmem:s19+$0xD850]  }
0x240: {  	v55 =	vld [tilespmem:s19+$0x5860]  }
0x241: {  	v56 =	vld [tilespmem:s19+$0xD860];
	v0 =	vmul.f32 v0, v5;
	v1 =	vmul.f32 v1, v6  }
0x242: {  	v57 =	vld [tilespmem:s19+$0x5870];
	v2 =	vmul.f32 v2, v5;
	v7 =	vmul.f32 v7, v6  }
0x243: {  	v59 =	vld [tilespmem:s19+$0xD870];
	v58 =	vmul.f32 v48, v6;
	v0 =	vadd.f32 v1, v0;
	v1 =	vmul.f32 v47, v5  }
0x244: {  	v60 =	vmul.f32 v50, v6;
	v2 =	vadd.f32 v7, v2;
	v7 =	vmul.f32 v49, v5  }
0x245: {  	v61 =	vmul.f32 v52, v6;
	[tilespmem:s19+$0x15800] =	vst v0;
	v0 =	vadd.f32 v58, v1;
	v1 =	vmul.f32 v51, v5  }
0x246: {  	v62 =	vmul.f32 v54, v6;
	[tilespmem:s19+$0x15810] =	vst v2;
	v2 =	vadd.f32 v60, v7;
	v7 =	vmul.f32 v53, v5  }
0x247: {  	v63 =	vmul.f32 v56, v6;
	[tilespmem:s19+$0x15820] =	vst v0;
	v0 =	vadd.f32 v61, v1;
	v1 =	vmul.f32 v55, v5  }
0x248: {  	v9 =	vmul.f32 v59, v6;
	[tilespmem:s19+$0x15830] =	vst v2;
	v2 =	vadd.f32 v62, v7;
	v7 =	vmul.f32 v57, v5  }
0x249: {  	[tilespmem:s19+$0x15840] =	vst v0;
	v0 =	vadd.f32 v63, v1  }
0x24a: {  	[tilespmem:s19+$0x15850] =	vst v2;
	v1 =	vadd.f32 v9, v7  }
0x24b: {  	s20 =	sor.u32 s17, s16;
	[tilespmem:s19+$0x15860] =	vst v0  }
0x24c: {  	s21 =	sor.u32 $0x5C00, s20;
	[tilespmem:s19+$0x15870] =	vst v1  }
0x24d: {  	v0 =	vld [tilespmem:s21+$0x0]  }
0x24e: {  	v1 =	vld [tilespmem:s21+$0x8000];
	_ =	sdelay $0x4  }
0x24f: {  	v0 =	vmul.f32 v0, v5;
	v1 =	vmul.f32 v1, v6;
	_ =	sdelay $0x1  }
0x250: {  	v0 =	vadd.f32 v1, v0;
	_ =	sdelay $0x1  }
0x251: {  	s22 =	sor.u32 $0x5C10, s20;
	[tilespmem:s21+$0x10000] =	vst v0  }
0x252: {  	v0 =	vld [tilespmem:s22+$0x0]  }
0x253: {  	v1 =	vld [tilespmem:s22+$0x8000];
	_ =	sdelay $0x4  }
0x254: {  	v0 =	vmul.f32 v0, v5;
	v1 =	vmul.f32 v1, v6;
	_ =	sdelay $0x1  }
0x255: {  	v0 =	vadd.f32 v1, v0;
	_ =	sdelay $0x1  }
0x256: {  	s21 =	sor.u32 $0x5C20, s20;
	[tilespmem:s22+$0x10000] =	vst v0  }
0x257: {  	v0 =	vld [tilespmem:s21+$0x0]  }
0x258: {  	v1 =	vld [tilespmem:s21+$0x8000];
	_ =	sdelay $0x4  }
0x259: {  	v0 =	vmul.f32 v0, v5;
	v1 =	vmul.f32 v1, v6;
	_ =	sdelay $0x1  }
0x25a: {  	v0 =	vadd.f32 v1, v0;
	_ =	sdelay $0x1  }
0x25b: {  	s22 =	sor.u32 $0x5C30, s20;
	[tilespmem:s21+$0x10000] =	vst v0  }
0x25c: {  	v0 =	vld [tilespmem:s22+$0x0]  }
0x25d: {  	v1 =	vld [tilespmem:s22+$0x8000];
	_ =	sdelay $0x4  }
0x25e: {  	v0 =	vmul.f32 v0, v5;
	v1 =	vmul.f32 v1, v6;
	_ =	sdelay $0x1  }
0x25f: {  	v0 =	vadd.f32 v1, v0;
	_ =	sdelay $0x1  }
0x260: {  	s21 =	sor.u32 $0x5C40, s20;
	[tilespmem:s22+$0x10000] =	vst v0  }
0x261: {  	v0 =	vld [tilespmem:s21+$0x0]  }
0x262: {  	v1 =	vld [tilespmem:s21+$0x8000];
	_ =	sdelay $0x4  }
0x263: {  	v0 =	vmul.f32 v0, v5;
	v1 =	vmul.f32 v1, v6;
	_ =	sdelay $0x1  }
0x264: {  	v0 =	vadd.f32 v1, v0;
	_ =	sdelay $0x1  }
0x265: {  	s22 =	sor.u32 $0x5C50, s20;
	[tilespmem:s21+$0x10000] =	vst v0  }
0x266: {  	v0 =	vld [tilespmem:s22+$0x0]  }
0x267: {  	v1 =	vld [tilespmem:s22+$0x8000];
	_ =	sdelay $0x4  }
0x268: {  	v0 =	vmul.f32 v0, v5;
	v1 =	vmul.f32 v1, v6;
	_ =	sdelay $0x1  }
0x269: {  	v0 =	vadd.f32 v1, v0;
	_ =	sdelay $0x1  }
0x26a: {  	s21 =	sor.u32 $0x5C60, s20;
	[tilespmem:s22+$0x10000] =	vst v0  }
0x26b: {  	v0 =	vld [tilespmem:s21+$0x0]  }
0x26c: {  	v1 =	vld [tilespmem:s21+$0x8000];
	_ =	sdelay $0x4  }
0x26d: {  	v0 =	vmul.f32 v0, v5;
	v1 =	vmul.f32 v1, v6;
	_ =	sdelay $0x1  }
0x26e: {  	v0 =	vadd.f32 v1, v0;
	_ =	sdelay $0x1  }
0x26f: {  	s22 =	sor.u32 $0x5C70, s20;
	[tilespmem:s21+$0x10000] =	vst v0  }
0x270: {  	v0 =	vld [tilespmem:s22+$0x0]  }
0x271: {  	v1 =	vld [tilespmem:s22+$0x8000];
	_ =	sdelay $0x3  }
0x272: {  	p0 =	sne.s32 s18, $0xF  }
.Ltmp1:
0x273: {  	v0 =	vmul.f32 v0, v5;
	v1 =	vmul.f32 v1, v6;
	(pc) =	sbr.rel @p0 .LBB2_5-.Ltmp1, $3  }
0x274: {  	_ = 	snop  }
0x275: {  	v0 =	vadd.f32 v1, v0;
	_ =	sdelay $0x1  }
0x276: {  	s18 =	sadd.s32 $0x1, s18;
	s17 =	sadd.s32 $0x80, s17;
	s16 =	sadd.s32 $0x400, s16;
	[tilespmem:s22+$0x10000] =	vst v0  }
0x277: {  	s15 =	sadd.s32 $0x1, s15  }
0x278: {  	p0 =	sne.s32 s15, $0x8  }
.Ltmp2:
0x279: {  	_ = 	snop;
	(pc) =	sbr.rel @p0 .LBB2_2-.Ltmp2, $4  }
0x27a: {  	s13 =	sadd.s32 s4, s13  }
0x27b: {  	s13 =	sshll.u32 s13, $0x7  }
0x27c: {  	s13 =	sadd.s32 s2, s13  }
0x27d: {  	[hbm4b:s13+s3] =	stream.linear.scatter [tilespmem:s9], [sflag:$0x6], $0x4000, $0x38;
	[tilespmem:$0x18400] =	vst v63  }
0x27e: {  	s13 =	simm.s32 $0x5  }
0x27f: {  	_ =	swait.ge [sflag:s13], $0x4000  }
0x280: {  	[sflag:s13] =	ssyncset.done $0x0  }
0x281: {  	s15 =	simm.s32 $0x6;
	[sflag:s13] =	ssyncadd.s32 $0xFFFFC000  }
0x282: {  	_ =	swait.ge [sflag:s15], $0x4000  }
0x283: {  	s16 =	rddreg [dreg:$0x8]  }
0x284: {  	s22 =	rddreg [dreg:$0x7];
	s16 =	sadd.s32 $0x1, s16  }
0x285: {  	p0 =	sne.s32 s16, s22  }
.Ltmp3:
0x286: {  	_ = 	snop;
	(pc) =	sbr.rel @p0 .LBB2_1-.Ltmp3, $3  }
0x287: {  	_ =	sdelay $0x1  }
0x288: {  	[sflag:s15] =	ssyncset.done $0x0  }
0x289: {  	[sflag:s15] =	ssyncadd.s32 $0xFFFFC000  }
0x28a: {  	_ =	sfence.sel $0x180000  }
0x28b: {  	[bflag:$0x0] =	sbarrier.arrive $0xFFFF  }
0x28c: {  	_ =	strace $0x9000004A  }
0x28d: {  	s0 =	stileid.u32;
	[bflag:$0x2] =	sbarrier.arrive $0xFFFF  }
0x28e: {  	p0 =	sne.s32 s0, $0x0;
	s0 =	rddreg [dreg:$0x2]  }
0x28f: {  	s0 =	sadd.s32 @!p0 $0x100000, s0  }
0x290: {  	[sflag:s0] =	ssyncadd.tile.s32 @!p0 $0x1;
	_ =	shalt  }
.Lfunc_end2:
_tile_overlayer_lowered:
.L_overlay_start_2:
0x291: {  	(tag) =	ssettag $0x2  }
0x292: {  	s0 =	rddreg [dreg:$0x0];
	s2 =	stileid.u32  }
0x293: {  	s1 =	rddreg [dreg:$0x1];
	p0 =	sne.s32 s2, $0x0  }
0x294: {  	s3 =	rddreg [dreg:$0x2];
	[bflag:$0x3] =	sbarrier.arrive $0xFFFF;
	s2 =	simm.s32 @!p0 $0x1C07  }
0x295: {  	[timem:s3], [sflag:s2] =	dma.local @!p0 [hbm:s0], s1  }
0x296: {  	s0 =	simm.s32 @!p0 $0x7  }
0x297: {  	_ =	swait.ge @!p0 [sflag:s0], s1  }
0x298: {  	s1 =	ssub.s32 @!p0 $0x0, s1;
	[sflag:s0] =	ssyncset.done @!p0 $0x0  }
0x299: {  	[sflag:s0] =	ssyncadd.s32 @!p0 s1  }
0x29a: {  	[bflag:$0x3] =	sbarrier.arrive $0xFFFF  }
0x29b: {  	_ =	shalt  }

// kernel: kernel.7.cloned.1.call-start
scs
__scs_entry_jumppad:
0x0: {  	(pc) =	sbr.rel $0x88, $3  }
0x1: {  	(tag) =	ssettag $0x0;
	lr =	simm.s32 $0x1  }
0x2: {  	[smem:$0x3F9B] =	sst lr;
	_ =	strace $0xD0000000  }
0x3: {  	_ = 	snop  }
0x4: {  	_ = 	snop  }
0x5: {  	_ = 	snop  }
0x6: {  	_ = 	snop  }
0x7: {  	_ = 	snop  }
__scs_overlays_trampoline_lowered:
0x8: {  	[smem:$0x3FAA] =	sst s0  }
0x9: {  	[smem:$0x3FAB] =	sst s1  }
0xa: {  	[smem:$0x3FAC] =	sst s2  }
0xb: {  	[smem:$0x3FAD] =	sst s3  }
0xc: {  	[smem:$0x3FAE] =	sst s4  }
0xd: {  	[smem:$0x3FAF] =	sst s5  }
0xe: {  	[smem:$0x3FB0] =	sst s6  }
0xf: {  	[smem:$0x3FB1] =	sst s7  }
0x10: {  	[smem:$0x3FB2] =	sst s8  }
0x11: {  	[smem:$0x3FB3] =	sst s9;
	s0 =	simm.s32 @!p0 $0x0  }
0x12: {  	s1 =	sld [smem:$0x3F99];
	s0 =	simm.s32 @p0 $0x1  }
0x13: {  	[smem:$0x3FB4] =	sst s0;
	s0 =	simm.s32 @!p1 $0x0  }
0x14: {  	s2 =	sld [smem:$0x3F98];
	s0 =	simm.s32 @p1 $0x1  }
0x15: {  	[smem:$0x3FB5] =	sst s0;
	s0 =	simm.s32 @!p2 $0x0  }
0x16: {  	s3 =	sld [smem:$0x3FDB];
	s0 =	simm.s32 @p2 $0x1  }
0x17: {  	s4 =	simm.s32 $0x1BF5;
	[smem:$0x3FB7] =	sst s0  }
0x18: {  	s0 =	sld [smem:$0x3F9A];
	_ =	swait.ge [sflag:s4], $0x0  }
0x19: {  	s7 =	sld [smem:$0x3F9B]  }
0x1a: {  	s8 =	sadd.s32 $0xFFFFE003, lr  }
0x1b: {  	s9 =	sadd.s32 $0xFFFFFEF7, lr;
	s5 =	simm.s32 $0xFFFFFFFF;
	p2 =	slt.u32 s8, $0xFFFFF086  }
0x1c: {  	p1 =	slt.u32 s9, $0xF7A;
	s5 =	simm.s32 @!p2 $0x0  }
0x1d: {  	s5 =	simm.s32 @p1 $0x1;
	p0 =	seq.s32 s7, s2  }
0x1e: {  	s7 =	smul.u32 @!p0 $0xF7A, s2;
	p2 =	seq.s32 @!p0 s5, $0x0  }
0x1f: {  	s9 =	smul.u32 $0xF7A, s1;
	s8 =	simm.s32 @!p0 $0x1BF5;
	p2 =	por !p2, p0  }
0x20: {  	[sflag:s8] =	ssyncset.s32 @!p0 $0xFFFFF086;
	s6 =	sadd.s32 @!p0 s3, s7;
	s7 =	simm.s32 @!p0 $0x108  }
0x21: {  	s3 =	sadd.s32 s3, s9;
	s6 =	sadd.s32 @!p0 $0x88, s6;
	s7 =	simm.s32 @p2 $0x1082  }
0x22: {  	[simem:s7], [sflag:s8] =	dma.local @!p0 [hbm:s6], $0xF7A  }
0x23: {  	s9 =	sor.u32 $0xD0000000, s2;
	s6 =	simm.s32 $0x108;
	_ =	swait.ge @!p0 [sflag:s8], $0x0  }
0x24: {  	s3 =	sadd.s32 $0x88, s3;
	s6 =	simm.s32 @!p1 $0x1082;
	[sflag:s4] =	ssyncset.s32 $0xFFFFF086  }
0x25: {  	[simem:s6], [sflag:s4] =	dma.local [hbm:s3], $0xF7A  }
0x26: {  	[smem:$0x3F9B] =	sst s1;
	(tag) =	ssettag s2;
	_ =	strace s9  }
0x27: {  	s1 =	sld [smem:$0x3FAB]  }
0x28: {  	s2 =	sld [smem:$0x3FAC]  }
0x29: {  	s4 =	sld [smem:$0x3FAE]  }
0x2a: {  	p0 =	seq.s32 s5, $0x0;
	s5 =	sld [smem:$0x3FAF]  }
0x2b: {  	s6 =	sld [smem:$0x3FB0]  }
0x2c: {  	s7 =	sld [smem:$0x3FB1]  }
0x2d: {  	s3 =	simm.s32 $0x108;
	s8 =	sld [smem:$0x3FB2]  }
0x2e: {  	s3 =	simm.s32 @!p0 $0x1082;
	s9 =	sld [smem:$0x3FB3]  }
0x2f: {  	lr =	sadd.s32 s0, s3;
	s0 =	sld [smem:$0x3FAA]  }
0x30: {  	s3 =	sld [smem:$0x3FAD]  }
0x31: {  	[smem:$0x3FB6] =	sst s10  }
0x32: {  	s10 =	sld [smem:$0x3FB4];
	_ =	sdelay $0x3  }
0x33: {  	p0 =	seq.s32 s10, $0x1;
	s10 =	sld [smem:$0x3FB6];
	_ =	sdelay $0x3  }
0x34: {  	[smem:$0x3FB6] =	sst s10  }
0x35: {  	s10 =	sld [smem:$0x3FB5];
	_ =	sdelay $0x3  }
0x36: {  	p1 =	seq.s32 s10, $0x1;
	s10 =	sld [smem:$0x3FB6];
	_ =	sdelay $0x3  }
0x37: {  	[smem:$0x3FB6] =	sst s10  }
0x38: {  	s10 =	sld [smem:$0x3FB7]  }
0x39: {  	_ = 	snop;
	(pc) =	sbr.ind lr, $3  }
0x3a: {  	_ = 	snop  }
0x3b: {  	_ = 	snop  }
0x3c: {  	p2 =	seq.s32 s10, $0x1;
	s10 =	sld [smem:$0x3FB6]  }
0x3d: {  	_ =	shalt  }
0x3e: {  	_ =	shalt  }
0x3f: {  	_ =	shalt  }
0x40: {  	_ =	shalt  }
0x41: {  	_ =	shalt  }
0x42: {  	_ =	shalt  }
0x43: {  	_ =	shalt  }
0x44: {  	_ =	shalt  }
0x45: {  	_ =	shalt  }
0x46: {  	_ =	shalt  }
0x47: {  	_ =	shalt  }
0x48: {  	_ =	shalt  }
0x49: {  	_ =	shalt  }
0x4a: {  	_ =	shalt  }
0x4b: {  	_ =	shalt  }
0x4c: {  	_ =	shalt  }
0x4d: {  	_ =	shalt  }
0x4e: {  	_ =	shalt  }
0x4f: {  	_ =	shalt  }
0x50: {  	_ =	shalt  }
0x51: {  	_ =	shalt  }
0x52: {  	_ =	shalt  }
0x53: {  	_ =	shalt  }
0x54: {  	_ =	shalt  }
0x55: {  	_ =	shalt  }
0x56: {  	_ =	shalt  }
0x57: {  	_ =	shalt  }
0x58: {  	_ =	shalt  }
0x59: {  	_ =	shalt  }
0x5a: {  	_ =	shalt  }
0x5b: {  	_ =	shalt  }
0x5c: {  	_ =	shalt  }
0x5d: {  	_ =	shalt  }
0x5e: {  	_ =	shalt  }
0x5f: {  	_ =	shalt  }
0x60: {  	_ =	shalt  }
0x61: {  	_ =	shalt  }
0x62: {  	_ =	shalt  }
0x63: {  	_ =	shalt  }
0x64: {  	_ =	shalt  }
0x65: {  	_ =	shalt  }
0x66: {  	_ =	shalt  }
0x67: {  	_ =	shalt  }
0x68: {  	_ =	shalt  }
0x69: {  	_ =	shalt  }
0x6a: {  	_ =	shalt  }
0x6b: {  	_ =	shalt  }
0x6c: {  	_ =	shalt  }
0x6d: {  	_ =	shalt  }
0x6e: {  	_ =	shalt  }
0x6f: {  	_ =	shalt  }
0x70: {  	_ =	shalt  }
0x71: {  	_ =	shalt  }
0x72: {  	_ =	shalt  }
0x73: {  	_ =	shalt  }
0x74: {  	_ =	shalt  }
0x75: {  	_ =	shalt  }
0x76: {  	_ =	shalt  }
0x77: {  	_ =	shalt  }
0x78: {  	_ =	shalt  }
0x79: {  	_ =	shalt  }
0x7a: {  	_ =	shalt  }
0x7b: {  	_ =	shalt  }
0x7c: {  	_ =	shalt  }
0x7d: {  	_ =	shalt  }
0x7e: {  	_ =	shalt  }
0x7f: {  	_ =	shalt  }
0x80: {  	_ =	shalt  }
0x81: {  	_ =	shalt  }
0x82: {  	_ =	shalt  }
0x83: {  	_ =	shalt  }
0x84: {  	_ =	shalt  }
0x85: {  	_ =	shalt  }
0x86: {  	_ =	shalt  }
0x87: {  	_ =	shalt  }
.Lfunc_end0:
.L_simem_size_0:
called_computation_lowered:
.L_overlay_start_0:
0x88: {  	s2 =	sld [smem:$0x3FD9]  }
0x89: {  	s3 =	sld [smem:$0x3FFE];
	_ =	sdelay $0x1  }
0x8a: {  	s1 =	srdreg.scid  }
0x8b: {  	s0 =	sand.u32 $0x1, s1  }
0x8c: {  	s14 =	sshll.u32 s0, $0xA;
	s2 =	sadd.s32 s3, s2  }
0x8d: {  	s2 =	sadd.s32 s2, s14  }
0x8e: {  	[smem:$0x3FC2] =	sst s2  }
0x8f: {  	_ = 	snop  }
0x90: {  	s2 =	sld [smem:$0x3FD0];
	_ =	sdelay $0x2  }
0x91: {  	s4 =	simm.s32 $0xA;
	s5 =	simm.s32 $0x10;
	s15 =	sld [smem:$0x3FC9]  }
0x92: {  	[smem:s5], [sflag:s4] =	dma.local [hbm:s2], $0x1  }
0x93: {  	_ =	swait.eq [sflag:s4], $0x1  }
0x94: {  	[sflag:s4] =	ssyncset.done $0x0  }
0x95: {  	[sflag:s4] =	ssyncadd.s32 $0xFFFFFFFF  }
0x96: {  	s16 =	sld [smem:$0x10];
	(tm) =	ssettm $0x1  }
0x97: {  	s17 =	sld [smem:$0x3FFB];
	_ =	sdelay $0x3  }
0x98: {  	_ =	strace s17  }
0x99: {  	s4 =	sld [smem:$0x3FFC];
	_ =	sdelay $0x3  }
0x9a: {  	_ =	strace s4  }
0x9b: {  	s4 =	sld [smem:$0x3FFD];
	_ =	sdelay $0x3  }
0x9c: {  	_ =	strace s4  }
0x9d: {  	_ =	strace $0x8FFFFFFF  }
0x9e: {  	s18 =	sld [smem:$0x3FDB];
	_ =	sdelay $0x1  }
0x9f: {  	s19 =	simm.s32 $_scs_section_size  }
0xa0: {  	s6 =	simm.s32 $_size__tile_overlayer_lowered;
	s7 =	simm.s32 $_tile_overlayer_lowered  }
0xa1: {  	s22 =	simm.s32 $0x1BFF;
	s21 =	sshll.u32 s7, $0x1;
	s4 =	sadd.s32 s19, s18  }
0xa2: {  	s8 =	simm.s32 $0x0;
	s20 =	sshll.u32 s6, $0x1;
	s6 =	sadd.s32 s21, s4  }
0xa3: {  	[timem:s8], [sflag:s22] =	dma.local [hbm:s6], s20  }
0xa4: {  	_ =	swait.ge [sflag:s22], s20  }
0xa5: {  	s5 =	ssub.s32 $0x0, s20;
	[sflag:s22] =	ssyncset.done $0x0  }
0xa6: {  	[sflag:s22] =	ssyncadd.s32 s5;
	_ =	sdelay $0x1  }
0xa7: {  	s23 =	simm.s32 $0x1B8B  }
0xa8: {  	_ =	swait.ge [sflag:s23], $0x1  }
0xa9: {  	[sflag:s23] =	ssyncset.done $0x0  }
0xaa: {  	s25 =	simm.s32 $0x1B8E;
	s24 =	sld [smem:$0x3FFE];
	[sflag:s23] =	ssyncadd.s32 $0xFFFFFFFF  }
0xab: {  	s26 =	simm.s32 $execute0_lowered;
	[smem:$0x3FD2] =	sst s25  }
0xac: {  	s6 =	sshll.u32 s26, $0x1;
	_ =	strace $0x80000046;
	[dreg:$0x1] =	wrdreg $0xFFFFFFFF  }
0xad: {  	s28 =	simm.s32 $_size_execute0_lowered;
	s4 =	sadd.s32 s4, s6;
	[dreg:$0x0] =	wrdreg $0x0  }
0xae: {  	s6 =	sshll.u32 s28, $0x1;
	[dreg:$0x2] =	wrdreg s4  }
0xaf: {  	[dreg:$0x3] =	wrdreg s6  }
0xb0: {  	[dreg:$0x4] =	wrdreg $0xC0  }
0xb1: {  	_ =	task [dreg:s8], $0x5FFFF  }
0xb2: {  	[dreg:$0x1] =	wrdreg $0xFFFFFFFF  }
0xb3: {  	[dreg:$0x0] =	wrdreg $0x60  }
0xb4: {  	[dreg:$0x2] =	wrdreg s15  }
0xb5: {  	[dreg:$0x3] =	wrdreg s16  }
0xb6: {  	[dreg:$0x4] =	wrdreg s24  }
0xb7: {  	[dreg:$0x5] =	wrdreg $0x9  }
0xb8: {  	_ =	task.clear_ibuf [dreg:s8], $0x6FFFF;
	_ =	strace $0x90000046  }
0xb9: {  	s29 =	simm.s32 $0x9;
	_ =	strace $0x80000048  }
0xba: {  	_ =	swait.ge [sflag:s29], $0x1  }
0xbb: {  	[sflag:s29] =	ssyncadd.s32 $0xFFFFFFFF  }
0xbc: {  	_ =	strace $0x90000048  }
0xbd: {  	_ =	sfence  }
0xbe: {  	s30 =	sld [smem:$0x0];
	_ =	sdelay $0x2  }
0xbf: {  	s31 =	sshll.u32 s1, $0xD;
	s1 =	sshrl.u32 s1, $0x2  }
0xc0: {  	s3 =	sand.u32 $0x4000, s31;
	s1 =	sadd.s32 s1, s30  }
0xc1: {  	s0 =	sor.u32 s3, s0;
	s1 =	sshll.u32 s1, $0x11  }
0xc2: {  	s0 =	sor.u32 s1, s0  }
0xc3: {  	s0 =	sadd.s32 $0x8F2B, s0  }
0xc4: {  	[sflag:s0] =	ssyncadd.remote.s32 $0x1  }
0xc5: {  	_ =	sfence.sel $0xFFFF  }
0xc6: {  	[dreg:$0x0] =	wrdreg $0xFFFFFFFF;
	(pc) =	sbr.abs _section_cstart, $3  }
0xc7: {  	[dreg:$0x1] =	wrdreg $0xFFFFFFFF  }
0xc8: {  	_ =	task.clear_ibuf [dreg:s8], $0x2FFFF;
	_ =	strace $0x9FFFFFFF  }
0xc9: {  	(tm) =	ssettm $0x7FFFFFFF  }
tec
execute0_lowered:
.L_overlay_start_1:
0x0: {  	(tag) =	ssettag $0x1  }
0x1: {  	s0 =	rddreg [dreg:$0x0]  }
0x2: {  	s1 =	rddreg [dreg:$0x1]  }
0x3: {  	s6 =	rddreg [dreg:$0x2]  }
0x4: {  	s2 =	simm.s32 $0x0;
	s3 =	srdreg.scid;
	s4 =	stileid.u32  }
0x5: {  	[smem:$0x7FF] =	sst s2;
	s3 =	sand.u32 $0x1, s3;
	s4 =	sshll.u32 s4, $0x9  }
0x6: {  	s7 =	sadd.s32 $0x1A00, s6;
	_ =	strace $0x80000047;
	s5 =	sshll.u32 s3, $0x8  }
0x7: {  	s8 =	ssub.s32 $0x2, s3;
	s3 =	sadd.s32 $0x3000, s6;
	s4 =	sor.u32 s5, s4  }
0x8: {  	s11 =	sshrl.u32 s8, $0x1;
	s5 =	sadd.s32 $0x3200, s6;
	s9 =	sshll.u32 s4, $0x7  }
0x9: {  	s8 =	ssub.s32 s8, s11;
	s13 =	sshrl.u32 s4, $0x3;
	s12 =	sadd.s32 s0, s9  }
0xa: {  	s10 =	sor.u32 $0x40, s4;
	s14 =	sadd.s32 s1, s13;
	[dreg:$0x4] =	wrdreg s12  }
0xb: {  	s15 =	sadd.s32 s7, s13;
	s16 =	sshll.u32 s10, $0x7;
	[dreg:$0x5] =	wrdreg s14  }
0xc: {  	s18 =	sshrl.u32 s10, $0x3;
	[dreg:$0x6] =	wrdreg s15;
	s17 =	sadd.s32 s0, s16  }
0xd: {  	s20 =	sor.u32 $0x80, s4;
	s19 =	sadd.s32 s1, s18;
	[dreg:$0x7] =	wrdreg s17  }
0xe: {  	s22 =	sshll.u32 s20, $0x7;
	s21 =	sadd.s32 s7, s18;
	[dreg:$0x8] =	wrdreg s19  }
0xf: {  	s24 =	sshrl.u32 s20, $0x3;
	s23 =	sadd.s32 s0, s22;
	[dreg:$0x9] =	wrdreg s21  }
0x10: {  	s4 =	sor.u32 $0xC0, s4;
	s25 =	sadd.s32 s1, s24;
	[dreg:$0xa] =	wrdreg s23  }
0x11: {  	s28 =	sshll.u32 s4, $0x7;
	s26 =	sadd.s32 s7, s24;
	[dreg:$0xb] =	wrdreg s25  }
0x12: {  	s29 =	sshrl.u32 s4, $0x3;
	s0 =	sadd.s32 s0, s28;
	[dreg:$0xc] =	wrdreg s26  }
0x13: {  	v2 =	vlaneseq.u32;
	s4 =	sadd.s32 $0x3100, s6;
	s30 =	sadd.s32 s1, s29;
	[dreg:$0xd] =	wrdreg s0  }
0x14: {  	vm0 =	vmmov $0xffff;
	v1 =	vshrl.u32 v2, $0x3;
	s6 =	sadd.s32 $0x3300, s6;
	s31 =	sadd.s32 s7, s29;
	[dreg:$0xe] =	wrdreg s30  }
0x15: {  	v0 =	vand.u32 $0x7, v2;
	v2 =	vor.u32 $0x8, v2;
	v1 =	vmul.u32 $0x8, v1;
	[dreg:$0xf] =	wrdreg s31;
	s0 =	smax.u32 s8, $0x1;
	s8 =	simm.s32 $0x3  }
.LBB2_1:
0x16: {  	[dreg:$0x10] =	wrdreg s0  }
0x17: {  	s20 =	rddreg [dreg:$0x4]  }
0x18: {  	[tilespmem:s2], [sflag:$0x3] =	stream.linear.gather [hbm4b:s20+s2], $0x10000, $0x38;
	[tilespmem:$0x10100] =	vst v63  }
0x19: {  	_ =	swait.ge [sflag:s8], $0x10000  }
0x1a: {  	[sflag:s8] =	ssyncset.done $0x0  }
0x1b: {  	s12 =	simm.s32 $0x10000;
	s11 =	rddreg [dreg:$0x5];
	[sflag:s8] =	ssyncadd.s32 $0xFFFF0000  }
0x1c: {  	[tilespmem:s12], [sflag:$0x3] =	stream.linear.gather [hbm4b:s11+s2], $0x40, $0x38;
	[tilespmem:$0x10100] =	vst v63  }
0x1d: {  	_ =	swait.ge [sflag:s8], $0x40  }
0x1e: {  	[sflag:s8] =	ssyncset.done $0x0  }
0x1f: {  	s14 =	simm.s32 $0x10080;
	s13 =	rddreg [dreg:$0x6];
	[sflag:s8] =	ssyncadd.s32 $0xFFFFFFC0  }
0x20: {  	[tilespmem:s14], [sflag:$0x3] =	stream.linear.gather [hbm4b:s13+s2], $0x40, $0x38;
	[tilespmem:$0x10100] =	vst v63  }
0x21: {  	_ =	swait.ge [sflag:s8], $0x40  }
0x22: {  	[sflag:s8] =	ssyncset.done $0x0  }
0x23: {  	[sflag:s8] =	ssyncadd.s32 $0xFFFFFFC0  }
0x24: {  	v3 =	vld [tilespmem:$0x10000];
	_ =	sdelay $0x4  }
0x25: {  	v4 =	vshll.u32 v3, $0x3  }
0x26: {  	v3 =	vand.u32 $0x7, v3;
	v4 =	vand.u32 $0xFFFFFFC0, v4  }
0x27: {  	v3 =	vor.u32 v3, v4  }
0x28: {  	v4 =	vperm.xlane v3, v0;
	_ =	sdelay $0x1  }
0x29: {  	v4 =	vadd.s32 v1, v4;
	_ =	sdelay $0x4  }
0x2a: {  	[hbm4b:s3+s2] =	stream.indirect_vreg.scatter [tilespmem:s2], [sflag:$0x1], $0x80, v4, vm0, $0xb8;
	[tilespmem:$0x10100] =	vst v63  }
0x2b: {  	s15 =	simm.s32 $0x800;
	v3 =	vperm.xlane v3, v2  }
0x2c: {  	[hbm4b:s4+s2] =	stream.indirect_vreg.scatter [tilespmem:s15], [sflag:$0x1], $0x80, v4, vm0, $0xb8;
	[tilespmem:$0x10100] =	vst v63  }
0x2d: {  	s16 =	simm.s32 $0x1000;
	v3 =	vadd.s32 v1, v3  }
0x2e: {  	[hbm4b:s5+s2] =	stream.indirect_vreg.scatter [tilespmem:s16], [sflag:$0x1], $0x80, v4, vm0, $0xb8;
	[tilespmem:$0x10100] =	vst v63  }
0x2f: {  	s17 =	simm.s32 $0x1800  }
0x30: {  	[hbm4b:s6+s2] =	stream.indirect_vreg.scatter [tilespmem:s17], [sflag:$0x1], $0x80, v4, vm0, $0xb8;
	[tilespmem:$0x10100] =	vst v63  }
0x31: {  	s18 =	simm.s32 $0x2000  }
0x32: {  	[hbm4b:s3+s2] =	stream.indirect_vreg.scatter [tilespmem:s18], [sflag:$0x1], $0x80, v3, vm0, $0xb8;
	[tilespmem:$0x10100] =	vst v63  }
0x33: {  	s20 =	simm.s32 $0x2800  }
0x34: {  	[hbm4b:s4+s2] =	stream.indirect_vreg.scatter [tilespmem:s20], [sflag:$0x1], $0x80, v3, vm0, $0xb8;
	[tilespmem:$0x10100] =	vst v63  }
0x35: {  	s21 =	simm.s32 $0x3000  }
0x36: {  	[hbm4b:s5+s2] =	stream.indirect_vreg.scatter [tilespmem:s21], [sflag:$0x1], $0x80, v3, vm0, $0xb8;
	[tilespmem:$0x10100] =	vst v63  }
0x37: {  	s22 =	simm.s32 $0x3800  }
0x38: {  	[hbm4b:s6+s2] =	stream.indirect_vreg.scatter [tilespmem:s22], [sflag:$0x1], $0x80, v3, vm0, $0xb8;
	[tilespmem:$0x10100] =	vst v63  }
0x39: {  	v3 =	vld [tilespmem:$0x10010];
	_ =	sdelay $0x4  }
0x3a: {  	v33 =	vshll.u32 v3, $0x3  }
0x3b: {  	v3 =	vand.u32 $0x7, v3;
	v4 =	vand.u32 $0xFFFFFFC0, v33  }
0x3c: {  	v3 =	vor.u32 v3, v4  }
0x3d: {  	v4 =	vperm.xlane v3, v0;
	_ =	sdelay $0x1  }
0x3e: {  	v4 =	vadd.s32 v1, v4;
	_ =	sdelay $0x3  }
0x3f: {  	s23 =	simm.s32 $0x4000  }
0x40: {  	[hbm4b:s3+s2] =	stream.indirect_vreg.scatter [tilespmem:s23], [sflag:$0x1], $0x80, v4, vm0, $0xb8;
	[tilespmem:$0x10100] =	vst v63  }
0x41: {  	s24 =	simm.s32 $0x4800;
	v3 =	vperm.xlane v3, v2  }
0x42: {  	[hbm4b:s4+s2] =	stream.indirect_vreg.scatter [tilespmem:s24], [sflag:$0x1], $0x80, v4, vm0, $0xb8;
	[tilespmem:$0x10100] =	vst v63  }
0x43: {  	s25 =	simm.s32 $0x5000;
	v3 =	vadd.s32 v1, v3  }
0x44: {  	[hbm4b:s5+s2] =	stream.indirect_vreg.scatter [tilespmem:s25], [sflag:$0x1], $0x80, v4, vm0, $0xb8;
	[tilespmem:$0x10100] =	vst v63  }
0x45: {  	s26 =	simm.s32 $0x5800  }
0x46: {  	[hbm4b:s6+s2] =	stream.indirect_vreg.scatter [tilespmem:s26], [sflag:$0x1], $0x80, v4, vm0, $0xb8;
	[tilespmem:$0x10100] =	vst v63  }
0x47: {  	s1 =	simm.s32 $0x6000  }
0x48: {  	[hbm4b:s3+s2] =	stream.indirect_vreg.scatter [tilespmem:s1], [sflag:$0x1], $0x80, v3, vm0, $0xb8;
	[tilespmem:$0x10100] =	vst v63  }
0x49: {  	s7 =	simm.s32 $0x6800  }
0x4a: {  	[hbm4b:s4+s2] =	stream.indirect_vreg.scatter [tilespmem:s7], [sflag:$0x1], $0x80, v3, vm0, $0xb8;
	[tilespmem:$0x10100] =	vst v63  }
0x4b: {  	s9 =	simm.s32 $0x7000  }
0x4c: {  	[hbm4b:s5+s2] =	stream.indirect_vreg.scatter [tilespmem:s9], [sflag:$0x1], $0x80, v3, vm0, $0xb8;
	[tilespmem:$0x10100] =	vst v63  }
0x4d: {  	s10 =	simm.s32 $0x7800  }
0x4e: {  	[hbm4b:s6+s2] =	stream.indirect_vreg.scatter [tilespmem:s10], [sflag:$0x1], $0x80, v3, vm0, $0xb8;
	[tilespmem:$0x10100] =	vst v63  }
0x4f: {  	v3 =	vld [tilespmem:$0x10020];
	_ =	sdelay $0x4  }
0x50: {  	v34 =	vshll.u32 v3, $0x3  }
0x51: {  	v3 =	vand.u32 $0x7, v3;
	v4 =	vand.u32 $0xFFFFFFC0, v34  }
0x52: {  	v3 =	vor.u32 v3, v4  }
0x53: {  	v4 =	vperm.xlane v3, v0;
	_ =	sdelay $0x1  }
0x54: {  	v4 =	vadd.s32 v1, v4;
	_ =	sdelay $0x3  }
0x55: {  	s11 =	simm.s32 $0x8000  }
0x56: {  	[hbm4b:s3+s2] =	stream.indirect_vreg.scatter [tilespmem:s11], [sflag:$0x1], $0x80, v4, vm0, $0xb8;
	[tilespmem:$0x10100] =	vst v63  }
0x57: {  	s16 =	simm.s32 $0x8800;
	v3 =	vperm.xlane v3, v2  }
0x58: {  	[hbm4b:s4+s2] =	stream.indirect_vreg.scatter [tilespmem:s16], [sflag:$0x1], $0x80, v4, vm0, $0xb8;
	[tilespmem:$0x10100] =	vst v63  }
0x59: {  	s18 =	simm.s32 $0x9000;
	v3 =	vadd.s32 v1, v3  }
0x5a: {  	[hbm4b:s5+s2] =	stream.indirect_vreg.scatter [tilespmem:s18], [sflag:$0x1], $0x80, v4, vm0, $0xb8;
	[tilespmem:$0x10100] =	vst v63  }
0x5b: {  	s20 =	simm.s32 $0x9800  }
0x5c: {  	[hbm4b:s6+s2] =	stream.indirect_vreg.scatter [tilespmem:s20], [sflag:$0x1], $0x80, v4, vm0, $0xb8;
	[tilespmem:$0x10100] =	vst v63  }
0x5d: {  	s21 =	simm.s32 $0xA000  }
0x5e: {  	[hbm4b:s3+s2] =	stream.indirect_vreg.scatter [tilespmem:s21], [sflag:$0x1], $0x80, v3, vm0, $0xb8;
	[tilespmem:$0x10100] =	vst v63  }
0x5f: {  	s26 =	simm.s32 $0xA800  }
0x60: {  	[hbm4b:s4+s2] =	stream.indirect_vreg.scatter [tilespmem:s26], [sflag:$0x1], $0x80, v3, vm0, $0xb8;
	[tilespmem:$0x10100] =	vst v63  }
0x61: {  	s0 =	simm.s32 $0xB000  }
0x62: {  	[hbm4b:s5+s2] =	stream.indirect_vreg.scatter [tilespmem:s0], [sflag:$0x1], $0x80, v3, vm0, $0xb8;
	[tilespmem:$0x10100] =	vst v63  }
0x63: {  	s1 =	simm.s32 $0xB800  }
0x64: {  	[hbm4b:s6+s2] =	stream.indirect_vreg.scatter [tilespmem:s1], [sflag:$0x1], $0x80, v3, vm0, $0xb8;
	[tilespmem:$0x10100] =	vst v63  }
0x65: {  	v3 =	vld [tilespmem:$0x10030];
	_ =	sdelay $0x4  }
0x66: {  	v35 =	vshll.u32 v3, $0x3  }
0x67: {  	v3 =	vand.u32 $0x7, v3;
	v4 =	vand.u32 $0xFFFFFFC0, v35  }
0x68: {  	v3 =	vor.u32 v3, v4  }
0x69: {  	v4 =	vperm.xlane v3, v0;
	_ =	sdelay $0x1  }
0x6a: {  	v4 =	vadd.s32 v1, v4;
	_ =	sdelay $0x3  }
0x6b: {  	s9 =	simm.s32 $0xC000  }
0x6c: {  	[hbm4b:s3+s2] =	stream.indirect_vreg.scatter [tilespmem:s9], [sflag:$0x1], $0x80, v4, vm0, $0xb8;
	[tilespmem:$0x10100] =	vst v63  }
0x6d: {  	s18 =	simm.s32 $0xC800;
	v3 =	vperm.xlane v3, v2  }
0x6e: {  	[hbm4b:s4+s2] =	stream.indirect_vreg.scatter [tilespmem:s18], [sflag:$0x1], $0x80, v4, vm0, $0xb8;
	[tilespmem:$0x10100] =	vst v63  }
0x6f: {  	s21 =	simm.s32 $0xD000;
	v3 =	vadd.s32 v1, v3  }
0x70: {  	[hbm4b:s5+s2] =	stream.indirect_vreg.scatter [tilespmem:s21], [sflag:$0x1], $0x80, v4, vm0, $0xb8;
	[tilespmem:$0x10100] =	vst v63  }
0x71: {  	s18 =	simm.s32 $0xD800  }
0x72: {  	[hbm4b:s6+s2] =	stream.indirect_vreg.scatter [tilespmem:s18], [sflag:$0x1], $0x80, v4, vm0, $0xb8;
	[tilespmem:$0x10100] =	vst v63  }
0x73: {  	s21 =	simm.s32 $0xE000  }
0x74: {  	[hbm4b:s3+s2] =	stream.indirect_vreg.scatter [tilespmem:s21], [sflag:$0x1], $0x80, v3, vm0, $0xb8;
	[tilespmem:$0x10100] =	vst v63  }
0x75: {  	s20 =	simm.s32 $0xE800  }
0x76: {  	[hbm4b:s4+s2] =	stream.indirect_vreg.scatter [tilespmem:s20], [sflag:$0x1], $0x80, v3, vm0, $0xb8;
	[tilespmem:$0x10100] =	vst v63  }
0x77: {  	s20 =	simm.s32 $0xF000  }
0x78: {  	[hbm4b:s5+s2] =	stream.indirect_vreg.scatter [tilespmem:s20], [sflag:$0x1], $0x80, v3, vm0, $0xb8;
	[tilespmem:$0x10100] =	vst v63  }
0x79: {  	s20 =	simm.s32 $0xF800  }
0x7a: {  	[hbm4b:s6+s2] =	stream.indirect_vreg.scatter [tilespmem:s20], [sflag:$0x1], $0x80, v3, vm0, $0xb8;
	[tilespmem:$0x10100] =	vst v63  }
0x7b: {  	v3 =	vld [tilespmem:$0x10080];
	_ =	sdelay $0x4  }
0x7c: {  	v36 =	vshll.u32 v3, $0x3  }
0x7d: {  	v3 =	vand.u32 $0x7, v3;
	v4 =	vand.u32 $0xFFFFFFC0, v36  }
0x7e: {  	v3 =	vor.u32 v3, v4  }
0x7f: {  	v4 =	vperm.xlane v3, v0;
	_ =	sdelay $0x1  }
0x80: {  	v4 =	vadd.s32 v1, v4;
	_ =	sdelay $0x4  }
0x81: {  	[hbm4b:s3+s2] =	stream.indirect_vreg.scatter [tilespmem:s2], [sflag:$0x2], $0x80, v4, vm0, $0xb8;
	[tilespmem:$0x10100] =	vst v63  }
0x82: {  	s19 =	simm.s32 $0x800;
	v3 =	vperm.xlane v3, v2  }
0x83: {  	[hbm4b:s4+s2] =	stream.indirect_vreg.scatter [tilespmem:s19], [sflag:$0x2], $0x80, v4, vm0, $0xb8;
	[tilespmem:$0x10100] =	vst v63  }
0x84: {  	s14 =	simm.s32 $0x1000;
	v3 =	vadd.s32 v1, v3  }
0x85: {  	[hbm4b:s5+s2] =	stream.indirect_vreg.scatter [tilespmem:s14], [sflag:$0x2], $0x80, v4, vm0, $0xb8;
	[tilespmem:$0x10100] =	vst v63  }
0x86: {  	s28 =	simm.s32 $0x1800  }
0x87: {  	[hbm4b:s6+s2] =	stream.indirect_vreg.scatter [tilespmem:s28], [sflag:$0x2], $0x80, v4, vm0, $0xb8;
	[tilespmem:$0x10100] =	vst v63  }
0x88: {  	s29 =	simm.s32 $0x2000  }
0x89: {  	[hbm4b:s3+s2] =	stream.indirect_vreg.scatter [tilespmem:s29], [sflag:$0x2], $0x80, v3, vm0, $0xb8;
	[tilespmem:$0x10100] =	vst v63  }
0x8a: {  	s30 =	simm.s32 $0x2800  }
0x8b: {  	[hbm4b:s4+s2] =	stream.indirect_vreg.scatter [tilespmem:s30], [sflag:$0x2], $0x80, v3, vm0, $0xb8;
	[tilespmem:$0x10100] =	vst v63  }
0x8c: {  	s31 =	simm.s32 $0x3000  }
0x8d: {  	[hbm4b:s5+s2] =	stream.indirect_vreg.scatter [tilespmem:s31], [sflag:$0x2], $0x80, v3, vm0, $0xb8;
	[tilespmem:$0x10100] =	vst v63  }
0x8e: {  	s22 =	simm.s32 $0x3800  }
0x8f: {  	[hbm4b:s6+s2] =	stream.indirect_vreg.scatter [tilespmem:s22], [sflag:$0x2], $0x80, v3, vm0, $0xb8;
	[tilespmem:$0x10100] =	vst v63  }
0x90: {  	v3 =	vld [tilespmem:$0x10090];
	_ =	sdelay $0x4  }
0x91: {  	v37 =	vshll.u32 v3, $0x3  }
0x92: {  	v3 =	vand.u32 $0x7, v3;
	v4 =	vand.u32 $0xFFFFFFC0, v37  }
0x93: {  	v3 =	vor.u32 v3, v4  }
0x94: {  	v4 =	vperm.xlane v3, v0;
	_ =	sdelay $0x1  }
0x95: {  	v4 =	vadd.s32 v1, v4;
	_ =	sdelay $0x3  }
0x96: {  	s12 =	simm.s32 $0x4000  }
0x97: {  	[hbm4b:s3+s2] =	stream.indirect_vreg.scatter [tilespmem:s12], [sflag:$0x2], $0x80, v4, vm0, $0xb8;
	[tilespmem:$0x10100] =	vst v63  }
0x98: {  	s13 =	simm.s32 $0x4800;
	v3 =	vperm.xlane v3, v2  }
0x99: {  	[hbm4b:s4+s2] =	stream.indirect_vreg.scatter [tilespmem:s13], [sflag:$0x2], $0x80, v4, vm0, $0xb8;
	[tilespmem:$0x10100] =	vst v63  }
0x9a: {  	s31 =	simm.s32 $0x5000;
	v3 =	vadd.s32 v1, v3  }
0x9b: {  	[hbm4b:s5+s2] =	stream.indirect_vreg.scatter [tilespmem:s31], [sflag:$0x2], $0x80, v4, vm0, $0xb8;
	[tilespmem:$0x10100] =	vst v63  }
0x9c: {  	s13 =	simm.s32 $0x5800  }
0x9d: {  	[hbm4b:s6+s2] =	stream.indirect_vreg.scatter [tilespmem:s13], [sflag:$0x2], $0x80, v4, vm0, $0xb8;
	[tilespmem:$0x10100] =	vst v63  }
0x9e: {  	s15 =	simm.s32 $0x6000  }
0x9f: {  	[hbm4b:s3+s2] =	stream.indirect_vreg.scatter [tilespmem:s15], [sflag:$0x2], $0x80, v3, vm0, $0xb8;
	[tilespmem:$0x10100] =	vst v63  }
0xa0: {  	s17 =	simm.s32 $0x6800  }
0xa1: {  	[hbm4b:s4+s2] =	stream.indirect_vreg.scatter [tilespmem:s17], [sflag:$0x2], $0x80, v3, vm0, $0xb8;
	[tilespmem:$0x10100] =	vst v63  }
0xa2: {  	s23 =	simm.s32 $0x7000  }
0xa3: {  	[hbm4b:s5+s2] =	stream.indirect_vreg.scatter [tilespmem:s23], [sflag:$0x2], $0x80, v3, vm0, $0xb8;
	[tilespmem:$0x10100] =	vst v63  }
0xa4: {  	s10 =	simm.s32 $0x7800  }
0xa5: {  	[hbm4b:s6+s2] =	stream.indirect_vreg.scatter [tilespmem:s10], [sflag:$0x2], $0x80, v3, vm0, $0xb8;
	[tilespmem:$0x10100] =	vst v63  }
0xa6: {  	v3 =	vld [tilespmem:$0x100A0];
	_ =	sdelay $0x4  }
0xa7: {  	v38 =	vshll.u32 v3, $0x3  }
0xa8: {  	v3 =	vand.u32 $0x7, v3;
	v4 =	vand.u32 $0xFFFFFFC0, v38  }
0xa9: {  	v3 =	vor.u32 v3, v4  }
0xaa: {  	v4 =	vperm.xlane v3, v0;
	_ =	sdelay $0x1  }
0xab: {  	v4 =	vadd.s32 v1, v4;
	_ =	sdelay $0x3  }
0xac: {  	s11 =	simm.s32 $0x8000  }
0xad: {  	[hbm4b:s3+s2] =	stream.indirect_vreg.scatter [tilespmem:s11], [sflag:$0x2], $0x80, v4, vm0, $0xb8;
	[tilespmem:$0x10100] =	vst v63  }
0xae: {  	s7 =	simm.s32 $0x8800;
	v3 =	vperm.xlane v3, v2  }
0xaf: {  	[hbm4b:s4+s2] =	stream.indirect_vreg.scatter [tilespmem:s7], [sflag:$0x2], $0x80, v4, vm0, $0xb8;
	[tilespmem:$0x10100] =	vst v63  }
0xb0: {  	s24 =	simm.s32 $0x9000;
	v3 =	vadd.s32 v1, v3  }
0xb1: {  	[hbm4b:s5+s2] =	stream.indirect_vreg.scatter [tilespmem:s24], [sflag:$0x2], $0x80, v4, vm0, $0xb8;
	[tilespmem:$0x10100] =	vst v63  }
0xb2: {  	s25 =	simm.s32 $0x9800  }
0xb3: {  	[hbm4b:s6+s2] =	stream.indirect_vreg.scatter [tilespmem:s25], [sflag:$0x2], $0x80, v4, vm0, $0xb8;
	[tilespmem:$0x10100] =	vst v63  }
0xb4: {  	s15 =	simm.s32 $0xA000  }
0xb5: {  	[hbm4b:s3+s2] =	stream.indirect_vreg.scatter [tilespmem:s15], [sflag:$0x2], $0x80, v3, vm0, $0xb8;
	[tilespmem:$0x10100] =	vst v63  }
0xb6: {  	s26 =	simm.s32 $0xA800  }
0xb7: {  	[hbm4b:s4+s2] =	stream.indirect_vreg.scatter [tilespmem:s26], [sflag:$0x2], $0x80, v3, vm0, $0xb8;
	[tilespmem:$0x10100] =	vst v63  }
0xb8: {  	s16 =	simm.s32 $0xB000  }
0xb9: {  	[hbm4b:s5+s2] =	stream.indirect_vreg.scatter [tilespmem:s16], [sflag:$0x2], $0x80, v3, vm0, $0xb8;
	[tilespmem:$0x10100] =	vst v63  }
0xba: {  	s0 =	simm.s32 $0xB800  }
0xbb: {  	[hbm4b:s6+s2] =	stream.indirect_vreg.scatter [tilespmem:s0], [sflag:$0x2], $0x80, v3, vm0, $0xb8;
	[tilespmem:$0x10100] =	vst v63  }
0xbc: {  	v3 =	vld [tilespmem:$0x100B0];
	_ =	sdelay $0x4  }
0xbd: {  	v39 =	vshll.u32 v3, $0x3  }
0xbe: {  	v3 =	vand.u32 $0x7, v3;
	v4 =	vand.u32 $0xFFFFFFC0, v39  }
0xbf: {  	v3 =	vor.u32 v3, v4  }
0xc0: {  	v4 =	vperm.xlane v3, v0;
	_ =	sdelay $0x1  }
0xc1: {  	v4 =	vadd.s32 v1, v4;
	_ =	sdelay $0x3  }
0xc2: {  	s1 =	simm.s32 $0xC000  }
0xc3: {  	[hbm4b:s3+s2] =	stream.indirect_vreg.scatter [tilespmem:s1], [sflag:$0x2], $0x80, v4, vm0, $0xb8;
	[tilespmem:$0x10100] =	vst v63  }
0xc4: {  	s9 =	simm.s32 $0xC800;
	v3 =	vperm.xlane v3, v2  }
0xc5: {  	[hbm4b:s4+s2] =	stream.indirect_vreg.scatter [tilespmem:s9], [sflag:$0x2], $0x80, v4, vm0, $0xb8;
	[tilespmem:$0x10100] =	vst v63  }
0xc6: {  	s16 =	simm.s32 $0xD000;
	v3 =	vadd.s32 v1, v3  }
0xc7: {  	[hbm4b:s5+s2] =	stream.indirect_vreg.scatter [tilespmem:s16], [sflag:$0x2], $0x80, v4, vm0, $0xb8;
	[tilespmem:$0x10100] =	vst v63  }
0xc8: {  	s18 =	simm.s32 $0xD800  }
0xc9: {  	[hbm4b:s6+s2] =	stream.indirect_vreg.scatter [tilespmem:s18], [sflag:$0x2], $0x80, v4, vm0, $0xb8;
	[tilespmem:$0x10100] =	vst v63  }
0xca: {  	s21 =	simm.s32 $0xE000  }
0xcb: {  	[hbm4b:s3+s2] =	stream.indirect_vreg.scatter [tilespmem:s21], [sflag:$0x2], $0x80, v3, vm0, $0xb8;
	[tilespmem:$0x10100] =	vst v63  }
0xcc: {  	s18 =	simm.s32 $0xE800  }
0xcd: {  	[hbm4b:s4+s2] =	stream.indirect_vreg.scatter [tilespmem:s18], [sflag:$0x2], $0x80, v3, vm0, $0xb8;
	[tilespmem:$0x10100] =	vst v63  }
0xce: {  	s21 =	simm.s32 $0xF000  }
0xcf: {  	[hbm4b:s5+s2] =	stream.indirect_vreg.scatter [tilespmem:s21], [sflag:$0x2], $0x80, v3, vm0, $0xb8;
	[tilespmem:$0x10100] =	vst v63  }
0xd0: {  	s20 =	simm.s32 $0xF800;
	s25 =	simm.s32 $0x1  }
0xd1: {  	[hbm4b:s6+s2] =	stream.indirect_vreg.scatter [tilespmem:s20], [sflag:$0x2], $0x80, v3, vm0, $0xb8;
	[tilespmem:$0x10100] =	vst v63  }
0xd2: {  	_ =	swait.ge [sflag:s25], $0x10000  }
0xd3: {  	[sflag:s25] =	ssyncset.done $0x0  }
0xd4: {  	s26 =	simm.s32 $0x2;
	[sflag:s25] =	ssyncadd.s32 $0xFFFF0000  }
0xd5: {  	_ =	swait.ge [sflag:s26], $0x10000  }
0xd6: {  	[sflag:s26] =	ssyncset.done $0x0  }
0xd7: {  	s0 =	rddreg [dreg:$0x7];
	[sflag:s26] =	ssyncadd.s32 $0xFFFF0000  }
0xd8: {  	[tilespmem:s2], [sflag:$0x3] =	stream.linear.gather [hbm4b:s0+s2], $0x10000, $0x38;
	[tilespmem:$0x10100] =	vst v63  }
0xd9: {  	_ =	swait.ge [sflag:s8], $0x10000  }
0xda: {  	[sflag:s8] =	ssyncset.done $0x0  }
0xdb: {  	s10 =	simm.s32 $0x10000;
	s1 =	rddreg [dreg:$0x8];
	[sflag:s8] =	ssyncadd.s32 $0xFFFF0000  }
0xdc: {  	[tilespmem:s10], [sflag:$0x3] =	stream.linear.gather [hbm4b:s1+s2], $0x40, $0x38;
	[tilespmem:$0x10100] =	vst v63  }
0xdd: {  	_ =	swait.ge [sflag:s8], $0x40  }
0xde: {  	[sflag:s8] =	ssyncset.done $0x0  }
0xdf: {  	s16 =	simm.s32 $0x10080;
	s15 =	rddreg [dreg:$0x9];
	[sflag:s8] =	ssyncadd.s32 $0xFFFFFFC0  }
0xe0: {  	[tilespmem:s16], [sflag:$0x3] =	stream.linear.gather [hbm4b:s15+s2], $0x40, $0x38;
	[tilespmem:$0x10100] =	vst v63  }
0xe1: {  	_ =	swait.ge [sflag:s8], $0x40  }
0xe2: {  	[sflag:s8] =	ssyncset.done $0x0  }
0xe3: {  	[sflag:s8] =	ssyncadd.s32 $0xFFFFFFC0  }
0xe4: {  	v3 =	vld [tilespmem:$0x10000];
	_ =	sdelay $0x4  }
0xe5: {  	v40 =	vshll.u32 v3, $0x3  }
0xe6: {  	v3 =	vand.u32 $0x7, v3;
	v4 =	vand.u32 $0xFFFFFFC0, v40  }
0xe7: {  	v3 =	vor.u32 v3, v4  }
0xe8: {  	v4 =	vperm.xlane v3, v0;
	_ =	sdelay $0x1  }
0xe9: {  	v4 =	vadd.s32 v1, v4;
	_ =	sdelay $0x4  }
0xea: {  	[hbm4b:s3+s2] =	stream.indirect_vreg.scatter [tilespmem:s2], [sflag:$0x1], $0x80, v4, vm0, $0xb8;
	[tilespmem:$0x10100] =	vst v63  }
0xeb: {  	s18 =	simm.s32 $0x800;
	v3 =	vperm.xlane v3, v2  }
0xec: {  	[hbm4b:s4+s2] =	stream.indirect_vreg.scatter [tilespmem:s18], [sflag:$0x1], $0x80, v4, vm0, $0xb8;
	[tilespmem:$0x10100] =	vst v63  }
0xed: {  	s14 =	simm.s32 $0x1000;
	v3 =	vadd.s32 v1, v3  }
0xee: {  	[hbm4b:s5+s2] =	stream.indirect_vreg.scatter [tilespmem:s14], [sflag:$0x1], $0x80, v4, vm0, $0xb8;
	[tilespmem:$0x10100] =	vst v63  }
0xef: {  	s20 =	simm.s32 $0x1800  }
0xf0: {  	[hbm4b:s6+s2] =	stream.indirect_vreg.scatter [tilespmem:s20], [sflag:$0x1], $0x80, v4, vm0, $0xb8;
	[tilespmem:$0x10100] =	vst v63  }
0xf1: {  	s21 =	simm.s32 $0x2000  }
0xf2: {  	[hbm4b:s3+s2] =	stream.indirect_vreg.scatter [tilespmem:s21], [sflag:$0x1], $0x80, v3, vm0, $0xb8;
	[tilespmem:$0x10100] =	vst v63  }
0xf3: {  	s25 =	simm.s32 $0x2800  }
0xf4: {  	[hbm4b:s4+s2] =	stream.indirect_vreg.scatter [tilespmem:s25], [sflag:$0x1], $0x80, v3, vm0, $0xb8;
	[tilespmem:$0x10100] =	vst v63  }
0xf5: {  	s26 =	simm.s32 $0x3000  }
0xf6: {  	[hbm4b:s5+s2] =	stream.indirect_vreg.scatter [tilespmem:s26], [sflag:$0x1], $0x80, v3, vm0, $0xb8;
	[tilespmem:$0x10100] =	vst v63  }
0xf7: {  	s22 =	simm.s32 $0x3800  }
0xf8: {  	[hbm4b:s6+s2] =	stream.indirect_vreg.scatter [tilespmem:s22], [sflag:$0x1], $0x80, v3, vm0, $0xb8;
	[tilespmem:$0x10100] =	vst v63  }
0xf9: {  	v3 =	vld [tilespmem:$0x10010];
	_ =	sdelay $0x4  }
0xfa: {  	v41 =	vshll.u32 v3, $0x3  }
0xfb: {  	v3 =	vand.u32 $0x7, v3;
	v4 =	vand.u32 $0xFFFFFFC0, v41  }
0xfc: {  	v3 =	vor.u32 v3, v4  }
0xfd: {  	v4 =	vperm.xlane v3, v0;
	_ =	sdelay $0x1  }
0xfe: {  	v4 =	vadd.s32 v1, v4;
	_ =	sdelay $0x3  }
0xff: {  	s1 =	simm.s32 $0x4000  }
0x100: {  	[hbm4b:s3+s2] =	stream.indirect_vreg.scatter [tilespmem:s1], [sflag:$0x1], $0x80, v4, vm0, $0xb8;
	[tilespmem:$0x10100] =	vst v63  }
0x101: {  	s20 =	simm.s32 $0x4800;
	v3 =	vperm.xlane v3, v2  }
0x102: {  	[hbm4b:s4+s2] =	stream.indirect_vreg.scatter [tilespmem:s20], [sflag:$0x1], $0x80, v4, vm0, $0xb8;
	[tilespmem:$0x10100] =	vst v63  }
0x103: {  	s25 =	simm.s32 $0x5000;
	v3 =	vadd.s32 v1, v3  }
0x104: {  	[hbm4b:s5+s2] =	stream.indirect_vreg.scatter [tilespmem:s25], [sflag:$0x1], $0x80, v4, vm0, $0xb8;
	[tilespmem:$0x10100] =	vst v63  }
0x105: {  	s12 =	simm.s32 $0x5800  }
0x106: {  	[hbm4b:s6+s2] =	stream.indirect_vreg.scatter [tilespmem:s12], [sflag:$0x1], $0x80, v4, vm0, $0xb8;
	[tilespmem:$0x10100] =	vst v63  }
0x107: {  	s28 =	simm.s32 $0x6000  }
0x108: {  	[hbm4b:s3+s2] =	stream.indirect_vreg.scatter [tilespmem:s28], [sflag:$0x1], $0x80, v3, vm0, $0xb8;
	[tilespmem:$0x10100] =	vst v63  }
0x109: {  	s29 =	simm.s32 $0x6800  }
0x10a: {  	[hbm4b:s4+s2] =	stream.indirect_vreg.scatter [tilespmem:s29], [sflag:$0x1], $0x80, v3, vm0, $0xb8;
	[tilespmem:$0x10100] =	vst v63  }
0x10b: {  	s30 =	simm.s32 $0x7000  }
0x10c: {  	[hbm4b:s5+s2] =	stream.indirect_vreg.scatter [tilespmem:s30], [sflag:$0x1], $0x80, v3, vm0, $0xb8;
	[tilespmem:$0x10100] =	vst v63  }
0x10d: {  	s26 =	simm.s32 $0x7800  }
0x10e: {  	[hbm4b:s6+s2] =	stream.indirect_vreg.scatter [tilespmem:s26], [sflag:$0x1], $0x80, v3, vm0, $0xb8;
	[tilespmem:$0x10100] =	vst v63  }
0x10f: {  	v3 =	vld [tilespmem:$0x10020];
	_ =	sdelay $0x4  }
0x110: {  	v42 =	vshll.u32 v3, $0x3  }
0x111: {  	v3 =	vand.u32 $0x7, v3;
	v4 =	vand.u32 $0xFFFFFFC0, v42  }
0x112: {  	v3 =	vor.u32 v3, v4  }
0x113: {  	v4 =	vperm.xlane v3, v0;
	_ =	sdelay $0x1  }
0x114: {  	v4 =	vadd.s32 v1, v4;
	_ =	sdelay $0x3  }
0x115: {  	s1 =	simm.s32 $0x8000  }
0x116: {  	[hbm4b:s3+s2] =	stream.indirect_vreg.scatter [tilespmem:s1], [sflag:$0x1], $0x80, v4, vm0, $0xb8;
	[tilespmem:$0x10100] =	vst v63  }
0x117: {  	s19 =	simm.s32 $0x8800;
	v3 =	vperm.xlane v3, v2  }
0x118: {  	[hbm4b:s4+s2] =	stream.indirect_vreg.scatter [tilespmem:s19], [sflag:$0x1], $0x80, v4, vm0, $0xb8;
	[tilespmem:$0x10100] =	vst v63  }
0x119: {  	s31 =	simm.s32 $0x9000;
	v3 =	vadd.s32 v1, v3  }
0x11a: {  	[hbm4b:s5+s2] =	stream.indirect_vreg.scatter [tilespmem:s31], [sflag:$0x1], $0x80, v4, vm0, $0xb8;
	[tilespmem:$0x10100] =	vst v63  }
0x11b: {  	s20 =	simm.s32 $0x9800  }
0x11c: {  	[hbm4b:s6+s2] =	stream.indirect_vreg.scatter [tilespmem:s20], [sflag:$0x1], $0x80, v4, vm0, $0xb8;
	[tilespmem:$0x10100] =	vst v63  }
0x11d: {  	s20 =	simm.s32 $0xA000  }
0x11e: {  	[hbm4b:s3+s2] =	stream.indirect_vreg.scatter [tilespmem:s20], [sflag:$0x1], $0x80, v3, vm0, $0xb8;
	[tilespmem:$0x10100] =	vst v63  }
0x11f: {  	s0 =	simm.s32 $0xA800  }
0x120: {  	[hbm4b:s4+s2] =	stream.indirect_vreg.scatter [tilespmem:s0], [sflag:$0x1], $0x80, v3, vm0, $0xb8;
	[tilespmem:$0x10100] =	vst v63  }
0x121: {  	s17 =	simm.s32 $0xB000  }
0x122: {  	[hbm4b:s5+s2] =	stream.indirect_vreg.scatter [tilespmem:s17], [sflag:$0x1], $0x80, v3, vm0, $0xb8;
	[tilespmem:$0x10100] =	vst v63  }
0x123: {  	s26 =	simm.s32 $0xB800  }
0x124: {  	[hbm4b:s6+s2] =	stream.indirect_vreg.scatter [tilespmem:s26], [sflag:$0x1], $0x80, v3, vm0, $0xb8;
	[tilespmem:$0x10100] =	vst v63  }
0x125: {  	v3 =	vld [tilespmem:$0x10030];
	_ =	sdelay $0x4  }
0x126: {  	v43 =	vshll.u32 v3, $0x3  }
0x127: {  	v3 =	vand.u32 $0x7, v3;
	v4 =	vand.u32 $0xFFFFFFC0, v43  }
0x128: {  	v3 =	vor.u32 v3, v4  }
0x129: {  	v4 =	vperm.xlane v3, v0;
	_ =	sdelay $0x1  }
0x12a: {  	v4 =	vadd.s32 v1, v4;
	_ =	sdelay $0x3  }
0x12b: {  	s1 =	simm.s32 $0xC000  }
0x12c: {  	[hbm4b:s3+s2] =	stream.indirect_vreg.scatter [tilespmem:s1], [sflag:$0x1], $0x80, v4, vm0, $0xb8;
	[tilespmem:$0x10100] =	vst v63  }
0x12d: {  	v3 =	vperm.xlane v3, v2;
	s1 =	simm.s32 $0xC800  }
0x12e: {  	[hbm4b:s4+s2] =	stream.indirect_vreg.scatter [tilespmem:s1], [sflag:$0x1], $0x80, v4, vm0, $0xb8;
	[tilespmem:$0x10100] =	vst v63  }
0x12f: {  	s13 =	simm.s32 $0xD000;
	v3 =	vadd.s32 v1, v3  }
0x130: {  	[hbm4b:s5+s2] =	stream.indirect_vreg.scatter [tilespmem:s13], [sflag:$0x1], $0x80, v4, vm0, $0xb8;
	[tilespmem:$0x10100] =	vst v63  }
0x131: {  	s23 =	simm.s32 $0xD800  }
0x132: {  	[hbm4b:s6+s2] =	stream.indirect_vreg.scatter [tilespmem:s23], [sflag:$0x1], $0x80, v4, vm0, $0xb8;
	[tilespmem:$0x10100] =	vst v63  }
0x133: {  	s24 =	simm.s32 $0xE000  }
0x134: {  	[hbm4b:s3+s2] =	stream.indirect_vreg.scatter [tilespmem:s24], [sflag:$0x1], $0x80, v3, vm0, $0xb8;
	[tilespmem:$0x10100] =	vst v63  }
0x135: {  	s11 =	simm.s32 $0xE800  }
0x136: {  	[hbm4b:s4+s2] =	stream.indirect_vreg.scatter [tilespmem:s11], [sflag:$0x1], $0x80, v3, vm0, $0xb8;
	[tilespmem:$0x10100] =	vst v63  }
0x137: {  	s1 =	simm.s32 $0xF000  }
0x138: {  	[hbm4b:s5+s2] =	stream.indirect_vreg.scatter [tilespmem:s1], [sflag:$0x1], $0x80, v3, vm0, $0xb8;
	[tilespmem:$0x10100] =	vst v63  }
0x139: {  	s1 =	simm.s32 $0xF800  }
0x13a: {  	[hbm4b:s6+s2] =	stream.indirect_vreg.scatter [tilespmem:s1], [sflag:$0x1], $0x80, v3, vm0, $0xb8;
	[tilespmem:$0x10100] =	vst v63  }
0x13b: {  	v3 =	vld [tilespmem:$0x10080];
	_ =	sdelay $0x4  }
0x13c: {  	v44 =	vshll.u32 v3, $0x3  }
0x13d: {  	v3 =	vand.u32 $0x7, v3;
	v4 =	vand.u32 $0xFFFFFFC0, v44  }
0x13e: {  	v3 =	vor.u32 v3, v4  }
0x13f: {  	v4 =	vperm.xlane v3, v0;
	_ =	sdelay $0x1  }
0x140: {  	v4 =	vadd.s32 v1, v4;
	_ =	sdelay $0x4  }
0x141: {  	[hbm4b:s3+s2] =	stream.indirect_vreg.scatter [tilespmem:s2], [sflag:$0x2], $0x80, v4, vm0, $0xb8;
	[tilespmem:$0x10100] =	vst v63  }
0x142: {  	s10 =	simm.s32 $0x800;
	v3 =	vperm.xlane v3, v2  }
0x143: {  	[hbm4b:s4+s2] =	stream.indirect_vreg.scatter [tilespmem:s10], [sflag:$0x2], $0x80, v4, vm0, $0xb8;
	[tilespmem:$0x10100] =	vst v63  }
0x144: {  	s14 =	simm.s32 $0x1000;
	v3 =	vadd.s32 v1, v3  }
0x145: {  	[hbm4b:s5+s2] =	stream.indirect_vreg.scatter [tilespmem:s14], [sflag:$0x2], $0x80, v4, vm0, $0xb8;
	[tilespmem:$0x10100] =	vst v63  }
0x146: {  	s15 =	simm.s32 $0x1800  }
0x147: {  	[hbm4b:s6+s2] =	stream.indirect_vreg.scatter [tilespmem:s15], [sflag:$0x2], $0x80, v4, vm0, $0xb8;
	[tilespmem:$0x10100] =	vst v63  }
0x148: {  	s16 =	simm.s32 $0x2000  }
0x149: {  	[hbm4b:s3+s2] =	stream.indirect_vreg.scatter [tilespmem:s16], [sflag:$0x2], $0x80, v3, vm0, $0xb8;
	[tilespmem:$0x10100] =	vst v63  }
0x14a: {  	s18 =	simm.s32 $0x2800  }
0x14b: {  	[hbm4b:s4+s2] =	stream.indirect_vreg.scatter [tilespmem:s18], [sflag:$0x2], $0x80, v3, vm0, $0xb8;
	[tilespmem:$0x10100] =	vst v63  }
0x14c: {  	s21 =	simm.s32 $0x3000  }
0x14d: {  	[hbm4b:s5+s2] =	stream.indirect_vreg.scatter [tilespmem:s21], [sflag:$0x2], $0x80, v3, vm0, $0xb8;
	[tilespmem:$0x10100] =	vst v63  }
0x14e: {  	s22 =	simm.s32 $0x3800  }
0x14f: {  	[hbm4b:s6+s2] =	stream.indirect_vreg.scatter [tilespmem:s22], [sflag:$0x2], $0x80, v3, vm0, $0xb8;
	[tilespmem:$0x10100] =	vst v63  }
0x150: {  	v3 =	vld [tilespmem:$0x10090];
	_ =	sdelay $0x4  }
0x151: {  	v45 =	vshll.u32 v3, $0x3  }
0x152: {  	v3 =	vand.u32 $0x7, v3;
	v4 =	vand.u32 $0xFFFFFFC0, v45  }
0x153: {  	v3 =	vor.u32 v3, v4  }
0x154: {  	v4 =	vperm.xlane v3, v0;
	_ =	sdelay $0x1  }
0x155: {  	v4 =	vadd.s32 v1, v4;
	_ =	sdelay $0x3  }
0x156: {  	s18 =	simm.s32 $0x4000  }
0x157: {  	[hbm4b:s3+s2] =	stream.indirect_vreg.scatter [tilespmem:s18], [sflag:$0x2], $0x80, v4, vm0, $0xb8;
	[tilespmem:$0x10100] =	vst v63  }
0x158: {  	s21 =	simm.s32 $0x4800;
	v3 =	vperm.xlane v3, v2  }
0x159: {  	[hbm4b:s4+s2] =	stream.indirect_vreg.scatter [tilespmem:s21], [sflag:$0x2], $0x80, v4, vm0, $0xb8;
	[tilespmem:$0x10100] =	vst v63  }
0x15a: {  	s25 =	simm.s32 $0x5000;
	v3 =	vadd.s32 v1, v3  }
0x15b: {  	[hbm4b:s5+s2] =	stream.indirect_vreg.scatter [tilespmem:s25], [sflag:$0x2], $0x80, v4, vm0, $0xb8;
	[tilespmem:$0x10100] =	vst v63  }
0x15c: {  	s12 =	simm.s32 $0x5800  }
0x15d: {  	[hbm4b:s6+s2] =	stream.indirect_vreg.scatter [tilespmem:s12], [sflag:$0x2], $0x80, v4, vm0, $0xb8;
	[tilespmem:$0x10100] =	vst v63  }
0x15e: {  	s28 =	simm.s32 $0x6000  }
0x15f: {  	[hbm4b:s3+s2] =	stream.indirect_vreg.scatter [tilespmem:s28], [sflag:$0x2], $0x80, v3, vm0, $0xb8;
	[tilespmem:$0x10100] =	vst v63  }
0x160: {  	s29 =	simm.s32 $0x6800  }
0x161: {  	[hbm4b:s4+s2] =	stream.indirect_vreg.scatter [tilespmem:s29], [sflag:$0x2], $0x80, v3, vm0, $0xb8;
	[tilespmem:$0x10100] =	vst v63  }
0x162: {  	s30 =	simm.s32 $0x7000  }
0x163: {  	[hbm4b:s5+s2] =	stream.indirect_vreg.scatter [tilespmem:s30], [sflag:$0x2], $0x80, v3, vm0, $0xb8;
	[tilespmem:$0x10100] =	vst v63  }
0x164: {  	s29 =	simm.s32 $0x7800  }
0x165: {  	[hbm4b:s6+s2] =	stream.indirect_vreg.scatter [tilespmem:s29], [sflag:$0x2], $0x80, v3, vm0, $0xb8;
	[tilespmem:$0x10100] =	vst v63  }
0x166: {  	v3 =	vld [tilespmem:$0x100A0];
	_ =	sdelay $0x4  }
0x167: {  	v46 =	vshll.u32 v3, $0x3  }
0x168: {  	v3 =	vand.u32 $0x7, v3;
	v4 =	vand.u32 $0xFFFFFFC0, v46  }
0x169: {  	v3 =	vor.u32 v3, v4  }
0x16a: {  	v4 =	vperm.xlane v3, v0;
	_ =	sdelay $0x1  }
0x16b: {  	v4 =	vadd.s32 v1, v4;
	_ =	sdelay $0x3  }
0x16c: {  	s30 =	simm.s32 $0x8000  }
0x16d: {  	[hbm4b:s3+s2] =	stream.indirect_vreg.scatter [tilespmem:s30], [sflag:$0x2], $0x80, v4, vm0, $0xb8;
	[tilespmem:$0x10100] =	vst v63  }
0x16e: {  	s19 =	simm.s32 $0x8800;
	v3 =	vperm.xlane v3, v2  }
0x16f: {  	[hbm4b:s4+s2] =	stream.indirect_vreg.scatter [tilespmem:s19], [sflag:$0x2], $0x80, v4, vm0, $0xb8;
	[tilespmem:$0x10100] =	vst v63  }
0x170: {  	s31 =	simm.s32 $0x9000;
	v3 =	vadd.s32 v1, v3  }
0x171: {  	[hbm4b:s5+s2] =	stream.indirect_vreg.scatter [tilespmem:s31], [sflag:$0x2], $0x80, v4, vm0, $0xb8;
	[tilespmem:$0x10100] =	vst v63  }
0x172: {  	s31 =	simm.s32 $0x9800  }
0x173: {  	[hbm4b:s6+s2] =	stream.indirect_vreg.scatter [tilespmem:s31], [sflag:$0x2], $0x80, v4, vm0, $0xb8;
	[tilespmem:$0x10100] =	vst v63  }
0x174: {  	_ = 	snop  }
0x175: {  	[hbm4b:s3+s2] =	stream.indirect_vreg.scatter [tilespmem:s20], [sflag:$0x2], $0x80, v3, vm0, $0xb8;
	[tilespmem:$0x10100] =	vst v63  }
0x176: {  	_ = 	snop  }
0x177: {  	[hbm4b:s4+s2] =	stream.indirect_vreg.scatter [tilespmem:s0], [sflag:$0x2], $0x80, v3, vm0, $0xb8;
	[tilespmem:$0x10100] =	vst v63  }
0x178: {  	s17 =	simm.s32 $0xB000  }
0x179: {  	[hbm4b:s5+s2] =	stream.indirect_vreg.scatter [tilespmem:s17], [sflag:$0x2], $0x80, v3, vm0, $0xb8;
	[tilespmem:$0x10100] =	vst v63  }
0x17a: {  	s26 =	simm.s32 $0xB800  }
0x17b: {  	[hbm4b:s6+s2] =	stream.indirect_vreg.scatter [tilespmem:s26], [sflag:$0x2], $0x80, v3, vm0, $0xb8;
	[tilespmem:$0x10100] =	vst v63  }
0x17c: {  	v3 =	vld [tilespmem:$0x100B0];
	_ =	sdelay $0x4  }
0x17d: {  	v47 =	vshll.u32 v3, $0x3  }
0x17e: {  	v3 =	vand.u32 $0x7, v3;
	v4 =	vand.u32 $0xFFFFFFC0, v47  }
0x17f: {  	v3 =	vor.u32 v3, v4  }
0x180: {  	v4 =	vperm.xlane v3, v0;
	_ =	sdelay $0x1  }
0x181: {  	v4 =	vadd.s32 v1, v4;
	_ =	sdelay $0x3  }
0x182: {  	s25 =	simm.s32 $0xC000  }
0x183: {  	[hbm4b:s3+s2] =	stream.indirect_vreg.scatter [tilespmem:s25], [sflag:$0x2], $0x80, v4, vm0, $0xb8;
	[tilespmem:$0x10100] =	vst v63  }
0x184: {  	s26 =	simm.s32 $0xC800;
	v3 =	vperm.xlane v3, v2  }
0x185: {  	[hbm4b:s4+s2] =	stream.indirect_vreg.scatter [tilespmem:s26], [sflag:$0x2], $0x80, v4, vm0, $0xb8;
	[tilespmem:$0x10100] =	vst v63  }
0x186: {  	s13 =	simm.s32 $0xD000;
	v3 =	vadd.s32 v1, v3  }
0x187: {  	[hbm4b:s5+s2] =	stream.indirect_vreg.scatter [tilespmem:s13], [sflag:$0x2], $0x80, v4, vm0, $0xb8;
	[tilespmem:$0x10100] =	vst v63  }
0x188: {  	s23 =	simm.s32 $0xD800  }
0x189: {  	[hbm4b:s6+s2] =	stream.indirect_vreg.scatter [tilespmem:s23], [sflag:$0x2], $0x80, v4, vm0, $0xb8;
	[tilespmem:$0x10100] =	vst v63  }
0x18a: {  	s24 =	simm.s32 $0xE000  }
0x18b: {  	[hbm4b:s3+s2] =	stream.indirect_vreg.scatter [tilespmem:s24], [sflag:$0x2], $0x80, v3, vm0, $0xb8;
	[tilespmem:$0x10100] =	vst v63  }
0x18c: {  	s11 =	simm.s32 $0xE800  }
0x18d: {  	[hbm4b:s4+s2] =	stream.indirect_vreg.scatter [tilespmem:s11], [sflag:$0x2], $0x80, v3, vm0, $0xb8;
	[tilespmem:$0x10100] =	vst v63  }
0x18e: {  	s30 =	simm.s32 $0xF000  }
0x18f: {  	[hbm4b:s5+s2] =	stream.indirect_vreg.scatter [tilespmem:s30], [sflag:$0x2], $0x80, v3, vm0, $0xb8;
	[tilespmem:$0x10100] =	vst v63  }
0x190: {  	s9 =	simm.s32 $0x1  }
0x191: {  	[hbm4b:s6+s2] =	stream.indirect_vreg.scatter [tilespmem:s1], [sflag:$0x2], $0x80, v3, vm0, $0xb8;
	[tilespmem:$0x10100] =	vst v63  }
0x192: {  	_ =	swait.ge [sflag:s9], $0x10000  }
0x193: {  	[sflag:s9] =	ssyncset.done $0x0  }
0x194: {  	s7 =	simm.s32 $0x2;
	[sflag:s9] =	ssyncadd.s32 $0xFFFF0000  }
0x195: {  	_ =	swait.ge [sflag:s7], $0x10000  }
0x196: {  	[sflag:s7] =	ssyncset.done $0x0  }
0x197: {  	s31 =	rddreg [dreg:$0xa];
	[sflag:s7] =	ssyncadd.s32 $0xFFFF0000  }
0x198: {  	[tilespmem:s2], [sflag:$0x3] =	stream.linear.gather [hbm4b:s31+s2], $0x10000, $0x38;
	[tilespmem:$0x10100] =	vst v63  }
0x199: {  	_ =	swait.ge [sflag:s8], $0x10000  }
0x19a: {  	[sflag:s8] =	ssyncset.done $0x0  }
0x19b: {  	s1 =	simm.s32 $0x10000;
	s0 =	rddreg [dreg:$0xb];
	[sflag:s8] =	ssyncadd.s32 $0xFFFF0000  }
0x19c: {  	[tilespmem:s1], [sflag:$0x3] =	stream.linear.gather [hbm4b:s0+s2], $0x40, $0x38;
	[tilespmem:$0x10100] =	vst v63  }
0x19d: {  	_ =	swait.ge [sflag:s8], $0x40  }
0x19e: {  	[sflag:s8] =	ssyncset.done $0x0  }
0x19f: {  	s9 =	simm.s32 $0x10080;
	s7 =	rddreg [dreg:$0xc];
	[sflag:s8] =	ssyncadd.s32 $0xFFFFFFC0  }
0x1a0: {  	[tilespmem:s9], [sflag:$0x3] =	stream.linear.gather [hbm4b:s7+s2], $0x40, $0x38;
	[tilespmem:$0x10100] =	vst v63  }
0x1a1: {  	_ =	swait.ge [sflag:s8], $0x40  }
0x1a2: {  	[sflag:s8] =	ssyncset.done $0x0  }
0x1a3: {  	[sflag:s8] =	ssyncadd.s32 $0xFFFFFFC0  }
0x1a4: {  	v3 =	vld [tilespmem:$0x10000];
	_ =	sdelay $0x4  }
0x1a5: {  	v48 =	vshll.u32 v3, $0x3  }
0x1a6: {  	v3 =	vand.u32 $0x7, v3;
	v4 =	vand.u32 $0xFFFFFFC0, v48  }
0x1a7: {  	v3 =	vor.u32 v3, v4  }
0x1a8: {  	v4 =	vperm.xlane v3, v0;
	_ =	sdelay $0x1  }
0x1a9: {  	v4 =	vadd.s32 v1, v4;
	_ =	sdelay $0x4  }
0x1aa: {  	[hbm4b:s3+s2] =	stream.indirect_vreg.scatter [tilespmem:s2], [sflag:$0x1], $0x80, v4, vm0, $0xb8;
	[tilespmem:$0x10100] =	vst v63  }
0x1ab: {  	s11 =	simm.s32 $0x800;
	v3 =	vperm.xlane v3, v2  }
0x1ac: {  	[hbm4b:s4+s2] =	stream.indirect_vreg.scatter [tilespmem:s11], [sflag:$0x1], $0x80, v4, vm0, $0xb8;
	[tilespmem:$0x10100] =	vst v63  }
0x1ad: {  	s21 =	simm.s32 $0x1000;
	v3 =	vadd.s32 v1, v3  }
0x1ae: {  	[hbm4b:s5+s2] =	stream.indirect_vreg.scatter [tilespmem:s21], [sflag:$0x1], $0x80, v4, vm0, $0xb8;
	[tilespmem:$0x10100] =	vst v63  }
0x1af: {  	s23 =	simm.s32 $0x1800  }
0x1b0: {  	[hbm4b:s6+s2] =	stream.indirect_vreg.scatter [tilespmem:s23], [sflag:$0x1], $0x80, v4, vm0, $0xb8;
	[tilespmem:$0x10100] =	vst v63  }
0x1b1: {  	s24 =	simm.s32 $0x2000  }
0x1b2: {  	[hbm4b:s3+s2] =	stream.indirect_vreg.scatter [tilespmem:s24], [sflag:$0x1], $0x80, v3, vm0, $0xb8;
	[tilespmem:$0x10100] =	vst v63  }
0x1b3: {  	s25 =	simm.s32 $0x2800  }
0x1b4: {  	[hbm4b:s4+s2] =	stream.indirect_vreg.scatter [tilespmem:s25], [sflag:$0x1], $0x80, v3, vm0, $0xb8;
	[tilespmem:$0x10100] =	vst v63  }
0x1b5: {  	s26 =	simm.s32 $0x3000  }
0x1b6: {  	[hbm4b:s5+s2] =	stream.indirect_vreg.scatter [tilespmem:s26], [sflag:$0x1], $0x80, v3, vm0, $0xb8;
	[tilespmem:$0x10100] =	vst v63  }
0x1b7: {  	s16 =	simm.s32 $0x3800  }
0x1b8: {  	[hbm4b:s6+s2] =	stream.indirect_vreg.scatter [tilespmem:s16], [sflag:$0x1], $0x80, v3, vm0, $0xb8;
	[tilespmem:$0x10100] =	vst v63  }
0x1b9: {  	v3 =	vld [tilespmem:$0x10010];
	_ =	sdelay $0x4  }
0x1ba: {  	v49 =	vshll.u32 v3, $0x3  }
0x1bb: {  	v3 =	vand.u32 $0x7, v3;
	v4 =	vand.u32 $0xFFFFFFC0, v49  }
0x1bc: {  	v3 =	vor.u32 v3, v4  }
0x1bd: {  	v4 =	vperm.xlane v3, v0;
	_ =	sdelay $0x1  }
0x1be: {  	v4 =	vadd.s32 v1, v4;
	_ =	sdelay $0x3  }
0x1bf: {  	s7 =	simm.s32 $0x4000  }
0x1c0: {  	[hbm4b:s3+s2] =	stream.indirect_vreg.scatter [tilespmem:s7], [sflag:$0x1], $0x80, v4, vm0, $0xb8;
	[tilespmem:$0x10100] =	vst v63  }
0x1c1: {  	s19 =	simm.s32 $0x4800;
	v3 =	vperm.xlane v3, v2  }
0x1c2: {  	[hbm4b:s4+s2] =	stream.indirect_vreg.scatter [tilespmem:s19], [sflag:$0x1], $0x80, v4, vm0, $0xb8;
	[tilespmem:$0x10100] =	vst v63  }
0x1c3: {  	s31 =	simm.s32 $0x5000;
	v3 =	vadd.s32 v1, v3  }
0x1c4: {  	[hbm4b:s5+s2] =	stream.indirect_vreg.scatter [tilespmem:s31], [sflag:$0x1], $0x80, v4, vm0, $0xb8;
	[tilespmem:$0x10100] =	vst v63  }
0x1c5: {  	s13 =	simm.s32 $0x5800  }
0x1c6: {  	[hbm4b:s6+s2] =	stream.indirect_vreg.scatter [tilespmem:s13], [sflag:$0x1], $0x80, v4, vm0, $0xb8;
	[tilespmem:$0x10100] =	vst v63  }
0x1c7: {  	s14 =	simm.s32 $0x6000  }
0x1c8: {  	[hbm4b:s3+s2] =	stream.indirect_vreg.scatter [tilespmem:s14], [sflag:$0x1], $0x80, v3, vm0, $0xb8;
	[tilespmem:$0x10100] =	vst v63  }
0x1c9: {  	s15 =	simm.s32 $0x6800  }
0x1ca: {  	[hbm4b:s4+s2] =	stream.indirect_vreg.scatter [tilespmem:s15], [sflag:$0x1], $0x80, v3, vm0, $0xb8;
	[tilespmem:$0x10100] =	vst v63  }
0x1cb: {  	s16 =	simm.s32 $0x7000  }
0x1cc: {  	[hbm4b:s5+s2] =	stream.indirect_vreg.scatter [tilespmem:s16], [sflag:$0x1], $0x80, v3, vm0, $0xb8;
	[tilespmem:$0x10100] =	vst v63  }
0x1cd: {  	s18 =	simm.s32 $0x7800  }
0x1ce: {  	[hbm4b:s6+s2] =	stream.indirect_vreg.scatter [tilespmem:s18], [sflag:$0x1], $0x80, v3, vm0, $0xb8;
	[tilespmem:$0x10100] =	vst v63  }
0x1cf: {  	v3 =	vld [tilespmem:$0x10020];
	_ =	sdelay $0x4  }
0x1d0: {  	v50 =	vshll.u32 v3, $0x3  }
0x1d1: {  	v3 =	vand.u32 $0x7, v3;
	v4 =	vand.u32 $0xFFFFFFC0, v50  }
0x1d2: {  	v3 =	vor.u32 v3, v4  }
0x1d3: {  	v4 =	vperm.xlane v3, v0;
	_ =	sdelay $0x1  }
0x1d4: {  	v4 =	vadd.s32 v1, v4;
	_ =	sdelay $0x3  }
0x1d5: {  	s22 =	simm.s32 $0x8000  }
0x1d6: {  	[hbm4b:s3+s2] =	stream.indirect_vreg.scatter [tilespmem:s22], [sflag:$0x1], $0x80, v4, vm0, $0xb8;
	[tilespmem:$0x10100] =	vst v63  }
0x1d7: {  	s28 =	simm.s32 $0x8800;
	v3 =	vperm.xlane v3, v2  }
0x1d8: {  	[hbm4b:s4+s2] =	stream.indirect_vreg.scatter [tilespmem:s28], [sflag:$0x1], $0x80, v4, vm0, $0xb8;
	[tilespmem:$0x10100] =	vst v63  }
0x1d9: {  	s17 =	simm.s32 $0x9000;
	v3 =	vadd.s32 v1, v3  }
0x1da: {  	[hbm4b:s5+s2] =	stream.indirect_vreg.scatter [tilespmem:s17], [sflag:$0x1], $0x80, v4, vm0, $0xb8;
	[tilespmem:$0x10100] =	vst v63  }
0x1db: {  	s20 =	simm.s32 $0x9800  }
0x1dc: {  	[hbm4b:s6+s2] =	stream.indirect_vreg.scatter [tilespmem:s20], [sflag:$0x1], $0x80, v4, vm0, $0xb8;
	[tilespmem:$0x10100] =	vst v63  }
0x1dd: {  	s10 =	simm.s32 $0xA000  }
0x1de: {  	[hbm4b:s3+s2] =	stream.indirect_vreg.scatter [tilespmem:s10], [sflag:$0x1], $0x80, v3, vm0, $0xb8;
	[tilespmem:$0x10100] =	vst v63  }
0x1df: {  	s12 =	simm.s32 $0xA800  }
0x1e0: {  	[hbm4b:s4+s2] =	stream.indirect_vreg.scatter [tilespmem:s12], [sflag:$0x1], $0x80, v3, vm0, $0xb8;
	[tilespmem:$0x10100] =	vst v63  }
0x1e1: {  	s12 =	simm.s32 $0xB000  }
0x1e2: {  	[hbm4b:s5+s2] =	stream.indirect_vreg.scatter [tilespmem:s12], [sflag:$0x1], $0x80, v3, vm0, $0xb8;
	[tilespmem:$0x10100] =	vst v63  }
0x1e3: {  	s28 =	simm.s32 $0xB800  }
0x1e4: {  	[hbm4b:s6+s2] =	stream.indirect_vreg.scatter [tilespmem:s28], [sflag:$0x1], $0x80, v3, vm0, $0xb8;
	[tilespmem:$0x10100] =	vst v63  }
0x1e5: {  	v3 =	vld [tilespmem:$0x10030];
	_ =	sdelay $0x4  }
0x1e6: {  	v51 =	vshll.u32 v3, $0x3  }
0x1e7: {  	v3 =	vand.u32 $0x7, v3;
	v4 =	vand.u32 $0xFFFFFFC0, v51  }
0x1e8: {  	v3 =	vor.u32 v3, v4  }
0x1e9: {  	v4 =	vperm.xlane v3, v0;
	_ =	sdelay $0x1  }
0x1ea: {  	v4 =	vadd.s32 v1, v4;
	_ =	sdelay $0x3  }
0x1eb: {  	s29 =	simm.s32 $0xC000  }
0x1ec: {  	[hbm4b:s3+s2] =	stream.indirect_vreg.scatter [tilespmem:s29], [sflag:$0x1], $0x80, v4, vm0, $0xb8;
	[tilespmem:$0x10100] =	vst v63  }
0x1ed: {  	s30 =	simm.s32 $0xC800;
	v3 =	vperm.xlane v3, v2  }
0x1ee: {  	[hbm4b:s4+s2] =	stream.indirect_vreg.scatter [tilespmem:s30], [sflag:$0x1], $0x80, v4, vm0, $0xb8;
	[tilespmem:$0x10100] =	vst v63  }
0x1ef: {  	s1 =	simm.s32 $0xD000;
	v3 =	vadd.s32 v1, v3  }
0x1f0: {  	[hbm4b:s5+s2] =	stream.indirect_vreg.scatter [tilespmem:s1], [sflag:$0x1], $0x80, v4, vm0, $0xb8;
	[tilespmem:$0x10100] =	vst v63  }
0x1f1: {  	s9 =	simm.s32 $0xD800  }
0x1f2: {  	[hbm4b:s6+s2] =	stream.indirect_vreg.scatter [tilespmem:s9], [sflag:$0x1], $0x80, v4, vm0, $0xb8;
	[tilespmem:$0x10100] =	vst v63  }
0x1f3: {  	s10 =	simm.s32 $0xE000  }
0x1f4: {  	[hbm4b:s3+s2] =	stream.indirect_vreg.scatter [tilespmem:s10], [sflag:$0x1], $0x80, v3, vm0, $0xb8;
	[tilespmem:$0x10100] =	vst v63  }
0x1f5: {  	s11 =	simm.s32 $0xE800  }
0x1f6: {  	[hbm4b:s4+s2] =	stream.indirect_vreg.scatter [tilespmem:s11], [sflag:$0x1], $0x80, v3, vm0, $0xb8;
	[tilespmem:$0x10100] =	vst v63  }
0x1f7: {  	s12 =	simm.s32 $0xF000  }
0x1f8: {  	[hbm4b:s5+s2] =	stream.indirect_vreg.scatter [tilespmem:s12], [sflag:$0x1], $0x80, v3, vm0, $0xb8;
	[tilespmem:$0x10100] =	vst v63  }
0x1f9: {  	s0 =	simm.s32 $0xF800  }
0x1fa: {  	[hbm4b:s6+s2] =	stream.indirect_vreg.scatter [tilespmem:s0], [sflag:$0x1], $0x80, v3, vm0, $0xb8;
	[tilespmem:$0x10100] =	vst v63  }
0x1fb: {  	v3 =	vld [tilespmem:$0x10080];
	_ =	sdelay $0x4  }
0x1fc: {  	v52 =	vshll.u32 v3, $0x3  }
0x1fd: {  	v3 =	vand.u32 $0x7, v3;
	v4 =	vand.u32 $0xFFFFFFC0, v52  }
0x1fe: {  	v3 =	vor.u32 v3, v4  }
0x1ff: {  	v4 =	vperm.xlane v3, v0;
	_ =	sdelay $0x1  }
0x200: {  	v4 =	vadd.s32 v1, v4;
	_ =	sdelay $0x4  }
0x201: {  	[hbm4b:s3+s2] =	stream.indirect_vreg.scatter [tilespmem:s2], [sflag:$0x2], $0x80, v4, vm0, $0xb8;
	[tilespmem:$0x10100] =	vst v63  }
0x202: {  	s0 =	simm.s32 $0x800;
	v3 =	vperm.xlane v3, v2  }
0x203: {  	[hbm4b:s4+s2] =	stream.indirect_vreg.scatter [tilespmem:s0], [sflag:$0x2], $0x80, v4, vm0, $0xb8;
	[tilespmem:$0x10100] =	vst v63  }
0x204: {  	v3 =	vadd.s32 v1, v3  }
0x205: {  	[hbm4b:s5+s2] =	stream.indirect_vreg.scatter [tilespmem:s21], [sflag:$0x2], $0x80, v4, vm0, $0xb8;
	[tilespmem:$0x10100] =	vst v63  }
0x206: {  	_ = 	snop  }
0x207: {  	[hbm4b:s6+s2] =	stream.indirect_vreg.scatter [tilespmem:s23], [sflag:$0x2], $0x80, v4, vm0, $0xb8;
	[tilespmem:$0x10100] =	vst v63  }
0x208: {  	_ = 	snop  }
0x209: {  	[hbm4b:s3+s2] =	stream.indirect_vreg.scatter [tilespmem:s24], [sflag:$0x2], $0x80, v3, vm0, $0xb8;
	[tilespmem:$0x10100] =	vst v63  }
0x20a: {  	_ = 	snop  }
0x20b: {  	[hbm4b:s4+s2] =	stream.indirect_vreg.scatter [tilespmem:s25], [sflag:$0x2], $0x80, v3, vm0, $0xb8;
	[tilespmem:$0x10100] =	vst v63  }
0x20c: {  	_ = 	snop  }
0x20d: {  	[hbm4b:s5+s2] =	stream.indirect_vreg.scatter [tilespmem:s26], [sflag:$0x2], $0x80, v3, vm0, $0xb8;
	[tilespmem:$0x10100] =	vst v63  }
0x20e: {  	s26 =	simm.s32 $0x3800  }
0x20f: {  	[hbm4b:s6+s2] =	stream.indirect_vreg.scatter [tilespmem:s26], [sflag:$0x2], $0x80, v3, vm0, $0xb8;
	[tilespmem:$0x10100] =	vst v63  }
0x210: {  	v3 =	vld [tilespmem:$0x10090];
	_ =	sdelay $0x4  }
0x211: {  	v53 =	vshll.u32 v3, $0x3  }
0x212: {  	v3 =	vand.u32 $0x7, v3;
	v4 =	vand.u32 $0xFFFFFFC0, v53  }
0x213: {  	v3 =	vor.u32 v3, v4  }
0x214: {  	v4 =	vperm.xlane v3, v0;
	_ =	sdelay $0x1  }
0x215: {  	v4 =	vadd.s32 v1, v4;
	_ =	sdelay $0x4  }
0x216: {  	[hbm4b:s3+s2] =	stream.indirect_vreg.scatter [tilespmem:s7], [sflag:$0x2], $0x80, v4, vm0, $0xb8;
	[tilespmem:$0x10100] =	vst v63  }
0x217: {  	v3 =	vperm.xlane v3, v2  }
0x218: {  	[hbm4b:s4+s2] =	stream.indirect_vreg.scatter [tilespmem:s19], [sflag:$0x2], $0x80, v4, vm0, $0xb8;
	[tilespmem:$0x10100] =	vst v63  }
0x219: {  	v3 =	vadd.s32 v1, v3  }
0x21a: {  	[hbm4b:s5+s2] =	stream.indirect_vreg.scatter [tilespmem:s31], [sflag:$0x2], $0x80, v4, vm0, $0xb8;
	[tilespmem:$0x10100] =	vst v63  }
0x21b: {  	_ = 	snop  }
0x21c: {  	[hbm4b:s6+s2] =	stream.indirect_vreg.scatter [tilespmem:s13], [sflag:$0x2], $0x80, v4, vm0, $0xb8;
	[tilespmem:$0x10100] =	vst v63  }
0x21d: {  	_ = 	snop  }
0x21e: {  	[hbm4b:s3+s2] =	stream.indirect_vreg.scatter [tilespmem:s14], [sflag:$0x2], $0x80, v3, vm0, $0xb8;
	[tilespmem:$0x10100] =	vst v63  }
0x21f: {  	_ = 	snop  }
0x220: {  	[hbm4b:s4+s2] =	stream.indirect_vreg.scatter [tilespmem:s15], [sflag:$0x2], $0x80, v3, vm0, $0xb8;
	[tilespmem:$0x10100] =	vst v63  }
0x221: {  	_ = 	snop  }
0x222: {  	[hbm4b:s5+s2] =	stream.indirect_vreg.scatter [tilespmem:s16], [sflag:$0x2], $0x80, v3, vm0, $0xb8;
	[tilespmem:$0x10100] =	vst v63  }
0x223: {  	_ = 	snop  }
0x224: {  	[hbm4b:s6+s2] =	stream.indirect_vreg.scatter [tilespmem:s18], [sflag:$0x2], $0x80, v3, vm0, $0xb8;
	[tilespmem:$0x10100] =	vst v63  }
0x225: {  	v3 =	vld [tilespmem:$0x100A0];
	_ =	sdelay $0x4  }
0x226: {  	v54 =	vshll.u32 v3, $0x3  }
0x227: {  	v3 =	vand.u32 $0x7, v3;
	v4 =	vand.u32 $0xFFFFFFC0, v54  }
0x228: {  	v3 =	vor.u32 v3, v4  }
0x229: {  	v4 =	vperm.xlane v3, v0;
	_ =	sdelay $0x1  }
0x22a: {  	v4 =	vadd.s32 v1, v4;
	_ =	sdelay $0x4  }
0x22b: {  	[hbm4b:s3+s2] =	stream.indirect_vreg.scatter [tilespmem:s22], [sflag:$0x2], $0x80, v4, vm0, $0xb8;
	[tilespmem:$0x10100] =	vst v63  }
0x22c: {  	v3 =	vperm.xlane v3, v2;
	s22 =	simm.s32 $0x8800  }
0x22d: {  	[hbm4b:s4+s2] =	stream.indirect_vreg.scatter [tilespmem:s22], [sflag:$0x2], $0x80, v4, vm0, $0xb8;
	[tilespmem:$0x10100] =	vst v63  }
0x22e: {  	v3 =	vadd.s32 v1, v3  }
0x22f: {  	[hbm4b:s5+s2] =	stream.indirect_vreg.scatter [tilespmem:s17], [sflag:$0x2], $0x80, v4, vm0, $0xb8;
	[tilespmem:$0x10100] =	vst v63  }
0x230: {  	_ = 	snop  }
0x231: {  	[hbm4b:s6+s2] =	stream.indirect_vreg.scatter [tilespmem:s20], [sflag:$0x2], $0x80, v4, vm0, $0xb8;
	[tilespmem:$0x10100] =	vst v63  }
0x232: {  	s23 =	simm.s32 $0xA000  }
0x233: {  	[hbm4b:s3+s2] =	stream.indirect_vreg.scatter [tilespmem:s23], [sflag:$0x2], $0x80, v3, vm0, $0xb8;
	[tilespmem:$0x10100] =	vst v63  }
0x234: {  	s24 =	simm.s32 $0xA800  }
0x235: {  	[hbm4b:s4+s2] =	stream.indirect_vreg.scatter [tilespmem:s24], [sflag:$0x2], $0x80, v3, vm0, $0xb8;
	[tilespmem:$0x10100] =	vst v63  }
0x236: {  	s25 =	simm.s32 $0xB000  }
0x237: {  	[hbm4b:s5+s2] =	stream.indirect_vreg.scatter [tilespmem:s25], [sflag:$0x2], $0x80, v3, vm0, $0xb8;
	[tilespmem:$0x10100] =	vst v63  }
0x238: {  	_ = 	snop  }
0x239: {  	[hbm4b:s6+s2] =	stream.indirect_vreg.scatter [tilespmem:s28], [sflag:$0x2], $0x80, v3, vm0, $0xb8;
	[tilespmem:$0x10100] =	vst v63  }
0x23a: {  	v3 =	vld [tilespmem:$0x100B0];
	_ =	sdelay $0x4  }
0x23b: {  	v55 =	vshll.u32 v3, $0x3  }
0x23c: {  	v3 =	vand.u32 $0x7, v3;
	v4 =	vand.u32 $0xFFFFFFC0, v55  }
0x23d: {  	v3 =	vor.u32 v3, v4  }
0x23e: {  	v4 =	vperm.xlane v3, v0;
	_ =	sdelay $0x1  }
0x23f: {  	v4 =	vadd.s32 v1, v4;
	_ =	sdelay $0x4  }
0x240: {  	[hbm4b:s3+s2] =	stream.indirect_vreg.scatter [tilespmem:s29], [sflag:$0x2], $0x80, v4, vm0, $0xb8;
	[tilespmem:$0x10100] =	vst v63  }
0x241: {  	v3 =	vperm.xlane v3, v2  }
0x242: {  	[hbm4b:s4+s2] =	stream.indirect_vreg.scatter [tilespmem:s30], [sflag:$0x2], $0x80, v4, vm0, $0xb8;
	[tilespmem:$0x10100] =	vst v63  }
0x243: {  	v3 =	vadd.s32 v1, v3  }
0x244: {  	[hbm4b:s5+s2] =	stream.indirect_vreg.scatter [tilespmem:s1], [sflag:$0x2], $0x80, v4, vm0, $0xb8;
	[tilespmem:$0x10100] =	vst v63  }
0x245: {  	_ = 	snop  }
0x246: {  	[hbm4b:s6+s2] =	stream.indirect_vreg.scatter [tilespmem:s9], [sflag:$0x2], $0x80, v4, vm0, $0xb8;
	[tilespmem:$0x10100] =	vst v63  }
0x247: {  	_ = 	snop  }
0x248: {  	[hbm4b:s3+s2] =	stream.indirect_vreg.scatter [tilespmem:s10], [sflag:$0x2], $0x80, v3, vm0, $0xb8;
	[tilespmem:$0x10100] =	vst v63  }
0x249: {  	_ = 	snop  }
0x24a: {  	[hbm4b:s4+s2] =	stream.indirect_vreg.scatter [tilespmem:s11], [sflag:$0x2], $0x80, v3, vm0, $0xb8;
	[tilespmem:$0x10100] =	vst v63  }
0x24b: {  	_ = 	snop  }
0x24c: {  	[hbm4b:s5+s2] =	stream.indirect_vreg.scatter [tilespmem:s12], [sflag:$0x2], $0x80, v3, vm0, $0xb8;
	[tilespmem:$0x10100] =	vst v63  }
0x24d: {  	s26 =	simm.s32 $0xF800;
	s28 =	simm.s32 $0x1  }
0x24e: {  	[hbm4b:s6+s2] =	stream.indirect_vreg.scatter [tilespmem:s26], [sflag:$0x2], $0x80, v3, vm0, $0xb8;
	[tilespmem:$0x10100] =	vst v63  }
0x24f: {  	_ =	swait.ge [sflag:s28], $0x10000  }
0x250: {  	[sflag:s28] =	ssyncset.done $0x0  }
0x251: {  	s29 =	simm.s32 $0x2;
	[sflag:s28] =	ssyncadd.s32 $0xFFFF0000  }
0x252: {  	_ =	swait.ge [sflag:s29], $0x10000  }
0x253: {  	[sflag:s29] =	ssyncset.done $0x0  }
0x254: {  	s30 =	rddreg [dreg:$0xd];
	[sflag:s29] =	ssyncadd.s32 $0xFFFF0000  }
0x255: {  	[tilespmem:s2], [sflag:$0x3] =	stream.linear.gather [hbm4b:s30+s2], $0x10000, $0x38;
	[tilespmem:$0x10100] =	vst v63  }
0x256: {  	_ =	swait.ge [sflag:s8], $0x10000  }
0x257: {  	[sflag:s8] =	ssyncset.done $0x0  }
0x258: {  	s9 =	simm.s32 $0x10000;
	s0 =	rddreg [dreg:$0xe];
	[sflag:s8] =	ssyncadd.s32 $0xFFFF0000  }
0x259: {  	[tilespmem:s9], [sflag:$0x3] =	stream.linear.gather [hbm4b:s0+s2], $0x40, $0x38;
	[tilespmem:$0x10100] =	vst v63  }
0x25a: {  	_ =	swait.ge [sflag:s8], $0x40  }
0x25b: {  	[sflag:s8] =	ssyncset.done $0x0  }
0x25c: {  	s11 =	simm.s32 $0x10080;
	s10 =	rddreg [dreg:$0xf];
	[sflag:s8] =	ssyncadd.s32 $0xFFFFFFC0  }
0x25d: {  	[tilespmem:s11], [sflag:$0x3] =	stream.linear.gather [hbm4b:s10+s2], $0x40, $0x38;
	[tilespmem:$0x10100] =	vst v63  }
0x25e: {  	_ =	swait.ge [sflag:s8], $0x40  }
0x25f: {  	[sflag:s8] =	ssyncset.done $0x0  }
0x260: {  	[sflag:s8] =	ssyncadd.s32 $0xFFFFFFC0  }
0x261: {  	v3 =	vld [tilespmem:$0x10000];
	_ =	sdelay $0x4  }
0x262: {  	v56 =	vshll.u32 v3, $0x3  }
0x263: {  	v3 =	vand.u32 $0x7, v3;
	v4 =	vand.u32 $0xFFFFFFC0, v56  }
0x264: {  	v3 =	vor.u32 v3, v4  }
0x265: {  	v4 =	vperm.xlane v3, v0;
	_ =	sdelay $0x1  }
0x266: {  	v4 =	vadd.s32 v1, v4;
	_ =	sdelay $0x4  }
0x267: {  	[hbm4b:s3+s2] =	stream.indirect_vreg.scatter [tilespmem:s2], [sflag:$0x1], $0x80, v4, vm0, $0xb8;
	[tilespmem:$0x10100] =	vst v63  }
0x268: {  	s23 =	simm.s32 $0x800;
	v3 =	vperm.xlane v3, v2  }
0x269: {  	[hbm4b:s4+s2] =	stream.indirect_vreg.scatter [tilespmem:s23], [sflag:$0x1], $0x80, v4, vm0, $0xb8;
	[tilespmem:$0x10100] =	vst v63  }
0x26a: {  	s17 =	simm.s32 $0x1000;
	v3 =	vadd.s32 v1, v3  }
0x26b: {  	[hbm4b:s5+s2] =	stream.indirect_vreg.scatter [tilespmem:s17], [sflag:$0x1], $0x80, v4, vm0, $0xb8;
	[tilespmem:$0x10100] =	vst v63  }
0x26c: {  	s21 =	simm.s32 $0x1800  }
0x26d: {  	[hbm4b:s6+s2] =	stream.indirect_vreg.scatter [tilespmem:s21], [sflag:$0x1], $0x80, v4, vm0, $0xb8;
	[tilespmem:$0x10100] =	vst v63  }
0x26e: {  	s12 =	simm.s32 $0x2000  }
0x26f: {  	[hbm4b:s3+s2] =	stream.indirect_vreg.scatter [tilespmem:s12], [sflag:$0x1], $0x80, v3, vm0, $0xb8;
	[tilespmem:$0x10100] =	vst v63  }
0x270: {  	s16 =	simm.s32 $0x2800  }
0x271: {  	[hbm4b:s4+s2] =	stream.indirect_vreg.scatter [tilespmem:s16], [sflag:$0x1], $0x80, v3, vm0, $0xb8;
	[tilespmem:$0x10100] =	vst v63  }
0x272: {  	s9 =	simm.s32 $0x3000  }
0x273: {  	[hbm4b:s5+s2] =	stream.indirect_vreg.scatter [tilespmem:s9], [sflag:$0x1], $0x80, v3, vm0, $0xb8;
	[tilespmem:$0x10100] =	vst v63  }
0x274: {  	s16 =	simm.s32 $0x3800  }
0x275: {  	[hbm4b:s6+s2] =	stream.indirect_vreg.scatter [tilespmem:s16], [sflag:$0x1], $0x80, v3, vm0, $0xb8;
	[tilespmem:$0x10100] =	vst v63  }
0x276: {  	v3 =	vld [tilespmem:$0x10010];
	_ =	sdelay $0x4  }
0x277: {  	v57 =	vshll.u32 v3, $0x3  }
0x278: {  	v3 =	vand.u32 $0x7, v3;
	v4 =	vand.u32 $0xFFFFFFC0, v57  }
0x279: {  	v3 =	vor.u32 v3, v4  }
0x27a: {  	v4 =	vperm.xlane v3, v0;
	_ =	sdelay $0x1  }
0x27b: {  	v4 =	vadd.s32 v1, v4;
	_ =	sdelay $0x3  }
0x27c: {  	s19 =	simm.s32 $0x4000  }
0x27d: {  	[hbm4b:s3+s2] =	stream.indirect_vreg.scatter [tilespmem:s19], [sflag:$0x1], $0x80, v4, vm0, $0xb8;
	[tilespmem:$0x10100] =	vst v63  }
0x27e: {  	s20 =	simm.s32 $0x4800;
	v3 =	vperm.xlane v3, v2  }
0x27f: {  	[hbm4b:s4+s2] =	stream.indirect_vreg.scatter [tilespmem:s20], [sflag:$0x1], $0x80, v4, vm0, $0xb8;
	[tilespmem:$0x10100] =	vst v63  }
0x280: {  	s31 =	simm.s32 $0x5000;
	v3 =	vadd.s32 v1, v3  }
0x281: {  	[hbm4b:s5+s2] =	stream.indirect_vreg.scatter [tilespmem:s31], [sflag:$0x1], $0x80, v4, vm0, $0xb8;
	[tilespmem:$0x10100] =	vst v63  }
0x282: {  	s13 =	simm.s32 $0x5800  }
0x283: {  	[hbm4b:s6+s2] =	stream.indirect_vreg.scatter [tilespmem:s13], [sflag:$0x1], $0x80, v4, vm0, $0xb8;
	[tilespmem:$0x10100] =	vst v63  }
0x284: {  	s14 =	simm.s32 $0x6000  }
0x285: {  	[hbm4b:s3+s2] =	stream.indirect_vreg.scatter [tilespmem:s14], [sflag:$0x1], $0x80, v3, vm0, $0xb8;
	[tilespmem:$0x10100] =	vst v63  }
0x286: {  	s15 =	simm.s32 $0x6800  }
0x287: {  	[hbm4b:s4+s2] =	stream.indirect_vreg.scatter [tilespmem:s15], [sflag:$0x1], $0x80, v3, vm0, $0xb8;
	[tilespmem:$0x10100] =	vst v63  }
0x288: {  	s0 =	simm.s32 $0x7000  }
0x289: {  	[hbm4b:s5+s2] =	stream.indirect_vreg.scatter [tilespmem:s0], [sflag:$0x1], $0x80, v3, vm0, $0xb8;
	[tilespmem:$0x10100] =	vst v63  }
0x28a: {  	s22 =	simm.s32 $0x7800  }
0x28b: {  	[hbm4b:s6+s2] =	stream.indirect_vreg.scatter [tilespmem:s22], [sflag:$0x1], $0x80, v3, vm0, $0xb8;
	[tilespmem:$0x10100] =	vst v63  }
0x28c: {  	v3 =	vld [tilespmem:$0x10020];
	_ =	sdelay $0x4  }
0x28d: {  	v58 =	vshll.u32 v3, $0x3  }
0x28e: {  	v3 =	vand.u32 $0x7, v3;
	v4 =	vand.u32 $0xFFFFFFC0, v58  }
0x28f: {  	v3 =	vor.u32 v3, v4  }
0x290: {  	v4 =	vperm.xlane v3, v0;
	_ =	sdelay $0x1  }
0x291: {  	v4 =	vadd.s32 v1, v4;
	_ =	sdelay $0x3  }
0x292: {  	s21 =	simm.s32 $0x8000  }
0x293: {  	[hbm4b:s3+s2] =	stream.indirect_vreg.scatter [tilespmem:s21], [sflag:$0x1], $0x80, v4, vm0, $0xb8;
	[tilespmem:$0x10100] =	vst v63  }
0x294: {  	s12 =	simm.s32 $0x8800;
	v3 =	vperm.xlane v3, v2  }
0x295: {  	[hbm4b:s4+s2] =	stream.indirect_vreg.scatter [tilespmem:s12], [sflag:$0x1], $0x80, v4, vm0, $0xb8;
	[tilespmem:$0x10100] =	vst v63  }
0x296: {  	s7 =	simm.s32 $0x9000;
	v3 =	vadd.s32 v1, v3  }
0x297: {  	[hbm4b:s5+s2] =	stream.indirect_vreg.scatter [tilespmem:s7], [sflag:$0x1], $0x80, v4, vm0, $0xb8;
	[tilespmem:$0x10100] =	vst v63  }
0x298: {  	s7 =	simm.s32 $0x9800  }
0x299: {  	[hbm4b:s6+s2] =	stream.indirect_vreg.scatter [tilespmem:s7], [sflag:$0x1], $0x80, v4, vm0, $0xb8;
	[tilespmem:$0x10100] =	vst v63  }
0x29a: {  	s15 =	simm.s32 $0xA000  }
0x29b: {  	[hbm4b:s3+s2] =	stream.indirect_vreg.scatter [tilespmem:s15], [sflag:$0x1], $0x80, v3, vm0, $0xb8;
	[tilespmem:$0x10100] =	vst v63  }
0x29c: {  	s20 =	simm.s32 $0xA800  }
0x29d: {  	[hbm4b:s4+s2] =	stream.indirect_vreg.scatter [tilespmem:s20], [sflag:$0x1], $0x80, v3, vm0, $0xb8;
	[tilespmem:$0x10100] =	vst v63  }
0x29e: {  	s10 =	simm.s32 $0xB000  }
0x29f: {  	[hbm4b:s5+s2] =	stream.indirect_vreg.scatter [tilespmem:s10], [sflag:$0x1], $0x80, v3, vm0, $0xb8;
	[tilespmem:$0x10100] =	vst v63  }
0x2a0: {  	s18 =	simm.s32 $0xB800  }
0x2a1: {  	[hbm4b:s6+s2] =	stream.indirect_vreg.scatter [tilespmem:s18], [sflag:$0x1], $0x80, v3, vm0, $0xb8;
	[tilespmem:$0x10100] =	vst v63  }
0x2a2: {  	v3 =	vld [tilespmem:$0x10030];
	_ =	sdelay $0x4  }
0x2a3: {  	v59 =	vshll.u32 v3, $0x3  }
0x2a4: {  	v3 =	vand.u32 $0x7, v3;
	v4 =	vand.u32 $0xFFFFFFC0, v59  }
0x2a5: {  	v3 =	vor.u32 v3, v4  }
0x2a6: {  	v4 =	vperm.xlane v3, v0;
	_ =	sdelay $0x1  }
0x2a7: {  	v4 =	vadd.s32 v1, v4;
	_ =	sdelay $0x3  }
0x2a8: {  	s19 =	simm.s32 $0xC000  }
0x2a9: {  	[hbm4b:s3+s2] =	stream.indirect_vreg.scatter [tilespmem:s19], [sflag:$0x1], $0x80, v4, vm0, $0xb8;
	[tilespmem:$0x10100] =	vst v63  }
0x2aa: {  	s21 =	simm.s32 $0xC800;
	v3 =	vperm.xlane v3, v2  }
0x2ab: {  	[hbm4b:s4+s2] =	stream.indirect_vreg.scatter [tilespmem:s21], [sflag:$0x1], $0x80, v4, vm0, $0xb8;
	[tilespmem:$0x10100] =	vst v63  }
0x2ac: {  	s11 =	simm.s32 $0xD000;
	v3 =	vadd.s32 v1, v3  }
0x2ad: {  	[hbm4b:s5+s2] =	stream.indirect_vreg.scatter [tilespmem:s11], [sflag:$0x1], $0x80, v4, vm0, $0xb8;
	[tilespmem:$0x10100] =	vst v63  }
0x2ae: {  	s1 =	simm.s32 $0xD800  }
0x2af: {  	[hbm4b:s6+s2] =	stream.indirect_vreg.scatter [tilespmem:s1], [sflag:$0x1], $0x80, v4, vm0, $0xb8;
	[tilespmem:$0x10100] =	vst v63  }
0x2b0: {  	s1 =	simm.s32 $0xE000  }
0x2b1: {  	[hbm4b:s3+s2] =	stream.indirect_vreg.scatter [tilespmem:s1], [sflag:$0x1], $0x80, v3, vm0, $0xb8;
	[tilespmem:$0x10100] =	vst v63  }
0x2b2: {  	s13 =	simm.s32 $0xE800  }
0x2b3: {  	[hbm4b:s4+s2] =	stream.indirect_vreg.scatter [tilespmem:s13], [sflag:$0x1], $0x80, v3, vm0, $0xb8;
	[tilespmem:$0x10100] =	vst v63  }
0x2b4: {  	s14 =	simm.s32 $0xF000  }
0x2b5: {  	[hbm4b:s5+s2] =	stream.indirect_vreg.scatter [tilespmem:s14], [sflag:$0x1], $0x80, v3, vm0, $0xb8;
	[tilespmem:$0x10100] =	vst v63  }
0x2b6: {  	s18 =	simm.s32 $0xF800  }
0x2b7: {  	[hbm4b:s6+s2] =	stream.indirect_vreg.scatter [tilespmem:s18], [sflag:$0x1], $0x80, v3, vm0, $0xb8;
	[tilespmem:$0x10100] =	vst v63  }
0x2b8: {  	v3 =	vld [tilespmem:$0x10080];
	_ =	sdelay $0x4  }
0x2b9: {  	v60 =	vshll.u32 v3, $0x3  }
0x2ba: {  	v3 =	vand.u32 $0x7, v3;
	v4 =	vand.u32 $0xFFFFFFC0, v60  }
0x2bb: {  	v3 =	vor.u32 v3, v4  }
0x2bc: {  	v4 =	vperm.xlane v3, v0;
	_ =	sdelay $0x1  }
0x2bd: {  	v4 =	vadd.s32 v1, v4;
	_ =	sdelay $0x4  }
0x2be: {  	[hbm4b:s3+s2] =	stream.indirect_vreg.scatter [tilespmem:s2], [sflag:$0x2], $0x80, v4, vm0, $0xb8;
	[tilespmem:$0x10100] =	vst v63  }
0x2bf: {  	v3 =	vperm.xlane v3, v2  }
0x2c0: {  	[hbm4b:s4+s2] =	stream.indirect_vreg.scatter [tilespmem:s23], [sflag:$0x2], $0x80, v4, vm0, $0xb8;
	[tilespmem:$0x10100] =	vst v63  }
0x2c1: {  	v3 =	vadd.s32 v1, v3  }
0x2c2: {  	[hbm4b:s5+s2] =	stream.indirect_vreg.scatter [tilespmem:s17], [sflag:$0x2], $0x80, v4, vm0, $0xb8;
	[tilespmem:$0x10100] =	vst v63  }
0x2c3: {  	s26 =	simm.s32 $0x1800  }
0x2c4: {  	[hbm4b:s6+s2] =	stream.indirect_vreg.scatter [tilespmem:s26], [sflag:$0x2], $0x80, v4, vm0, $0xb8;
	[tilespmem:$0x10100] =	vst v63  }
0x2c5: {  	s28 =	simm.s32 $0x2000  }
0x2c6: {  	[hbm4b:s3+s2] =	stream.indirect_vreg.scatter [tilespmem:s28], [sflag:$0x2], $0x80, v3, vm0, $0xb8;
	[tilespmem:$0x10100] =	vst v63  }
0x2c7: {  	s29 =	simm.s32 $0x2800  }
0x2c8: {  	[hbm4b:s4+s2] =	stream.indirect_vreg.scatter [tilespmem:s29], [sflag:$0x2], $0x80, v3, vm0, $0xb8;
	[tilespmem:$0x10100] =	vst v63  }
0x2c9: {  	_ = 	snop  }
0x2ca: {  	[hbm4b:s5+s2] =	stream.indirect_vreg.scatter [tilespmem:s9], [sflag:$0x2], $0x80, v3, vm0, $0xb8;
	[tilespmem:$0x10100] =	vst v63  }
0x2cb: {  	_ = 	snop  }
0x2cc: {  	[hbm4b:s6+s2] =	stream.indirect_vreg.scatter [tilespmem:s16], [sflag:$0x2], $0x80, v3, vm0, $0xb8;
	[tilespmem:$0x10100] =	vst v63  }
0x2cd: {  	v3 =	vld [tilespmem:$0x10090];
	_ =	sdelay $0x4  }
0x2ce: {  	v61 =	vshll.u32 v3, $0x3  }
0x2cf: {  	v3 =	vand.u32 $0x7, v3;
	v4 =	vand.u32 $0xFFFFFFC0, v61  }
0x2d0: {  	v3 =	vor.u32 v3, v4  }
0x2d1: {  	v4 =	vperm.xlane v3, v0;
	_ =	sdelay $0x1  }
0x2d2: {  	v4 =	vadd.s32 v1, v4;
	_ =	sdelay $0x3  }
0x2d3: {  	s29 =	simm.s32 $0x4000  }
0x2d4: {  	[hbm4b:s3+s2] =	stream.indirect_vreg.scatter [tilespmem:s29], [sflag:$0x2], $0x80, v4, vm0, $0xb8;
	[tilespmem:$0x10100] =	vst v63  }
0x2d5: {  	s16 =	simm.s32 $0x4800;
	v3 =	vperm.xlane v3, v2  }
0x2d6: {  	[hbm4b:s4+s2] =	stream.indirect_vreg.scatter [tilespmem:s16], [sflag:$0x2], $0x80, v4, vm0, $0xb8;
	[tilespmem:$0x10100] =	vst v63  }
0x2d7: {  	s17 =	simm.s32 $0x5000;
	v3 =	vadd.s32 v1, v3  }
0x2d8: {  	[hbm4b:s5+s2] =	stream.indirect_vreg.scatter [tilespmem:s17], [sflag:$0x2], $0x80, v4, vm0, $0xb8;
	[tilespmem:$0x10100] =	vst v63  }
0x2d9: {  	s23 =	simm.s32 $0x5800  }
0x2da: {  	[hbm4b:s6+s2] =	stream.indirect_vreg.scatter [tilespmem:s23], [sflag:$0x2], $0x80, v4, vm0, $0xb8;
	[tilespmem:$0x10100] =	vst v63  }
0x2db: {  	s26 =	simm.s32 $0x6000  }
0x2dc: {  	[hbm4b:s3+s2] =	stream.indirect_vreg.scatter [tilespmem:s26], [sflag:$0x2], $0x80, v3, vm0, $0xb8;
	[tilespmem:$0x10100] =	vst v63  }
0x2dd: {  	s30 =	simm.s32 $0x6800  }
0x2de: {  	[hbm4b:s4+s2] =	stream.indirect_vreg.scatter [tilespmem:s30], [sflag:$0x2], $0x80, v3, vm0, $0xb8;
	[tilespmem:$0x10100] =	vst v63  }
0x2df: {  	_ = 	snop  }
0x2e0: {  	[hbm4b:s5+s2] =	stream.indirect_vreg.scatter [tilespmem:s0], [sflag:$0x2], $0x80, v3, vm0, $0xb8;
	[tilespmem:$0x10100] =	vst v63  }
0x2e1: {  	_ = 	snop  }
0x2e2: {  	[hbm4b:s6+s2] =	stream.indirect_vreg.scatter [tilespmem:s22], [sflag:$0x2], $0x80, v3, vm0, $0xb8;
	[tilespmem:$0x10100] =	vst v63  }
0x2e3: {  	v3 =	vld [tilespmem:$0x100A0];
	_ =	sdelay $0x4  }
0x2e4: {  	v62 =	vshll.u32 v3, $0x3  }
0x2e5: {  	v3 =	vand.u32 $0x7, v3;
	v4 =	vand.u32 $0xFFFFFFC0, v62  }
0x2e6: {  	v3 =	vor.u32 v3, v4  }
0x2e7: {  	v4 =	vperm.xlane v3, v0;
	_ =	sdelay $0x1  }
0x2e8: {  	v4 =	vadd.s32 v1, v4;
	_ =	sdelay $0x3  }
0x2e9: {  	s28 =	simm.s32 $0x8000  }
0x2ea: {  	[hbm4b:s3+s2] =	stream.indirect_vreg.scatter [tilespmem:s28], [sflag:$0x2], $0x80, v4, vm0, $0xb8;
	[tilespmem:$0x10100] =	vst v63  }
0x2eb: {  	v3 =	vperm.xlane v3, v2  }
0x2ec: {  	[hbm4b:s4+s2] =	stream.indirect_vreg.scatter [tilespmem:s12], [sflag:$0x2], $0x80, v4, vm0, $0xb8;
	[tilespmem:$0x10100] =	vst v63  }
0x2ed: {  	s29 =	simm.s32 $0x9000;
	v3 =	vadd.s32 v1, v3  }
0x2ee: {  	[hbm4b:s5+s2] =	stream.indirect_vreg.scatter [tilespmem:s29], [sflag:$0x2], $0x80, v4, vm0, $0xb8;
	[tilespmem:$0x10100] =	vst v63  }
0x2ef: {  	_ = 	snop  }
0x2f0: {  	[hbm4b:s6+s2] =	stream.indirect_vreg.scatter [tilespmem:s7], [sflag:$0x2], $0x80, v4, vm0, $0xb8;
	[tilespmem:$0x10100] =	vst v63  }
0x2f1: {  	_ = 	snop  }
0x2f2: {  	[hbm4b:s3+s2] =	stream.indirect_vreg.scatter [tilespmem:s15], [sflag:$0x2], $0x80, v3, vm0, $0xb8;
	[tilespmem:$0x10100] =	vst v63  }
0x2f3: {  	_ = 	snop  }
0x2f4: {  	[hbm4b:s4+s2] =	stream.indirect_vreg.scatter [tilespmem:s20], [sflag:$0x2], $0x80, v3, vm0, $0xb8;
	[tilespmem:$0x10100] =	vst v63  }
0x2f5: {  	_ = 	snop  }
0x2f6: {  	[hbm4b:s5+s2] =	stream.indirect_vreg.scatter [tilespmem:s10], [sflag:$0x2], $0x80, v3, vm0, $0xb8;
	[tilespmem:$0x10100] =	vst v63  }
0x2f7: {  	s31 =	simm.s32 $0xB800  }
0x2f8: {  	[hbm4b:s6+s2] =	stream.indirect_vreg.scatter [tilespmem:s31], [sflag:$0x2], $0x80, v3, vm0, $0xb8;
	[tilespmem:$0x10100] =	vst v63  }
0x2f9: {  	v3 =	vld [tilespmem:$0x100B0];
	_ =	sdelay $0x4  }
0x2fa: {  	v63 =	vshll.u32 v3, $0x3  }
0x2fb: {  	v3 =	vand.u32 $0x7, v3;
	v4 =	vand.u32 $0xFFFFFFC0, v63  }
0x2fc: {  	v3 =	vor.u32 v3, v4  }
0x2fd: {  	v4 =	vperm.xlane v3, v0;
	_ =	sdelay $0x1  }
0x2fe: {  	v4 =	vadd.s32 v1, v4;
	_ =	sdelay $0x4  }
0x2ff: {  	[hbm4b:s3+s2] =	stream.indirect_vreg.scatter [tilespmem:s19], [sflag:$0x2], $0x80, v4, vm0, $0xb8;
	[tilespmem:$0x10100] =	vst v63  }
0x300: {  	v3 =	vperm.xlane v3, v2  }
0x301: {  	[hbm4b:s4+s2] =	stream.indirect_vreg.scatter [tilespmem:s21], [sflag:$0x2], $0x80, v4, vm0, $0xb8;
	[tilespmem:$0x10100] =	vst v63  }
0x302: {  	v3 =	vadd.s32 v1, v3  }
0x303: {  	[hbm4b:s5+s2] =	stream.indirect_vreg.scatter [tilespmem:s11], [sflag:$0x2], $0x80, v4, vm0, $0xb8;
	[tilespmem:$0x10100] =	vst v63  }
0x304: {  	s31 =	simm.s32 $0xD800  }
0x305: {  	[hbm4b:s6+s2] =	stream.indirect_vreg.scatter [tilespmem:s31], [sflag:$0x2], $0x80, v4, vm0, $0xb8;
	[tilespmem:$0x10100] =	vst v63  }
0x306: {  	_ = 	snop  }
0x307: {  	[hbm4b:s3+s2] =	stream.indirect_vreg.scatter [tilespmem:s1], [sflag:$0x2], $0x80, v3, vm0, $0xb8;
	[tilespmem:$0x10100] =	vst v63  }
0x308: {  	_ = 	snop  }
0x309: {  	[hbm4b:s4+s2] =	stream.indirect_vreg.scatter [tilespmem:s13], [sflag:$0x2], $0x80, v3, vm0, $0xb8;
	[tilespmem:$0x10100] =	vst v63  }
0x30a: {  	_ = 	snop  }
0x30b: {  	[hbm4b:s5+s2] =	stream.indirect_vreg.scatter [tilespmem:s14], [sflag:$0x2], $0x80, v3, vm0, $0xb8;
	[tilespmem:$0x10100] =	vst v63  }
0x30c: {  	s25 =	simm.s32 $0x1;
	s30 =	rddreg [dreg:$0x10]  }
0x30d: {  	[hbm4b:s6+s2] =	stream.indirect_vreg.scatter [tilespmem:s18], [sflag:$0x2], $0x80, v3, vm0, $0xb8;
	[tilespmem:$0x10100] =	vst v63  }
0x30e: {  	p0 =	sne.s32 s30, $0x1;
	_ =	swait.ge [sflag:s25], $0x10000  }
.Ltmp0:
0x30f: {  	[sflag:s25] =	ssyncset.done $0x0;
	(pc) =	sbr.rel @p0 .LBB2_1-.Ltmp0, $4  }
0x310: {  	s24 =	simm.s32 $0x2;
	[sflag:s25] =	ssyncadd.s32 $0xFFFF0000  }
0x311: {  	_ =	swait.ge [sflag:s24], $0x10000  }
0x312: {  	[sflag:s24] =	ssyncset.done $0x0  }
0x313: {  	s0 =	sadd.s32 $0xFFFFFFFF, s30;
	[sflag:s24] =	ssyncadd.s32 $0xFFFF0000  }
0x314: {  	_ =	sfence.sel $0x180000  }
0x315: {  	[bflag:$0x0] =	sbarrier.arrive $0xFFFF  }
0x316: {  	_ =	strace $0x90000047  }
0x317: {  	s0 =	stileid.u32;
	[bflag:$0x2] =	sbarrier.arrive $0xFFFF  }
0x318: {  	p0 =	sne.s32 s0, $0x0;
	s0 =	rddreg [dreg:$0x3]  }
0x319: {  	s0 =	sadd.s32 @!p0 $0x100000, s0  }
0x31a: {  	[sflag:s0] =	ssyncadd.tile.s32 @!p0 $0x1;
	_ =	shalt  }
.Lfunc_end2:
_tile_overlayer_lowered:
.L_overlay_start_2:
0x31b: {  	(tag) =	ssettag $0x2  }
0x31c: {  	s0 =	rddreg [dreg:$0x0];
	s2 =	stileid.u32  }
0x31d: {  	s1 =	rddreg [dreg:$0x1];
	p0 =	sne.s32 s2, $0x0  }
0x31e: {  	s3 =	rddreg [dreg:$0x2];
	[bflag:$0x3] =	sbarrier.arrive $0xFFFF;
	s2 =	simm.s32 @!p0 $0x1C03  }
0x31f: {  	[timem:s3], [sflag:s2] =	dma.local @!p0 [hbm:s0], s1  }
0x320: {  	s0 =	simm.s32 @!p0 $0x3  }
0x321: {  	_ =	swait.ge @!p0 [sflag:s0], s1  }
0x322: {  	s1 =	ssub.s32 @!p0 $0x0, s1;
	[sflag:s0] =	ssyncset.done @!p0 $0x0  }
0x323: {  	[sflag:s0] =	ssyncadd.s32 @!p0 s1  }
0x324: {  	[bflag:$0x3] =	sbarrier.arrive $0xFFFF  }
0x325: {  	_ =	shalt  }

</sc_bundles>
